<compile_context>
chip_gen: v7x
topology: tpu7x:2x2x1
jax: 0.10.2.dev20260603
libtpu: 0.0.44.dev20260713+nightly
codegen_flags: <defaults>
</compile_context>

<pallas_src>
import functools

import jax
import jax.numpy as jnp
from jax import lax
from jax.experimental import pallas as pl
from jax.experimental.pallas import tpu as pltpu
from jax.experimental.pallas import tpu_sc as plsc

D = 768
LANES = 16
NV = D // LANES
R = 32
NBUF = 2


def _build_sc_kernel(n_rows):
    info = plsc.get_sparse_core_info()
    nc, ns = info.num_cores, info.num_subcores
    nw = nc * ns
    rows_w = n_rows // nw
    nchunks = rows_w // R
    mesh = plsc.VectorSubcoreMesh(core_axis_name="c", subcore_axis_name="s")

    @functools.partial(
        pl.kernel,
        mesh=mesh,
        out_type=jax.ShapeDtypeStruct((n_rows, D), jnp.float32),
        scratch_types=[
            pltpu.VMEM((NBUF, R, D), jnp.float32),
            pltpu.VMEM((NBUF, R, D), jnp.float32),
            pltpu.VMEM((NBUF, R), jnp.int32),
            pltpu.SemaphoreType.DMA,
            pltpu.SemaphoreType.DMA,
            pltpu.SemaphoreType.DMA,
            pltpu.SemaphoreType.DMA,
            pltpu.SemaphoreType.DMA,
            pltpu.SemaphoreType.DMA,
        ],
    )
    def sc_kernel(emb_hbm, idx_hbm, tbl_hbm, out_hbm, emb_v, tbl_v, idx_v,
                  sem_e0, sem_e1, sem_t0, sem_t1, sem_o0, sem_o1):
        sem_e = (sem_e0, sem_e1)
        sem_t = (sem_t0, sem_t1)
        sem_o = (sem_o0, sem_o1)
        wid = lax.axis_index("s") * nc + lax.axis_index("c")
        base = wid * rows_w

        def start_in(c, b):
            rbase = base + c * R
            pltpu.sync_copy(idx_hbm.at[pl.ds(rbase, R)], idx_v.at[b])
            pltpu.async_copy(emb_hbm.at[pl.ds(rbase, R)], emb_v.at[b],
                             sem_e[b])
            pltpu.async_copy(tbl_hbm.at[idx_v.at[b]], tbl_v.at[b], sem_t[b])

        def wait_in(c, b):
            rbase = base + c * R
            pltpu.make_async_copy(emb_hbm.at[pl.ds(rbase, R)], emb_v.at[b],
                                  sem_e[b]).wait()
            pltpu.make_async_copy(tbl_hbm.at[idx_v.at[b]], tbl_v.at[b],
                                  sem_t[b]).wait()

        def start_out(c, b):
            rbase = base + c * R
            pltpu.async_copy(emb_v.at[b], out_hbm.at[pl.ds(rbase, R)],
                             sem_o[b])

        def wait_out(c, b):
            rbase = base + c * R
            pltpu.make_async_copy(emb_v.at[b], out_hbm.at[pl.ds(rbase, R)],
                                  sem_o[b]).wait()

        start_in(0, 0)

        def chunk_pair(c2, carry):
            for b in range(NBUF):
                c = c2 * NBUF + b
                nb = 1 - b

                @pl.when(c + 1 < nchunks)
                def _prefetch():
                    @pl.when(c >= 1)
                    def _drain():
                        wait_out(c - 1, nb)
                    start_in(c + 1, nb)

                wait_in(c, b)

                def row_body(r, rc):
                    for v in range(NV):
                        sl = pl.ds(v * LANES, LANES)
                        emb_v[b, r, sl] = emb_v[b, r, sl] + tbl_v[b, r, sl] * 0.1
                    return rc

                lax.fori_loop(0, R, row_body, 0)
                start_out(c, b)
            return carry

        lax.fori_loop(0, nchunks // NBUF, chunk_pair, 0)
        wait_out(nchunks - 2, 0)
        wait_out(nchunks - 1, 1)

    return sc_kernel


def kernel(embeddings, section_indices, section_table):
    b, t, d = embeddings.shape
    n = b * t
    emb2d = embeddings.reshape(n, d)
    idx = section_indices.reshape(n).astype(jnp.int32)
    out = _build_sc_kernel(n)(emb2d, idx, section_table)
    return out.reshape(b, t, d)

# --- scband reference (transcript-rebuilt; emitter-appended) ---
"""Pipeline reference for scband-document-structure-preserver-37563783970899 (READ-ONLY COPY).

The authoritative reference and input builder live on the scoring server;
editing this copy changes nothing except your own understanding.
"""

import jax, jax.numpy as jnp
import numpy as np

def setup_inputs(seed: int = 0) -> dict:
    key = jax.random.key(seed)
    k1, k2, k3 = jax.random.split(key, 3)
    embeddings = jax.random.normal(k1, (4, 4096, 768), dtype=jnp.float32)
    section_indices = jax.random.randint(k2, (4, 4096), 0, 50, dtype=jnp.int64 if jax.config.jax_enable_x64 else jnp.int32)
    section_table = jax.random.normal(k3, (50, 768), dtype=jnp.float32)
    return {"embeddings": embeddings, "section_indices": section_indices, "section_table": section_table}

def reference(embeddings, section_indices, section_table):
    # nn.Embedding lookup: gather rows of table by per-token section index
    section_embs = jnp.take(section_table, section_indices, axis=0)
    return embeddings + 0.1 * section_embs

if __name__ == "__main__":
    import jax
    _d = setup_inputs()
    print(jax.jit(kernel)(*tuple(_d.values())))

</pallas_src>

<mosaic_0001>
#map = affine_map<(d0, d1) -> (0, 0)>
#map1 = affine_map<(d0, d1) -> (0)>
module attributes {stable_mosaic.version = 14 : i64} {
  func.func @sc_kernel(%arg0: i32, %arg1: i32, %arg2: memref<16384x768xf32, #tpu.memory_space<hbm>>, %arg3: memref<16384xi32, #tpu.memory_space<hbm>>, %arg4: memref<50x768xf32, #tpu.memory_space<hbm>>, %arg5: memref<16384x768xf32, #tpu.memory_space<hbm>>, %arg6: memref<2x32x768xf32, #tpu.memory_space<vmem>>, %arg7: memref<2x32x768xf32, #tpu.memory_space<vmem>>, %arg8: memref<2x32xi32, #tpu.memory_space<vmem>>, %arg9: memref<!tpu.dma_semaphore, #tpu.memory_space<semaphore_mem>>, %arg10: memref<!tpu.dma_semaphore, #tpu.memory_space<semaphore_mem>>, %arg11: memref<!tpu.dma_semaphore, #tpu.memory_space<semaphore_mem>>, %arg12: memref<!tpu.dma_semaphore, #tpu.memory_space<semaphore_mem>>, %arg13: memref<!tpu.dma_semaphore, #tpu.memory_space<semaphore_mem>>, %arg14: memref<!tpu.dma_semaphore, #tpu.memory_space<semaphore_mem>>) attributes {dimension_semantics = [#tpu.dimension_semantics<core_parallel>, #tpu.dimension_semantics<subcore_parallel>], iteration_bounds = array<i64: 2, 16>, scalar_prefetch = 0 : i64, scratch_operands = 9 : i64, tpu.core_type = #tpu.core_type<sc_vector_subcore>, window_params = [{transform_indices = #map}, {transform_indices = #map1}, {transform_indices = #map}, {transform_indices = #map}]} {
    %mul3A = arith.constant 2 : i32
    %mul3A_0 = arith.muli %arg1, %mul3A : i32
    %add3A = arith.addi %mul3A_0, %arg0 : i32
    %mul3A_1 = arith.constant 512 : i32
    %mul3A_2 = arith.muli %add3A, %mul3A_1 : i32
    %add3A_3 = arith.constant 0 : i32
    %add3A_4 = arith.addi %mul3A_2, %add3A_3 : i32
    %run_scoped3A = arith.constant 0 : i32
    "tpu.region"() ({
      %run_scoped3A_63 = tpu.sem_alloc : memref<!tpu.dma_semaphore, #tpu.memory_space<semaphore_mem>>
      %dma_start3A_64 = arith.constant 0 : i32
      %dma_start3A_65 = tpu.memref_slice %arg8[%run_scoped3A, %dma_start3A_64] : memref<2x32xi32, #tpu.memory_space<vmem>> -> memref<1x32xi32, #tpu.memory_space<vmem>>
      %dma_start3A_66 = tpu.memref_squeeze %dma_start3A_65 : memref<1x32xi32, #tpu.memory_space<vmem>> -> memref<32xi32, #tpu.memory_space<vmem>>
      %dma_start3A_67 = tpu.memref_slice %arg3[%add3A_4] : memref<16384xi32, #tpu.memory_space<hbm>> -> memref<32xi32, #tpu.memory_space<hbm>>
      %dma_start3A_68 = arith.constant 0 : i32
      %dma_start3A_69 = tpu.memref_slice %arg8[%run_scoped3A, %dma_start3A_68] : memref<2x32xi32, #tpu.memory_space<vmem>> -> memref<1x32xi32, #tpu.memory_space<vmem>>
      %dma_start3A_70 = tpu.memref_squeeze %dma_start3A_69 : memref<1x32xi32, #tpu.memory_space<vmem>> -> memref<32xi32, #tpu.memory_space<vmem>>
      %dma_start3A_71 = tpu.memref_slice %arg3[%add3A_4] : memref<16384xi32, #tpu.memory_space<hbm>> -> memref<32xi32, #tpu.memory_space<hbm>>
      tpu.enqueue_dma source(%dma_start3A_71 : memref<32xi32, #tpu.memory_space<hbm>>) target(%dma_start3A_70 : memref<32xi32, #tpu.memory_space<vmem>>) target_semaphore(%run_scoped3A_63 : memref<!tpu.dma_semaphore, #tpu.memory_space<semaphore_mem>>)
      %dma_wait3A_72 = arith.constant 0 : i32
      %dma_wait3A_73 = tpu.memref_slice %arg8[%run_scoped3A, %dma_wait3A_72] : memref<2x32xi32, #tpu.memory_space<vmem>> -> memref<1x32xi32, #tpu.memory_space<vmem>>
      %dma_wait3A_74 = tpu.memref_squeeze %dma_wait3A_73 : memref<1x32xi32, #tpu.memory_space<vmem>> -> memref<32xi32, #tpu.memory_space<vmem>>
      %dma_wait3A_75 = tpu.memref_slice %arg3[%add3A_4] : memref<16384xi32, #tpu.memory_space<hbm>> -> memref<32xi32, #tpu.memory_space<hbm>>
      %dma_wait3A_76 = arith.constant 0 : i32
      %dma_wait3A_77 = tpu.memref_slice %arg8[%run_scoped3A, %dma_wait3A_76] : memref<2x32xi32, #tpu.memory_space<vmem>> -> memref<1x32xi32, #tpu.memory_space<vmem>>
      %dma_wait3A_78 = tpu.memref_squeeze %dma_wait3A_77 : memref<1x32xi32, #tpu.memory_space<vmem>> -> memref<32xi32, #tpu.memory_space<vmem>>
      %dma_wait3A_79 = tpu.memref_slice %arg3[%add3A_4] : memref<16384xi32, #tpu.memory_space<hbm>> -> memref<32xi32, #tpu.memory_space<hbm>>
      tpu.wait_dma2 semaphore(%run_scoped3A_63 : memref<!tpu.dma_semaphore, #tpu.memory_space<semaphore_mem>>) src(%dma_wait3A_79 : memref<32xi32, #tpu.memory_space<hbm>>) dst(%dma_wait3A_78 : memref<32xi32, #tpu.memory_space<vmem>>)
      tpu.yield
    }) : () -> ()
    %dma_start3A = arith.constant 0 : i32
    %dma_start3A_5 = arith.constant 0 : i32
    %dma_start3A_6 = arith.constant 0 : i32
    %dma_start3A_7 = tpu.memref_slice %arg6[%dma_start3A, %dma_start3A_5, %dma_start3A_6] : memref<2x32x768xf32, #tpu.memory_space<vmem>> -> memref<1x32x768xf32, #tpu.memory_space<vmem>>
    %dma_start3A_8 = tpu.memref_squeeze %dma_start3A_7 : memref<1x32x768xf32, #tpu.memory_space<vmem>> -> memref<32x768xf32, #tpu.memory_space<vmem>>
    %dma_start3A_9 = arith.constant 0 : i32
    %dma_start3A_10 = tpu.memref_slice %arg2[%add3A_4, %dma_start3A_9] : memref<16384x768xf32, #tpu.memory_space<hbm>> -> memref<32x768xf32, #tpu.memory_space<hbm>>
    %dma_start3A_11 = arith.constant 0 : i32
    %dma_start3A_12 = arith.constant 0 : i32
    %dma_start3A_13 = tpu.memref_slice %arg6[%dma_start3A, %dma_start3A_11, %dma_start3A_12] : memref<2x32x768xf32, #tpu.memory_space<vmem>> -> memref<1x32x768xf32, #tpu.memory_space<vmem>>
    %dma_start3A_14 = tpu.memref_squeeze %dma_start3A_13 : memref<1x32x768xf32, #tpu.memory_space<vmem>> -> memref<32x768xf32, #tpu.memory_space<vmem>>
    %dma_start3A_15 = arith.constant 0 : i32
    %dma_start3A_16 = tpu.memref_slice %arg2[%add3A_4, %dma_start3A_15] : memref<16384x768xf32, #tpu.memory_space<hbm>> -> memref<32x768xf32, #tpu.memory_space<hbm>>
    tpu.enqueue_dma source(%dma_start3A_16 : memref<32x768xf32, #tpu.memory_space<hbm>>) target(%dma_start3A_14 : memref<32x768xf32, #tpu.memory_space<vmem>>) target_semaphore(%arg9 : memref<!tpu.dma_semaphore, #tpu.memory_space<semaphore_mem>>)
    %dma_start3A_17 = arith.constant 0 : i32
    %dma_start3A_18 = arith.constant 0 : i32
    %dma_start3A_19 = arith.constant 0 : i32
    %dma_start3A_20 = arith.constant 0 : i32
    %dma_start3A_21 = tpu.memref_slice %arg7[%dma_start3A_18, %dma_start3A_19, %dma_start3A_20] : memref<2x32x768xf32, #tpu.memory_space<vmem>> -> memref<1x32x768xf32, #tpu.memory_space<vmem>>
    %dma_start3A_22 = tpu.memref_squeeze %dma_start3A_21 : memref<1x32x768xf32, #tpu.memory_space<vmem>> -> memref<32x768xf32, #tpu.memory_space<vmem>>
    %dma_start3A_23 = arith.constant 0 : i32
    %dma_start3A_24 = tpu.memref_slice %arg8[%dma_start3A_17, %dma_start3A_23] : memref<2x32xi32, #tpu.memory_space<vmem>> -> memref<1x32xi32, #tpu.memory_space<vmem>>
    %dma_start3A_25 = tpu.memref_squeeze %dma_start3A_24 : memref<1x32xi32, #tpu.memory_space<vmem>> -> memref<32xi32, #tpu.memory_space<vmem>>
    %dma_start3A_26 = arith.constant 0 : i32
    %dma_start3A_27 = arith.constant 0 : i32
    %dma_start3A_28 = tpu.memref_slice %arg4[%dma_start3A_26, %dma_start3A_27] : memref<50x768xf32, #tpu.memory_space<hbm>> -> memref<50x768xf32, #tpu.memory_space<hbm>>
    tpu.enqueue_indirect_dma source(%dma_start3A_28 : memref<50x768xf32, #tpu.memory_space<hbm>>) target(%dma_start3A_22 : memref<32x768xf32, #tpu.memory_space<vmem>>) offsets(%dma_start3A_25 : memref<32xi32, #tpu.memory_space<vmem>>) semaphore(%arg11 : memref<!tpu.dma_semaphore, #tpu.memory_space<semaphore_mem>>)
    %scan3A = arith.constant 0 : i32
    %scan3A_29 = arith.constant 0 : i32
    %scan3A_30 = arith.constant 8 : i32
    %scan3A_31 = arith.addi %scan3A_29, %scan3A_30 : i32
    %scan3A_32 = arith.constant 1 : i32
    scf.for %scan3A_63 = %scan3A_29 to %scan3A_31 step %scan3A_32  : i32 {
      %mul3A_64 = arith.constant 2 : i32
      %mul3A_65 = arith.muli %scan3A_63, %mul3A_64 : i32
      %add3A_66 = arith.constant 0 : i32
      %add3A_67 = arith.addi %mul3A_65, %add3A_66 : i32
      %add3A_68 = arith.constant 1 : i32
      %add3A_69 = arith.addi %add3A_67, %add3A_68 : i32
      %lt3A = arith.constant 16 : i32
      %lt3A_70 = arith.cmpi slt, %add3A_69, %lt3A : i32
      %convert_element_type3A = arith.extui %lt3A_70 : i1 to i32
      %cond3A = arith.constant 0 : i32
      %cond3A_71 = arith.cmpi ne, %convert_element_type3A, %cond3A : i32
      scf.if %cond3A_71 {
        %ge3A = arith.constant 1 : i32
        %ge3A_183 = arith.cmpi sge, %add3A_67, %ge3A : i32
        %convert_element_type3A_184 = arith.extui %ge3A_183 : i1 to i32
        %cond3A_185 = arith.constant 0 : i32
        %cond3A_186 = arith.cmpi ne, %convert_element_type3A_184, %cond3A_185 : i32
        scf.if %cond3A_186 {
          %sub3A = arith.constant 1 : i32
          %sub3A_218 = arith.subi %add3A_67, %sub3A : i32
          %mul3A_219 = arith.constant 32 : i32
          %mul3A_220 = arith.muli %sub3A_218, %mul3A_219 : i32
          %add3A_221 = arith.addi %mul3A_2, %mul3A_220 : i32
          %dma_wait3A_222 = arith.constant 1 : i32
          %dma_wait3A_223 = arith.constant 0 : i32
          %dma_wait3A_224 = arith.constant 0 : i32
          %dma_wait3A_225 = tpu.memref_slice %arg6[%dma_wait3A_222, %dma_wait3A_223, %dma_wait3A_224] : memref<2x32x768xf32, #tpu.memory_space<vmem>> -> memref<1x32x768xf32, #tpu.memory_space<vmem>>
          %dma_wait3A_226 = tpu.memref_squeeze %dma_wait3A_225 : memref<1x32x768xf32, #tpu.memory_space<vmem>> -> memref<32x768xf32, #tpu.memory_space<vmem>>
          %dma_wait3A_227 = arith.constant 0 : i32
          %dma_wait3A_228 = tpu.memref_slice %arg5[%add3A_221, %dma_wait3A_227] : memref<16384x768xf32, #tpu.memory_space<hbm>> -> memref<32x768xf32, #tpu.memory_space<hbm>>
          %dma_wait3A_229 = arith.constant 0 : i32
          %dma_wait3A_230 = tpu.memref_slice %arg5[%add3A_221, %dma_wait3A_229] : memref<16384x768xf32, #tpu.memory_space<hbm>> -> memref<32x768xf32, #tpu.memory_space<hbm>>
          %dma_wait3A_231 = arith.constant 0 : i32
          %dma_wait3A_232 = arith.constant 0 : i32
          %dma_wait3A_233 = tpu.memref_slice %arg6[%dma_wait3A_222, %dma_wait3A_231, %dma_wait3A_232] : memref<2x32x768xf32, #tpu.memory_space<vmem>> -> memref<1x32x768xf32, #tpu.memory_space<vmem>>
          %dma_wait3A_234 = tpu.memref_squeeze %dma_wait3A_233 : memref<1x32x768xf32, #tpu.memory_space<vmem>> -> memref<32x768xf32, #tpu.memory_space<vmem>>
          tpu.wait_dma2 semaphore(%arg14 : memref<!tpu.dma_semaphore, #tpu.memory_space<semaphore_mem>>) src(%dma_wait3A_234 : memref<32x768xf32, #tpu.memory_space<vmem>>) dst(%dma_wait3A_230 : memref<32x768xf32, #tpu.memory_space<hbm>>)
        } else {
        }
        %add3A_187 = arith.constant 1 : i32
        %add3A_188 = arith.addi %add3A_67, %add3A_187 : i32
        %mul3A_189 = arith.constant 32 : i32
        %mul3A_190 = arith.muli %add3A_188, %mul3A_189 : i32
        %add3A_191 = arith.addi %mul3A_2, %mul3A_190 : i32
        %run_scoped3A_192 = arith.constant 1 : i32
        "tpu.region"() ({
          %run_scoped3A_218 = tpu.sem_alloc : memref<!tpu.dma_semaphore, #tpu.memory_space<semaphore_mem>>
          %dma_start3A_219 = arith.constant 0 : i32
          %dma_start3A_220 = tpu.memref_slice %arg8[%run_scoped3A_192, %dma_start3A_219] : memref<2x32xi32, #tpu.memory_space<vmem>> -> memref<1x32xi32, #tpu.memory_space<vmem>>
          %dma_start3A_221 = tpu.memref_squeeze %dma_start3A_220 : memref<1x32xi32, #tpu.memory_space<vmem>> -> memref<32xi32, #tpu.memory_space<vmem>>
          %dma_start3A_222 = tpu.memref_slice %arg3[%add3A_191] : memref<16384xi32, #tpu.memory_space<hbm>> -> memref<32xi32, #tpu.memory_space<hbm>>
          %dma_start3A_223 = arith.constant 0 : i32
          %dma_start3A_224 = tpu.memref_slice %arg8[%run_scoped3A_192, %dma_start3A_223] : memref<2x32xi32, #tpu.memory_space<vmem>> -> memref<1x32xi32, #tpu.memory_space<vmem>>
          %dma_start3A_225 = tpu.memref_squeeze %dma_start3A_224 : memref<1x32xi32, #tpu.memory_space<vmem>> -> memref<32xi32, #tpu.memory_space<vmem>>
          %dma_start3A_226 = tpu.memref_slice %arg3[%add3A_191] : memref<16384xi32, #tpu.memory_space<hbm>> -> memref<32xi32, #tpu.memory_space<hbm>>
          tpu.enqueue_dma source(%dma_start3A_226 : memref<32xi32, #tpu.memory_space<hbm>>) target(%dma_start3A_225 : memref<32xi32, #tpu.memory_space<vmem>>) target_semaphore(%run_scoped3A_218 : memref<!tpu.dma_semaphore, #tpu.memory_space<semaphore_mem>>)
          %dma_wait3A_227 = arith.constant 0 : i32
          %dma_wait3A_228 = tpu.memref_slice %arg8[%run_scoped3A_192, %dma_wait3A_227] : memref<2x32xi32, #tpu.memory_space<vmem>> -> memref<1x32xi32, #tpu.memory_space<vmem>>
          %dma_wait3A_229 = tpu.memref_squeeze %dma_wait3A_228 : memref<1x32xi32, #tpu.memory_space<vmem>> -> memref<32xi32, #tpu.memory_space<vmem>>
          %dma_wait3A_230 = tpu.memref_slice %arg3[%add3A_191] : memref<16384xi32, #tpu.memory_space<hbm>> -> memref<32xi32, #tpu.memory_space<hbm>>
          %dma_wait3A_231 = arith.constant 0 : i32
          %dma_wait3A_232 = tpu.memref_slice %arg8[%run_scoped3A_192, %dma_wait3A_231] : memref<2x32xi32, #tpu.memory_space<vmem>> -> memref<1x32xi32, #tpu.memory_space<vmem>>
          %dma_wait3A_233 = tpu.memref_squeeze %dma_wait3A_232 : memref<1x32xi32, #tpu.memory_space<vmem>> -> memref<32xi32, #tpu.memory_space<vmem>>
          %dma_wait3A_234 = tpu.memref_slice %arg3[%add3A_191] : memref<16384xi32, #tpu.memory_space<hbm>> -> memref<32xi32, #tpu.memory_space<hbm>>
          tpu.wait_dma2 semaphore(%run_scoped3A_218 : memref<!tpu.dma_semaphore, #tpu.memory_space<semaphore_mem>>) src(%dma_wait3A_234 : memref<32xi32, #tpu.memory_space<hbm>>) dst(%dma_wait3A_233 : memref<32xi32, #tpu.memory_space<vmem>>)
          tpu.yield
        }) : () -> ()
        %dma_start3A_193 = arith.constant 1 : i32
        %dma_start3A_194 = arith.constant 0 : i32
        %dma_start3A_195 = arith.constant 0 : i32
        %dma_start3A_196 = tpu.memref_slice %arg6[%dma_start3A_193, %dma_start3A_194, %dma_start3A_195] : memref<2x32x768xf32, #tpu.memory_space<vmem>> -> memref<1x32x768xf32, #tpu.memory_space<vmem>>
        %dma_start3A_197 = tpu.memref_squeeze %dma_start3A_196 : memref<1x32x768xf32, #tpu.memory_space<vmem>> -> memref<32x768xf32, #tpu.memory_space<vmem>>
        %dma_start3A_198 = arith.constant 0 : i32
        %dma_start3A_199 = tpu.memref_slice %arg2[%add3A_191, %dma_start3A_198] : memref<16384x768xf32, #tpu.memory_space<hbm>> -> memref<32x768xf32, #tpu.memory_space<hbm>>
        %dma_start3A_200 = arith.constant 0 : i32
        %dma_start3A_201 = arith.constant 0 : i32
        %dma_start3A_202 = tpu.memref_slice %arg6[%dma_start3A_193, %dma_start3A_200, %dma_start3A_201] : memref<2x32x768xf32, #tpu.memory_space<vmem>> -> memref<1x32x768xf32, #tpu.memory_space<vmem>>
        %dma_start3A_203 = tpu.memref_squeeze %dma_start3A_202 : memref<1x32x768xf32, #tpu.memory_space<vmem>> -> memref<32x768xf32, #tpu.memory_space<vmem>>
        %dma_start3A_204 = arith.constant 0 : i32
        %dma_start3A_205 = tpu.memref_slice %arg2[%add3A_191, %dma_start3A_204] : memref<16384x768xf32, #tpu.memory_space<hbm>> -> memref<32x768xf32, #tpu.memory_space<hbm>>
        tpu.enqueue_dma source(%dma_start3A_205 : memref<32x768xf32, #tpu.memory_space<hbm>>) target(%dma_start3A_203 : memref<32x768xf32, #tpu.memory_space<vmem>>) target_semaphore(%arg10 : memref<!tpu.dma_semaphore, #tpu.memory_space<semaphore_mem>>)
        %dma_start3A_206 = arith.constant 1 : i32
        %dma_start3A_207 = arith.constant 1 : i32
        %dma_start3A_208 = arith.constant 0 : i32
        %dma_start3A_209 = arith.constant 0 : i32
        %dma_start3A_210 = tpu.memref_slice %arg7[%dma_start3A_207, %dma_start3A_208, %dma_start3A_209] : memref<2x32x768xf32, #tpu.memory_space<vmem>> -> memref<1x32x768xf32, #tpu.memory_space<vmem>>
        %dma_start3A_211 = tpu.memref_squeeze %dma_start3A_210 : memref<1x32x768xf32, #tpu.memory_space<vmem>> -> memref<32x768xf32, #tpu.memory_space<vmem>>
        %dma_start3A_212 = arith.constant 0 : i32
        %dma_start3A_213 = tpu.memref_slice %arg8[%dma_start3A_206, %dma_start3A_212] : memref<2x32xi32, #tpu.memory_space<vmem>> -> memref<1x32xi32, #tpu.memory_space<vmem>>
        %dma_start3A_214 = tpu.memref_squeeze %dma_start3A_213 : memref<1x32xi32, #tpu.memory_space<vmem>> -> memref<32xi32, #tpu.memory_space<vmem>>
        %dma_start3A_215 = arith.constant 0 : i32
        %dma_start3A_216 = arith.constant 0 : i32
        %dma_start3A_217 = tpu.memref_slice %arg4[%dma_start3A_215, %dma_start3A_216] : memref<50x768xf32, #tpu.memory_space<hbm>> -> memref<50x768xf32, #tpu.memory_space<hbm>>
        tpu.enqueue_indirect_dma source(%dma_start3A_217 : memref<50x768xf32, #tpu.memory_space<hbm>>) target(%dma_start3A_211 : memref<32x768xf32, #tpu.memory_space<vmem>>) offsets(%dma_start3A_214 : memref<32xi32, #tpu.memory_space<vmem>>) semaphore(%arg12 : memref<!tpu.dma_semaphore, #tpu.memory_space<semaphore_mem>>)
      } else {
      }
      %mul3A_72 = arith.constant 32 : i32
      %mul3A_73 = arith.muli %add3A_67, %mul3A_72 : i32
      %add3A_74 = arith.addi %mul3A_2, %mul3A_73 : i32
      %dma_wait3A_75 = arith.constant 0 : i32
      %dma_wait3A_76 = arith.constant 0 : i32
      %dma_wait3A_77 = arith.constant 0 : i32
      %dma_wait3A_78 = tpu.memref_slice %arg6[%dma_wait3A_75, %dma_wait3A_76, %dma_wait3A_77] : memref<2x32x768xf32, #tpu.memory_space<vmem>> -> memref<1x32x768xf32, #tpu.memory_space<vmem>>
      %dma_wait3A_79 = tpu.memref_squeeze %dma_wait3A_78 : memref<1x32x768xf32, #tpu.memory_space<vmem>> -> memref<32x768xf32, #tpu.memory_space<vmem>>
      %dma_wait3A_80 = arith.constant 0 : i32
      %dma_wait3A_81 = tpu.memref_slice %arg2[%add3A_74, %dma_wait3A_80] : memref<16384x768xf32, #tpu.memory_space<hbm>> -> memref<32x768xf32, #tpu.memory_space<hbm>>
      %dma_wait3A_82 = arith.constant 0 : i32
      %dma_wait3A_83 = arith.constant 0 : i32
      %dma_wait3A_84 = tpu.memref_slice %arg6[%dma_wait3A_75, %dma_wait3A_82, %dma_wait3A_83] : memref<2x32x768xf32, #tpu.memory_space<vmem>> -> memref<1x32x768xf32, #tpu.memory_space<vmem>>
      %dma_wait3A_85 = tpu.memref_squeeze %dma_wait3A_84 : memref<1x32x768xf32, #tpu.memory_space<vmem>> -> memref<32x768xf32, #tpu.memory_space<vmem>>
      %dma_wait3A_86 = arith.constant 0 : i32
      %dma_wait3A_87 = tpu.memref_slice %arg2[%add3A_74, %dma_wait3A_86] : memref<16384x768xf32, #tpu.memory_space<hbm>> -> memref<32x768xf32, #tpu.memory_space<hbm>>
      tpu.wait_dma2 semaphore(%arg9 : memref<!tpu.dma_semaphore, #tpu.memory_space<semaphore_mem>>) src(%dma_wait3A_87 : memref<32x768xf32, #tpu.memory_space<hbm>>) dst(%dma_wait3A_85 : memref<32x768xf32, #tpu.memory_space<vmem>>)
      %dma_wait3A_88 = arith.constant 0 : i32
      %dma_wait3A_89 = arith.constant 0 : i32
      %dma_wait3A_90 = arith.constant 0 : i32
      %dma_wait3A_91 = arith.constant 0 : i32
      %dma_wait3A_92 = tpu.memref_slice %arg7[%dma_wait3A_89, %dma_wait3A_90, %dma_wait3A_91] : memref<2x32x768xf32, #tpu.memory_space<vmem>> -> memref<1x32x768xf32, #tpu.memory_space<vmem>>
      %dma_wait3A_93 = tpu.memref_squeeze %dma_wait3A_92 : memref<1x32x768xf32, #tpu.memory_space<vmem>> -> memref<32x768xf32, #tpu.memory_space<vmem>>
      %dma_wait3A_94 = arith.constant 0 : i32
      %dma_wait3A_95 = tpu.memref_slice %arg8[%dma_wait3A_88, %dma_wait3A_94] : memref<2x32xi32, #tpu.memory_space<vmem>> -> memref<1x32xi32, #tpu.memory_space<vmem>>
      %dma_wait3A_96 = tpu.memref_squeeze %dma_wait3A_95 : memref<1x32xi32, #tpu.memory_space<vmem>> -> memref<32xi32, #tpu.memory_space<vmem>>
      %dma_wait3A_97 = arith.constant 0 : i32
      %dma_wait3A_98 = arith.constant 0 : i32
      %dma_wait3A_99 = tpu.memref_slice %arg4[%dma_wait3A_97, %dma_wait3A_98] : memref<50x768xf32, #tpu.memory_space<hbm>> -> memref<50x768xf32, #tpu.memory_space<hbm>>
      tpu.wait_indirect_dma semaphore(%arg11 : memref<!tpu.dma_semaphore, #tpu.memory_space<semaphore_mem>>) src(%dma_wait3A_99 : memref<50x768xf32, #tpu.memory_space<hbm>>) dst(%dma_wait3A_93 : memref<32x768xf32, #tpu.memory_space<vmem>>)
      %scan3A_100 = arith.constant 0 : i32
      %scan3A_101 = arith.constant 0 : i32
      %scan3A_102 = arith.constant 32 : i32
      %scan3A_103 = arith.addi %scan3A_101, %scan3A_102 : i32
      %scan3A_104 = arith.constant 1 : i32
      scf.for %scan3A_183 = %scan3A_101 to %scan3A_103 step %scan3A_104  : i32 {
        %get3A = arith.constant 0 : i32
        %get3A_184 = arith.index_cast %get3A : i32 to index
        %get3A_185 = arith.index_cast %scan3A_183 : i32 to index
        %get3A_186 = arith.constant 0 : index
        %get3A_187 = tpu.vector_load %arg6[%get3A_184, %get3A_185, %get3A_186] {strides = array<i32>} : memref<2x32x768xf32, #tpu.memory_space<vmem>>, vector<1x1x16xf32>,
        %get3A_188 = vector.shape_cast %get3A_187 : vector<1x1x16xf32> to vector<16xf32>
        %get3A_189 = arith.constant 0 : i32
        %get3A_190 = arith.index_cast %get3A_189 : i32 to index
        %get3A_191 = arith.index_cast %scan3A_183 : i32 to index
        %get3A_192 = arith.constant 0 : index
        %get3A_193 = tpu.vector_load %arg7[%get3A_190, %get3A_191, %get3A_192] {strides = array<i32>} : memref<2x32x768xf32, #tpu.memory_space<vmem>>, vector<1x1x16xf32>,
        %get3A_194 = vector.shape_cast %get3A_193 : vector<1x1x16xf32> to vector<16xf32>
        %mul3A_195 = arith.constant 1.000000e-01 : f32
        %mul3A_196 = vector.broadcast %mul3A_195 : f32 to vector<16xf32>
        %mul3A_197 = arith.mulf %get3A_194, %mul3A_196 : vector<16xf32>
        %add3A_198 = arith.addf %get3A_188, %mul3A_197 : vector<16xf32>
        %swap3A = arith.constant 0 : i32
        %swap3A_199 = arith.index_cast %swap3A : i32 to index
        %swap3A_200 = arith.index_cast %scan3A_183 : i32 to index
        %swap3A_201 = arith.constant 0 : index
        %swap3A_202 = tpu.vector_load %arg6[%swap3A_199, %swap3A_200, %swap3A_201] {strides = array<i32>} : memref<2x32x768xf32, #tpu.memory_space<vmem>>, vector<1x1x16xf32>,
        %swap3A_203 = vector.shape_cast %swap3A_202 : vector<1x1x16xf32> to vector<16xf32>
        %swap3A_204 = vector.shape_cast %add3A_198 : vector<16xf32> to vector<1x1x16xf32>
        tpu.vector_store %arg6[%swap3A_199, %swap3A_200, %swap3A_201], %swap3A_204 {strides = array<i32>} : memref<2x32x768xf32, #tpu.memory_space<vmem>>, vector<1x1x16xf32>,
        %get3A_205 = arith.constant 0 : i32
        %get3A_206 = arith.index_cast %get3A_205 : i32 to index
        %get3A_207 = arith.index_cast %scan3A_183 : i32 to index
        %get3A_208 = arith.constant 16 : index
        %get3A_209 = tpu.vector_load %arg6[%get3A_206, %get3A_207, %get3A_208] {strides = array<i32>} : memref<2x32x768xf32, #tpu.memory_space<vmem>>, vector<1x1x16xf32>,
        %get3A_210 = vector.shape_cast %get3A_209 : vector<1x1x16xf32> to vector<16xf32>
        %get3A_211 = arith.constant 0 : i32
        %get3A_212 = arith.index_cast %get3A_211 : i32 to index
        %get3A_213 = arith.index_cast %scan3A_183 : i32 to index
        %get3A_214 = arith.constant 16 : index
        %get3A_215 = tpu.vector_load %arg7[%get3A_212, %get3A_213, %get3A_214] {strides = array<i32>} : memref<2x32x768xf32, #tpu.memory_space<vmem>>, vector<1x1x16xf32>,
        %get3A_216 = vector.shape_cast %get3A_215 : vector<1x1x16xf32> to vector<16xf32>
        %mul3A_217 = arith.constant 1.000000e-01 : f32
        %mul3A_218 = vector.broadcast %mul3A_217 : f32 to vector<16xf32>
        %mul3A_219 = arith.mulf %get3A_216, %mul3A_218 : vector<16xf32>
        %add3A_220 = arith.addf %get3A_210, %mul3A_219 : vector<16xf32>
        %swap3A_221 = arith.constant 0 : i32
        %swap3A_222 = arith.index_cast %swap3A_221 : i32 to index
        %swap3A_223 = arith.index_cast %scan3A_183 : i32 to index
        %swap3A_224 = arith.constant 16 : index
        %swap3A_225 = tpu.vector_load %arg6[%swap3A_222, %swap3A_223, %swap3A_224] {strides = array<i32>} : memref<2x32x768xf32, #tpu.memory_space<vmem>>, vector<1x1x16xf32>,
        %swap3A_226 = vector.shape_cast %swap3A_225 : vector<1x1x16xf32> to vector<16xf32>
        %swap3A_227 = vector.shape_cast %add3A_220 : vector<16xf32> to vector<1x1x16xf32>
        tpu.vector_store %arg6[%swap3A_222, %swap3A_223, %swap3A_224], %swap3A_227 {strides = array<i32>} : memref<2x32x768xf32, #tpu.memory_space<vmem>>, vector<1x1x16xf32>,
        %get3A_228 = arith.constant 0 : i32
        %get3A_229 = arith.index_cast %get3A_228 : i32 to index
        %get3A_230 = arith.index_cast %scan3A_183 : i32 to index
        %get3A_231 = arith.constant 32 : index
        %get3A_232 = tpu.vector_load %arg6[%get3A_229, %get3A_230, %get3A_231] {strides = array<i32>} : memref<2x32x768xf32, #tpu.memory_space<vmem>>, vector<1x1x16xf32>,
        %get3A_233 = vector.shape_cast %get3A_232 : vector<1x1x16xf32> to vector<16xf32>
        %get3A_234 = arith.constant 0 : i32
        %get3A_235 = arith.index_cast %get3A_234 : i32 to index
        %get3A_236 = arith.index_cast %scan3A_183 : i32 to index
        %get3A_237 = arith.constant 32 : index
        %get3A_238 = tpu.vector_load %arg7[%get3A_235, %get3A_236, %get3A_237] {strides = array<i32>} : memref<2x32x768xf32, #tpu.memory_space<vmem>>, vector<1x1x16xf32>,
        %get3A_239 = vector.shape_cast %get3A_238 : vector<1x1x16xf32> to vector<16xf32>
        %mul3A_240 = arith.constant 1.000000e-01 : f32
        %mul3A_241 = vector.broadcast %mul3A_240 : f32 to vector<16xf32>
        %mul3A_242 = arith.mulf %get3A_239, %mul3A_241 : vector<16xf32>
        %add3A_243 = arith.addf %get3A_233, %mul3A_242 : vector<16xf32>
        %swap3A_244 = arith.constant 0 : i32
        %swap3A_245 = arith.index_cast %swap3A_244 : i32 to index
        %swap3A_246 = arith.index_cast %scan3A_183 : i32 to index
        %swap3A_247 = arith.constant 32 : index
        %swap3A_248 = tpu.vector_load %arg6[%swap3A_245, %swap3A_246, %swap3A_247] {strides = array<i32>} : memref<2x32x768xf32, #tpu.memory_space<vmem>>, vector<1x1x16xf32>,
        %swap3A_249 = vector.shape_cast %swap3A_248 : vector<1x1x16xf32> to vector<16xf32>
        %swap3A_250 = vector.shape_cast %add3A_243 : vector<16xf32> to vector<1x1x16xf32>
        tpu.vector_store %arg6[%swap3A_245, %swap3A_246, %swap3A_247], %swap3A_250 {strides = array<i32>} : memref<2x32x768xf32, #tpu.memory_space<vmem>>, vector<1x1x16xf32>,
        %get3A_251 = arith.constant 0 : i32
        %get3A_252 = arith.index_cast %get3A_251 : i32 to index
        %get3A_253 = arith.index_cast %scan3A_183 : i32 to index
        %get3A_254 = arith.constant 48 : index
        %get3A_255 = tpu.vector_load %arg6[%get3A_252, %get3A_253, %get3A_254] {strides = array<i32>} : memref<2x32x768xf32, #tpu.memory_space<vmem>>, vector<1x1x16xf32>,
        %get3A_256 = vector.shape_cast %get3A_255 : vector<1x1x16xf32> to vector<16xf32>
        %get3A_257 = arith.constant 0 : i32
        %get3A_258 = arith.index_cast %get3A_257 : i32 to index
        %get3A_259 = arith.index_cast %scan3A_183 : i32 to index
        %get3A_260 = arith.constant 48 : index
        %get3A_261 = tpu.vector_load %arg7[%get3A_258, %get3A_259, %get3A_260] {strides = array<i32>} : memref<2x32x768xf32, #tpu.memory_space<vmem>>, vector<1x1x16xf32>,
        %get3A_262 = vector.shape_cast %get3A_261 : vector<1x1x16xf32> to vector<16xf32>
        %mul3A_263 = arith.constant 1.000000e-01 : f32
        %mul3A_264 = vector.broadcast %mul3A_263 : f32 to vector<16xf32>
        %mul3A_265 = arith.mulf %get3A_262, %mul3A_264 : vector<16xf32>
        %add3A_266 = arith.addf %get3A_256, %mul3A_265 : vector<16xf32>
        %swap3A_267 = arith.constant 0 : i32
        %swap3A_268 = arith.index_cast %swap3A_267 : i32 to index
        %swap3A_269 = arith.index_cast %scan3A_183 : i32 to index
        %swap3A_270 = arith.constant 48 : index
        %swap3A_271 = tpu.vector_load %arg6[%swap3A_268, %swap3A_269, %swap3A_270] {strides = array<i32>} : memref<2x32x768xf32, #tpu.memory_space<vmem>>, vector<1x1x16xf32>,
        %swap3A_272 = vector.shape_cast %swap3A_271 : vector<1x1x16xf32> to vector<16xf32>
        %swap3A_273 = vector.shape_cast %add3A_266 : vector<16xf32> to vector<1x1x16xf32>
        tpu.vector_store %arg6[%swap3A_268, %swap3A_269, %swap3A_270], %swap3A_273 {strides = array<i32>} : memref<2x32x768xf32, #tpu.memory_space<vmem>>, vector<1x1x16xf32>,
        %get3A_274 = arith.constant 0 : i32
        %get3A_275 = arith.index_cast %get3A_274 : i32 to index
        %get3A_276 = arith.index_cast %scan3A_183 : i32 to index
        %get3A_277 = arith.constant 64 : index
        %get3A_278 = tpu.vector_load %arg6[%get3A_275, %get3A_276, %get3A_277] {strides = array<i32>} : memref<2x32x768xf32, #tpu.memory_space<vmem>>, vector<1x1x16xf32>,
        %get3A_279 = vector.shape_cast %get3A_278 : vector<1x1x16xf32> to vector<16xf32>
        %get3A_280 = arith.constant 0 : i32
        %get3A_281 = arith.index_cast %get3A_280 : i32 to index
        %get3A_282 = arith.index_cast %scan3A_183 : i32 to index
        %get3A_283 = arith.constant 64 : index
        %get3A_284 = tpu.vector_load %arg7[%get3A_281, %get3A_282, %get3A_283] {strides = array<i32>} : memref<2x32x768xf32, #tpu.memory_space<vmem>>, vector<1x1x16xf32>,
        %get3A_285 = vector.shape_cast %get3A_284 : vector<1x1x16xf32> to vector<16xf32>
        %mul3A_286 = arith.constant 1.000000e-01 : f32
        %mul3A_287 = vector.broadcast %mul3A_286 : f32 to vector<16xf32>
        %mul3A_288 = arith.mulf %get3A_285, %mul3A_287 : vector<16xf32>
        %add3A_289 = arith.addf %get3A_279, %mul3A_288 : vector<16xf32>
        %swap3A_290 = arith.constant 0 : i32
        %swap3A_291 = arith.index_cast %swap3A_290 : i32 to index
        %swap3A_292 = arith.index_cast %scan3A_183 : i32 to index
        %swap3A_293 = arith.constant 64 : index
        %swap3A_294 = tpu.vector_load %arg6[%swap3A_291, %swap3A_292, %swap3A_293] {strides = array<i32>} : memref<2x32x768xf32, #tpu.memory_space<vmem>>, vector<1x1x16xf32>,
        %swap3A_295 = vector.shape_cast %swap3A_294 : vector<1x1x16xf32> to vector<16xf32>
        %swap3A_296 = vector.shape_cast %add3A_289 : vector<16xf32> to vector<1x1x16xf32>
        tpu.vector_store %arg6[%swap3A_291, %swap3A_292, %swap3A_293], %swap3A_296 {strides = array<i32>} : memref<2x32x768xf32, #tpu.memory_space<vmem>>, vector<1x1x16xf32>,
        %get3A_297 = arith.constant 0 : i32
        %get3A_298 = arith.index_cast %get3A_297 : i32 to index
        %get3A_299 = arith.index_cast %scan3A_183 : i32 to index
        %get3A_300 = arith.constant 80 : index
        %get3A_301 = tpu.vector_load %arg6[%get3A_298, %get3A_299, %get3A_300] {strides = array<i32>} : memref<2x32x768xf32, #tpu.memory_space<vmem>>, vector<1x1x16xf32>,
        %get3A_302 = vector.shape_cast %get3A_301 : vector<1x1x16xf32> to vector<16xf32>
        %get3A_303 = arith.constant 0 : i32
        %get3A_304 = arith.index_cast %get3A_303 : i32 to index
        %get3A_305 = arith.index_cast %scan3A_183 : i32 to index
        %get3A_306 = arith.constant 80 : index
        %get3A_307 = tpu.vector_load %arg7[%get3A_304, %get3A_305, %get3A_306] {strides = array<i32>} : memref<2x32x768xf32, #tpu.memory_space<vmem>>, vector<1x1x16xf32>,
        %get3A_308 = vector.shape_cast %get3A_307 : vector<1x1x16xf32> to vector<16xf32>
        %mul3A_309 = arith.constant 1.000000e-01 : f32
        %mul3A_310 = vector.broadcast %mul3A_309 : f32 to vector<16xf32>
        %mul3A_311 = arith.mulf %get3A_308, %mul3A_310 : vector<16xf32>
        %add3A_312 = arith.addf %get3A_302, %mul3A_311 : vector<16xf32>
        %swap3A_313 = arith.constant 0 : i32
        %swap3A_314 = arith.index_cast %swap3A_313 : i32 to index
        %swap3A_315 = arith.index_cast %scan3A_183 : i32 to index
        %swap3A_316 = arith.constant 80 : index
        %swap3A_317 = tpu.vector_load %arg6[%swap3A_314, %swap3A_315, %swap3A_316] {strides = array<i32>} : memref<2x32x768xf32, #tpu.memory_space<vmem>>, vector<1x1x16xf32>,
        %swap3A_318 = vector.shape_cast %swap3A_317 : vector<1x1x16xf32> to vector<16xf32>
        %swap3A_319 = vector.shape_cast %add3A_312 : vector<16xf32> to vector<1x1x16xf32>
        tpu.vector_store %arg6[%swap3A_314, %swap3A_315, %swap3A_316], %swap3A_319 {strides = array<i32>} : memref<2x32x768xf32, #tpu.memory_space<vmem>>, vector<1x1x16xf32>,
        %get3A_320 = arith.constant 0 : i32
        %get3A_321 = arith.index_cast %get3A_320 : i32 to index
        %get3A_322 = arith.index_cast %scan3A_183 : i32 to index
        %get3A_323 = arith.constant 96 : index
        %get3A_324 = tpu.vector_load %arg6[%get3A_321, %get3A_322, %get3A_323] {strides = array<i32>} : memref<2x32x768xf32, #tpu.memory_space<vmem>>, vector<1x1x16xf32>,
        %get3A_325 = vector.shape_cast %get3A_324 : vector<1x1x16xf32> to vector<16xf32>
        %get3A_326 = arith.constant 0 : i32
        %get3A_327 = arith.index_cast %get3A_326 : i32 to index
        %get3A_328 = arith.index_cast %scan3A_183 : i32 to index
        %get3A_329 = arith.constant 96 : index
        %get3A_330 = tpu.vector_load %arg7[%get3A_327, %get3A_328, %get3A_329] {strides = array<i32>} : memref<2x32x768xf32, #tpu.memory_space<vmem>>, vector<1x1x16xf32>,
        %get3A_331 = vector.shape_cast %get3A_330 : vector<1x1x16xf32> to vector<16xf32>
        %mul3A_332 = arith.constant 1.000000e-01 : f32
        %mul3A_333 = vector.broadcast %mul3A_332 : f32 to vector<16xf32>
        %mul3A_334 = arith.mulf %get3A_331, %mul3A_333 : vector<16xf32>
        %add3A_335 = arith.addf %get3A_325, %mul3A_334 : vector<16xf32>
        %swap3A_336 = arith.constant 0 : i32
        %swap3A_337 = arith.index_cast %swap3A_336 : i32 to index
        %swap3A_338 = arith.index_cast %scan3A_183 : i32 to index
        %swap3A_339 = arith.constant 96 : index
        %swap3A_340 = tpu.vector_load %arg6[%swap3A_337, %swap3A_338, %swap3A_339] {strides = array<i32>} : memref<2x32x768xf32, #tpu.memory_space<vmem>>, vector<1x1x16xf32>,
        %swap3A_341 = vector.shape_cast %swap3A_340 : vector<1x1x16xf32> to vector<16xf32>
        %swap3A_342 = vector.shape_cast %add3A_335 : vector<16xf32> to vector<1x1x16xf32>
        tpu.vector_store %arg6[%swap3A_337, %swap3A_338, %swap3A_339], %swap3A_342 {strides = array<i32>} : memref<2x32x768xf32, #tpu.memory_space<vmem>>, vector<1x1x16xf32>,
        %get3A_343 = arith.constant 0 : i32
        %get3A_344 = arith.index_cast %get3A_343 : i32 to index
        %get3A_345 = arith.index_cast %scan3A_183 : i32 to index
        %get3A_346 = arith.constant 112 : index
        %get3A_347 = tpu.vector_load %arg6[%get3A_344, %get3A_345, %get3A_346] {strides = array<i32>} : memref<2x32x768xf32, #tpu.memory_space<vmem>>, vector<1x1x16xf32>,
        %get3A_348 = vector.shape_cast %get3A_347 : vector<1x1x16xf32> to vector<16xf32>
        %get3A_349 = arith.constant 0 : i32
        %get3A_350 = arith.index_cast %get3A_349 : i32 to index
        %get3A_351 = arith.index_cast %scan3A_183 : i32 to index
        %get3A_352 = arith.constant 112 : index
        %get3A_353 = tpu.vector_load %arg7[%get3A_350, %get3A_351, %get3A_352] {strides = array<i32>} : memref<2x32x768xf32, #tpu.memory_space<vmem>>, vector<1x1x16xf32>,
        %get3A_354 = vector.shape_cast %get3A_353 : vector<1x1x16xf32> to vector<16xf32>
        %mul3A_355 = arith.constant 1.000000e-01 : f32
        %mul3A_356 = vector.broadcast %mul3A_355 : f32 to vector<16xf32>
        %mul3A_357 = arith.mulf %get3A_354, %mul3A_356 : vector<16xf32>
        %add3A_358 = arith.addf %get3A_348, %mul3A_357 : vector<16xf32>
        %swap3A_359 = arith.constant 0 : i32
        %swap3A_360 = arith.index_cast %swap3A_359 : i32 to index
        %swap3A_361 = arith.index_cast %scan3A_183 : i32 to index
        %swap3A_362 = arith.constant 112 : index
        %swap3A_363 = tpu.vector_load %arg6[%swap3A_360, %swap3A_361, %swap3A_362] {strides = array<i32>} : memref<2x32x768xf32, #tpu.memory_space<vmem>>, vector<1x1x16xf32>,
        %swap3A_364 = vector.shape_cast %swap3A_363 : vector<1x1x16xf32> to vector<16xf32>
        %swap3A_365 = vector.shape_cast %add3A_358 : vector<16xf32> to vector<1x1x16xf32>
        tpu.vector_store %arg6[%swap3A_360, %swap3A_361, %swap3A_362], %swap3A_365 {strides = array<i32>} : memref<2x32x768xf32, #tpu.memory_space<vmem>>, vector<1x1x16xf32>,
        %get3A_366 = arith.constant 0 : i32
        %get3A_367 = arith.index_cast %get3A_366 : i32 to index
        %get3A_368 = arith.index_cast %scan3A_183 : i32 to index
        %get3A_369 = arith.constant 128 : index
        %get3A_370 = tpu.vector_load %arg6[%get3A_367, %get3A_368, %get3A_369] {strides = array<i32>} : memref<2x32x768xf32, #tpu.memory_space<vmem>>, vector<1x1x16xf32>,
        %get3A_371 = vector.shape_cast %get3A_370 : vector<1x1x16xf32> to vector<16xf32>
        %get3A_372 = arith.constant 0 : i32
        %get3A_373 = arith.index_cast %get3A_372 : i32 to index
        %get3A_374 = arith.index_cast %scan3A_183 : i32 to index
        %get3A_375 = arith.constant 128 : index
        %get3A_376 = tpu.vector_load %arg7[%get3A_373, %get3A_374, %get3A_375] {strides = array<i32>} : memref<2x32x768xf32, #tpu.memory_space<vmem>>, vector<1x1x16xf32>,
        %get3A_377 = vector.shape_cast %get3A_376 : vector<1x1x16xf32> to vector<16xf32>
        %mul3A_378 = arith.constant 1.000000e-01 : f32
        %mul3A_379 = vector.broadcast %mul3A_378 : f32 to vector<16xf32>
        %mul3A_380 = arith.mulf %get3A_377, %mul3A_379 : vector<16xf32>
        %add3A_381 = arith.addf %get3A_371, %mul3A_380 : vector<16xf32>
        %swap3A_382 = arith.constant 0 : i32
        %swap3A_383 = arith.index_cast %swap3A_382 : i32 to index
        %swap3A_384 = arith.index_cast %scan3A_183 : i32 to index
        %swap3A_385 = arith.constant 128 : index
        %swap3A_386 = tpu.vector_load %arg6[%swap3A_383, %swap3A_384, %swap3A_385] {strides = array<i32>} : memref<2x32x768xf32, #tpu.memory_space<vmem>>, vector<1x1x16xf32>,
        %swap3A_387 = vector.shape_cast %swap3A_386 : vector<1x1x16xf32> to vector<16xf32>
        %swap3A_388 = vector.shape_cast %add3A_381 : vector<16xf32> to vector<1x1x16xf32>
        tpu.vector_store %arg6[%swap3A_383, %swap3A_384, %swap3A_385], %swap3A_388 {strides = array<i32>} : memref<2x32x768xf32, #tpu.memory_space<vmem>>, vector<1x1x16xf32>,
        %get3A_389 = arith.constant 0 : i32
        %get3A_390 = arith.index_cast %get3A_389 : i32 to index
        %get3A_391 = arith.index_cast %scan3A_183 : i32 to index
        %get3A_392 = arith.constant 144 : index
        %get3A_393 = tpu.vector_load %arg6[%get3A_390, %get3A_391, %get3A_392] {strides = array<i32>} : memref<2x32x768xf32, #tpu.memory_space<vmem>>, vector<1x1x16xf32>,
        %get3A_394 = vector.shape_cast %get3A_393 : vector<1x1x16xf32> to vector<16xf32>
        %get3A_395 = arith.constant 0 : i32
        %get3A_396 = arith.index_cast %get3A_395 : i32 to index
        %get3A_397 = arith.index_cast %scan3A_183 : i32 to index
        %get3A_398 = arith.constant 144 : index
        %get3A_399 = tpu.vector_load %arg7[%get3A_396, %get3A_397, %get3A_398] {strides = array<i32>} : memref<2x32x768xf32, #tpu.memory_space<vmem>>, vector<1x1x16xf32>,
        %get3A_400 = vector.shape_cast %get3A_399 : vector<1x1x16xf32> to vector<16xf32>
        %mul3A_401 = arith.constant 1.000000e-01 : f32
        %mul3A_402 = vector.broadcast %mul3A_401 : f32 to vector<16xf32>
        %mul3A_403 = arith.mulf %get3A_400, %mul3A_402 : vector<16xf32>
        %add3A_404 = arith.addf %get3A_394, %mul3A_403 : vector<16xf32>
        %swap3A_405 = arith.constant 0 : i32
        %swap3A_406 = arith.index_cast %swap3A_405 : i32 to index
        %swap3A_407 = arith.index_cast %scan3A_183 : i32 to index
        %swap3A_408 = arith.constant 144 : index
        %swap3A_409 = tpu.vector_load %arg6[%swap3A_406, %swap3A_407, %swap3A_408] {strides = array<i32>} : memref<2x32x768xf32, #tpu.memory_space<vmem>>, vector<1x1x16xf32>,
        %swap3A_410 = vector.shape_cast %swap3A_409 : vector<1x1x16xf32> to vector<16xf32>
        %swap3A_411 = vector.shape_cast %add3A_404 : vector<16xf32> to vector<1x1x16xf32>
        tpu.vector_store %arg6[%swap3A_406, %swap3A_407, %swap3A_408], %swap3A_411 {strides = array<i32>} : memref<2x32x768xf32, #tpu.memory_space<vmem>>, vector<1x1x16xf32>,
        %get3A_412 = arith.constant 0 : i32
        %get3A_413 = arith.index_cast %get3A_412 : i32 to index
        %get3A_414 = arith.index_cast %scan3A_183 : i32 to index
        %get3A_415 = arith.constant 160 : index
        %get3A_416 = tpu.vector_load %arg6[%get3A_413, %get3A_414, %get3A_415] {strides = array<i32>} : memref<2x32x768xf32, #tpu.memory_space<vmem>>, vector<1x1x16xf32>,
        %get3A_417 = vector.shape_cast %get3A_416 : vector<1x1x16xf32> to vector<16xf32>
        %get3A_418 = arith.constant 0 : i32
        %get3A_419 = arith.index_cast %get3A_418 : i32 to index
        %get3A_420 = arith.index_cast %scan3A_183 : i32 to index
        %get3A_421 = arith.constant 160 : index
        %get3A_422 = tpu.vector_load %arg7[%get3A_419, %get3A_420, %get3A_421] {strides = array<i32>} : memref<2x32x768xf32, #tpu.memory_space<vmem>>, vector<1x1x16xf32>,
        %get3A_423 = vector.shape_cast %get3A_422 : vector<1x1x16xf32> to vector<16xf32>
        %mul3A_424 = arith.constant 1.000000e-01 : f32
        %mul3A_425 = vector.broadcast %mul3A_424 : f32 to vector<16xf32>
        %mul3A_426 = arith.mulf %get3A_423, %mul3A_425 : vector<16xf32>
        %add3A_427 = arith.addf %get3A_417, %mul3A_426 : vector<16xf32>
        %swap3A_428 = arith.constant 0 : i32
        %swap3A_429 = arith.index_cast %swap3A_428 : i32 to index
        %swap3A_430 = arith.index_cast %scan3A_183 : i32 to index
        %swap3A_431 = arith.constant 160 : index
        %swap3A_432 = tpu.vector_load %arg6[%swap3A_429, %swap3A_430, %swap3A_431] {strides = array<i32>} : memref<2x32x768xf32, #tpu.memory_space<vmem>>, vector<1x1x16xf32>,
        %swap3A_433 = vector.shape_cast %swap3A_432 : vector<1x1x16xf32> to vector<16xf32>
        %swap3A_434 = vector.shape_cast %add3A_427 : vector<16xf32> to vector<1x1x16xf32>
        tpu.vector_store %arg6[%swap3A_429, %swap3A_430, %swap3A_431], %swap3A_434 {strides = array<i32>} : memref<2x32x768xf32, #tpu.memory_space<vmem>>, vector<1x1x16xf32>,
        %get3A_435 = arith.constant 0 : i32
        %get3A_436 = arith.index_cast %get3A_435 : i32 to index
        %get3A_437 = arith.index_cast %scan3A_183 : i32 to index
        %get3A_438 = arith.constant 176 : index
        %get3A_439 = tpu.vector_load %arg6[%get3A_436, %get3A_437, %get3A_438] {strides = array<i32>} : memref<2x32x768xf32, #tpu.memory_space<vmem>>, vector<1x1x16xf32>,
        %get3A_440 = vector.shape_cast %get3A_439 : vector<1x1x16xf32> to vector<16xf32>
        %get3A_441 = arith.constant 0 : i32
        %get3A_442 = arith.index_cast %get3A_441 : i32 to index
        %get3A_443 = arith.index_cast %scan3A_183 : i32 to index
        %get3A_444 = arith.constant 176 : index
        %get3A_445 = tpu.vector_load %arg7[%get3A_442, %get3A_443, %get3A_444] {strides = array<i32>} : memref<2x32x768xf32, #tpu.memory_space<vmem>>, vector<1x1x16xf32>,
        %get3A_446 = vector.shape_cast %get3A_445 : vector<1x1x16xf32> to vector<16xf32>
        %mul3A_447 = arith.constant 1.000000e-01 : f32
        %mul3A_448 = vector.broadcast %mul3A_447 : f32 to vector<16xf32>
        %mul3A_449 = arith.mulf %get3A_446, %mul3A_448 : vector<16xf32>
        %add3A_450 = arith.addf %get3A_440, %mul3A_449 : vector<16xf32>
        %swap3A_451 = arith.constant 0 : i32
        %swap3A_452 = arith.index_cast %swap3A_451 : i32 to index
        %swap3A_453 = arith.index_cast %scan3A_183 : i32 to index
        %swap3A_454 = arith.constant 176 : index
        %swap3A_455 = tpu.vector_load %arg6[%swap3A_452, %swap3A_453, %swap3A_454] {strides = array<i32>} : memref<2x32x768xf32, #tpu.memory_space<vmem>>, vector<1x1x16xf32>,
        %swap3A_456 = vector.shape_cast %swap3A_455 : vector<1x1x16xf32> to vector<16xf32>
        %swap3A_457 = vector.shape_cast %add3A_450 : vector<16xf32> to vector<1x1x16xf32>
        tpu.vector_store %arg6[%swap3A_452, %swap3A_453, %swap3A_454], %swap3A_457 {strides = array<i32>} : memref<2x32x768xf32, #tpu.memory_space<vmem>>, vector<1x1x16xf32>,
        %get3A_458 = arith.constant 0 : i32
        %get3A_459 = arith.index_cast %get3A_458 : i32 to index
        %get3A_460 = arith.index_cast %scan3A_183 : i32 to index
        %get3A_461 = arith.constant 192 : index
        %get3A_462 = tpu.vector_load %arg6[%get3A_459, %get3A_460, %get3A_461] {strides = array<i32>} : memref<2x32x768xf32, #tpu.memory_space<vmem>>, vector<1x1x16xf32>,
        %get3A_463 = vector.shape_cast %get3A_462 : vector<1x1x16xf32> to vector<16xf32>
        %get3A_464 = arith.constant 0 : i32
        %get3A_465 = arith.index_cast %get3A_464 : i32 to index
        %get3A_466 = arith.index_cast %scan3A_183 : i32 to index
        %get3A_467 = arith.constant 192 : index
        %get3A_468 = tpu.vector_load %arg7[%get3A_465, %get3A_466, %get3A_467] {strides = array<i32>} : memref<2x32x768xf32, #tpu.memory_space<vmem>>, vector<1x1x16xf32>,
        %get3A_469 = vector.shape_cast %get3A_468 : vector<1x1x16xf32> to vector<16xf32>
        %mul3A_470 = arith.constant 1.000000e-01 : f32
        %mul3A_471 = vector.broadcast %mul3A_470 : f32 to vector<16xf32>
        %mul3A_472 = arith.mulf %get3A_469, %mul3A_471 : vector<16xf32>
        %add3A_473 = arith.addf %get3A_463, %mul3A_472 : vector<16xf32>
        %swap3A_474 = arith.constant 0 : i32
        %swap3A_475 = arith.index_cast %swap3A_474 : i32 to index
        %swap3A_476 = arith.index_cast %scan3A_183 : i32 to index
        %swap3A_477 = arith.constant 192 : index
        %swap3A_478 = tpu.vector_load %arg6[%swap3A_475, %swap3A_476, %swap3A_477] {strides = array<i32>} : memref<2x32x768xf32, #tpu.memory_space<vmem>>, vector<1x1x16xf32>,
        %swap3A_479 = vector.shape_cast %swap3A_478 : vector<1x1x16xf32> to vector<16xf32>
        %swap3A_480 = vector.shape_cast %add3A_473 : vector<16xf32> to vector<1x1x16xf32>
        tpu.vector_store %arg6[%swap3A_475, %swap3A_476, %swap3A_477], %swap3A_480 {strides = array<i32>} : memref<2x32x768xf32, #tpu.memory_space<vmem>>, vector<1x1x16xf32>,
        %get3A_481 = arith.constant 0 : i32
        %get3A_482 = arith.index_cast %get3A_481 : i32 to index
        %get3A_483 = arith.index_cast %scan3A_183 : i32 to index
        %get3A_484 = arith.constant 208 : index
        %get3A_485 = tpu.vector_load %arg6[%get3A_482, %get3A_483, %get3A_484] {strides = array<i32>} : memref<2x32x768xf32, #tpu.memory_space<vmem>>, vector<1x1x16xf32>,
        %get3A_486 = vector.shape_cast %get3A_485 : vector<1x1x16xf32> to vector<16xf32>
        %get3A_487 = arith.constant 0 : i32
        %get3A_488 = arith.index_cast %get3A_487 : i32 to index
        %get3A_489 = arith.index_cast %scan3A_183 : i32 to index
        %get3A_490 = arith.constant 208 : index
        %get3A_491 = tpu.vector_load %arg7[%get3A_488, %get3A_489, %get3A_490] {strides = array<i32>} : memref<2x32x768xf32, #tpu.memory_space<vmem>>, vector<1x1x16xf32>,
        %get3A_492 = vector.shape_cast %get3A_491 : vector<1x1x16xf32> to vector<16xf32>
        %mul3A_493 = arith.constant 1.000000e-01 : f32
        %mul3A_494 = vector.broadcast %mul3A_493 : f32 to vector<16xf32>
        %mul3A_495 = arith.mulf %get3A_492, %mul3A_494 : vector<16xf32>
        %add3A_496 = arith.addf %get3A_486, %mul3A_495 : vector<16xf32>
        %swap3A_497 = arith.constant 0 : i32
        %swap3A_498 = arith.index_cast %swap3A_497 : i32 to index
        %swap3A_499 = arith.index_cast %scan3A_183 : i32 to index
        %swap3A_500 = arith.constant 208 : index
        %swap3A_501 = tpu.vector_load %arg6[%swap3A_498, %swap3A_499, %swap3A_500] {strides = array<i32>} : memref<2x32x768xf32, #tpu.memory_space<vmem>>, vector<1x1x16xf32>,
        %swap3A_502 = vector.shape_cast %swap3A_501 : vector<1x1x16xf32> to vector<16xf32>
        %swap3A_503 = vector.shape_cast %add3A_496 : vector<16xf32> to vector<1x1x16xf32>
        tpu.vector_store %arg6[%swap3A_498, %swap3A_499, %swap3A_500], %swap3A_503 {strides = array<i32>} : memref<2x32x768xf32, #tpu.memory_space<vmem>>, vector<1x1x16xf32>,
        %get3A_504 = arith.constant 0 : i32
        %get3A_505 = arith.index_cast %get3A_504 : i32 to index
        %get3A_506 = arith.index_cast %scan3A_183 : i32 to index
        %get3A_507 = arith.constant 224 : index
        %get3A_508 = tpu.vector_load %arg6[%get3A_505, %get3A_506, %get3A_507] {strides = array<i32>} : memref<2x32x768xf32, #tpu.memory_space<vmem>>, vector<1x1x16xf32>,
        %get3A_509 = vector.shape_cast %get3A_508 : vector<1x1x16xf32> to vector<16xf32>
        %get3A_510 = arith.constant 0 : i32
        %get3A_511 = arith.index_cast %get3A_510 : i32 to index
        %get3A_512 = arith.index_cast %scan3A_183 : i32 to index
        %get3A_513 = arith.constant 224 : index
        %get3A_514 = tpu.vector_load %arg7[%get3A_511, %get3A_512, %get3A_513] {strides = array<i32>} : memref<2x32x768xf32, #tpu.memory_space<vmem>>, vector<1x1x16xf32>,
        %get3A_515 = vector.shape_cast %get3A_514 : vector<1x1x16xf32> to vector<16xf32>
        %mul3A_516 = arith.constant 1.000000e-01 : f32
        %mul3A_517 = vector.broadcast %mul3A_516 : f32 to vector<16xf32>
        %mul3A_518 = arith.mulf %get3A_515, %mul3A_517 : vector<16xf32>
        %add3A_519 = arith.addf %get3A_509, %mul3A_518 : vector<16xf32>
        %swap3A_520 = arith.constant 0 : i32
        %swap3A_521 = arith.index_cast %swap3A_520 : i32 to index
        %swap3A_522 = arith.index_cast %scan3A_183 : i32 to index
        %swap3A_523 = arith.constant 224 : index
        %swap3A_524 = tpu.vector_load %arg6[%swap3A_521, %swap3A_522, %swap3A_523] {strides = array<i32>} : memref<2x32x768xf32, #tpu.memory_space<vmem>>, vector<1x1x16xf32>,
        %swap3A_525 = vector.shape_cast %swap3A_524 : vector<1x1x16xf32> to vector<16xf32>
        %swap3A_526 = vector.shape_cast %add3A_519 : vector<16xf32> to vector<1x1x16xf32>
        tpu.vector_store %arg6[%swap3A_521, %swap3A_522, %swap3A_523], %swap3A_526 {strides = array<i32>} : memref<2x32x768xf32, #tpu.memory_space<vmem>>, vector<1x1x16xf32>,
        %get3A_527 = arith.constant 0 : i32
        %get3A_528 = arith.index_cast %get3A_527 : i32 to index
        %get3A_529 = arith.index_cast %scan3A_183 : i32 to index
        %get3A_530 = arith.constant 240 : index
        %get3A_531 = tpu.vector_load %arg6[%get3A_528, %get3A_529, %get3A_530] {strides = array<i32>} : memref<2x32x768xf32, #tpu.memory_space<vmem>>, vector<1x1x16xf32>,
        %get3A_532 = vector.shape_cast %get3A_531 : vector<1x1x16xf32> to vector<16xf32>
        %get3A_533 = arith.constant 0 : i32
        %get3A_534 = arith.index_cast %get3A_533 : i32 to index
        %get3A_535 = arith.index_cast %scan3A_183 : i32 to index
        %get3A_536 = arith.constant 240 : index
        %get3A_537 = tpu.vector_load %arg7[%get3A_534, %get3A_535, %get3A_536] {strides = array<i32>} : memref<2x32x768xf32, #tpu.memory_space<vmem>>, vector<1x1x16xf32>,
        %get3A_538 = vector.shape_cast %get3A_537 : vector<1x1x16xf32> to vector<16xf32>
        %mul3A_539 = arith.constant 1.000000e-01 : f32
        %mul3A_540 = vector.broadcast %mul3A_539 : f32 to vector<16xf32>
        %mul3A_541 = arith.mulf %get3A_538, %mul3A_540 : vector<16xf32>
        %add3A_542 = arith.addf %get3A_532, %mul3A_541 : vector<16xf32>
        %swap3A_543 = arith.constant 0 : i32
        %swap3A_544 = arith.index_cast %swap3A_543 : i32 to index
        %swap3A_545 = arith.index_cast %scan3A_183 : i32 to index
        %swap3A_546 = arith.constant 240 : index
        %swap3A_547 = tpu.vector_load %arg6[%swap3A_544, %swap3A_545, %swap3A_546] {strides = array<i32>} : memref<2x32x768xf32, #tpu.memory_space<vmem>>, vector<1x1x16xf32>,
        %swap3A_548 = vector.shape_cast %swap3A_547 : vector<1x1x16xf32> to vector<16xf32>
        %swap3A_549 = vector.shape_cast %add3A_542 : vector<16xf32> to vector<1x1x16xf32>
        tpu.vector_store %arg6[%swap3A_544, %swap3A_545, %swap3A_546], %swap3A_549 {strides = array<i32>} : memref<2x32x768xf32, #tpu.memory_space<vmem>>, vector<1x1x16xf32>,
        %get3A_550 = arith.constant 0 : i32
        %get3A_551 = arith.index_cast %get3A_550 : i32 to index
        %get3A_552 = arith.index_cast %scan3A_183 : i32 to index
        %get3A_553 = arith.constant 256 : index
        %get3A_554 = tpu.vector_load %arg6[%get3A_551, %get3A_552, %get3A_553] {strides = array<i32>} : memref<2x32x768xf32, #tpu.memory_space<vmem>>, vector<1x1x16xf32>,
        %get3A_555 = vector.shape_cast %get3A_554 : vector<1x1x16xf32> to vector<16xf32>
        %get3A_556 = arith.constant 0 : i32
        %get3A_557 = arith.index_cast %get3A_556 : i32 to index
        %get3A_558 = arith.index_cast %scan3A_183 : i32 to index
        %get3A_559 = arith.constant 256 : index
        %get3A_560 = tpu.vector_load %arg7[%get3A_557, %get3A_558, %get3A_559] {strides = array<i32>} : memref<2x32x768xf32, #tpu.memory_space<vmem>>, vector<1x1x16xf32>,
        %get3A_561 = vector.shape_cast %get3A_560 : vector<1x1x16xf32> to vector<16xf32>
        %mul3A_562 = arith.constant 1.000000e-01 : f32
        %mul3A_563 = vector.broadcast %mul3A_562 : f32 to vector<16xf32>
        %mul3A_564 = arith.mulf %get3A_561, %mul3A_563 : vector<16xf32>
        %add3A_565 = arith.addf %get3A_555, %mul3A_564 : vector<16xf32>
        %swap3A_566 = arith.constant 0 : i32
        %swap3A_567 = arith.index_cast %swap3A_566 : i32 to index
        %swap3A_568 = arith.index_cast %scan3A_183 : i32 to index
        %swap3A_569 = arith.constant 256 : index
        %swap3A_570 = tpu.vector_load %arg6[%swap3A_567, %swap3A_568, %swap3A_569] {strides = array<i32>} : memref<2x32x768xf32, #tpu.memory_space<vmem>>, vector<1x1x16xf32>,
        %swap3A_571 = vector.shape_cast %swap3A_570 : vector<1x1x16xf32> to vector<16xf32>
        %swap3A_572 = vector.shape_cast %add3A_565 : vector<16xf32> to vector<1x1x16xf32>
        tpu.vector_store %arg6[%swap3A_567, %swap3A_568, %swap3A_569], %swap3A_572 {strides = array<i32>} : memref<2x32x768xf32, #tpu.memory_space<vmem>>, vector<1x1x16xf32>,
        %get3A_573 = arith.constant 0 : i32
        %get3A_574 = arith.index_cast %get3A_573 : i32 to index
        %get3A_575 = arith.index_cast %scan3A_183 : i32 to index
        %get3A_576 = arith.constant 272 : index
        %get3A_577 = tpu.vector_load %arg6[%get3A_574, %get3A_575, %get3A_576] {strides = array<i32>} : memref<2x32x768xf32, #tpu.memory_space<vmem>>, vector<1x1x16xf32>,
        %get3A_578 = vector.shape_cast %get3A_577 : vector<1x1x16xf32> to vector<16xf32>
        %get3A_579 = arith.constant 0 : i32
        %get3A_580 = arith.index_cast %get3A_579 : i32 to index
        %get3A_581 = arith.index_cast %scan3A_183 : i32 to index
        %get3A_582 = arith.constant 272 : index
        %get3A_583 = tpu.vector_load %arg7[%get3A_580, %get3A_581, %get3A_582] {strides = array<i32>} : memref<2x32x768xf32, #tpu.memory_space<vmem>>, vector<1x1x16xf32>,
        %get3A_584 = vector.shape_cast %get3A_583 : vector<1x1x16xf32> to vector<16xf32>
        %mul3A_585 = arith.constant 1.000000e-01 : f32
        %mul3A_586 = vector.broadcast %mul3A_585 : f32 to vector<16xf32>
        %mul3A_587 = arith.mulf %get3A_584, %mul3A_586 : vector<16xf32>
        %add3A_588 = arith.addf %get3A_578, %mul3A_587 : vector<16xf32>
        %swap3A_589 = arith.constant 0 : i32
        %swap3A_590 = arith.index_cast %swap3A_589 : i32 to index
        %swap3A_591 = arith.index_cast %scan3A_183 : i32 to index
        %swap3A_592 = arith.constant 272 : index
        %swap3A_593 = tpu.vector_load %arg6[%swap3A_590, %swap3A_591, %swap3A_592] {strides = array<i32>} : memref<2x32x768xf32, #tpu.memory_space<vmem>>, vector<1x1x16xf32>,
        %swap3A_594 = vector.shape_cast %swap3A_593 : vector<1x1x16xf32> to vector<16xf32>
        %swap3A_595 = vector.shape_cast %add3A_588 : vector<16xf32> to vector<1x1x16xf32>
        tpu.vector_store %arg6[%swap3A_590, %swap3A_591, %swap3A_592], %swap3A_595 {strides = array<i32>} : memref<2x32x768xf32, #tpu.memory_space<vmem>>, vector<1x1x16xf32>,
        %get3A_596 = arith.constant 0 : i32
        %get3A_597 = arith.index_cast %get3A_596 : i32 to index
        %get3A_598 = arith.index_cast %scan3A_183 : i32 to index
        %get3A_599 = arith.constant 288 : index
        %get3A_600 = tpu.vector_load %arg6[%get3A_597, %get3A_598, %get3A_599] {strides = array<i32>} : memref<2x32x768xf32, #tpu.memory_space<vmem>>, vector<1x1x16xf32>,
        %get3A_601 = vector.shape_cast %get3A_600 : vector<1x1x16xf32> to vector<16xf32>
        %get3A_602 = arith.constant 0 : i32
        %get3A_603 = arith.index_cast %get3A_602 : i32 to index
        %get3A_604 = arith.index_cast %scan3A_183 : i32 to index
        %get3A_605 = arith.constant 288 : index
        %get3A_606 = tpu.vector_load %arg7[%get3A_603, %get3A_604, %get3A_605] {strides = array<i32>} : memref<2x32x768xf32, #tpu.memory_space<vmem>>, vector<1x1x16xf32>,
        %get3A_607 = vector.shape_cast %get3A_606 : vector<1x1x16xf32> to vector<16xf32>
        %mul3A_608 = arith.constant 1.000000e-01 : f32
        %mul3A_609 = vector.broadcast %mul3A_608 : f32 to vector<16xf32>
        %mul3A_610 = arith.mulf %get3A_607, %mul3A_609 : vector<16xf32>
        %add3A_611 = arith.addf %get3A_601, %mul3A_610 : vector<16xf32>
        %swap3A_612 = arith.constant 0 : i32
        %swap3A_613 = arith.index_cast %swap3A_612 : i32 to index
        %swap3A_614 = arith.index_cast %scan3A_183 : i32 to index
        %swap3A_615 = arith.constant 288 : index
        %swap3A_616 = tpu.vector_load %arg6[%swap3A_613, %swap3A_614, %swap3A_615] {strides = array<i32>} : memref<2x32x768xf32, #tpu.memory_space<vmem>>, vector<1x1x16xf32>,
        %swap3A_617 = vector.shape_cast %swap3A_616 : vector<1x1x16xf32> to vector<16xf32>
        %swap3A_618 = vector.shape_cast %add3A_611 : vector<16xf32> to vector<1x1x16xf32>
        tpu.vector_store %arg6[%swap3A_613, %swap3A_614, %swap3A_615], %swap3A_618 {strides = array<i32>} : memref<2x32x768xf32, #tpu.memory_space<vmem>>, vector<1x1x16xf32>,
        %get3A_619 = arith.constant 0 : i32
        %get3A_620 = arith.index_cast %get3A_619 : i32 to index
        %get3A_621 = arith.index_cast %scan3A_183 : i32 to index
        %get3A_622 = arith.constant 304 : index
        %get3A_623 = tpu.vector_load %arg6[%get3A_620, %get3A_621, %get3A_622] {strides = array<i32>} : memref<2x32x768xf32, #tpu.memory_space<vmem>>, vector<1x1x16xf32>,
        %get3A_624 = vector.shape_cast %get3A_623 : vector<1x1x16xf32> to vector<16xf32>
        %get3A_625 = arith.constant 0 : i32
        %get3A_626 = arith.index_cast %get3A_625 : i32 to index
        %get3A_627 = arith.index_cast %scan3A_183 : i32 to index
        %get3A_628 = arith.constant 304 : index
        %get3A_629 = tpu.vector_load %arg7[%get3A_626, %get3A_627, %get3A_628] {strides = array<i32>} : memref<2x32x768xf32, #tpu.memory_space<vmem>>, vector<1x1x16xf32>,
        %get3A_630 = vector.shape_cast %get3A_629 : vector<1x1x16xf32> to vector<16xf32>
        %mul3A_631 = arith.constant 1.000000e-01 : f32
        %mul3A_632 = vector.broadcast %mul3A_631 : f32 to vector<16xf32>
        %mul3A_633 = arith.mulf %get3A_630, %mul3A_632 : vector<16xf32>
        %add3A_634 = arith.addf %get3A_624, %mul3A_633 : vector<16xf32>
        %swap3A_635 = arith.constant 0 : i32
        %swap3A_636 = arith.index_cast %swap3A_635 : i32 to index
        %swap3A_637 = arith.index_cast %scan3A_183 : i32 to index
        %swap3A_638 = arith.constant 304 : index
        %swap3A_639 = tpu.vector_load %arg6[%swap3A_636, %swap3A_637, %swap3A_638] {strides = array<i32>} : memref<2x32x768xf32, #tpu.memory_space<vmem>>, vector<1x1x16xf32>,
        %swap3A_640 = vector.shape_cast %swap3A_639 : vector<1x1x16xf32> to vector<16xf32>
        %swap3A_641 = vector.shape_cast %add3A_634 : vector<16xf32> to vector<1x1x16xf32>
        tpu.vector_store %arg6[%swap3A_636, %swap3A_637, %swap3A_638], %swap3A_641 {strides = array<i32>} : memref<2x32x768xf32, #tpu.memory_space<vmem>>, vector<1x1x16xf32>,
        %get3A_642 = arith.constant 0 : i32
        %get3A_643 = arith.index_cast %get3A_642 : i32 to index
        %get3A_644 = arith.index_cast %scan3A_183 : i32 to index
        %get3A_645 = arith.constant 320 : index
        %get3A_646 = tpu.vector_load %arg6[%get3A_643, %get3A_644, %get3A_645] {strides = array<i32>} : memref<2x32x768xf32, #tpu.memory_space<vmem>>, vector<1x1x16xf32>,
        %get3A_647 = vector.shape_cast %get3A_646 : vector<1x1x16xf32> to vector<16xf32>
        %get3A_648 = arith.constant 0 : i32
        %get3A_649 = arith.index_cast %get3A_648 : i32 to index
        %get3A_650 = arith.index_cast %scan3A_183 : i32 to index
        %get3A_651 = arith.constant 320 : index
        %get3A_652 = tpu.vector_load %arg7[%get3A_649, %get3A_650, %get3A_651] {strides = array<i32>} : memref<2x32x768xf32, #tpu.memory_space<vmem>>, vector<1x1x16xf32>,
        %get3A_653 = vector.shape_cast %get3A_652 : vector<1x1x16xf32> to vector<16xf32>
        %mul3A_654 = arith.constant 1.000000e-01 : f32
        %mul3A_655 = vector.broadcast %mul3A_654 : f32 to vector<16xf32>
        %mul3A_656 = arith.mulf %get3A_653, %mul3A_655 : vector<16xf32>
        %add3A_657 = arith.addf %get3A_647, %mul3A_656 : vector<16xf32>
        %swap3A_658 = arith.constant 0 : i32
        %swap3A_659 = arith.index_cast %swap3A_658 : i32 to index
        %swap3A_660 = arith.index_cast %scan3A_183 : i32 to index
        %swap3A_661 = arith.constant 320 : index
        %swap3A_662 = tpu.vector_load %arg6[%swap3A_659, %swap3A_660, %swap3A_661] {strides = array<i32>} : memref<2x32x768xf32, #tpu.memory_space<vmem>>, vector<1x1x16xf32>,
        %swap3A_663 = vector.shape_cast %swap3A_662 : vector<1x1x16xf32> to vector<16xf32>
        %swap3A_664 = vector.shape_cast %add3A_657 : vector<16xf32> to vector<1x1x16xf32>
        tpu.vector_store %arg6[%swap3A_659, %swap3A_660, %swap3A_661], %swap3A_664 {strides = array<i32>} : memref<2x32x768xf32, #tpu.memory_space<vmem>>, vector<1x1x16xf32>,
        %get3A_665 = arith.constant 0 : i32
        %get3A_666 = arith.index_cast %get3A_665 : i32 to index
        %get3A_667 = arith.index_cast %scan3A_183 : i32 to index
        %get3A_668 = arith.constant 336 : index
        %get3A_669 = tpu.vector_load %arg6[%get3A_666, %get3A_667, %get3A_668] {strides = array<i32>} : memref<2x32x768xf32, #tpu.memory_space<vmem>>, vector<1x1x16xf32>,
        %get3A_670 = vector.shape_cast %get3A_669 : vector<1x1x16xf32> to vector<16xf32>
        %get3A_671 = arith.constant 0 : i32
        %get3A_672 = arith.index_cast %get3A_671 : i32 to index
        %get3A_673 = arith.index_cast %scan3A_183 : i32 to index
        %get3A_674 = arith.constant 336 : index
        %get3A_675 = tpu.vector_load %arg7[%get3A_672, %get3A_673, %get3A_674] {strides = array<i32>} : memref<2x32x768xf32, #tpu.memory_space<vmem>>, vector<1x1x16xf32>,
        %get3A_676 = vector.shape_cast %get3A_675 : vector<1x1x16xf32> to vector<16xf32>
        %mul3A_677 = arith.constant 1.000000e-01 : f32
        %mul3A_678 = vector.broadcast %mul3A_677 : f32 to vector<16xf32>
        %mul3A_679 = arith.mulf %get3A_676, %mul3A_678 : vector<16xf32>
        %add3A_680 = arith.addf %get3A_670, %mul3A_679 : vector<16xf32>
        %swap3A_681 = arith.constant 0 : i32
        %swap3A_682 = arith.index_cast %swap3A_681 : i32 to index
        %swap3A_683 = arith.index_cast %scan3A_183 : i32 to index
        %swap3A_684 = arith.constant 336 : index
        %swap3A_685 = tpu.vector_load %arg6[%swap3A_682, %swap3A_683, %swap3A_684] {strides = array<i32>} : memref<2x32x768xf32, #tpu.memory_space<vmem>>, vector<1x1x16xf32>,
        %swap3A_686 = vector.shape_cast %swap3A_685 : vector<1x1x16xf32> to vector<16xf32>
        %swap3A_687 = vector.shape_cast %add3A_680 : vector<16xf32> to vector<1x1x16xf32>
        tpu.vector_store %arg6[%swap3A_682, %swap3A_683, %swap3A_684], %swap3A_687 {strides = array<i32>} : memref<2x32x768xf32, #tpu.memory_space<vmem>>, vector<1x1x16xf32>,
        %get3A_688 = arith.constant 0 : i32
        %get3A_689 = arith.index_cast %get3A_688 : i32 to index
        %get3A_690 = arith.index_cast %scan3A_183 : i32 to index
        %get3A_691 = arith.constant 352 : index
        %get3A_692 = tpu.vector_load %arg6[%get3A_689, %get3A_690, %get3A_691] {strides = array<i32>} : memref<2x32x768xf32, #tpu.memory_space<vmem>>, vector<1x1x16xf32>,
        %get3A_693 = vector.shape_cast %get3A_692 : vector<1x1x16xf32> to vector<16xf32>
        %get3A_694 = arith.constant 0 : i32
        %get3A_695 = arith.index_cast %get3A_694 : i32 to index
        %get3A_696 = arith.index_cast %scan3A_183 : i32 to index
        %get3A_697 = arith.constant 352 : index
        %get3A_698 = tpu.vector_load %arg7[%get3A_695, %get3A_696, %get3A_697] {strides = array<i32>} : memref<2x32x768xf32, #tpu.memory_space<vmem>>, vector<1x1x16xf32>,
        %get3A_699 = vector.shape_cast %get3A_698 : vector<1x1x16xf32> to vector<16xf32>
        %mul3A_700 = arith.constant 1.000000e-01 : f32
        %mul3A_701 = vector.broadcast %mul3A_700 : f32 to vector<16xf32>
        %mul3A_702 = arith.mulf %get3A_699, %mul3A_701 : vector<16xf32>
        %add3A_703 = arith.addf %get3A_693, %mul3A_702 : vector<16xf32>
        %swap3A_704 = arith.constant 0 : i32
        %swap3A_705 = arith.index_cast %swap3A_704 : i32 to index
        %swap3A_706 = arith.index_cast %scan3A_183 : i32 to index
        %swap3A_707 = arith.constant 352 : index
        %swap3A_708 = tpu.vector_load %arg6[%swap3A_705, %swap3A_706, %swap3A_707] {strides = array<i32>} : memref<2x32x768xf32, #tpu.memory_space<vmem>>, vector<1x1x16xf32>,
        %swap3A_709 = vector.shape_cast %swap3A_708 : vector<1x1x16xf32> to vector<16xf32>
        %swap3A_710 = vector.shape_cast %add3A_703 : vector<16xf32> to vector<1x1x16xf32>
        tpu.vector_store %arg6[%swap3A_705, %swap3A_706, %swap3A_707], %swap3A_710 {strides = array<i32>} : memref<2x32x768xf32, #tpu.memory_space<vmem>>, vector<1x1x16xf32>,
        %get3A_711 = arith.constant 0 : i32
        %get3A_712 = arith.index_cast %get3A_711 : i32 to index
        %get3A_713 = arith.index_cast %scan3A_183 : i32 to index
        %get3A_714 = arith.constant 368 : index
        %get3A_715 = tpu.vector_load %arg6[%get3A_712, %get3A_713, %get3A_714] {strides = array<i32>} : memref<2x32x768xf32, #tpu.memory_space<vmem>>, vector<1x1x16xf32>,
        %get3A_716 = vector.shape_cast %get3A_715 : vector<1x1x16xf32> to vector<16xf32>
        %get3A_717 = arith.constant 0 : i32
        %get3A_718 = arith.index_cast %get3A_717 : i32 to index
        %get3A_719 = arith.index_cast %scan3A_183 : i32 to index
        %get3A_720 = arith.constant 368 : index
        %get3A_721 = tpu.vector_load %arg7[%get3A_718, %get3A_719, %get3A_720] {strides = array<i32>} : memref<2x32x768xf32, #tpu.memory_space<vmem>>, vector<1x1x16xf32>,
        %get3A_722 = vector.shape_cast %get3A_721 : vector<1x1x16xf32> to vector<16xf32>
        %mul3A_723 = arith.constant 1.000000e-01 : f32
        %mul3A_724 = vector.broadcast %mul3A_723 : f32 to vector<16xf32>
        %mul3A_725 = arith.mulf %get3A_722, %mul3A_724 : vector<16xf32>
        %add3A_726 = arith.addf %get3A_716, %mul3A_725 : vector<16xf32>
        %swap3A_727 = arith.constant 0 : i32
        %swap3A_728 = arith.index_cast %swap3A_727 : i32 to index
        %swap3A_729 = arith.index_cast %scan3A_183 : i32 to index
        %swap3A_730 = arith.constant 368 : index
        %swap3A_731 = tpu.vector_load %arg6[%swap3A_728, %swap3A_729, %swap3A_730] {strides = array<i32>} : memref<2x32x768xf32, #tpu.memory_space<vmem>>, vector<1x1x16xf32>,
        %swap3A_732 = vector.shape_cast %swap3A_731 : vector<1x1x16xf32> to vector<16xf32>
        %swap3A_733 = vector.shape_cast %add3A_726 : vector<16xf32> to vector<1x1x16xf32>
        tpu.vector_store %arg6[%swap3A_728, %swap3A_729, %swap3A_730], %swap3A_733 {strides = array<i32>} : memref<2x32x768xf32, #tpu.memory_space<vmem>>, vector<1x1x16xf32>,
        %get3A_734 = arith.constant 0 : i32
        %get3A_735 = arith.index_cast %get3A_734 : i32 to index
        %get3A_736 = arith.index_cast %scan3A_183 : i32 to index
        %get3A_737 = arith.constant 384 : index
        %get3A_738 = tpu.vector_load %arg6[%get3A_735, %get3A_736, %get3A_737] {strides = array<i32>} : memref<2x32x768xf32, #tpu.memory_space<vmem>>, vector<1x1x16xf32>,
        %get3A_739 = vector.shape_cast %get3A_738 : vector<1x1x16xf32> to vector<16xf32>
        %get3A_740 = arith.constant 0 : i32
        %get3A_741 = arith.index_cast %get3A_740 : i32 to index
        %get3A_742 = arith.index_cast %scan3A_183 : i32 to index
        %get3A_743 = arith.constant 384 : index
        %get3A_744 = tpu.vector_load %arg7[%get3A_741, %get3A_742, %get3A_743] {strides = array<i32>} : memref<2x32x768xf32, #tpu.memory_space<vmem>>, vector<1x1x16xf32>,
        %get3A_745 = vector.shape_cast %get3A_744 : vector<1x1x16xf32> to vector<16xf32>
        %mul3A_746 = arith.constant 1.000000e-01 : f32
        %mul3A_747 = vector.broadcast %mul3A_746 : f32 to vector<16xf32>
        %mul3A_748 = arith.mulf %get3A_745, %mul3A_747 : vector<16xf32>
        %add3A_749 = arith.addf %get3A_739, %mul3A_748 : vector<16xf32>
        %swap3A_750 = arith.constant 0 : i32
        %swap3A_751 = arith.index_cast %swap3A_750 : i32 to index
        %swap3A_752 = arith.index_cast %scan3A_183 : i32 to index
        %swap3A_753 = arith.constant 384 : index
        %swap3A_754 = tpu.vector_load %arg6[%swap3A_751, %swap3A_752, %swap3A_753] {strides = array<i32>} : memref<2x32x768xf32, #tpu.memory_space<vmem>>, vector<1x1x16xf32>,
        %swap3A_755 = vector.shape_cast %swap3A_754 : vector<1x1x16xf32> to vector<16xf32>
        %swap3A_756 = vector.shape_cast %add3A_749 : vector<16xf32> to vector<1x1x16xf32>
        tpu.vector_store %arg6[%swap3A_751, %swap3A_752, %swap3A_753], %swap3A_756 {strides = array<i32>} : memref<2x32x768xf32, #tpu.memory_space<vmem>>, vector<1x1x16xf32>,
        %get3A_757 = arith.constant 0 : i32
        %get3A_758 = arith.index_cast %get3A_757 : i32 to index
        %get3A_759 = arith.index_cast %scan3A_183 : i32 to index
        %get3A_760 = arith.constant 400 : index
        %get3A_761 = tpu.vector_load %arg6[%get3A_758, %get3A_759, %get3A_760] {strides = array<i32>} : memref<2x32x768xf32, #tpu.memory_space<vmem>>, vector<1x1x16xf32>,
        %get3A_762 = vector.shape_cast %get3A_761 : vector<1x1x16xf32> to vector<16xf32>
        %get3A_763 = arith.constant 0 : i32
        %get3A_764 = arith.index_cast %get3A_763 : i32 to index
        %get3A_765 = arith.index_cast %scan3A_183 : i32 to index
        %get3A_766 = arith.constant 400 : index
        %get3A_767 = tpu.vector_load %arg7[%get3A_764, %get3A_765, %get3A_766] {strides = array<i32>} : memref<2x32x768xf32, #tpu.memory_space<vmem>>, vector<1x1x16xf32>,
        %get3A_768 = vector.shape_cast %get3A_767 : vector<1x1x16xf32> to vector<16xf32>
        %mul3A_769 = arith.constant 1.000000e-01 : f32
        %mul3A_770 = vector.broadcast %mul3A_769 : f32 to vector<16xf32>
        %mul3A_771 = arith.mulf %get3A_768, %mul3A_770 : vector<16xf32>
        %add3A_772 = arith.addf %get3A_762, %mul3A_771 : vector<16xf32>
        %swap3A_773 = arith.constant 0 : i32
        %swap3A_774 = arith.index_cast %swap3A_773 : i32 to index
        %swap3A_775 = arith.index_cast %scan3A_183 : i32 to index
        %swap3A_776 = arith.constant 400 : index
        %swap3A_777 = tpu.vector_load %arg6[%swap3A_774, %swap3A_775, %swap3A_776] {strides = array<i32>} : memref<2x32x768xf32, #tpu.memory_space<vmem>>, vector<1x1x16xf32>,
        %swap3A_778 = vector.shape_cast %swap3A_777 : vector<1x1x16xf32> to vector<16xf32>
        %swap3A_779 = vector.shape_cast %add3A_772 : vector<16xf32> to vector<1x1x16xf32>
        tpu.vector_store %arg6[%swap3A_774, %swap3A_775, %swap3A_776], %swap3A_779 {strides = array<i32>} : memref<2x32x768xf32, #tpu.memory_space<vmem>>, vector<1x1x16xf32>,
        %get3A_780 = arith.constant 0 : i32
        %get3A_781 = arith.index_cast %get3A_780 : i32 to index
        %get3A_782 = arith.index_cast %scan3A_183 : i32 to index
        %get3A_783 = arith.constant 416 : index
        %get3A_784 = tpu.vector_load %arg6[%get3A_781, %get3A_782, %get3A_783] {strides = array<i32>} : memref<2x32x768xf32, #tpu.memory_space<vmem>>, vector<1x1x16xf32>,
        %get3A_785 = vector.shape_cast %get3A_784 : vector<1x1x16xf32> to vector<16xf32>
        %get3A_786 = arith.constant 0 : i32
        %get3A_787 = arith.index_cast %get3A_786 : i32 to index
        %get3A_788 = arith.index_cast %scan3A_183 : i32 to index
        %get3A_789 = arith.constant 416 : index
        %get3A_790 = tpu.vector_load %arg7[%get3A_787, %get3A_788, %get3A_789] {strides = array<i32>} : memref<2x32x768xf32, #tpu.memory_space<vmem>>, vector<1x1x16xf32>,
        %get3A_791 = vector.shape_cast %get3A_790 : vector<1x1x16xf32> to vector<16xf32>
        %mul3A_792 = arith.constant 1.000000e-01 : f32
        %mul3A_793 = vector.broadcast %mul3A_792 : f32 to vector<16xf32>
        %mul3A_794 = arith.mulf %get3A_791, %mul3A_793 : vector<16xf32>
        %add3A_795 = arith.addf %get3A_785, %mul3A_794 : vector<16xf32>
        %swap3A_796 = arith.constant 0 : i32
        %swap3A_797 = arith.index_cast %swap3A_796 : i32 to index
        %swap3A_798 = arith.index_cast %scan3A_183 : i32 to index
        %swap3A_799 = arith.constant 416 : index
        %swap3A_800 = tpu.vector_load %arg6[%swap3A_797, %swap3A_798, %swap3A_799] {strides = array<i32>} : memref<2x32x768xf32, #tpu.memory_space<vmem>>, vector<1x1x16xf32>,
        %swap3A_801 = vector.shape_cast %swap3A_800 : vector<1x1x16xf32> to vector<16xf32>
        %swap3A_802 = vector.shape_cast %add3A_795 : vector<16xf32> to vector<1x1x16xf32>
        tpu.vector_store %arg6[%swap3A_797, %swap3A_798, %swap3A_799], %swap3A_802 {strides = array<i32>} : memref<2x32x768xf32, #tpu.memory_space<vmem>>, vector<1x1x16xf32>,
        %get3A_803 = arith.constant 0 : i32
        %get3A_804 = arith.index_cast %get3A_803 : i32 to index
        %get3A_805 = arith.index_cast %scan3A_183 : i32 to index
        %get3A_806 = arith.constant 432 : index
        %get3A_807 = tpu.vector_load %arg6[%get3A_804, %get3A_805, %get3A_806] {strides = array<i32>} : memref<2x32x768xf32, #tpu.memory_space<vmem>>, vector<1x1x16xf32>,
        %get3A_808 = vector.shape_cast %get3A_807 : vector<1x1x16xf32> to vector<16xf32>
        %get3A_809 = arith.constant 0 : i32
        %get3A_810 = arith.index_cast %get3A_809 : i32 to index
        %get3A_811 = arith.index_cast %scan3A_183 : i32 to index
        %get3A_812 = arith.constant 432 : index
        %get3A_813 = tpu.vector_load %arg7[%get3A_810, %get3A_811, %get3A_812] {strides = array<i32>} : memref<2x32x768xf32, #tpu.memory_space<vmem>>, vector<1x1x16xf32>,
        %get3A_814 = vector.shape_cast %get3A_813 : vector<1x1x16xf32> to vector<16xf32>
        %mul3A_815 = arith.constant 1.000000e-01 : f32
        %mul3A_816 = vector.broadcast %mul3A_815 : f32 to vector<16xf32>
        %mul3A_817 = arith.mulf %get3A_814, %mul3A_816 : vector<16xf32>
        %add3A_818 = arith.addf %get3A_808, %mul3A_817 : vector<16xf32>
        %swap3A_819 = arith.constant 0 : i32
        %swap3A_820 = arith.index_cast %swap3A_819 : i32 to index
        %swap3A_821 = arith.index_cast %scan3A_183 : i32 to index
        %swap3A_822 = arith.constant 432 : index
        %swap3A_823 = tpu.vector_load %arg6[%swap3A_820, %swap3A_821, %swap3A_822] {strides = array<i32>} : memref<2x32x768xf32, #tpu.memory_space<vmem>>, vector<1x1x16xf32>,
        %swap3A_824 = vector.shape_cast %swap3A_823 : vector<1x1x16xf32> to vector<16xf32>
        %swap3A_825 = vector.shape_cast %add3A_818 : vector<16xf32> to vector<1x1x16xf32>
        tpu.vector_store %arg6[%swap3A_820, %swap3A_821, %swap3A_822], %swap3A_825 {strides = array<i32>} : memref<2x32x768xf32, #tpu.memory_space<vmem>>, vector<1x1x16xf32>,
        %get3A_826 = arith.constant 0 : i32
        %get3A_827 = arith.index_cast %get3A_826 : i32 to index
        %get3A_828 = arith.index_cast %scan3A_183 : i32 to index
        %get3A_829 = arith.constant 448 : index
        %get3A_830 = tpu.vector_load %arg6[%get3A_827, %get3A_828, %get3A_829] {strides = array<i32>} : memref<2x32x768xf32, #tpu.memory_space<vmem>>, vector<1x1x16xf32>,
        %get3A_831 = vector.shape_cast %get3A_830 : vector<1x1x16xf32> to vector<16xf32>
        %get3A_832 = arith.constant 0 : i32
        %get3A_833 = arith.index_cast %get3A_832 : i32 to index
        %get3A_834 = arith.index_cast %scan3A_183 : i32 to index
        %get3A_835 = arith.constant 448 : index
        %get3A_836 = tpu.vector_load %arg7[%get3A_833, %get3A_834, %get3A_835] {strides = array<i32>} : memref<2x32x768xf32, #tpu.memory_space<vmem>>, vector<1x1x16xf32>,
        %get3A_837 = vector.shape_cast %get3A_836 : vector<1x1x16xf32> to vector<16xf32>
        %mul3A_838 = arith.constant 1.000000e-01 : f32
        %mul3A_839 = vector.broadcast %mul3A_838 : f32 to vector<16xf32>
        %mul3A_840 = arith.mulf %get3A_837, %mul3A_839 : vector<16xf32>
        %add3A_841 = arith.addf %get3A_831, %mul3A_840 : vector<16xf32>
        %swap3A_842 = arith.constant 0 : i32
        %swap3A_843 = arith.index_cast %swap3A_842 : i32 to index
        %swap3A_844 = arith.index_cast %scan3A_183 : i32 to index
        %swap3A_845 = arith.constant 448 : index
        %swap3A_846 = tpu.vector_load %arg6[%swap3A_843, %swap3A_844, %swap3A_845] {strides = array<i32>} : memref<2x32x768xf32, #tpu.memory_space<vmem>>, vector<1x1x16xf32>,
        %swap3A_847 = vector.shape_cast %swap3A_846 : vector<1x1x16xf32> to vector<16xf32>
        %swap3A_848 = vector.shape_cast %add3A_841 : vector<16xf32> to vector<1x1x16xf32>
        tpu.vector_store %arg6[%swap3A_843, %swap3A_844, %swap3A_845], %swap3A_848 {strides = array<i32>} : memref<2x32x768xf32, #tpu.memory_space<vmem>>, vector<1x1x16xf32>,
        %get3A_849 = arith.constant 0 : i32
        %get3A_850 = arith.index_cast %get3A_849 : i32 to index
        %get3A_851 = arith.index_cast %scan3A_183 : i32 to index
        %get3A_852 = arith.constant 464 : index
        %get3A_853 = tpu.vector_load %arg6[%get3A_850, %get3A_851, %get3A_852] {strides = array<i32>} : memref<2x32x768xf32, #tpu.memory_space<vmem>>, vector<1x1x16xf32>,
        %get3A_854 = vector.shape_cast %get3A_853 : vector<1x1x16xf32> to vector<16xf32>
        %get3A_855 = arith.constant 0 : i32
        %get3A_856 = arith.index_cast %get3A_855 : i32 to index
        %get3A_857 = arith.index_cast %scan3A_183 : i32 to index
        %get3A_858 = arith.constant 464 : index
        %get3A_859 = tpu.vector_load %arg7[%get3A_856, %get3A_857, %get3A_858] {strides = array<i32>} : memref<2x32x768xf32, #tpu.memory_space<vmem>>, vector<1x1x16xf32>,
        %get3A_860 = vector.shape_cast %get3A_859 : vector<1x1x16xf32> to vector<16xf32>
        %mul3A_861 = arith.constant 1.000000e-01 : f32
        %mul3A_862 = vector.broadcast %mul3A_861 : f32 to vector<16xf32>
        %mul3A_863 = arith.mulf %get3A_860, %mul3A_862 : vector<16xf32>
        %add3A_864 = arith.addf %get3A_854, %mul3A_863 : vector<16xf32>
        %swap3A_865 = arith.constant 0 : i32
        %swap3A_866 = arith.index_cast %swap3A_865 : i32 to index
        %swap3A_867 = arith.index_cast %scan3A_183 : i32 to index
        %swap3A_868 = arith.constant 464 : index
        %swap3A_869 = tpu.vector_load %arg6[%swap3A_866, %swap3A_867, %swap3A_868] {strides = array<i32>} : memref<2x32x768xf32, #tpu.memory_space<vmem>>, vector<1x1x16xf32>,
        %swap3A_870 = vector.shape_cast %swap3A_869 : vector<1x1x16xf32> to vector<16xf32>
        %swap3A_871 = vector.shape_cast %add3A_864 : vector<16xf32> to vector<1x1x16xf32>
        tpu.vector_store %arg6[%swap3A_866, %swap3A_867, %swap3A_868], %swap3A_871 {strides = array<i32>} : memref<2x32x768xf32, #tpu.memory_space<vmem>>, vector<1x1x16xf32>,
        %get3A_872 = arith.constant 0 : i32
        %get3A_873 = arith.index_cast %get3A_872 : i32 to index
        %get3A_874 = arith.index_cast %scan3A_183 : i32 to index
        %get3A_875 = arith.constant 480 : index
        %get3A_876 = tpu.vector_load %arg6[%get3A_873, %get3A_874, %get3A_875] {strides = array<i32>} : memref<2x32x768xf32, #tpu.memory_space<vmem>>, vector<1x1x16xf32>,
        %get3A_877 = vector.shape_cast %get3A_876 : vector<1x1x16xf32> to vector<16xf32>
        %get3A_878 = arith.constant 0 : i32
        %get3A_879 = arith.index_cast %get3A_878 : i32 to index
        %get3A_880 = arith.index_cast %scan3A_183 : i32 to index
        %get3A_881 = arith.constant 480 : index
        %get3A_882 = tpu.vector_load %arg7[%get3A_879, %get3A_880, %get3A_881] {strides = array<i32>} : memref<2x32x768xf32, #tpu.memory_space<vmem>>, vector<1x1x16xf32>,
        %get3A_883 = vector.shape_cast %get3A_882 : vector<1x1x16xf32> to vector<16xf32>
        %mul3A_884 = arith.constant 1.000000e-01 : f32
        %mul3A_885 = vector.broadcast %mul3A_884 : f32 to vector<16xf32>
        %mul3A_886 = arith.mulf %get3A_883, %mul3A_885 : vector<16xf32>
        %add3A_887 = arith.addf %get3A_877, %mul3A_886 : vector<16xf32>
        %swap3A_888 = arith.constant 0 : i32
        %swap3A_889 = arith.index_cast %swap3A_888 : i32 to index
        %swap3A_890 = arith.index_cast %scan3A_183 : i32 to index
        %swap3A_891 = arith.constant 480 : index
        %swap3A_892 = tpu.vector_load %arg6[%swap3A_889, %swap3A_890, %swap3A_891] {strides = array<i32>} : memref<2x32x768xf32, #tpu.memory_space<vmem>>, vector<1x1x16xf32>,
        %swap3A_893 = vector.shape_cast %swap3A_892 : vector<1x1x16xf32> to vector<16xf32>
        %swap3A_894 = vector.shape_cast %add3A_887 : vector<16xf32> to vector<1x1x16xf32>
        tpu.vector_store %arg6[%swap3A_889, %swap3A_890, %swap3A_891], %swap3A_894 {strides = array<i32>} : memref<2x32x768xf32, #tpu.memory_space<vmem>>, vector<1x1x16xf32>,
        %get3A_895 = arith.constant 0 : i32
        %get3A_896 = arith.index_cast %get3A_895 : i32 to index
        %get3A_897 = arith.index_cast %scan3A_183 : i32 to index
        %get3A_898 = arith.constant 496 : index
        %get3A_899 = tpu.vector_load %arg6[%get3A_896, %get3A_897, %get3A_898] {strides = array<i32>} : memref<2x32x768xf32, #tpu.memory_space<vmem>>, vector<1x1x16xf32>,
        %get3A_900 = vector.shape_cast %get3A_899 : vector<1x1x16xf32> to vector<16xf32>
        %get3A_901 = arith.constant 0 : i32
        %get3A_902 = arith.index_cast %get3A_901 : i32 to index
        %get3A_903 = arith.index_cast %scan3A_183 : i32 to index
        %get3A_904 = arith.constant 496 : index
        %get3A_905 = tpu.vector_load %arg7[%get3A_902, %get3A_903, %get3A_904] {strides = array<i32>} : memref<2x32x768xf32, #tpu.memory_space<vmem>>, vector<1x1x16xf32>,
        %get3A_906 = vector.shape_cast %get3A_905 : vector<1x1x16xf32> to vector<16xf32>
        %mul3A_907 = arith.constant 1.000000e-01 : f32
        %mul3A_908 = vector.broadcast %mul3A_907 : f32 to vector<16xf32>
        %mul3A_909 = arith.mulf %get3A_906, %mul3A_908 : vector<16xf32>
        %add3A_910 = arith.addf %get3A_900, %mul3A_909 : vector<16xf32>
        %swap3A_911 = arith.constant 0 : i32
        %swap3A_912 = arith.index_cast %swap3A_911 : i32 to index
        %swap3A_913 = arith.index_cast %scan3A_183 : i32 to index
        %swap3A_914 = arith.constant 496 : index
        %swap3A_915 = tpu.vector_load %arg6[%swap3A_912, %swap3A_913, %swap3A_914] {strides = array<i32>} : memref<2x32x768xf32, #tpu.memory_space<vmem>>, vector<1x1x16xf32>,
        %swap3A_916 = vector.shape_cast %swap3A_915 : vector<1x1x16xf32> to vector<16xf32>
        %swap3A_917 = vector.shape_cast %add3A_910 : vector<16xf32> to vector<1x1x16xf32>
        tpu.vector_store %arg6[%swap3A_912, %swap3A_913, %swap3A_914], %swap3A_917 {strides = array<i32>} : memref<2x32x768xf32, #tpu.memory_space<vmem>>, vector<1x1x16xf32>,
        %get3A_918 = arith.constant 0 : i32
        %get3A_919 = arith.index_cast %get3A_918 : i32 to index
        %get3A_920 = arith.index_cast %scan3A_183 : i32 to index
        %get3A_921 = arith.constant 512 : index
        %get3A_922 = tpu.vector_load %arg6[%get3A_919, %get3A_920, %get3A_921] {strides = array<i32>} : memref<2x32x768xf32, #tpu.memory_space<vmem>>, vector<1x1x16xf32>,
        %get3A_923 = vector.shape_cast %get3A_922 : vector<1x1x16xf32> to vector<16xf32>
        %get3A_924 = arith.constant 0 : i32
        %get3A_925 = arith.index_cast %get3A_924 : i32 to index
        %get3A_926 = arith.index_cast %scan3A_183 : i32 to index
        %get3A_927 = arith.constant 512 : index
        %get3A_928 = tpu.vector_load %arg7[%get3A_925, %get3A_926, %get3A_927] {strides = array<i32>} : memref<2x32x768xf32, #tpu.memory_space<vmem>>, vector<1x1x16xf32>,
        %get3A_929 = vector.shape_cast %get3A_928 : vector<1x1x16xf32> to vector<16xf32>
        %mul3A_930 = arith.constant 1.000000e-01 : f32
        %mul3A_931 = vector.broadcast %mul3A_930 : f32 to vector<16xf32>
        %mul3A_932 = arith.mulf %get3A_929, %mul3A_931 : vector<16xf32>
        %add3A_933 = arith.addf %get3A_923, %mul3A_932 : vector<16xf32>
        %swap3A_934 = arith.constant 0 : i32
        %swap3A_935 = arith.index_cast %swap3A_934 : i32 to index
        %swap3A_936 = arith.index_cast %scan3A_183 : i32 to index
        %swap3A_937 = arith.constant 512 : index
        %swap3A_938 = tpu.vector_load %arg6[%swap3A_935, %swap3A_936, %swap3A_937] {strides = array<i32>} : memref<2x32x768xf32, #tpu.memory_space<vmem>>, vector<1x1x16xf32>,
        %swap3A_939 = vector.shape_cast %swap3A_938 : vector<1x1x16xf32> to vector<16xf32>
        %swap3A_940 = vector.shape_cast %add3A_933 : vector<16xf32> to vector<1x1x16xf32>
        tpu.vector_store %arg6[%swap3A_935, %swap3A_936, %swap3A_937], %swap3A_940 {strides = array<i32>} : memref<2x32x768xf32, #tpu.memory_space<vmem>>, vector<1x1x16xf32>,
        %get3A_941 = arith.constant 0 : i32
        %get3A_942 = arith.index_cast %get3A_941 : i32 to index
        %get3A_943 = arith.index_cast %scan3A_183 : i32 to index
        %get3A_944 = arith.constant 528 : index
        %get3A_945 = tpu.vector_load %arg6[%get3A_942, %get3A_943, %get3A_944] {strides = array<i32>} : memref<2x32x768xf32, #tpu.memory_space<vmem>>, vector<1x1x16xf32>,
        %get3A_946 = vector.shape_cast %get3A_945 : vector<1x1x16xf32> to vector<16xf32>
        %get3A_947 = arith.constant 0 : i32
        %get3A_948 = arith.index_cast %get3A_947 : i32 to index
        %get3A_949 = arith.index_cast %scan3A_183 : i32 to index
        %get3A_950 = arith.constant 528 : index
        %get3A_951 = tpu.vector_load %arg7[%get3A_948, %get3A_949, %get3A_950] {strides = array<i32>} : memref<2x32x768xf32, #tpu.memory_space<vmem>>, vector<1x1x16xf32>,
        %get3A_952 = vector.shape_cast %get3A_951 : vector<1x1x16xf32> to vector<16xf32>
        %mul3A_953 = arith.constant 1.000000e-01 : f32
        %mul3A_954 = vector.broadcast %mul3A_953 : f32 to vector<16xf32>
        %mul3A_955 = arith.mulf %get3A_952, %mul3A_954 : vector<16xf32>
        %add3A_956 = arith.addf %get3A_946, %mul3A_955 : vector<16xf32>
        %swap3A_957 = arith.constant 0 : i32
        %swap3A_958 = arith.index_cast %swap3A_957 : i32 to index
        %swap3A_959 = arith.index_cast %scan3A_183 : i32 to index
        %swap3A_960 = arith.constant 528 : index
        %swap3A_961 = tpu.vector_load %arg6[%swap3A_958, %swap3A_959, %swap3A_960] {strides = array<i32>} : memref<2x32x768xf32, #tpu.memory_space<vmem>>, vector<1x1x16xf32>,
        %swap3A_962 = vector.shape_cast %swap3A_961 : vector<1x1x16xf32> to vector<16xf32>
        %swap3A_963 = vector.shape_cast %add3A_956 : vector<16xf32> to vector<1x1x16xf32>
        tpu.vector_store %arg6[%swap3A_958, %swap3A_959, %swap3A_960], %swap3A_963 {strides = array<i32>} : memref<2x32x768xf32, #tpu.memory_space<vmem>>, vector<1x1x16xf32>,
        %get3A_964 = arith.constant 0 : i32
        %get3A_965 = arith.index_cast %get3A_964 : i32 to index
        %get3A_966 = arith.index_cast %scan3A_183 : i32 to index
        %get3A_967 = arith.constant 544 : index
        %get3A_968 = tpu.vector_load %arg6[%get3A_965, %get3A_966, %get3A_967] {strides = array<i32>} : memref<2x32x768xf32, #tpu.memory_space<vmem>>, vector<1x1x16xf32>,
        %get3A_969 = vector.shape_cast %get3A_968 : vector<1x1x16xf32> to vector<16xf32>
        %get3A_970 = arith.constant 0 : i32
        %get3A_971 = arith.index_cast %get3A_970 : i32 to index
        %get3A_972 = arith.index_cast %scan3A_183 : i32 to index
        %get3A_973 = arith.constant 544 : index
        %get3A_974 = tpu.vector_load %arg7[%get3A_971, %get3A_972, %get3A_973] {strides = array<i32>} : memref<2x32x768xf32, #tpu.memory_space<vmem>>, vector<1x1x16xf32>,
        %get3A_975 = vector.shape_cast %get3A_974 : vector<1x1x16xf32> to vector<16xf32>
        %mul3A_976 = arith.constant 1.000000e-01 : f32
        %mul3A_977 = vector.broadcast %mul3A_976 : f32 to vector<16xf32>
        %mul3A_978 = arith.mulf %get3A_975, %mul3A_977 : vector<16xf32>
        %add3A_979 = arith.addf %get3A_969, %mul3A_978 : vector<16xf32>
        %swap3A_980 = arith.constant 0 : i32
        %swap3A_981 = arith.index_cast %swap3A_980 : i32 to index
        %swap3A_982 = arith.index_cast %scan3A_183 : i32 to index
        %swap3A_983 = arith.constant 544 : index
        %swap3A_984 = tpu.vector_load %arg6[%swap3A_981, %swap3A_982, %swap3A_983] {strides = array<i32>} : memref<2x32x768xf32, #tpu.memory_space<vmem>>, vector<1x1x16xf32>,
        %swap3A_985 = vector.shape_cast %swap3A_984 : vector<1x1x16xf32> to vector<16xf32>
        %swap3A_986 = vector.shape_cast %add3A_979 : vector<16xf32> to vector<1x1x16xf32>
        tpu.vector_store %arg6[%swap3A_981, %swap3A_982, %swap3A_983], %swap3A_986 {strides = array<i32>} : memref<2x32x768xf32, #tpu.memory_space<vmem>>, vector<1x1x16xf32>,
        %get3A_987 = arith.constant 0 : i32
        %get3A_988 = arith.index_cast %get3A_987 : i32 to index
        %get3A_989 = arith.index_cast %scan3A_183 : i32 to index
        %get3A_990 = arith.constant 560 : index
        %get3A_991 = tpu.vector_load %arg6[%get3A_988, %get3A_989, %get3A_990] {strides = array<i32>} : memref<2x32x768xf32, #tpu.memory_space<vmem>>, vector<1x1x16xf32>,
        %get3A_992 = vector.shape_cast %get3A_991 : vector<1x1x16xf32> to vector<16xf32>
        %get3A_993 = arith.constant 0 : i32
        %get3A_994 = arith.index_cast %get3A_993 : i32 to index
        %get3A_995 = arith.index_cast %scan3A_183 : i32 to index
        %get3A_996 = arith.constant 560 : index
        %get3A_997 = tpu.vector_load %arg7[%get3A_994, %get3A_995, %get3A_996] {strides = array<i32>} : memref<2x32x768xf32, #tpu.memory_space<vmem>>, vector<1x1x16xf32>,
        %get3A_998 = vector.shape_cast %get3A_997 : vector<1x1x16xf32> to vector<16xf32>
        %mul3A_999 = arith.constant 1.000000e-01 : f32
        %mul3A_1000 = vector.broadcast %mul3A_999 : f32 to vector<16xf32>
        %mul3A_1001 = arith.mulf %get3A_998, %mul3A_1000 : vector<16xf32>
        %add3A_1002 = arith.addf %get3A_992, %mul3A_1001 : vector<16xf32>
        %swap3A_1003 = arith.constant 0 : i32
        %swap3A_1004 = arith.index_cast %swap3A_1003 : i32 to index
        %swap3A_1005 = arith.index_cast %scan3A_183 : i32 to index
        %swap3A_1006 = arith.constant 560 : index
        %swap3A_1007 = tpu.vector_load %arg6[%swap3A_1004, %swap3A_1005, %swap3A_1006] {strides = array<i32>} : memref<2x32x768xf32, #tpu.memory_space<vmem>>, vector<1x1x16xf32>,
        %swap3A_1008 = vector.shape_cast %swap3A_1007 : vector<1x1x16xf32> to vector<16xf32>
        %swap3A_1009 = vector.shape_cast %add3A_1002 : vector<16xf32> to vector<1x1x16xf32>
        tpu.vector_store %arg6[%swap3A_1004, %swap3A_1005, %swap3A_1006], %swap3A_1009 {strides = array<i32>} : memref<2x32x768xf32, #tpu.memory_space<vmem>>, vector<1x1x16xf32>,
        %get3A_1010 = arith.constant 0 : i32
        %get3A_1011 = arith.index_cast %get3A_1010 : i32 to index
        %get3A_1012 = arith.index_cast %scan3A_183 : i32 to index
        %get3A_1013 = arith.constant 576 : index
        %get3A_1014 = tpu.vector_load %arg6[%get3A_1011, %get3A_1012, %get3A_1013] {strides = array<i32>} : memref<2x32x768xf32, #tpu.memory_space<vmem>>, vector<1x1x16xf32>,
        %get3A_1015 = vector.shape_cast %get3A_1014 : vector<1x1x16xf32> to vector<16xf32>
        %get3A_1016 = arith.constant 0 : i32
        %get3A_1017 = arith.index_cast %get3A_1016 : i32 to index
        %get3A_1018 = arith.index_cast %scan3A_183 : i32 to index
        %get3A_1019 = arith.constant 576 : index
        %get3A_1020 = tpu.vector_load %arg7[%get3A_1017, %get3A_1018, %get3A_1019] {strides = array<i32>} : memref<2x32x768xf32, #tpu.memory_space<vmem>>, vector<1x1x16xf32>,
        %get3A_1021 = vector.shape_cast %get3A_1020 : vector<1x1x16xf32> to vector<16xf32>
        %mul3A_1022 = arith.constant 1.000000e-01 : f32
        %mul3A_1023 = vector.broadcast %mul3A_1022 : f32 to vector<16xf32>
        %mul3A_1024 = arith.mulf %get3A_1021, %mul3A_1023 : vector<16xf32>
        %add3A_1025 = arith.addf %get3A_1015, %mul3A_1024 : vector<16xf32>
        %swap3A_1026 = arith.constant 0 : i32
        %swap3A_1027 = arith.index_cast %swap3A_1026 : i32 to index
        %swap3A_1028 = arith.index_cast %scan3A_183 : i32 to index
        %swap3A_1029 = arith.constant 576 : index
        %swap3A_1030 = tpu.vector_load %arg6[%swap3A_1027, %swap3A_1028, %swap3A_1029] {strides = array<i32>} : memref<2x32x768xf32, #tpu.memory_space<vmem>>, vector<1x1x16xf32>,
        %swap3A_1031 = vector.shape_cast %swap3A_1030 : vector<1x1x16xf32> to vector<16xf32>
        %swap3A_1032 = vector.shape_cast %add3A_1025 : vector<16xf32> to vector<1x1x16xf32>
        tpu.vector_store %arg6[%swap3A_1027, %swap3A_1028, %swap3A_1029], %swap3A_1032 {strides = array<i32>} : memref<2x32x768xf32, #tpu.memory_space<vmem>>, vector<1x1x16xf32>,
        %get3A_1033 = arith.constant 0 : i32
        %get3A_1034 = arith.index_cast %get3A_1033 : i32 to index
        %get3A_1035 = arith.index_cast %scan3A_183 : i32 to index
        %get3A_1036 = arith.constant 592 : index
        %get3A_1037 = tpu.vector_load %arg6[%get3A_1034, %get3A_1035, %get3A_1036] {strides = array<i32>} : memref<2x32x768xf32, #tpu.memory_space<vmem>>, vector<1x1x16xf32>,
        %get3A_1038 = vector.shape_cast %get3A_1037 : vector<1x1x16xf32> to vector<16xf32>
        %get3A_1039 = arith.constant 0 : i32
        %get3A_1040 = arith.index_cast %get3A_1039 : i32 to index
        %get3A_1041 = arith.index_cast %scan3A_183 : i32 to index
        %get3A_1042 = arith.constant 592 : index
        %get3A_1043 = tpu.vector_load %arg7[%get3A_1040, %get3A_1041, %get3A_1042] {strides = array<i32>} : memref<2x32x768xf32, #tpu.memory_space<vmem>>, vector<1x1x16xf32>,
        %get3A_1044 = vector.shape_cast %get3A_1043 : vector<1x1x16xf32> to vector<16xf32>
        %mul3A_1045 = arith.constant 1.000000e-01 : f32
        %mul3A_1046 = vector.broadcast %mul3A_1045 : f32 to vector<16xf32>
        %mul3A_1047 = arith.mulf %get3A_1044, %mul3A_1046 : vector<16xf32>
        %add3A_1048 = arith.addf %get3A_1038, %mul3A_1047 : vector<16xf32>
        %swap3A_1049 = arith.constant 0 : i32
        %swap3A_1050 = arith.index_cast %swap3A_1049 : i32 to index
        %swap3A_1051 = arith.index_cast %scan3A_183 : i32 to index
        %swap3A_1052 = arith.constant 592 : index
        %swap3A_1053 = tpu.vector_load %arg6[%swap3A_1050, %swap3A_1051, %swap3A_1052] {strides = array<i32>} : memref<2x32x768xf32, #tpu.memory_space<vmem>>, vector<1x1x16xf32>,
        %swap3A_1054 = vector.shape_cast %swap3A_1053 : vector<1x1x16xf32> to vector<16xf32>
        %swap3A_1055 = vector.shape_cast %add3A_1048 : vector<16xf32> to vector<1x1x16xf32>
        tpu.vector_store %arg6[%swap3A_1050, %swap3A_1051, %swap3A_1052], %swap3A_1055 {strides = array<i32>} : memref<2x32x768xf32, #tpu.memory_space<vmem>>, vector<1x1x16xf32>,
        %get3A_1056 = arith.constant 0 : i32
        %get3A_1057 = arith.index_cast %get3A_1056 : i32 to index
        %get3A_1058 = arith.index_cast %scan3A_183 : i32 to index
        %get3A_1059 = arith.constant 608 : index
        %get3A_1060 = tpu.vector_load %arg6[%get3A_1057, %get3A_1058, %get3A_1059] {strides = array<i32>} : memref<2x32x768xf32, #tpu.memory_space<vmem>>, vector<1x1x16xf32>,
        %get3A_1061 = vector.shape_cast %get3A_1060 : vector<1x1x16xf32> to vector<16xf32>
        %get3A_1062 = arith.constant 0 : i32
        %get3A_1063 = arith.index_cast %get3A_1062 : i32 to index
        %get3A_1064 = arith.index_cast %scan3A_183 : i32 to index
        %get3A_1065 = arith.constant 608 : index
        %get3A_1066 = tpu.vector_load %arg7[%get3A_1063, %get3A_1064, %get3A_1065] {strides = array<i32>} : memref<2x32x768xf32, #tpu.memory_space<vmem>>, vector<1x1x16xf32>,
        %get3A_1067 = vector.shape_cast %get3A_1066 : vector<1x1x16xf32> to vector<16xf32>
        %mul3A_1068 = arith.constant 1.000000e-01 : f32
        %mul3A_1069 = vector.broadcast %mul3A_1068 : f32 to vector<16xf32>
        %mul3A_1070 = arith.mulf %get3A_1067, %mul3A_1069 : vector<16xf32>
        %add3A_1071 = arith.addf %get3A_1061, %mul3A_1070 : vector<16xf32>
        %swap3A_1072 = arith.constant 0 : i32
        %swap3A_1073 = arith.index_cast %swap3A_1072 : i32 to index
        %swap3A_1074 = arith.index_cast %scan3A_183 : i32 to index
        %swap3A_1075 = arith.constant 608 : index
        %swap3A_1076 = tpu.vector_load %arg6[%swap3A_1073, %swap3A_1074, %swap3A_1075] {strides = array<i32>} : memref<2x32x768xf32, #tpu.memory_space<vmem>>, vector<1x1x16xf32>,
        %swap3A_1077 = vector.shape_cast %swap3A_1076 : vector<1x1x16xf32> to vector<16xf32>
        %swap3A_1078 = vector.shape_cast %add3A_1071 : vector<16xf32> to vector<1x1x16xf32>
        tpu.vector_store %arg6[%swap3A_1073, %swap3A_1074, %swap3A_1075], %swap3A_1078 {strides = array<i32>} : memref<2x32x768xf32, #tpu.memory_space<vmem>>, vector<1x1x16xf32>,
        %get3A_1079 = arith.constant 0 : i32
        %get3A_1080 = arith.index_cast %get3A_1079 : i32 to index
        %get3A_1081 = arith.index_cast %scan3A_183 : i32 to index
        %get3A_1082 = arith.constant 624 : index
        %get3A_1083 = tpu.vector_load %arg6[%get3A_1080, %get3A_1081, %get3A_1082] {strides = array<i32>} : memref<2x32x768xf32, #tpu.memory_space<vmem>>, vector<1x1x16xf32>,
        %get3A_1084 = vector.shape_cast %get3A_1083 : vector<1x1x16xf32> to vector<16xf32>
        %get3A_1085 = arith.constant 0 : i32
        %get3A_1086 = arith.index_cast %get3A_1085 : i32 to index
        %get3A_1087 = arith.index_cast %scan3A_183 : i32 to index
        %get3A_1088 = arith.constant 624 : index
        %get3A_1089 = tpu.vector_load %arg7[%get3A_1086, %get3A_1087, %get3A_1088] {strides = array<i32>} : memref<2x32x768xf32, #tpu.memory_space<vmem>>, vector<1x1x16xf32>,
        %get3A_1090 = vector.shape_cast %get3A_1089 : vector<1x1x16xf32> to vector<16xf32>
        %mul3A_1091 = arith.constant 1.000000e-01 : f32
        %mul3A_1092 = vector.broadcast %mul3A_1091 : f32 to vector<16xf32>
        %mul3A_1093 = arith.mulf %get3A_1090, %mul3A_1092 : vector<16xf32>
        %add3A_1094 = arith.addf %get3A_1084, %mul3A_1093 : vector<16xf32>
        %swap3A_1095 = arith.constant 0 : i32
        %swap3A_1096 = arith.index_cast %swap3A_1095 : i32 to index
        %swap3A_1097 = arith.index_cast %scan3A_183 : i32 to index
        %swap3A_1098 = arith.constant 624 : index
        %swap3A_1099 = tpu.vector_load %arg6[%swap3A_1096, %swap3A_1097, %swap3A_1098] {strides = array<i32>} : memref<2x32x768xf32, #tpu.memory_space<vmem>>, vector<1x1x16xf32>,
        %swap3A_1100 = vector.shape_cast %swap3A_1099 : vector<1x1x16xf32> to vector<16xf32>
        %swap3A_1101 = vector.shape_cast %add3A_1094 : vector<16xf32> to vector<1x1x16xf32>
        tpu.vector_store %arg6[%swap3A_1096, %swap3A_1097, %swap3A_1098], %swap3A_1101 {strides = array<i32>} : memref<2x32x768xf32, #tpu.memory_space<vmem>>, vector<1x1x16xf32>,
        %get3A_1102 = arith.constant 0 : i32
        %get3A_1103 = arith.index_cast %get3A_1102 : i32 to index
        %get3A_1104 = arith.index_cast %scan3A_183 : i32 to index
        %get3A_1105 = arith.constant 640 : index
        %get3A_1106 = tpu.vector_load %arg6[%get3A_1103, %get3A_1104, %get3A_1105] {strides = array<i32>} : memref<2x32x768xf32, #tpu.memory_space<vmem>>, vector<1x1x16xf32>,
        %get3A_1107 = vector.shape_cast %get3A_1106 : vector<1x1x16xf32> to vector<16xf32>
        %get3A_1108 = arith.constant 0 : i32
        %get3A_1109 = arith.index_cast %get3A_1108 : i32 to index
        %get3A_1110 = arith.index_cast %scan3A_183 : i32 to index
        %get3A_1111 = arith.constant 640 : index
        %get3A_1112 = tpu.vector_load %arg7[%get3A_1109, %get3A_1110, %get3A_1111] {strides = array<i32>} : memref<2x32x768xf32, #tpu.memory_space<vmem>>, vector<1x1x16xf32>,
        %get3A_1113 = vector.shape_cast %get3A_1112 : vector<1x1x16xf32> to vector<16xf32>
        %mul3A_1114 = arith.constant 1.000000e-01 : f32
        %mul3A_1115 = vector.broadcast %mul3A_1114 : f32 to vector<16xf32>
        %mul3A_1116 = arith.mulf %get3A_1113, %mul3A_1115 : vector<16xf32>
        %add3A_1117 = arith.addf %get3A_1107, %mul3A_1116 : vector<16xf32>
        %swap3A_1118 = arith.constant 0 : i32
        %swap3A_1119 = arith.index_cast %swap3A_1118 : i32 to index
        %swap3A_1120 = arith.index_cast %scan3A_183 : i32 to index
        %swap3A_1121 = arith.constant 640 : index
        %swap3A_1122 = tpu.vector_load %arg6[%swap3A_1119, %swap3A_1120, %swap3A_1121] {strides = array<i32>} : memref<2x32x768xf32, #tpu.memory_space<vmem>>, vector<1x1x16xf32>,
        %swap3A_1123 = vector.shape_cast %swap3A_1122 : vector<1x1x16xf32> to vector<16xf32>
        %swap3A_1124 = vector.shape_cast %add3A_1117 : vector<16xf32> to vector<1x1x16xf32>
        tpu.vector_store %arg6[%swap3A_1119, %swap3A_1120, %swap3A_1121], %swap3A_1124 {strides = array<i32>} : memref<2x32x768xf32, #tpu.memory_space<vmem>>, vector<1x1x16xf32>,
        %get3A_1125 = arith.constant 0 : i32
        %get3A_1126 = arith.index_cast %get3A_1125 : i32 to index
        %get3A_1127 = arith.index_cast %scan3A_183 : i32 to index
        %get3A_1128 = arith.constant 656 : index
        %get3A_1129 = tpu.vector_load %arg6[%get3A_1126, %get3A_1127, %get3A_1128] {strides = array<i32>} : memref<2x32x768xf32, #tpu.memory_space<vmem>>, vector<1x1x16xf32>,
        %get3A_1130 = vector.shape_cast %get3A_1129 : vector<1x1x16xf32> to vector<16xf32>
        %get3A_1131 = arith.constant 0 : i32
        %get3A_1132 = arith.index_cast %get3A_1131 : i32 to index
        %get3A_1133 = arith.index_cast %scan3A_183 : i32 to index
        %get3A_1134 = arith.constant 656 : index
        %get3A_1135 = tpu.vector_load %arg7[%get3A_1132, %get3A_1133, %get3A_1134] {strides = array<i32>} : memref<2x32x768xf32, #tpu.memory_space<vmem>>, vector<1x1x16xf32>,
        %get3A_1136 = vector.shape_cast %get3A_1135 : vector<1x1x16xf32> to vector<16xf32>
        %mul3A_1137 = arith.constant 1.000000e-01 : f32
        %mul3A_1138 = vector.broadcast %mul3A_1137 : f32 to vector<16xf32>
        %mul3A_1139 = arith.mulf %get3A_1136, %mul3A_1138 : vector<16xf32>
        %add3A_1140 = arith.addf %get3A_1130, %mul3A_1139 : vector<16xf32>
        %swap3A_1141 = arith.constant 0 : i32
        %swap3A_1142 = arith.index_cast %swap3A_1141 : i32 to index
        %swap3A_1143 = arith.index_cast %scan3A_183 : i32 to index
        %swap3A_1144 = arith.constant 656 : index
        %swap3A_1145 = tpu.vector_load %arg6[%swap3A_1142, %swap3A_1143, %swap3A_1144] {strides = array<i32>} : memref<2x32x768xf32, #tpu.memory_space<vmem>>, vector<1x1x16xf32>,
        %swap3A_1146 = vector.shape_cast %swap3A_1145 : vector<1x1x16xf32> to vector<16xf32>
        %swap3A_1147 = vector.shape_cast %add3A_1140 : vector<16xf32> to vector<1x1x16xf32>
        tpu.vector_store %arg6[%swap3A_1142, %swap3A_1143, %swap3A_1144], %swap3A_1147 {strides = array<i32>} : memref<2x32x768xf32, #tpu.memory_space<vmem>>, vector<1x1x16xf32>,
        %get3A_1148 = arith.constant 0 : i32
        %get3A_1149 = arith.index_cast %get3A_1148 : i32 to index
        %get3A_1150 = arith.index_cast %scan3A_183 : i32 to index
        %get3A_1151 = arith.constant 672 : index
        %get3A_1152 = tpu.vector_load %arg6[%get3A_1149, %get3A_1150, %get3A_1151] {strides = array<i32>} : memref<2x32x768xf32, #tpu.memory_space<vmem>>, vector<1x1x16xf32>,
        %get3A_1153 = vector.shape_cast %get3A_1152 : vector<1x1x16xf32> to vector<16xf32>
        %get3A_1154 = arith.constant 0 : i32
        %get3A_1155 = arith.index_cast %get3A_1154 : i32 to index
        %get3A_1156 = arith.index_cast %scan3A_183 : i32 to index
        %get3A_1157 = arith.constant 672 : index
        %get3A_1158 = tpu.vector_load %arg7[%get3A_1155, %get3A_1156, %get3A_1157] {strides = array<i32>} : memref<2x32x768xf32, #tpu.memory_space<vmem>>, vector<1x1x16xf32>,
        %get3A_1159 = vector.shape_cast %get3A_1158 : vector<1x1x16xf32> to vector<16xf32>
        %mul3A_1160 = arith.constant 1.000000e-01 : f32
        %mul3A_1161 = vector.broadcast %mul3A_1160 : f32 to vector<16xf32>
        %mul3A_1162 = arith.mulf %get3A_1159, %mul3A_1161 : vector<16xf32>
        %add3A_1163 = arith.addf %get3A_1153, %mul3A_1162 : vector<16xf32>
        %swap3A_1164 = arith.constant 0 : i32
        %swap3A_1165 = arith.index_cast %swap3A_1164 : i32 to index
        %swap3A_1166 = arith.index_cast %scan3A_183 : i32 to index
        %swap3A_1167 = arith.constant 672 : index
        %swap3A_1168 = tpu.vector_load %arg6[%swap3A_1165, %swap3A_1166, %swap3A_1167] {strides = array<i32>} : memref<2x32x768xf32, #tpu.memory_space<vmem>>, vector<1x1x16xf32>,
        %swap3A_1169 = vector.shape_cast %swap3A_1168 : vector<1x1x16xf32> to vector<16xf32>
        %swap3A_1170 = vector.shape_cast %add3A_1163 : vector<16xf32> to vector<1x1x16xf32>
        tpu.vector_store %arg6[%swap3A_1165, %swap3A_1166, %swap3A_1167], %swap3A_1170 {strides = array<i32>} : memref<2x32x768xf32, #tpu.memory_space<vmem>>, vector<1x1x16xf32>,
        %get3A_1171 = arith.constant 0 : i32
        %get3A_1172 = arith.index_cast %get3A_1171 : i32 to index
        %get3A_1173 = arith.index_cast %scan3A_183 : i32 to index
        %get3A_1174 = arith.constant 688 : index
        %get3A_1175 = tpu.vector_load %arg6[%get3A_1172, %get3A_1173, %get3A_1174] {strides = array<i32>} : memref<2x32x768xf32, #tpu.memory_space<vmem>>, vector<1x1x16xf32>,
        %get3A_1176 = vector.shape_cast %get3A_1175 : vector<1x1x16xf32> to vector<16xf32>
        %get3A_1177 = arith.constant 0 : i32
        %get3A_1178 = arith.index_cast %get3A_1177 : i32 to index
        %get3A_1179 = arith.index_cast %scan3A_183 : i32 to index
        %get3A_1180 = arith.constant 688 : index
        %get3A_1181 = tpu.vector_load %arg7[%get3A_1178, %get3A_1179, %get3A_1180] {strides = array<i32>} : memref<2x32x768xf32, #tpu.memory_space<vmem>>, vector<1x1x16xf32>,
        %get3A_1182 = vector.shape_cast %get3A_1181 : vector<1x1x16xf32> to vector<16xf32>
        %mul3A_1183 = arith.constant 1.000000e-01 : f32
        %mul3A_1184 = vector.broadcast %mul3A_1183 : f32 to vector<16xf32>
        %mul3A_1185 = arith.mulf %get3A_1182, %mul3A_1184 : vector<16xf32>
        %add3A_1186 = arith.addf %get3A_1176, %mul3A_1185 : vector<16xf32>
        %swap3A_1187 = arith.constant 0 : i32
        %swap3A_1188 = arith.index_cast %swap3A_1187 : i32 to index
        %swap3A_1189 = arith.index_cast %scan3A_183 : i32 to index
        %swap3A_1190 = arith.constant 688 : index
        %swap3A_1191 = tpu.vector_load %arg6[%swap3A_1188, %swap3A_1189, %swap3A_1190] {strides = array<i32>} : memref<2x32x768xf32, #tpu.memory_space<vmem>>, vector<1x1x16xf32>,
        %swap3A_1192 = vector.shape_cast %swap3A_1191 : vector<1x1x16xf32> to vector<16xf32>
        %swap3A_1193 = vector.shape_cast %add3A_1186 : vector<16xf32> to vector<1x1x16xf32>
        tpu.vector_store %arg6[%swap3A_1188, %swap3A_1189, %swap3A_1190], %swap3A_1193 {strides = array<i32>} : memref<2x32x768xf32, #tpu.memory_space<vmem>>, vector<1x1x16xf32>,
        %get3A_1194 = arith.constant 0 : i32
        %get3A_1195 = arith.index_cast %get3A_1194 : i32 to index
        %get3A_1196 = arith.index_cast %scan3A_183 : i32 to index
        %get3A_1197 = arith.constant 704 : index
        %get3A_1198 = tpu.vector_load %arg6[%get3A_1195, %get3A_1196, %get3A_1197] {strides = array<i32>} : memref<2x32x768xf32, #tpu.memory_space<vmem>>, vector<1x1x16xf32>,
        %get3A_1199 = vector.shape_cast %get3A_1198 : vector<1x1x16xf32> to vector<16xf32>
        %get3A_1200 = arith.constant 0 : i32
        %get3A_1201 = arith.index_cast %get3A_1200 : i32 to index
        %get3A_1202 = arith.index_cast %scan3A_183 : i32 to index
        %get3A_1203 = arith.constant 704 : index
        %get3A_1204 = tpu.vector_load %arg7[%get3A_1201, %get3A_1202, %get3A_1203] {strides = array<i32>} : memref<2x32x768xf32, #tpu.memory_space<vmem>>, vector<1x1x16xf32>,
        %get3A_1205 = vector.shape_cast %get3A_1204 : vector<1x1x16xf32> to vector<16xf32>
        %mul3A_1206 = arith.constant 1.000000e-01 : f32
        %mul3A_1207 = vector.broadcast %mul3A_1206 : f32 to vector<16xf32>
        %mul3A_1208 = arith.mulf %get3A_1205, %mul3A_1207 : vector<16xf32>
        %add3A_1209 = arith.addf %get3A_1199, %mul3A_1208 : vector<16xf32>
        %swap3A_1210 = arith.constant 0 : i32
        %swap3A_1211 = arith.index_cast %swap3A_1210 : i32 to index
        %swap3A_1212 = arith.index_cast %scan3A_183 : i32 to index
        %swap3A_1213 = arith.constant 704 : index
        %swap3A_1214 = tpu.vector_load %arg6[%swap3A_1211, %swap3A_1212, %swap3A_1213] {strides = array<i32>} : memref<2x32x768xf32, #tpu.memory_space<vmem>>, vector<1x1x16xf32>,
        %swap3A_1215 = vector.shape_cast %swap3A_1214 : vector<1x1x16xf32> to vector<16xf32>
        %swap3A_1216 = vector.shape_cast %add3A_1209 : vector<16xf32> to vector<1x1x16xf32>
        tpu.vector_store %arg6[%swap3A_1211, %swap3A_1212, %swap3A_1213], %swap3A_1216 {strides = array<i32>} : memref<2x32x768xf32, #tpu.memory_space<vmem>>, vector<1x1x16xf32>,
        %get3A_1217 = arith.constant 0 : i32
        %get3A_1218 = arith.index_cast %get3A_1217 : i32 to index
        %get3A_1219 = arith.index_cast %scan3A_183 : i32 to index
        %get3A_1220 = arith.constant 720 : index
        %get3A_1221 = tpu.vector_load %arg6[%get3A_1218, %get3A_1219, %get3A_1220] {strides = array<i32>} : memref<2x32x768xf32, #tpu.memory_space<vmem>>, vector<1x1x16xf32>,
        %get3A_1222 = vector.shape_cast %get3A_1221 : vector<1x1x16xf32> to vector<16xf32>
        %get3A_1223 = arith.constant 0 : i32
        %get3A_1224 = arith.index_cast %get3A_1223 : i32 to index
        %get3A_1225 = arith.index_cast %scan3A_183 : i32 to index
        %get3A_1226 = arith.constant 720 : index
        %get3A_1227 = tpu.vector_load %arg7[%get3A_1224, %get3A_1225, %get3A_1226] {strides = array<i32>} : memref<2x32x768xf32, #tpu.memory_space<vmem>>, vector<1x1x16xf32>,
        %get3A_1228 = vector.shape_cast %get3A_1227 : vector<1x1x16xf32> to vector<16xf32>
        %mul3A_1229 = arith.constant 1.000000e-01 : f32
        %mul3A_1230 = vector.broadcast %mul3A_1229 : f32 to vector<16xf32>
        %mul3A_1231 = arith.mulf %get3A_1228, %mul3A_1230 : vector<16xf32>
        %add3A_1232 = arith.addf %get3A_1222, %mul3A_1231 : vector<16xf32>
        %swap3A_1233 = arith.constant 0 : i32
        %swap3A_1234 = arith.index_cast %swap3A_1233 : i32 to index
        %swap3A_1235 = arith.index_cast %scan3A_183 : i32 to index
        %swap3A_1236 = arith.constant 720 : index
        %swap3A_1237 = tpu.vector_load %arg6[%swap3A_1234, %swap3A_1235, %swap3A_1236] {strides = array<i32>} : memref<2x32x768xf32, #tpu.memory_space<vmem>>, vector<1x1x16xf32>,
        %swap3A_1238 = vector.shape_cast %swap3A_1237 : vector<1x1x16xf32> to vector<16xf32>
        %swap3A_1239 = vector.shape_cast %add3A_1232 : vector<16xf32> to vector<1x1x16xf32>
        tpu.vector_store %arg6[%swap3A_1234, %swap3A_1235, %swap3A_1236], %swap3A_1239 {strides = array<i32>} : memref<2x32x768xf32, #tpu.memory_space<vmem>>, vector<1x1x16xf32>,
        %get3A_1240 = arith.constant 0 : i32
        %get3A_1241 = arith.index_cast %get3A_1240 : i32 to index
        %get3A_1242 = arith.index_cast %scan3A_183 : i32 to index
        %get3A_1243 = arith.constant 736 : index
        %get3A_1244 = tpu.vector_load %arg6[%get3A_1241, %get3A_1242, %get3A_1243] {strides = array<i32>} : memref<2x32x768xf32, #tpu.memory_space<vmem>>, vector<1x1x16xf32>,
        %get3A_1245 = vector.shape_cast %get3A_1244 : vector<1x1x16xf32> to vector<16xf32>
        %get3A_1246 = arith.constant 0 : i32
        %get3A_1247 = arith.index_cast %get3A_1246 : i32 to index
        %get3A_1248 = arith.index_cast %scan3A_183 : i32 to index
        %get3A_1249 = arith.constant 736 : index
        %get3A_1250 = tpu.vector_load %arg7[%get3A_1247, %get3A_1248, %get3A_1249] {strides = array<i32>} : memref<2x32x768xf32, #tpu.memory_space<vmem>>, vector<1x1x16xf32>,
        %get3A_1251 = vector.shape_cast %get3A_1250 : vector<1x1x16xf32> to vector<16xf32>
        %mul3A_1252 = arith.constant 1.000000e-01 : f32
        %mul3A_1253 = vector.broadcast %mul3A_1252 : f32 to vector<16xf32>
        %mul3A_1254 = arith.mulf %get3A_1251, %mul3A_1253 : vector<16xf32>
        %add3A_1255 = arith.addf %get3A_1245, %mul3A_1254 : vector<16xf32>
        %swap3A_1256 = arith.constant 0 : i32
        %swap3A_1257 = arith.index_cast %swap3A_1256 : i32 to index
        %swap3A_1258 = arith.index_cast %scan3A_183 : i32 to index
        %swap3A_1259 = arith.constant 736 : index
        %swap3A_1260 = tpu.vector_load %arg6[%swap3A_1257, %swap3A_1258, %swap3A_1259] {strides = array<i32>} : memref<2x32x768xf32, #tpu.memory_space<vmem>>, vector<1x1x16xf32>,
        %swap3A_1261 = vector.shape_cast %swap3A_1260 : vector<1x1x16xf32> to vector<16xf32>
        %swap3A_1262 = vector.shape_cast %add3A_1255 : vector<16xf32> to vector<1x1x16xf32>
        tpu.vector_store %arg6[%swap3A_1257, %swap3A_1258, %swap3A_1259], %swap3A_1262 {strides = array<i32>} : memref<2x32x768xf32, #tpu.memory_space<vmem>>, vector<1x1x16xf32>,
        %get3A_1263 = arith.constant 0 : i32
        %get3A_1264 = arith.index_cast %get3A_1263 : i32 to index
        %get3A_1265 = arith.index_cast %scan3A_183 : i32 to index
        %get3A_1266 = arith.constant 752 : index
        %get3A_1267 = tpu.vector_load %arg6[%get3A_1264, %get3A_1265, %get3A_1266] {strides = array<i32>} : memref<2x32x768xf32, #tpu.memory_space<vmem>>, vector<1x1x16xf32>,
        %get3A_1268 = vector.shape_cast %get3A_1267 : vector<1x1x16xf32> to vector<16xf32>
        %get3A_1269 = arith.constant 0 : i32
        %get3A_1270 = arith.index_cast %get3A_1269 : i32 to index
        %get3A_1271 = arith.index_cast %scan3A_183 : i32 to index
        %get3A_1272 = arith.constant 752 : index
        %get3A_1273 = tpu.vector_load %arg7[%get3A_1270, %get3A_1271, %get3A_1272] {strides = array<i32>} : memref<2x32x768xf32, #tpu.memory_space<vmem>>, vector<1x1x16xf32>,
        %get3A_1274 = vector.shape_cast %get3A_1273 : vector<1x1x16xf32> to vector<16xf32>
        %mul3A_1275 = arith.constant 1.000000e-01 : f32
        %mul3A_1276 = vector.broadcast %mul3A_1275 : f32 to vector<16xf32>
        %mul3A_1277 = arith.mulf %get3A_1274, %mul3A_1276 : vector<16xf32>
        %add3A_1278 = arith.addf %get3A_1268, %mul3A_1277 : vector<16xf32>
        %swap3A_1279 = arith.constant 0 : i32
        %swap3A_1280 = arith.index_cast %swap3A_1279 : i32 to index
        %swap3A_1281 = arith.index_cast %scan3A_183 : i32 to index
        %swap3A_1282 = arith.constant 752 : index
        %swap3A_1283 = tpu.vector_load %arg6[%swap3A_1280, %swap3A_1281, %swap3A_1282] {strides = array<i32>} : memref<2x32x768xf32, #tpu.memory_space<vmem>>, vector<1x1x16xf32>,
        %swap3A_1284 = vector.shape_cast %swap3A_1283 : vector<1x1x16xf32> to vector<16xf32>
        %swap3A_1285 = vector.shape_cast %add3A_1278 : vector<16xf32> to vector<1x1x16xf32>
        tpu.vector_store %arg6[%swap3A_1280, %swap3A_1281, %swap3A_1282], %swap3A_1285 {strides = array<i32>} : memref<2x32x768xf32, #tpu.memory_space<vmem>>, vector<1x1x16xf32>,
      }
      %scan3A_105 = arith.constant 32 : i32
      %mul3A_106 = arith.constant 32 : i32
      %mul3A_107 = arith.muli %add3A_67, %mul3A_106 : i32
      %add3A_108 = arith.addi %mul3A_2, %mul3A_107 : i32
      %dma_start3A_109 = arith.constant 0 : i32
      %dma_start3A_110 = arith.constant 0 : i32
      %dma_start3A_111 = arith.constant 0 : i32
      %dma_start3A_112 = tpu.memref_slice %arg6[%dma_start3A_109, %dma_start3A_110, %dma_start3A_111] : memref<2x32x768xf32, #tpu.memory_space<vmem>> -> memref<1x32x768xf32, #tpu.memory_space<vmem>>
      %dma_start3A_113 = tpu.memref_squeeze %dma_start3A_112 : memref<1x32x768xf32, #tpu.memory_space<vmem>> -> memref<32x768xf32, #tpu.memory_space<vmem>>
      %dma_start3A_114 = arith.constant 0 : i32
      %dma_start3A_115 = tpu.memref_slice %arg5[%add3A_108, %dma_start3A_114] : memref<16384x768xf32, #tpu.memory_space<hbm>> -> memref<32x768xf32, #tpu.memory_space<hbm>>
      %dma_start3A_116 = arith.constant 0 : i32
      %dma_start3A_117 = tpu.memref_slice %arg5[%add3A_108, %dma_start3A_116] : memref<16384x768xf32, #tpu.memory_space<hbm>> -> memref<32x768xf32, #tpu.memory_space<hbm>>
      %dma_start3A_118 = arith.constant 0 : i32
      %dma_start3A_119 = arith.constant 0 : i32
      %dma_start3A_120 = tpu.memref_slice %arg6[%dma_start3A_109, %dma_start3A_118, %dma_start3A_119] : memref<2x32x768xf32, #tpu.memory_space<vmem>> -> memref<1x32x768xf32, #tpu.memory_space<vmem>>
      %dma_start3A_121 = tpu.memref_squeeze %dma_start3A_120 : memref<1x32x768xf32, #tpu.memory_space<vmem>> -> memref<32x768xf32, #tpu.memory_space<vmem>>
      tpu.enqueue_dma source(%dma_start3A_121 : memref<32x768xf32, #tpu.memory_space<vmem>>) target(%dma_start3A_117 : memref<32x768xf32, #tpu.memory_space<hbm>>) target_semaphore(%arg13 : memref<!tpu.dma_semaphore, #tpu.memory_space<semaphore_mem>>)
      %mul3A_122 = arith.constant 2 : i32
      %mul3A_123 = arith.muli %scan3A_63, %mul3A_122 : i32
      %add3A_124 = arith.constant 1 : i32
      %add3A_125 = arith.addi %mul3A_123, %add3A_124 : i32
      %add3A_126 = arith.constant 1 : i32
      %add3A_127 = arith.addi %add3A_125, %add3A_126 : i32
      %lt3A_128 = arith.constant 16 : i32
      %lt3A_129 = arith.cmpi slt, %add3A_127, %lt3A_128 : i32
      %convert_element_type3A_130 = arith.extui %lt3A_129 : i1 to i32
      %cond3A_131 = arith.constant 0 : i32
      %cond3A_132 = arith.cmpi ne, %convert_element_type3A_130, %cond3A_131 : i32
      scf.if %cond3A_132 {
        %ge3A = arith.constant 1 : i32
        %ge3A_183 = arith.cmpi sge, %add3A_125, %ge3A : i32
        %convert_element_type3A_184 = arith.extui %ge3A_183 : i1 to i32
        %cond3A_185 = arith.constant 0 : i32
        %cond3A_186 = arith.cmpi ne, %convert_element_type3A_184, %cond3A_185 : i32
        scf.if %cond3A_186 {
          %sub3A = arith.constant 1 : i32
          %sub3A_218 = arith.subi %add3A_125, %sub3A : i32
          %mul3A_219 = arith.constant 32 : i32
          %mul3A_220 = arith.muli %sub3A_218, %mul3A_219 : i32
          %add3A_221 = arith.addi %mul3A_2, %mul3A_220 : i32
          %dma_wait3A_222 = arith.constant 0 : i32
          %dma_wait3A_223 = arith.constant 0 : i32
          %dma_wait3A_224 = arith.constant 0 : i32
          %dma_wait3A_225 = tpu.memref_slice %arg6[%dma_wait3A_222, %dma_wait3A_223, %dma_wait3A_224] : memref<2x32x768xf32, #tpu.memory_space<vmem>> -> memref<1x32x768xf32, #tpu.memory_space<vmem>>
          %dma_wait3A_226 = tpu.memref_squeeze %dma_wait3A_225 : memref<1x32x768xf32, #tpu.memory_space<vmem>> -> memref<32x768xf32, #tpu.memory_space<vmem>>
          %dma_wait3A_227 = arith.constant 0 : i32
          %dma_wait3A_228 = tpu.memref_slice %arg5[%add3A_221, %dma_wait3A_227] : memref<16384x768xf32, #tpu.memory_space<hbm>> -> memref<32x768xf32, #tpu.memory_space<hbm>>
          %dma_wait3A_229 = arith.constant 0 : i32
          %dma_wait3A_230 = tpu.memref_slice %arg5[%add3A_221, %dma_wait3A_229] : memref<16384x768xf32, #tpu.memory_space<hbm>> -> memref<32x768xf32, #tpu.memory_space<hbm>>
          %dma_wait3A_231 = arith.constant 0 : i32
          %dma_wait3A_232 = arith.constant 0 : i32
          %dma_wait3A_233 = tpu.memref_slice %arg6[%dma_wait3A_222, %dma_wait3A_231, %dma_wait3A_232] : memref<2x32x768xf32, #tpu.memory_space<vmem>> -> memref<1x32x768xf32, #tpu.memory_space<vmem>>
          %dma_wait3A_234 = tpu.memref_squeeze %dma_wait3A_233 : memref<1x32x768xf32, #tpu.memory_space<vmem>> -> memref<32x768xf32, #tpu.memory_space<vmem>>
          tpu.wait_dma2 semaphore(%arg13 : memref<!tpu.dma_semaphore, #tpu.memory_space<semaphore_mem>>) src(%dma_wait3A_234 : memref<32x768xf32, #tpu.memory_space<vmem>>) dst(%dma_wait3A_230 : memref<32x768xf32, #tpu.memory_space<hbm>>)
        } else {
        }
        %add3A_187 = arith.constant 1 : i32
        %add3A_188 = arith.addi %add3A_125, %add3A_187 : i32
        %mul3A_189 = arith.constant 32 : i32
        %mul3A_190 = arith.muli %add3A_188, %mul3A_189 : i32
        %add3A_191 = arith.addi %mul3A_2, %mul3A_190 : i32
        %run_scoped3A_192 = arith.constant 0 : i32
        "tpu.region"() ({
          %run_scoped3A_218 = tpu.sem_alloc : memref<!tpu.dma_semaphore, #tpu.memory_space<semaphore_mem>>
          %dma_start3A_219 = arith.constant 0 : i32
          %dma_start3A_220 = tpu.memref_slice %arg8[%run_scoped3A_192, %dma_start3A_219] : memref<2x32xi32, #tpu.memory_space<vmem>> -> memref<1x32xi32, #tpu.memory_space<vmem>>
          %dma_start3A_221 = tpu.memref_squeeze %dma_start3A_220 : memref<1x32xi32, #tpu.memory_space<vmem>> -> memref<32xi32, #tpu.memory_space<vmem>>
          %dma_start3A_222 = tpu.memref_slice %arg3[%add3A_191] : memref<16384xi32, #tpu.memory_space<hbm>> -> memref<32xi32, #tpu.memory_space<hbm>>
          %dma_start3A_223 = arith.constant 0 : i32
          %dma_start3A_224 = tpu.memref_slice %arg8[%run_scoped3A_192, %dma_start3A_223] : memref<2x32xi32, #tpu.memory_space<vmem>> -> memref<1x32xi32, #tpu.memory_space<vmem>>
          %dma_start3A_225 = tpu.memref_squeeze %dma_start3A_224 : memref<1x32xi32, #tpu.memory_space<vmem>> -> memref<32xi32, #tpu.memory_space<vmem>>
          %dma_start3A_226 = tpu.memref_slice %arg3[%add3A_191] : memref<16384xi32, #tpu.memory_space<hbm>> -> memref<32xi32, #tpu.memory_space<hbm>>
          tpu.enqueue_dma source(%dma_start3A_226 : memref<32xi32, #tpu.memory_space<hbm>>) target(%dma_start3A_225 : memref<32xi32, #tpu.memory_space<vmem>>) target_semaphore(%run_scoped3A_218 : memref<!tpu.dma_semaphore, #tpu.memory_space<semaphore_mem>>)
          %dma_wait3A_227 = arith.constant 0 : i32
          %dma_wait3A_228 = tpu.memref_slice %arg8[%run_scoped3A_192, %dma_wait3A_227] : memref<2x32xi32, #tpu.memory_space<vmem>> -> memref<1x32xi32, #tpu.memory_space<vmem>>
          %dma_wait3A_229 = tpu.memref_squeeze %dma_wait3A_228 : memref<1x32xi32, #tpu.memory_space<vmem>> -> memref<32xi32, #tpu.memory_space<vmem>>
          %dma_wait3A_230 = tpu.memref_slice %arg3[%add3A_191] : memref<16384xi32, #tpu.memory_space<hbm>> -> memref<32xi32, #tpu.memory_space<hbm>>
          %dma_wait3A_231 = arith.constant 0 : i32
          %dma_wait3A_232 = tpu.memref_slice %arg8[%run_scoped3A_192, %dma_wait3A_231] : memref<2x32xi32, #tpu.memory_space<vmem>> -> memref<1x32xi32, #tpu.memory_space<vmem>>
          %dma_wait3A_233 = tpu.memref_squeeze %dma_wait3A_232 : memref<1x32xi32, #tpu.memory_space<vmem>> -> memref<32xi32, #tpu.memory_space<vmem>>
          %dma_wait3A_234 = tpu.memref_slice %arg3[%add3A_191] : memref<16384xi32, #tpu.memory_space<hbm>> -> memref<32xi32, #tpu.memory_space<hbm>>
          tpu.wait_dma2 semaphore(%run_scoped3A_218 : memref<!tpu.dma_semaphore, #tpu.memory_space<semaphore_mem>>) src(%dma_wait3A_234 : memref<32xi32, #tpu.memory_space<hbm>>) dst(%dma_wait3A_233 : memref<32xi32, #tpu.memory_space<vmem>>)
          tpu.yield
        }) : () -> ()
        %dma_start3A_193 = arith.constant 0 : i32
        %dma_start3A_194 = arith.constant 0 : i32
        %dma_start3A_195 = arith.constant 0 : i32
        %dma_start3A_196 = tpu.memref_slice %arg6[%dma_start3A_193, %dma_start3A_194, %dma_start3A_195] : memref<2x32x768xf32, #tpu.memory_space<vmem>> -> memref<1x32x768xf32, #tpu.memory_space<vmem>>
        %dma_start3A_197 = tpu.memref_squeeze %dma_start3A_196 : memref<1x32x768xf32, #tpu.memory_space<vmem>> -> memref<32x768xf32, #tpu.memory_space<vmem>>
        %dma_start3A_198 = arith.constant 0 : i32
        %dma_start3A_199 = tpu.memref_slice %arg2[%add3A_191, %dma_start3A_198] : memref<16384x768xf32, #tpu.memory_space<hbm>> -> memref<32x768xf32, #tpu.memory_space<hbm>>
        %dma_start3A_200 = arith.constant 0 : i32
        %dma_start3A_201 = arith.constant 0 : i32
        %dma_start3A_202 = tpu.memref_slice %arg6[%dma_start3A_193, %dma_start3A_200, %dma_start3A_201] : memref<2x32x768xf32, #tpu.memory_space<vmem>> -> memref<1x32x768xf32, #tpu.memory_space<vmem>>
        %dma_start3A_203 = tpu.memref_squeeze %dma_start3A_202 : memref<1x32x768xf32, #tpu.memory_space<vmem>> -> memref<32x768xf32, #tpu.memory_space<vmem>>
        %dma_start3A_204 = arith.constant 0 : i32
        %dma_start3A_205 = tpu.memref_slice %arg2[%add3A_191, %dma_start3A_204] : memref<16384x768xf32, #tpu.memory_space<hbm>> -> memref<32x768xf32, #tpu.memory_space<hbm>>
        tpu.enqueue_dma source(%dma_start3A_205 : memref<32x768xf32, #tpu.memory_space<hbm>>) target(%dma_start3A_203 : memref<32x768xf32, #tpu.memory_space<vmem>>) target_semaphore(%arg9 : memref<!tpu.dma_semaphore, #tpu.memory_space<semaphore_mem>>)
        %dma_start3A_206 = arith.constant 0 : i32
        %dma_start3A_207 = arith.constant 0 : i32
        %dma_start3A_208 = arith.constant 0 : i32
        %dma_start3A_209 = arith.constant 0 : i32
        %dma_start3A_210 = tpu.memref_slice %arg7[%dma_start3A_207, %dma_start3A_208, %dma_start3A_209] : memref<2x32x768xf32, #tpu.memory_space<vmem>> -> memref<1x32x768xf32, #tpu.memory_space<vmem>>
        %dma_start3A_211 = tpu.memref_squeeze %dma_start3A_210 : memref<1x32x768xf32, #tpu.memory_space<vmem>> -> memref<32x768xf32, #tpu.memory_space<vmem>>
        %dma_start3A_212 = arith.constant 0 : i32
        %dma_start3A_213 = tpu.memref_slice %arg8[%dma_start3A_206, %dma_start3A_212] : memref<2x32xi32, #tpu.memory_space<vmem>> -> memref<1x32xi32, #tpu.memory_space<vmem>>
        %dma_start3A_214 = tpu.memref_squeeze %dma_start3A_213 : memref<1x32xi32, #tpu.memory_space<vmem>> -> memref<32xi32, #tpu.memory_space<vmem>>
        %dma_start3A_215 = arith.constant 0 : i32
        %dma_start3A_216 = arith.constant 0 : i32
        %dma_start3A_217 = tpu.memref_slice %arg4[%dma_start3A_215, %dma_start3A_216] : memref<50x768xf32, #tpu.memory_space<hbm>> -> memref<50x768xf32, #tpu.memory_space<hbm>>
        tpu.enqueue_indirect_dma source(%dma_start3A_217 : memref<50x768xf32, #tpu.memory_space<hbm>>) target(%dma_start3A_211 : memref<32x768xf32, #tpu.memory_space<vmem>>) offsets(%dma_start3A_214 : memref<32xi32, #tpu.memory_space<vmem>>) semaphore(%arg11 : memref<!tpu.dma_semaphore, #tpu.memory_space<semaphore_mem>>)
      } else {
      }
      %mul3A_133 = arith.constant 32 : i32
      %mul3A_134 = arith.muli %add3A_125, %mul3A_133 : i32
      %add3A_135 = arith.addi %mul3A_2, %mul3A_134 : i32
      %dma_wait3A_136 = arith.constant 1 : i32
      %dma_wait3A_137 = arith.constant 0 : i32
      %dma_wait3A_138 = arith.constant 0 : i32
      %dma_wait3A_139 = tpu.memref_slice %arg6[%dma_wait3A_136, %dma_wait3A_137, %dma_wait3A_138] : memref<2x32x768xf32, #tpu.memory_space<vmem>> -> memref<1x32x768xf32, #tpu.memory_space<vmem>>
      %dma_wait3A_140 = tpu.memref_squeeze %dma_wait3A_139 : memref<1x32x768xf32, #tpu.memory_space<vmem>> -> memref<32x768xf32, #tpu.memory_space<vmem>>
      %dma_wait3A_141 = arith.constant 0 : i32
      %dma_wait3A_142 = tpu.memref_slice %arg2[%add3A_135, %dma_wait3A_141] : memref<16384x768xf32, #tpu.memory_space<hbm>> -> memref<32x768xf32, #tpu.memory_space<hbm>>
      %dma_wait3A_143 = arith.constant 0 : i32
      %dma_wait3A_144 = arith.constant 0 : i32
      %dma_wait3A_145 = tpu.memref_slice %arg6[%dma_wait3A_136, %dma_wait3A_143, %dma_wait3A_144] : memref<2x32x768xf32, #tpu.memory_space<vmem>> -> memref<1x32x768xf32, #tpu.memory_space<vmem>>
      %dma_wait3A_146 = tpu.memref_squeeze %dma_wait3A_145 : memref<1x32x768xf32, #tpu.memory_space<vmem>> -> memref<32x768xf32, #tpu.memory_space<vmem>>
      %dma_wait3A_147 = arith.constant 0 : i32
      %dma_wait3A_148 = tpu.memref_slice %arg2[%add3A_135, %dma_wait3A_147] : memref<16384x768xf32, #tpu.memory_space<hbm>> -> memref<32x768xf32, #tpu.memory_space<hbm>>
      tpu.wait_dma2 semaphore(%arg10 : memref<!tpu.dma_semaphore, #tpu.memory_space<semaphore_mem>>) src(%dma_wait3A_148 : memref<32x768xf32, #tpu.memory_space<hbm>>) dst(%dma_wait3A_146 : memref<32x768xf32, #tpu.memory_space<vmem>>)
      %dma_wait3A_149 = arith.constant 1 : i32
      %dma_wait3A_150 = arith.constant 1 : i32
      %dma_wait3A_151 = arith.constant 0 : i32
      %dma_wait3A_152 = arith.constant 0 : i32
      %dma_wait3A_153 = tpu.memref_slice %arg7[%dma_wait3A_150, %dma_wait3A_151, %dma_wait3A_152] : memref<2x32x768xf32, #tpu.memory_space<vmem>> -> memref<1x32x768xf32, #tpu.memory_space<vmem>>
      %dma_wait3A_154 = tpu.memref_squeeze %dma_wait3A_153 : memref<1x32x768xf32, #tpu.memory_space<vmem>> -> memref<32x768xf32, #tpu.memory_space<vmem>>
      %dma_wait3A_155 = arith.constant 0 : i32
      %dma_wait3A_156 = tpu.memref_slice %arg8[%dma_wait3A_149, %dma_wait3A_155] : memref<2x32xi32, #tpu.memory_space<vmem>> -> memref<1x32xi32, #tpu.memory_space<vmem>>
      %dma_wait3A_157 = tpu.memref_squeeze %dma_wait3A_156 : memref<1x32xi32, #tpu.memory_space<vmem>> -> memref<32xi32, #tpu.memory_space<vmem>>
      %dma_wait3A_158 = arith.constant 0 : i32
      %dma_wait3A_159 = arith.constant 0 : i32
      %dma_wait3A_160 = tpu.memref_slice %arg4[%dma_wait3A_158, %dma_wait3A_159] : memref<50x768xf32, #tpu.memory_space<hbm>> -> memref<50x768xf32, #tpu.memory_space<hbm>>
      tpu.wait_indirect_dma semaphore(%arg12 : memref<!tpu.dma_semaphore, #tpu.memory_space<semaphore_mem>>) src(%dma_wait3A_160 : memref<50x768xf32, #tpu.memory_space<hbm>>) dst(%dma_wait3A_154 : memref<32x768xf32, #tpu.memory_space<vmem>>)
      %scan3A_161 = arith.constant 0 : i32
      %scan3A_162 = arith.constant 0 : i32
      %scan3A_163 = arith.constant 32 : i32
      %scan3A_164 = arith.addi %scan3A_162, %scan3A_163 : i32
      %scan3A_165 = arith.constant 1 : i32
      scf.for %scan3A_183 = %scan3A_162 to %scan3A_164 step %scan3A_165  : i32 {
        %get3A = arith.constant 1 : i32
        %get3A_184 = arith.index_cast %get3A : i32 to index
        %get3A_185 = arith.index_cast %scan3A_183 : i32 to index
        %get3A_186 = arith.constant 0 : index
        %get3A_187 = tpu.vector_load %arg6[%get3A_184, %get3A_185, %get3A_186] {strides = array<i32>} : memref<2x32x768xf32, #tpu.memory_space<vmem>>, vector<1x1x16xf32>,
        %get3A_188 = vector.shape_cast %get3A_187 : vector<1x1x16xf32> to vector<16xf32>
        %get3A_189 = arith.constant 1 : i32
        %get3A_190 = arith.index_cast %get3A_189 : i32 to index
        %get3A_191 = arith.index_cast %scan3A_183 : i32 to index
        %get3A_192 = arith.constant 0 : index
        %get3A_193 = tpu.vector_load %arg7[%get3A_190, %get3A_191, %get3A_192] {strides = array<i32>} : memref<2x32x768xf32, #tpu.memory_space<vmem>>, vector<1x1x16xf32>,
        %get3A_194 = vector.shape_cast %get3A_193 : vector<1x1x16xf32> to vector<16xf32>
        %mul3A_195 = arith.constant 1.000000e-01 : f32
        %mul3A_196 = vector.broadcast %mul3A_195 : f32 to vector<16xf32>
        %mul3A_197 = arith.mulf %get3A_194, %mul3A_196 : vector<16xf32>
        %add3A_198 = arith.addf %get3A_188, %mul3A_197 : vector<16xf32>
        %swap3A = arith.constant 1 : i32
        %swap3A_199 = arith.index_cast %swap3A : i32 to index
        %swap3A_200 = arith.index_cast %scan3A_183 : i32 to index
        %swap3A_201 = arith.constant 0 : index
        %swap3A_202 = tpu.vector_load %arg6[%swap3A_199, %swap3A_200, %swap3A_201] {strides = array<i32>} : memref<2x32x768xf32, #tpu.memory_space<vmem>>, vector<1x1x16xf32>,
        %swap3A_203 = vector.shape_cast %swap3A_202 : vector<1x1x16xf32> to vector<16xf32>
        %swap3A_204 = vector.shape_cast %add3A_198 : vector<16xf32> to vector<1x1x16xf32>
        tpu.vector_store %arg6[%swap3A_199, %swap3A_200, %swap3A_201], %swap3A_204 {strides = array<i32>} : memref<2x32x768xf32, #tpu.memory_space<vmem>>, vector<1x1x16xf32>,
        %get3A_205 = arith.constant 1 : i32
        %get3A_206 = arith.index_cast %get3A_205 : i32 to index
        %get3A_207 = arith.index_cast %scan3A_183 : i32 to index
        %get3A_208 = arith.constant 16 : index
        %get3A_209 = tpu.vector_load %arg6[%get3A_206, %get3A_207, %get3A_208] {strides = array<i32>} : memref<2x32x768xf32, #tpu.memory_space<vmem>>, vector<1x1x16xf32>,
        %get3A_210 = vector.shape_cast %get3A_209 : vector<1x1x16xf32> to vector<16xf32>
        %get3A_211 = arith.constant 1 : i32
        %get3A_212 = arith.index_cast %get3A_211 : i32 to index
        %get3A_213 = arith.index_cast %scan3A_183 : i32 to index
        %get3A_214 = arith.constant 16 : index
        %get3A_215 = tpu.vector_load %arg7[%get3A_212, %get3A_213, %get3A_214] {strides = array<i32>} : memref<2x32x768xf32, #tpu.memory_space<vmem>>, vector<1x1x16xf32>,
        %get3A_216 = vector.shape_cast %get3A_215 : vector<1x1x16xf32> to vector<16xf32>
        %mul3A_217 = arith.constant 1.000000e-01 : f32
        %mul3A_218 = vector.broadcast %mul3A_217 : f32 to vector<16xf32>
        %mul3A_219 = arith.mulf %get3A_216, %mul3A_218 : vector<16xf32>
        %add3A_220 = arith.addf %get3A_210, %mul3A_219 : vector<16xf32>
        %swap3A_221 = arith.constant 1 : i32
        %swap3A_222 = arith.index_cast %swap3A_221 : i32 to index
        %swap3A_223 = arith.index_cast %scan3A_183 : i32 to index
        %swap3A_224 = arith.constant 16 : index
        %swap3A_225 = tpu.vector_load %arg6[%swap3A_222, %swap3A_223, %swap3A_224] {strides = array<i32>} : memref<2x32x768xf32, #tpu.memory_space<vmem>>, vector<1x1x16xf32>,
        %swap3A_226 = vector.shape_cast %swap3A_225 : vector<1x1x16xf32> to vector<16xf32>
        %swap3A_227 = vector.shape_cast %add3A_220 : vector<16xf32> to vector<1x1x16xf32>
        tpu.vector_store %arg6[%swap3A_222, %swap3A_223, %swap3A_224], %swap3A_227 {strides = array<i32>} : memref<2x32x768xf32, #tpu.memory_space<vmem>>, vector<1x1x16xf32>,
        %get3A_228 = arith.constant 1 : i32
        %get3A_229 = arith.index_cast %get3A_228 : i32 to index
        %get3A_230 = arith.index_cast %scan3A_183 : i32 to index
        %get3A_231 = arith.constant 32 : index
        %get3A_232 = tpu.vector_load %arg6[%get3A_229, %get3A_230, %get3A_231] {strides = array<i32>} : memref<2x32x768xf32, #tpu.memory_space<vmem>>, vector<1x1x16xf32>,
        %get3A_233 = vector.shape_cast %get3A_232 : vector<1x1x16xf32> to vector<16xf32>
        %get3A_234 = arith.constant 1 : i32
        %get3A_235 = arith.index_cast %get3A_234 : i32 to index
        %get3A_236 = arith.index_cast %scan3A_183 : i32 to index
        %get3A_237 = arith.constant 32 : index
        %get3A_238 = tpu.vector_load %arg7[%get3A_235, %get3A_236, %get3A_237] {strides = array<i32>} : memref<2x32x768xf32, #tpu.memory_space<vmem>>, vector<1x1x16xf32>,
        %get3A_239 = vector.shape_cast %get3A_238 : vector<1x1x16xf32> to vector<16xf32>
        %mul3A_240 = arith.constant 1.000000e-01 : f32
        %mul3A_241 = vector.broadcast %mul3A_240 : f32 to vector<16xf32>
        %mul3A_242 = arith.mulf %get3A_239, %mul3A_241 : vector<16xf32>
        %add3A_243 = arith.addf %get3A_233, %mul3A_242 : vector<16xf32>
        %swap3A_244 = arith.constant 1 : i32
        %swap3A_245 = arith.index_cast %swap3A_244 : i32 to index
        %swap3A_246 = arith.index_cast %scan3A_183 : i32 to index
        %swap3A_247 = arith.constant 32 : index
        %swap3A_248 = tpu.vector_load %arg6[%swap3A_245, %swap3A_246, %swap3A_247] {strides = array<i32>} : memref<2x32x768xf32, #tpu.memory_space<vmem>>, vector<1x1x16xf32>,
        %swap3A_249 = vector.shape_cast %swap3A_248 : vector<1x1x16xf32> to vector<16xf32>
        %swap3A_250 = vector.shape_cast %add3A_243 : vector<16xf32> to vector<1x1x16xf32>
        tpu.vector_store %arg6[%swap3A_245, %swap3A_246, %swap3A_247], %swap3A_250 {strides = array<i32>} : memref<2x32x768xf32, #tpu.memory_space<vmem>>, vector<1x1x16xf32>,
        %get3A_251 = arith.constant 1 : i32
        %get3A_252 = arith.index_cast %get3A_251 : i32 to index
        %get3A_253 = arith.index_cast %scan3A_183 : i32 to index
        %get3A_254 = arith.constant 48 : index
        %get3A_255 = tpu.vector_load %arg6[%get3A_252, %get3A_253, %get3A_254] {strides = array<i32>} : memref<2x32x768xf32, #tpu.memory_space<vmem>>, vector<1x1x16xf32>,
        %get3A_256 = vector.shape_cast %get3A_255 : vector<1x1x16xf32> to vector<16xf32>
        %get3A_257 = arith.constant 1 : i32
        %get3A_258 = arith.index_cast %get3A_257 : i32 to index
        %get3A_259 = arith.index_cast %scan3A_183 : i32 to index
        %get3A_260 = arith.constant 48 : index
        %get3A_261 = tpu.vector_load %arg7[%get3A_258, %get3A_259, %get3A_260] {strides = array<i32>} : memref<2x32x768xf32, #tpu.memory_space<vmem>>, vector<1x1x16xf32>,
        %get3A_262 = vector.shape_cast %get3A_261 : vector<1x1x16xf32> to vector<16xf32>
        %mul3A_263 = arith.constant 1.000000e-01 : f32
        %mul3A_264 = vector.broadcast %mul3A_263 : f32 to vector<16xf32>
        %mul3A_265 = arith.mulf %get3A_262, %mul3A_264 : vector<16xf32>
        %add3A_266 = arith.addf %get3A_256, %mul3A_265 : vector<16xf32>
        %swap3A_267 = arith.constant 1 : i32
        %swap3A_268 = arith.index_cast %swap3A_267 : i32 to index
        %swap3A_269 = arith.index_cast %scan3A_183 : i32 to index
        %swap3A_270 = arith.constant 48 : index
        %swap3A_271 = tpu.vector_load %arg6[%swap3A_268, %swap3A_269, %swap3A_270] {strides = array<i32>} : memref<2x32x768xf32, #tpu.memory_space<vmem>>, vector<1x1x16xf32>,
        %swap3A_272 = vector.shape_cast %swap3A_271 : vector<1x1x16xf32> to vector<16xf32>
        %swap3A_273 = vector.shape_cast %add3A_266 : vector<16xf32> to vector<1x1x16xf32>
        tpu.vector_store %arg6[%swap3A_268, %swap3A_269, %swap3A_270], %swap3A_273 {strides = array<i32>} : memref<2x32x768xf32, #tpu.memory_space<vmem>>, vector<1x1x16xf32>,
        %get3A_274 = arith.constant 1 : i32
        %get3A_275 = arith.index_cast %get3A_274 : i32 to index
        %get3A_276 = arith.index_cast %scan3A_183 : i32 to index
        %get3A_277 = arith.constant 64 : index
        %get3A_278 = tpu.vector_load %arg6[%get3A_275, %get3A_276, %get3A_277] {strides = array<i32>} : memref<2x32x768xf32, #tpu.memory_space<vmem>>, vector<1x1x16xf32>,
        %get3A_279 = vector.shape_cast %get3A_278 : vector<1x1x16xf32> to vector<16xf32>
        %get3A_280 = arith.constant 1 : i32
        %get3A_281 = arith.index_cast %get3A_280 : i32 to index
        %get3A_282 = arith.index_cast %scan3A_183 : i32 to index
        %get3A_283 = arith.constant 64 : index
        %get3A_284 = tpu.vector_load %arg7[%get3A_281, %get3A_282, %get3A_283] {strides = array<i32>} : memref<2x32x768xf32, #tpu.memory_space<vmem>>, vector<1x1x16xf32>,
        %get3A_285 = vector.shape_cast %get3A_284 : vector<1x1x16xf32> to vector<16xf32>
        %mul3A_286 = arith.constant 1.000000e-01 : f32
        %mul3A_287 = vector.broadcast %mul3A_286 : f32 to vector<16xf32>
        %mul3A_288 = arith.mulf %get3A_285, %mul3A_287 : vector<16xf32>
        %add3A_289 = arith.addf %get3A_279, %mul3A_288 : vector<16xf32>
        %swap3A_290 = arith.constant 1 : i32
        %swap3A_291 = arith.index_cast %swap3A_290 : i32 to index
        %swap3A_292 = arith.index_cast %scan3A_183 : i32 to index
        %swap3A_293 = arith.constant 64 : index
        %swap3A_294 = tpu.vector_load %arg6[%swap3A_291, %swap3A_292, %swap3A_293] {strides = array<i32>} : memref<2x32x768xf32, #tpu.memory_space<vmem>>, vector<1x1x16xf32>,
        %swap3A_295 = vector.shape_cast %swap3A_294 : vector<1x1x16xf32> to vector<16xf32>
        %swap3A_296 = vector.shape_cast %add3A_289 : vector<16xf32> to vector<1x1x16xf32>
        tpu.vector_store %arg6[%swap3A_291, %swap3A_292, %swap3A_293], %swap3A_296 {strides = array<i32>} : memref<2x32x768xf32, #tpu.memory_space<vmem>>, vector<1x1x16xf32>,
        %get3A_297 = arith.constant 1 : i32
        %get3A_298 = arith.index_cast %get3A_297 : i32 to index
        %get3A_299 = arith.index_cast %scan3A_183 : i32 to index
        %get3A_300 = arith.constant 80 : index
        %get3A_301 = tpu.vector_load %arg6[%get3A_298, %get3A_299, %get3A_300] {strides = array<i32>} : memref<2x32x768xf32, #tpu.memory_space<vmem>>, vector<1x1x16xf32>,
        %get3A_302 = vector.shape_cast %get3A_301 : vector<1x1x16xf32> to vector<16xf32>
        %get3A_303 = arith.constant 1 : i32
        %get3A_304 = arith.index_cast %get3A_303 : i32 to index
        %get3A_305 = arith.index_cast %scan3A_183 : i32 to index
        %get3A_306 = arith.constant 80 : index
        %get3A_307 = tpu.vector_load %arg7[%get3A_304, %get3A_305, %get3A_306] {strides = array<i32>} : memref<2x32x768xf32, #tpu.memory_space<vmem>>, vector<1x1x16xf32>,
        %get3A_308 = vector.shape_cast %get3A_307 : vector<1x1x16xf32> to vector<16xf32>
        %mul3A_309 = arith.constant 1.000000e-01 : f32
        %mul3A_310 = vector.broadcast %mul3A_309 : f32 to vector<16xf32>
        %mul3A_311 = arith.mulf %get3A_308, %mul3A_310 : vector<16xf32>
        %add3A_312 = arith.addf %get3A_302, %mul3A_311 : vector<16xf32>
        %swap3A_313 = arith.constant 1 : i32
        %swap3A_314 = arith.index_cast %swap3A_313 : i32 to index
        %swap3A_315 = arith.index_cast %scan3A_183 : i32 to index
        %swap3A_316 = arith.constant 80 : index
        %swap3A_317 = tpu.vector_load %arg6[%swap3A_314, %swap3A_315, %swap3A_316] {strides = array<i32>} : memref<2x32x768xf32, #tpu.memory_space<vmem>>, vector<1x1x16xf32>,
        %swap3A_318 = vector.shape_cast %swap3A_317 : vector<1x1x16xf32> to vector<16xf32>
        %swap3A_319 = vector.shape_cast %add3A_312 : vector<16xf32> to vector<1x1x16xf32>
        tpu.vector_store %arg6[%swap3A_314, %swap3A_315, %swap3A_316], %swap3A_319 {strides = array<i32>} : memref<2x32x768xf32, #tpu.memory_space<vmem>>, vector<1x1x16xf32>,
        %get3A_320 = arith.constant 1 : i32
        %get3A_321 = arith.index_cast %get3A_320 : i32 to index
        %get3A_322 = arith.index_cast %scan3A_183 : i32 to index
        %get3A_323 = arith.constant 96 : index
        %get3A_324 = tpu.vector_load %arg6[%get3A_321, %get3A_322, %get3A_323] {strides = array<i32>} : memref<2x32x768xf32, #tpu.memory_space<vmem>>, vector<1x1x16xf32>,
        %get3A_325 = vector.shape_cast %get3A_324 : vector<1x1x16xf32> to vector<16xf32>
        %get3A_326 = arith.constant 1 : i32
        %get3A_327 = arith.index_cast %get3A_326 : i32 to index
        %get3A_328 = arith.index_cast %scan3A_183 : i32 to index
        %get3A_329 = arith.constant 96 : index
        %get3A_330 = tpu.vector_load %arg7[%get3A_327, %get3A_328, %get3A_329] {strides = array<i32>} : memref<2x32x768xf32, #tpu.memory_space<vmem>>, vector<1x1x16xf32>,
        %get3A_331 = vector.shape_cast %get3A_330 : vector<1x1x16xf32> to vector<16xf32>
        %mul3A_332 = arith.constant 1.000000e-01 : f32
        %mul3A_333 = vector.broadcast %mul3A_332 : f32 to vector<16xf32>
        %mul3A_334 = arith.mulf %get3A_331, %mul3A_333 : vector<16xf32>
        %add3A_335 = arith.addf %get3A_325, %mul3A_334 : vector<16xf32>
        %swap3A_336 = arith.constant 1 : i32
        %swap3A_337 = arith.index_cast %swap3A_336 : i32 to index
        %swap3A_338 = arith.index_cast %scan3A_183 : i32 to index
        %swap3A_339 = arith.constant 96 : index
        %swap3A_340 = tpu.vector_load %arg6[%swap3A_337, %swap3A_338, %swap3A_339] {strides = array<i32>} : memref<2x32x768xf32, #tpu.memory_space<vmem>>, vector<1x1x16xf32>,
        %swap3A_341 = vector.shape_cast %swap3A_340 : vector<1x1x16xf32> to vector<16xf32>
        %swap3A_342 = vector.shape_cast %add3A_335 : vector<16xf32> to vector<1x1x16xf32>
        tpu.vector_store %arg6[%swap3A_337, %swap3A_338, %swap3A_339], %swap3A_342 {strides = array<i32>} : memref<2x32x768xf32, #tpu.memory_space<vmem>>, vector<1x1x16xf32>,
        %get3A_343 = arith.constant 1 : i32
        %get3A_344 = arith.index_cast %get3A_343 : i32 to index
        %get3A_345 = arith.index_cast %scan3A_183 : i32 to index
        %get3A_346 = arith.constant 112 : index
        %get3A_347 = tpu.vector_load %arg6[%get3A_344, %get3A_345, %get3A_346] {strides = array<i32>} : memref<2x32x768xf32, #tpu.memory_space<vmem>>, vector<1x1x16xf32>,
        %get3A_348 = vector.shape_cast %get3A_347 : vector<1x1x16xf32> to vector<16xf32>
        %get3A_349 = arith.constant 1 : i32
        %get3A_350 = arith.index_cast %get3A_349 : i32 to index
        %get3A_351 = arith.index_cast %scan3A_183 : i32 to index
        %get3A_352 = arith.constant 112 : index
        %get3A_353 = tpu.vector_load %arg7[%get3A_350, %get3A_351, %get3A_352] {strides = array<i32>} : memref<2x32x768xf32, #tpu.memory_space<vmem>>, vector<1x1x16xf32>,
        %get3A_354 = vector.shape_cast %get3A_353 : vector<1x1x16xf32> to vector<16xf32>
        %mul3A_355 = arith.constant 1.000000e-01 : f32
        %mul3A_356 = vector.broadcast %mul3A_355 : f32 to vector<16xf32>
        %mul3A_357 = arith.mulf %get3A_354, %mul3A_356 : vector<16xf32>
        %add3A_358 = arith.addf %get3A_348, %mul3A_357 : vector<16xf32>
        %swap3A_359 = arith.constant 1 : i32
        %swap3A_360 = arith.index_cast %swap3A_359 : i32 to index
        %swap3A_361 = arith.index_cast %scan3A_183 : i32 to index
        %swap3A_362 = arith.constant 112 : index
        %swap3A_363 = tpu.vector_load %arg6[%swap3A_360, %swap3A_361, %swap3A_362] {strides = array<i32>} : memref<2x32x768xf32, #tpu.memory_space<vmem>>, vector<1x1x16xf32>,
        %swap3A_364 = vector.shape_cast %swap3A_363 : vector<1x1x16xf32> to vector<16xf32>
        %swap3A_365 = vector.shape_cast %add3A_358 : vector<16xf32> to vector<1x1x16xf32>
        tpu.vector_store %arg6[%swap3A_360, %swap3A_361, %swap3A_362], %swap3A_365 {strides = array<i32>} : memref<2x32x768xf32, #tpu.memory_space<vmem>>, vector<1x1x16xf32>,
        %get3A_366 = arith.constant 1 : i32
        %get3A_367 = arith.index_cast %get3A_366 : i32 to index
        %get3A_368 = arith.index_cast %scan3A_183 : i32 to index
        %get3A_369 = arith.constant 128 : index
        %get3A_370 = tpu.vector_load %arg6[%get3A_367, %get3A_368, %get3A_369] {strides = array<i32>} : memref<2x32x768xf32, #tpu.memory_space<vmem>>, vector<1x1x16xf32>,
        %get3A_371 = vector.shape_cast %get3A_370 : vector<1x1x16xf32> to vector<16xf32>
        %get3A_372 = arith.constant 1 : i32
        %get3A_373 = arith.index_cast %get3A_372 : i32 to index
        %get3A_374 = arith.index_cast %scan3A_183 : i32 to index
        %get3A_375 = arith.constant 128 : index
        %get3A_376 = tpu.vector_load %arg7[%get3A_373, %get3A_374, %get3A_375] {strides = array<i32>} : memref<2x32x768xf32, #tpu.memory_space<vmem>>, vector<1x1x16xf32>,
        %get3A_377 = vector.shape_cast %get3A_376 : vector<1x1x16xf32> to vector<16xf32>
        %mul3A_378 = arith.constant 1.000000e-01 : f32
        %mul3A_379 = vector.broadcast %mul3A_378 : f32 to vector<16xf32>
        %mul3A_380 = arith.mulf %get3A_377, %mul3A_379 : vector<16xf32>
        %add3A_381 = arith.addf %get3A_371, %mul3A_380 : vector<16xf32>
        %swap3A_382 = arith.constant 1 : i32
        %swap3A_383 = arith.index_cast %swap3A_382 : i32 to index
        %swap3A_384 = arith.index_cast %scan3A_183 : i32 to index
        %swap3A_385 = arith.constant 128 : index
        %swap3A_386 = tpu.vector_load %arg6[%swap3A_383, %swap3A_384, %swap3A_385] {strides = array<i32>} : memref<2x32x768xf32, #tpu.memory_space<vmem>>, vector<1x1x16xf32>,
        %swap3A_387 = vector.shape_cast %swap3A_386 : vector<1x1x16xf32> to vector<16xf32>
        %swap3A_388 = vector.shape_cast %add3A_381 : vector<16xf32> to vector<1x1x16xf32>
        tpu.vector_store %arg6[%swap3A_383, %swap3A_384, %swap3A_385], %swap3A_388 {strides = array<i32>} : memref<2x32x768xf32, #tpu.memory_space<vmem>>, vector<1x1x16xf32>,
        %get3A_389 = arith.constant 1 : i32
        %get3A_390 = arith.index_cast %get3A_389 : i32 to index
        %get3A_391 = arith.index_cast %scan3A_183 : i32 to index
        %get3A_392 = arith.constant 144 : index
        %get3A_393 = tpu.vector_load %arg6[%get3A_390, %get3A_391, %get3A_392] {strides = array<i32>} : memref<2x32x768xf32, #tpu.memory_space<vmem>>, vector<1x1x16xf32>,
        %get3A_394 = vector.shape_cast %get3A_393 : vector<1x1x16xf32> to vector<16xf32>
        %get3A_395 = arith.constant 1 : i32
        %get3A_396 = arith.index_cast %get3A_395 : i32 to index
        %get3A_397 = arith.index_cast %scan3A_183 : i32 to index
        %get3A_398 = arith.constant 144 : index
        %get3A_399 = tpu.vector_load %arg7[%get3A_396, %get3A_397, %get3A_398] {strides = array<i32>} : memref<2x32x768xf32, #tpu.memory_space<vmem>>, vector<1x1x16xf32>,
        %get3A_400 = vector.shape_cast %get3A_399 : vector<1x1x16xf32> to vector<16xf32>
        %mul3A_401 = arith.constant 1.000000e-01 : f32
        %mul3A_402 = vector.broadcast %mul3A_401 : f32 to vector<16xf32>
        %mul3A_403 = arith.mulf %get3A_400, %mul3A_402 : vector<16xf32>
        %add3A_404 = arith.addf %get3A_394, %mul3A_403 : vector<16xf32>
        %swap3A_405 = arith.constant 1 : i32
        %swap3A_406 = arith.index_cast %swap3A_405 : i32 to index
        %swap3A_407 = arith.index_cast %scan3A_183 : i32 to index
        %swap3A_408 = arith.constant 144 : index
        %swap3A_409 = tpu.vector_load %arg6[%swap3A_406, %swap3A_407, %swap3A_408] {strides = array<i32>} : memref<2x32x768xf32, #tpu.memory_space<vmem>>, vector<1x1x16xf32>,
        %swap3A_410 = vector.shape_cast %swap3A_409 : vector<1x1x16xf32> to vector<16xf32>
        %swap3A_411 = vector.shape_cast %add3A_404 : vector<16xf32> to vector<1x1x16xf32>
        tpu.vector_store %arg6[%swap3A_406, %swap3A_407, %swap3A_408], %swap3A_411 {strides = array<i32>} : memref<2x32x768xf32, #tpu.memory_space<vmem>>, vector<1x1x16xf32>,
        %get3A_412 = arith.constant 1 : i32
        %get3A_413 = arith.index_cast %get3A_412 : i32 to index
        %get3A_414 = arith.index_cast %scan3A_183 : i32 to index
        %get3A_415 = arith.constant 160 : index
        %get3A_416 = tpu.vector_load %arg6[%get3A_413, %get3A_414, %get3A_415] {strides = array<i32>} : memref<2x32x768xf32, #tpu.memory_space<vmem>>, vector<1x1x16xf32>,
        %get3A_417 = vector.shape_cast %get3A_416 : vector<1x1x16xf32> to vector<16xf32>
        %get3A_418 = arith.constant 1 : i32
        %get3A_419 = arith.index_cast %get3A_418 : i32 to index
        %get3A_420 = arith.index_cast %scan3A_183 : i32 to index
        %get3A_421 = arith.constant 160 : index
        %get3A_422 = tpu.vector_load %arg7[%get3A_419, %get3A_420, %get3A_421] {strides = array<i32>} : memref<2x32x768xf32, #tpu.memory_space<vmem>>, vector<1x1x16xf32>,
        %get3A_423 = vector.shape_cast %get3A_422 : vector<1x1x16xf32> to vector<16xf32>
        %mul3A_424 = arith.constant 1.000000e-01 : f32
        %mul3A_425 = vector.broadcast %mul3A_424 : f32 to vector<16xf32>
        %mul3A_426 = arith.mulf %get3A_423, %mul3A_425 : vector<16xf32>
        %add3A_427 = arith.addf %get3A_417, %mul3A_426 : vector<16xf32>
        %swap3A_428 = arith.constant 1 : i32
        %swap3A_429 = arith.index_cast %swap3A_428 : i32 to index
        %swap3A_430 = arith.index_cast %scan3A_183 : i32 to index
        %swap3A_431 = arith.constant 160 : index
        %swap3A_432 = tpu.vector_load %arg6[%swap3A_429, %swap3A_430, %swap3A_431] {strides = array<i32>} : memref<2x32x768xf32, #tpu.memory_space<vmem>>, vector<1x1x16xf32>,
        %swap3A_433 = vector.shape_cast %swap3A_432 : vector<1x1x16xf32> to vector<16xf32>
        %swap3A_434 = vector.shape_cast %add3A_427 : vector<16xf32> to vector<1x1x16xf32>
        tpu.vector_store %arg6[%swap3A_429, %swap3A_430, %swap3A_431], %swap3A_434 {strides = array<i32>} : memref<2x32x768xf32, #tpu.memory_space<vmem>>, vector<1x1x16xf32>,
        %get3A_435 = arith.constant 1 : i32
        %get3A_436 = arith.index_cast %get3A_435 : i32 to index
        %get3A_437 = arith.index_cast %scan3A_183 : i32 to index
        %get3A_438 = arith.constant 176 : index
        %get3A_439 = tpu.vector_load %arg6[%get3A_436, %get3A_437, %get3A_438] {strides = array<i32>} : memref<2x32x768xf32, #tpu.memory_space<vmem>>, vector<1x1x16xf32>,
        %get3A_440 = vector.shape_cast %get3A_439 : vector<1x1x16xf32> to vector<16xf32>
        %get3A_441 = arith.constant 1 : i32
        %get3A_442 = arith.index_cast %get3A_441 : i32 to index
        %get3A_443 = arith.index_cast %scan3A_183 : i32 to index
        %get3A_444 = arith.constant 176 : index
        %get3A_445 = tpu.vector_load %arg7[%get3A_442, %get3A_443, %get3A_444] {strides = array<i32>} : memref<2x32x768xf32, #tpu.memory_space<vmem>>, vector<1x1x16xf32>,
        %get3A_446 = vector.shape_cast %get3A_445 : vector<1x1x16xf32> to vector<16xf32>
        %mul3A_447 = arith.constant 1.000000e-01 : f32
        %mul3A_448 = vector.broadcast %mul3A_447 : f32 to vector<16xf32>
        %mul3A_449 = arith.mulf %get3A_446, %mul3A_448 : vector<16xf32>
        %add3A_450 = arith.addf %get3A_440, %mul3A_449 : vector<16xf32>
        %swap3A_451 = arith.constant 1 : i32
        %swap3A_452 = arith.index_cast %swap3A_451 : i32 to index
        %swap3A_453 = arith.index_cast %scan3A_183 : i32 to index
        %swap3A_454 = arith.constant 176 : index
        %swap3A_455 = tpu.vector_load %arg6[%swap3A_452, %swap3A_453, %swap3A_454] {strides = array<i32>} : memref<2x32x768xf32, #tpu.memory_space<vmem>>, vector<1x1x16xf32>,
        %swap3A_456 = vector.shape_cast %swap3A_455 : vector<1x1x16xf32> to vector<16xf32>
        %swap3A_457 = vector.shape_cast %add3A_450 : vector<16xf32> to vector<1x1x16xf32>
        tpu.vector_store %arg6[%swap3A_452, %swap3A_453, %swap3A_454], %swap3A_457 {strides = array<i32>} : memref<2x32x768xf32, #tpu.memory_space<vmem>>, vector<1x1x16xf32>,
        %get3A_458 = arith.constant 1 : i32
        %get3A_459 = arith.index_cast %get3A_458 : i32 to index
        %get3A_460 = arith.index_cast %scan3A_183 : i32 to index
        %get3A_461 = arith.constant 192 : index
        %get3A_462 = tpu.vector_load %arg6[%get3A_459, %get3A_460, %get3A_461] {strides = array<i32>} : memref<2x32x768xf32, #tpu.memory_space<vmem>>, vector<1x1x16xf32>,
        %get3A_463 = vector.shape_cast %get3A_462 : vector<1x1x16xf32> to vector<16xf32>
        %get3A_464 = arith.constant 1 : i32
        %get3A_465 = arith.index_cast %get3A_464 : i32 to index
        %get3A_466 = arith.index_cast %scan3A_183 : i32 to index
        %get3A_467 = arith.constant 192 : index
        %get3A_468 = tpu.vector_load %arg7[%get3A_465, %get3A_466, %get3A_467] {strides = array<i32>} : memref<2x32x768xf32, #tpu.memory_space<vmem>>, vector<1x1x16xf32>,
        %get3A_469 = vector.shape_cast %get3A_468 : vector<1x1x16xf32> to vector<16xf32>
        %mul3A_470 = arith.constant 1.000000e-01 : f32
        %mul3A_471 = vector.broadcast %mul3A_470 : f32 to vector<16xf32>
        %mul3A_472 = arith.mulf %get3A_469, %mul3A_471 : vector<16xf32>
        %add3A_473 = arith.addf %get3A_463, %mul3A_472 : vector<16xf32>
        %swap3A_474 = arith.constant 1 : i32
        %swap3A_475 = arith.index_cast %swap3A_474 : i32 to index
        %swap3A_476 = arith.index_cast %scan3A_183 : i32 to index
        %swap3A_477 = arith.constant 192 : index
        %swap3A_478 = tpu.vector_load %arg6[%swap3A_475, %swap3A_476, %swap3A_477] {strides = array<i32>} : memref<2x32x768xf32, #tpu.memory_space<vmem>>, vector<1x1x16xf32>,
        %swap3A_479 = vector.shape_cast %swap3A_478 : vector<1x1x16xf32> to vector<16xf32>
        %swap3A_480 = vector.shape_cast %add3A_473 : vector<16xf32> to vector<1x1x16xf32>
        tpu.vector_store %arg6[%swap3A_475, %swap3A_476, %swap3A_477], %swap3A_480 {strides = array<i32>} : memref<2x32x768xf32, #tpu.memory_space<vmem>>, vector<1x1x16xf32>,
        %get3A_481 = arith.constant 1 : i32
        %get3A_482 = arith.index_cast %get3A_481 : i32 to index
        %get3A_483 = arith.index_cast %scan3A_183 : i32 to index
        %get3A_484 = arith.constant 208 : index
        %get3A_485 = tpu.vector_load %arg6[%get3A_482, %get3A_483, %get3A_484] {strides = array<i32>} : memref<2x32x768xf32, #tpu.memory_space<vmem>>, vector<1x1x16xf32>,
        %get3A_486 = vector.shape_cast %get3A_485 : vector<1x1x16xf32> to vector<16xf32>
        %get3A_487 = arith.constant 1 : i32
        %get3A_488 = arith.index_cast %get3A_487 : i32 to index
        %get3A_489 = arith.index_cast %scan3A_183 : i32 to index
        %get3A_490 = arith.constant 208 : index
        %get3A_491 = tpu.vector_load %arg7[%get3A_488, %get3A_489, %get3A_490] {strides = array<i32>} : memref<2x32x768xf32, #tpu.memory_space<vmem>>, vector<1x1x16xf32>,
        %get3A_492 = vector.shape_cast %get3A_491 : vector<1x1x16xf32> to vector<16xf32>
        %mul3A_493 = arith.constant 1.000000e-01 : f32
        %mul3A_494 = vector.broadcast %mul3A_493 : f32 to vector<16xf32>
        %mul3A_495 = arith.mulf %get3A_492, %mul3A_494 : vector<16xf32>
        %add3A_496 = arith.addf %get3A_486, %mul3A_495 : vector<16xf32>
        %swap3A_497 = arith.constant 1 : i32
        %swap3A_498 = arith.index_cast %swap3A_497 : i32 to index
        %swap3A_499 = arith.index_cast %scan3A_183 : i32 to index
        %swap3A_500 = arith.constant 208 : index
        %swap3A_501 = tpu.vector_load %arg6[%swap3A_498, %swap3A_499, %swap3A_500] {strides = array<i32>} : memref<2x32x768xf32, #tpu.memory_space<vmem>>, vector<1x1x16xf32>,
        %swap3A_502 = vector.shape_cast %swap3A_501 : vector<1x1x16xf32> to vector<16xf32>
        %swap3A_503 = vector.shape_cast %add3A_496 : vector<16xf32> to vector<1x1x16xf32>
        tpu.vector_store %arg6[%swap3A_498, %swap3A_499, %swap3A_500], %swap3A_503 {strides = array<i32>} : memref<2x32x768xf32, #tpu.memory_space<vmem>>, vector<1x1x16xf32>,
        %get3A_504 = arith.constant 1 : i32
        %get3A_505 = arith.index_cast %get3A_504 : i32 to index
        %get3A_506 = arith.index_cast %scan3A_183 : i32 to index
        %get3A_507 = arith.constant 224 : index
        %get3A_508 = tpu.vector_load %arg6[%get3A_505, %get3A_506, %get3A_507] {strides = array<i32>} : memref<2x32x768xf32, #tpu.memory_space<vmem>>, vector<1x1x16xf32>,
        %get3A_509 = vector.shape_cast %get3A_508 : vector<1x1x16xf32> to vector<16xf32>
        %get3A_510 = arith.constant 1 : i32
        %get3A_511 = arith.index_cast %get3A_510 : i32 to index
        %get3A_512 = arith.index_cast %scan3A_183 : i32 to index
        %get3A_513 = arith.constant 224 : index
        %get3A_514 = tpu.vector_load %arg7[%get3A_511, %get3A_512, %get3A_513] {strides = array<i32>} : memref<2x32x768xf32, #tpu.memory_space<vmem>>, vector<1x1x16xf32>,
        %get3A_515 = vector.shape_cast %get3A_514 : vector<1x1x16xf32> to vector<16xf32>
        %mul3A_516 = arith.constant 1.000000e-01 : f32
        %mul3A_517 = vector.broadcast %mul3A_516 : f32 to vector<16xf32>
        %mul3A_518 = arith.mulf %get3A_515, %mul3A_517 : vector<16xf32>
        %add3A_519 = arith.addf %get3A_509, %mul3A_518 : vector<16xf32>
        %swap3A_520 = arith.constant 1 : i32
        %swap3A_521 = arith.index_cast %swap3A_520 : i32 to index
        %swap3A_522 = arith.index_cast %scan3A_183 : i32 to index
        %swap3A_523 = arith.constant 224 : index
        %swap3A_524 = tpu.vector_load %arg6[%swap3A_521, %swap3A_522, %swap3A_523] {strides = array<i32>} : memref<2x32x768xf32, #tpu.memory_space<vmem>>, vector<1x1x16xf32>,
        %swap3A_525 = vector.shape_cast %swap3A_524 : vector<1x1x16xf32> to vector<16xf32>
        %swap3A_526 = vector.shape_cast %add3A_519 : vector<16xf32> to vector<1x1x16xf32>
        tpu.vector_store %arg6[%swap3A_521, %swap3A_522, %swap3A_523], %swap3A_526 {strides = array<i32>} : memref<2x32x768xf32, #tpu.memory_space<vmem>>, vector<1x1x16xf32>,
        %get3A_527 = arith.constant 1 : i32
        %get3A_528 = arith.index_cast %get3A_527 : i32 to index
        %get3A_529 = arith.index_cast %scan3A_183 : i32 to index
        %get3A_530 = arith.constant 240 : index
        %get3A_531 = tpu.vector_load %arg6[%get3A_528, %get3A_529, %get3A_530] {strides = array<i32>} : memref<2x32x768xf32, #tpu.memory_space<vmem>>, vector<1x1x16xf32>,
        %get3A_532 = vector.shape_cast %get3A_531 : vector<1x1x16xf32> to vector<16xf32>
        %get3A_533 = arith.constant 1 : i32
        %get3A_534 = arith.index_cast %get3A_533 : i32 to index
        %get3A_535 = arith.index_cast %scan3A_183 : i32 to index
        %get3A_536 = arith.constant 240 : index
        %get3A_537 = tpu.vector_load %arg7[%get3A_534, %get3A_535, %get3A_536] {strides = array<i32>} : memref<2x32x768xf32, #tpu.memory_space<vmem>>, vector<1x1x16xf32>,
        %get3A_538 = vector.shape_cast %get3A_537 : vector<1x1x16xf32> to vector<16xf32>
        %mul3A_539 = arith.constant 1.000000e-01 : f32
        %mul3A_540 = vector.broadcast %mul3A_539 : f32 to vector<16xf32>
        %mul3A_541 = arith.mulf %get3A_538, %mul3A_540 : vector<16xf32>
        %add3A_542 = arith.addf %get3A_532, %mul3A_541 : vector<16xf32>
        %swap3A_543 = arith.constant 1 : i32
        %swap3A_544 = arith.index_cast %swap3A_543 : i32 to index
        %swap3A_545 = arith.index_cast %scan3A_183 : i32 to index
        %swap3A_546 = arith.constant 240 : index
        %swap3A_547 = tpu.vector_load %arg6[%swap3A_544, %swap3A_545, %swap3A_546] {strides = array<i32>} : memref<2x32x768xf32, #tpu.memory_space<vmem>>, vector<1x1x16xf32>,
        %swap3A_548 = vector.shape_cast %swap3A_547 : vector<1x1x16xf32> to vector<16xf32>
        %swap3A_549 = vector.shape_cast %add3A_542 : vector<16xf32> to vector<1x1x16xf32>
        tpu.vector_store %arg6[%swap3A_544, %swap3A_545, %swap3A_546], %swap3A_549 {strides = array<i32>} : memref<2x32x768xf32, #tpu.memory_space<vmem>>, vector<1x1x16xf32>,
        %get3A_550 = arith.constant 1 : i32
        %get3A_551 = arith.index_cast %get3A_550 : i32 to index
        %get3A_552 = arith.index_cast %scan3A_183 : i32 to index
        %get3A_553 = arith.constant 256 : index
        %get3A_554 = tpu.vector_load %arg6[%get3A_551, %get3A_552, %get3A_553] {strides = array<i32>} : memref<2x32x768xf32, #tpu.memory_space<vmem>>, vector<1x1x16xf32>,
        %get3A_555 = vector.shape_cast %get3A_554 : vector<1x1x16xf32> to vector<16xf32>
        %get3A_556 = arith.constant 1 : i32
        %get3A_557 = arith.index_cast %get3A_556 : i32 to index
        %get3A_558 = arith.index_cast %scan3A_183 : i32 to index
        %get3A_559 = arith.constant 256 : index
        %get3A_560 = tpu.vector_load %arg7[%get3A_557, %get3A_558, %get3A_559] {strides = array<i32>} : memref<2x32x768xf32, #tpu.memory_space<vmem>>, vector<1x1x16xf32>,
        %get3A_561 = vector.shape_cast %get3A_560 : vector<1x1x16xf32> to vector<16xf32>
        %mul3A_562 = arith.constant 1.000000e-01 : f32
        %mul3A_563 = vector.broadcast %mul3A_562 : f32 to vector<16xf32>
        %mul3A_564 = arith.mulf %get3A_561, %mul3A_563 : vector<16xf32>
        %add3A_565 = arith.addf %get3A_555, %mul3A_564 : vector<16xf32>
        %swap3A_566 = arith.constant 1 : i32
        %swap3A_567 = arith.index_cast %swap3A_566 : i32 to index
        %swap3A_568 = arith.index_cast %scan3A_183 : i32 to index
        %swap3A_569 = arith.constant 256 : index
        %swap3A_570 = tpu.vector_load %arg6[%swap3A_567, %swap3A_568, %swap3A_569] {strides = array<i32>} : memref<2x32x768xf32, #tpu.memory_space<vmem>>, vector<1x1x16xf32>,
        %swap3A_571 = vector.shape_cast %swap3A_570 : vector<1x1x16xf32> to vector<16xf32>
        %swap3A_572 = vector.shape_cast %add3A_565 : vector<16xf32> to vector<1x1x16xf32>
        tpu.vector_store %arg6[%swap3A_567, %swap3A_568, %swap3A_569], %swap3A_572 {strides = array<i32>} : memref<2x32x768xf32, #tpu.memory_space<vmem>>, vector<1x1x16xf32>,
        %get3A_573 = arith.constant 1 : i32
        %get3A_574 = arith.index_cast %get3A_573 : i32 to index
        %get3A_575 = arith.index_cast %scan3A_183 : i32 to index
        %get3A_576 = arith.constant 272 : index
        %get3A_577 = tpu.vector_load %arg6[%get3A_574, %get3A_575, %get3A_576] {strides = array<i32>} : memref<2x32x768xf32, #tpu.memory_space<vmem>>, vector<1x1x16xf32>,
        %get3A_578 = vector.shape_cast %get3A_577 : vector<1x1x16xf32> to vector<16xf32>
        %get3A_579 = arith.constant 1 : i32
        %get3A_580 = arith.index_cast %get3A_579 : i32 to index
        %get3A_581 = arith.index_cast %scan3A_183 : i32 to index
        %get3A_582 = arith.constant 272 : index
        %get3A_583 = tpu.vector_load %arg7[%get3A_580, %get3A_581, %get3A_582] {strides = array<i32>} : memref<2x32x768xf32, #tpu.memory_space<vmem>>, vector<1x1x16xf32>,
        %get3A_584 = vector.shape_cast %get3A_583 : vector<1x1x16xf32> to vector<16xf32>
        %mul3A_585 = arith.constant 1.000000e-01 : f32
        %mul3A_586 = vector.broadcast %mul3A_585 : f32 to vector<16xf32>
        %mul3A_587 = arith.mulf %get3A_584, %mul3A_586 : vector<16xf32>
        %add3A_588 = arith.addf %get3A_578, %mul3A_587 : vector<16xf32>
        %swap3A_589 = arith.constant 1 : i32
        %swap3A_590 = arith.index_cast %swap3A_589 : i32 to index
        %swap3A_591 = arith.index_cast %scan3A_183 : i32 to index
        %swap3A_592 = arith.constant 272 : index
        %swap3A_593 = tpu.vector_load %arg6[%swap3A_590, %swap3A_591, %swap3A_592] {strides = array<i32>} : memref<2x32x768xf32, #tpu.memory_space<vmem>>, vector<1x1x16xf32>,
        %swap3A_594 = vector.shape_cast %swap3A_593 : vector<1x1x16xf32> to vector<16xf32>
        %swap3A_595 = vector.shape_cast %add3A_588 : vector<16xf32> to vector<1x1x16xf32>
        tpu.vector_store %arg6[%swap3A_590, %swap3A_591, %swap3A_592], %swap3A_595 {strides = array<i32>} : memref<2x32x768xf32, #tpu.memory_space<vmem>>, vector<1x1x16xf32>,
        %get3A_596 = arith.constant 1 : i32
        %get3A_597 = arith.index_cast %get3A_596 : i32 to index
        %get3A_598 = arith.index_cast %scan3A_183 : i32 to index
        %get3A_599 = arith.constant 288 : index
        %get3A_600 = tpu.vector_load %arg6[%get3A_597, %get3A_598, %get3A_599] {strides = array<i32>} : memref<2x32x768xf32, #tpu.memory_space<vmem>>, vector<1x1x16xf32>,
        %get3A_601 = vector.shape_cast %get3A_600 : vector<1x1x16xf32> to vector<16xf32>
        %get3A_602 = arith.constant 1 : i32
        %get3A_603 = arith.index_cast %get3A_602 : i32 to index
        %get3A_604 = arith.index_cast %scan3A_183 : i32 to index
        %get3A_605 = arith.constant 288 : index
        %get3A_606 = tpu.vector_load %arg7[%get3A_603, %get3A_604, %get3A_605] {strides = array<i32>} : memref<2x32x768xf32, #tpu.memory_space<vmem>>, vector<1x1x16xf32>,
        %get3A_607 = vector.shape_cast %get3A_606 : vector<1x1x16xf32> to vector<16xf32>
        %mul3A_608 = arith.constant 1.000000e-01 : f32
        %mul3A_609 = vector.broadcast %mul3A_608 : f32 to vector<16xf32>
        %mul3A_610 = arith.mulf %get3A_607, %mul3A_609 : vector<16xf32>
        %add3A_611 = arith.addf %get3A_601, %mul3A_610 : vector<16xf32>
        %swap3A_612 = arith.constant 1 : i32
        %swap3A_613 = arith.index_cast %swap3A_612 : i32 to index
        %swap3A_614 = arith.index_cast %scan3A_183 : i32 to index
        %swap3A_615 = arith.constant 288 : index
        %swap3A_616 = tpu.vector_load %arg6[%swap3A_613, %swap3A_614, %swap3A_615] {strides = array<i32>} : memref<2x32x768xf32, #tpu.memory_space<vmem>>, vector<1x1x16xf32>,
        %swap3A_617 = vector.shape_cast %swap3A_616 : vector<1x1x16xf32> to vector<16xf32>
        %swap3A_618 = vector.shape_cast %add3A_611 : vector<16xf32> to vector<1x1x16xf32>
        tpu.vector_store %arg6[%swap3A_613, %swap3A_614, %swap3A_615], %swap3A_618 {strides = array<i32>} : memref<2x32x768xf32, #tpu.memory_space<vmem>>, vector<1x1x16xf32>,
        %get3A_619 = arith.constant 1 : i32
        %get3A_620 = arith.index_cast %get3A_619 : i32 to index
        %get3A_621 = arith.index_cast %scan3A_183 : i32 to index
        %get3A_622 = arith.constant 304 : index
        %get3A_623 = tpu.vector_load %arg6[%get3A_620, %get3A_621, %get3A_622] {strides = array<i32>} : memref<2x32x768xf32, #tpu.memory_space<vmem>>, vector<1x1x16xf32>,
        %get3A_624 = vector.shape_cast %get3A_623 : vector<1x1x16xf32> to vector<16xf32>
        %get3A_625 = arith.constant 1 : i32
        %get3A_626 = arith.index_cast %get3A_625 : i32 to index
        %get3A_627 = arith.index_cast %scan3A_183 : i32 to index
        %get3A_628 = arith.constant 304 : index
        %get3A_629 = tpu.vector_load %arg7[%get3A_626, %get3A_627, %get3A_628] {strides = array<i32>} : memref<2x32x768xf32, #tpu.memory_space<vmem>>, vector<1x1x16xf32>,
        %get3A_630 = vector.shape_cast %get3A_629 : vector<1x1x16xf32> to vector<16xf32>
        %mul3A_631 = arith.constant 1.000000e-01 : f32
        %mul3A_632 = vector.broadcast %mul3A_631 : f32 to vector<16xf32>
        %mul3A_633 = arith.mulf %get3A_630, %mul3A_632 : vector<16xf32>
        %add3A_634 = arith.addf %get3A_624, %mul3A_633 : vector<16xf32>
        %swap3A_635 = arith.constant 1 : i32
        %swap3A_636 = arith.index_cast %swap3A_635 : i32 to index
        %swap3A_637 = arith.index_cast %scan3A_183 : i32 to index
        %swap3A_638 = arith.constant 304 : index
        %swap3A_639 = tpu.vector_load %arg6[%swap3A_636, %swap3A_637, %swap3A_638] {strides = array<i32>} : memref<2x32x768xf32, #tpu.memory_space<vmem>>, vector<1x1x16xf32>,
        %swap3A_640 = vector.shape_cast %swap3A_639 : vector<1x1x16xf32> to vector<16xf32>
        %swap3A_641 = vector.shape_cast %add3A_634 : vector<16xf32> to vector<1x1x16xf32>
        tpu.vector_store %arg6[%swap3A_636, %swap3A_637, %swap3A_638], %swap3A_641 {strides = array<i32>} : memref<2x32x768xf32, #tpu.memory_space<vmem>>, vector<1x1x16xf32>,
        %get3A_642 = arith.constant 1 : i32
        %get3A_643 = arith.index_cast %get3A_642 : i32 to index
        %get3A_644 = arith.index_cast %scan3A_183 : i32 to index
        %get3A_645 = arith.constant 320 : index
        %get3A_646 = tpu.vector_load %arg6[%get3A_643, %get3A_644, %get3A_645] {strides = array<i32>} : memref<2x32x768xf32, #tpu.memory_space<vmem>>, vector<1x1x16xf32>,
        %get3A_647 = vector.shape_cast %get3A_646 : vector<1x1x16xf32> to vector<16xf32>
        %get3A_648 = arith.constant 1 : i32
        %get3A_649 = arith.index_cast %get3A_648 : i32 to index
        %get3A_650 = arith.index_cast %scan3A_183 : i32 to index
        %get3A_651 = arith.constant 320 : index
        %get3A_652 = tpu.vector_load %arg7[%get3A_649, %get3A_650, %get3A_651] {strides = array<i32>} : memref<2x32x768xf32, #tpu.memory_space<vmem>>, vector<1x1x16xf32>,
        %get3A_653 = vector.shape_cast %get3A_652 : vector<1x1x16xf32> to vector<16xf32>
        %mul3A_654 = arith.constant 1.000000e-01 : f32
        %mul3A_655 = vector.broadcast %mul3A_654 : f32 to vector<16xf32>
        %mul3A_656 = arith.mulf %get3A_653, %mul3A_655 : vector<16xf32>
        %add3A_657 = arith.addf %get3A_647, %mul3A_656 : vector<16xf32>
        %swap3A_658 = arith.constant 1 : i32
        %swap3A_659 = arith.index_cast %swap3A_658 : i32 to index
        %swap3A_660 = arith.index_cast %scan3A_183 : i32 to index
        %swap3A_661 = arith.constant 320 : index
        %swap3A_662 = tpu.vector_load %arg6[%swap3A_659, %swap3A_660, %swap3A_661] {strides = array<i32>} : memref<2x32x768xf32, #tpu.memory_space<vmem>>, vector<1x1x16xf32>,
        %swap3A_663 = vector.shape_cast %swap3A_662 : vector<1x1x16xf32> to vector<16xf32>
        %swap3A_664 = vector.shape_cast %add3A_657 : vector<16xf32> to vector<1x1x16xf32>
        tpu.vector_store %arg6[%swap3A_659, %swap3A_660, %swap3A_661], %swap3A_664 {strides = array<i32>} : memref<2x32x768xf32, #tpu.memory_space<vmem>>, vector<1x1x16xf32>,
        %get3A_665 = arith.constant 1 : i32
        %get3A_666 = arith.index_cast %get3A_665 : i32 to index
        %get3A_667 = arith.index_cast %scan3A_183 : i32 to index
        %get3A_668 = arith.constant 336 : index
        %get3A_669 = tpu.vector_load %arg6[%get3A_666, %get3A_667, %get3A_668] {strides = array<i32>} : memref<2x32x768xf32, #tpu.memory_space<vmem>>, vector<1x1x16xf32>,
        %get3A_670 = vector.shape_cast %get3A_669 : vector<1x1x16xf32> to vector<16xf32>
        %get3A_671 = arith.constant 1 : i32
        %get3A_672 = arith.index_cast %get3A_671 : i32 to index
        %get3A_673 = arith.index_cast %scan3A_183 : i32 to index
        %get3A_674 = arith.constant 336 : index
        %get3A_675 = tpu.vector_load %arg7[%get3A_672, %get3A_673, %get3A_674] {strides = array<i32>} : memref<2x32x768xf32, #tpu.memory_space<vmem>>, vector<1x1x16xf32>,
        %get3A_676 = vector.shape_cast %get3A_675 : vector<1x1x16xf32> to vector<16xf32>
        %mul3A_677 = arith.constant 1.000000e-01 : f32
        %mul3A_678 = vector.broadcast %mul3A_677 : f32 to vector<16xf32>
        %mul3A_679 = arith.mulf %get3A_676, %mul3A_678 : vector<16xf32>
        %add3A_680 = arith.addf %get3A_670, %mul3A_679 : vector<16xf32>
        %swap3A_681 = arith.constant 1 : i32
        %swap3A_682 = arith.index_cast %swap3A_681 : i32 to index
        %swap3A_683 = arith.index_cast %scan3A_183 : i32 to index
        %swap3A_684 = arith.constant 336 : index
        %swap3A_685 = tpu.vector_load %arg6[%swap3A_682, %swap3A_683, %swap3A_684] {strides = array<i32>} : memref<2x32x768xf32, #tpu.memory_space<vmem>>, vector<1x1x16xf32>,
        %swap3A_686 = vector.shape_cast %swap3A_685 : vector<1x1x16xf32> to vector<16xf32>
        %swap3A_687 = vector.shape_cast %add3A_680 : vector<16xf32> to vector<1x1x16xf32>
        tpu.vector_store %arg6[%swap3A_682, %swap3A_683, %swap3A_684], %swap3A_687 {strides = array<i32>} : memref<2x32x768xf32, #tpu.memory_space<vmem>>, vector<1x1x16xf32>,
        %get3A_688 = arith.constant 1 : i32
        %get3A_689 = arith.index_cast %get3A_688 : i32 to index
        %get3A_690 = arith.index_cast %scan3A_183 : i32 to index
        %get3A_691 = arith.constant 352 : index
        %get3A_692 = tpu.vector_load %arg6[%get3A_689, %get3A_690, %get3A_691] {strides = array<i32>} : memref<2x32x768xf32, #tpu.memory_space<vmem>>, vector<1x1x16xf32>,
        %get3A_693 = vector.shape_cast %get3A_692 : vector<1x1x16xf32> to vector<16xf32>
        %get3A_694 = arith.constant 1 : i32
        %get3A_695 = arith.index_cast %get3A_694 : i32 to index
        %get3A_696 = arith.index_cast %scan3A_183 : i32 to index
        %get3A_697 = arith.constant 352 : index
        %get3A_698 = tpu.vector_load %arg7[%get3A_695, %get3A_696, %get3A_697] {strides = array<i32>} : memref<2x32x768xf32, #tpu.memory_space<vmem>>, vector<1x1x16xf32>,
        %get3A_699 = vector.shape_cast %get3A_698 : vector<1x1x16xf32> to vector<16xf32>
        %mul3A_700 = arith.constant 1.000000e-01 : f32
        %mul3A_701 = vector.broadcast %mul3A_700 : f32 to vector<16xf32>
        %mul3A_702 = arith.mulf %get3A_699, %mul3A_701 : vector<16xf32>
        %add3A_703 = arith.addf %get3A_693, %mul3A_702 : vector<16xf32>
        %swap3A_704 = arith.constant 1 : i32
        %swap3A_705 = arith.index_cast %swap3A_704 : i32 to index
        %swap3A_706 = arith.index_cast %scan3A_183 : i32 to index
        %swap3A_707 = arith.constant 352 : index
        %swap3A_708 = tpu.vector_load %arg6[%swap3A_705, %swap3A_706, %swap3A_707] {strides = array<i32>} : memref<2x32x768xf32, #tpu.memory_space<vmem>>, vector<1x1x16xf32>,
        %swap3A_709 = vector.shape_cast %swap3A_708 : vector<1x1x16xf32> to vector<16xf32>
        %swap3A_710 = vector.shape_cast %add3A_703 : vector<16xf32> to vector<1x1x16xf32>
        tpu.vector_store %arg6[%swap3A_705, %swap3A_706, %swap3A_707], %swap3A_710 {strides = array<i32>} : memref<2x32x768xf32, #tpu.memory_space<vmem>>, vector<1x1x16xf32>,
        %get3A_711 = arith.constant 1 : i32
        %get3A_712 = arith.index_cast %get3A_711 : i32 to index
        %get3A_713 = arith.index_cast %scan3A_183 : i32 to index
        %get3A_714 = arith.constant 368 : index
        %get3A_715 = tpu.vector_load %arg6[%get3A_712, %get3A_713, %get3A_714] {strides = array<i32>} : memref<2x32x768xf32, #tpu.memory_space<vmem>>, vector<1x1x16xf32>,
        %get3A_716 = vector.shape_cast %get3A_715 : vector<1x1x16xf32> to vector<16xf32>
        %get3A_717 = arith.constant 1 : i32
        %get3A_718 = arith.index_cast %get3A_717 : i32 to index
        %get3A_719 = arith.index_cast %scan3A_183 : i32 to index
        %get3A_720 = arith.constant 368 : index
        %get3A_721 = tpu.vector_load %arg7[%get3A_718, %get3A_719, %get3A_720] {strides = array<i32>} : memref<2x32x768xf32, #tpu.memory_space<vmem>>, vector<1x1x16xf32>,
        %get3A_722 = vector.shape_cast %get3A_721 : vector<1x1x16xf32> to vector<16xf32>
        %mul3A_723 = arith.constant 1.000000e-01 : f32
        %mul3A_724 = vector.broadcast %mul3A_723 : f32 to vector<16xf32>
        %mul3A_725 = arith.mulf %get3A_722, %mul3A_724 : vector<16xf32>
        %add3A_726 = arith.addf %get3A_716, %mul3A_725 : vector<16xf32>
        %swap3A_727 = arith.constant 1 : i32
        %swap3A_728 = arith.index_cast %swap3A_727 : i32 to index
        %swap3A_729 = arith.index_cast %scan3A_183 : i32 to index
        %swap3A_730 = arith.constant 368 : index
        %swap3A_731 = tpu.vector_load %arg6[%swap3A_728, %swap3A_729, %swap3A_730] {strides = array<i32>} : memref<2x32x768xf32, #tpu.memory_space<vmem>>, vector<1x1x16xf32>,
        %swap3A_732 = vector.shape_cast %swap3A_731 : vector<1x1x16xf32> to vector<16xf32>
        %swap3A_733 = vector.shape_cast %add3A_726 : vector<16xf32> to vector<1x1x16xf32>
        tpu.vector_store %arg6[%swap3A_728, %swap3A_729, %swap3A_730], %swap3A_733 {strides = array<i32>} : memref<2x32x768xf32, #tpu.memory_space<vmem>>, vector<1x1x16xf32>,
        %get3A_734 = arith.constant 1 : i32
        %get3A_735 = arith.index_cast %get3A_734 : i32 to index
        %get3A_736 = arith.index_cast %scan3A_183 : i32 to index
        %get3A_737 = arith.constant 384 : index
        %get3A_738 = tpu.vector_load %arg6[%get3A_735, %get3A_736, %get3A_737] {strides = array<i32>} : memref<2x32x768xf32, #tpu.memory_space<vmem>>, vector<1x1x16xf32>,
        %get3A_739 = vector.shape_cast %get3A_738 : vector<1x1x16xf32> to vector<16xf32>
        %get3A_740 = arith.constant 1 : i32
        %get3A_741 = arith.index_cast %get3A_740 : i32 to index
        %get3A_742 = arith.index_cast %scan3A_183 : i32 to index
        %get3A_743 = arith.constant 384 : index
        %get3A_744 = tpu.vector_load %arg7[%get3A_741, %get3A_742, %get3A_743] {strides = array<i32>} : memref<2x32x768xf32, #tpu.memory_space<vmem>>, vector<1x1x16xf32>,
        %get3A_745 = vector.shape_cast %get3A_744 : vector<1x1x16xf32> to vector<16xf32>
        %mul3A_746 = arith.constant 1.000000e-01 : f32
        %mul3A_747 = vector.broadcast %mul3A_746 : f32 to vector<16xf32>
        %mul3A_748 = arith.mulf %get3A_745, %mul3A_747 : vector<16xf32>
        %add3A_749 = arith.addf %get3A_739, %mul3A_748 : vector<16xf32>
        %swap3A_750 = arith.constant 1 : i32
        %swap3A_751 = arith.index_cast %swap3A_750 : i32 to index
        %swap3A_752 = arith.index_cast %scan3A_183 : i32 to index
        %swap3A_753 = arith.constant 384 : index
        %swap3A_754 = tpu.vector_load %arg6[%swap3A_751, %swap3A_752, %swap3A_753] {strides = array<i32>} : memref<2x32x768xf32, #tpu.memory_space<vmem>>, vector<1x1x16xf32>,
        %swap3A_755 = vector.shape_cast %swap3A_754 : vector<1x1x16xf32> to vector<16xf32>
        %swap3A_756 = vector.shape_cast %add3A_749 : vector<16xf32> to vector<1x1x16xf32>
        tpu.vector_store %arg6[%swap3A_751, %swap3A_752, %swap3A_753], %swap3A_756 {strides = array<i32>} : memref<2x32x768xf32, #tpu.memory_space<vmem>>, vector<1x1x16xf32>,
        %get3A_757 = arith.constant 1 : i32
        %get3A_758 = arith.index_cast %get3A_757 : i32 to index
        %get3A_759 = arith.index_cast %scan3A_183 : i32 to index
        %get3A_760 = arith.constant 400 : index
        %get3A_761 = tpu.vector_load %arg6[%get3A_758, %get3A_759, %get3A_760] {strides = array<i32>} : memref<2x32x768xf32, #tpu.memory_space<vmem>>, vector<1x1x16xf32>,
        %get3A_762 = vector.shape_cast %get3A_761 : vector<1x1x16xf32> to vector<16xf32>
        %get3A_763 = arith.constant 1 : i32
        %get3A_764 = arith.index_cast %get3A_763 : i32 to index
        %get3A_765 = arith.index_cast %scan3A_183 : i32 to index
        %get3A_766 = arith.constant 400 : index
        %get3A_767 = tpu.vector_load %arg7[%get3A_764, %get3A_765, %get3A_766] {strides = array<i32>} : memref<2x32x768xf32, #tpu.memory_space<vmem>>, vector<1x1x16xf32>,
        %get3A_768 = vector.shape_cast %get3A_767 : vector<1x1x16xf32> to vector<16xf32>
        %mul3A_769 = arith.constant 1.000000e-01 : f32
        %mul3A_770 = vector.broadcast %mul3A_769 : f32 to vector<16xf32>
        %mul3A_771 = arith.mulf %get3A_768, %mul3A_770 : vector<16xf32>
        %add3A_772 = arith.addf %get3A_762, %mul3A_771 : vector<16xf32>
        %swap3A_773 = arith.constant 1 : i32
        %swap3A_774 = arith.index_cast %swap3A_773 : i32 to index
        %swap3A_775 = arith.index_cast %scan3A_183 : i32 to index
        %swap3A_776 = arith.constant 400 : index
        %swap3A_777 = tpu.vector_load %arg6[%swap3A_774, %swap3A_775, %swap3A_776] {strides = array<i32>} : memref<2x32x768xf32, #tpu.memory_space<vmem>>, vector<1x1x16xf32>,
        %swap3A_778 = vector.shape_cast %swap3A_777 : vector<1x1x16xf32> to vector<16xf32>
        %swap3A_779 = vector.shape_cast %add3A_772 : vector<16xf32> to vector<1x1x16xf32>
        tpu.vector_store %arg6[%swap3A_774, %swap3A_775, %swap3A_776], %swap3A_779 {strides = array<i32>} : memref<2x32x768xf32, #tpu.memory_space<vmem>>, vector<1x1x16xf32>,
        %get3A_780 = arith.constant 1 : i32
        %get3A_781 = arith.index_cast %get3A_780 : i32 to index
        %get3A_782 = arith.index_cast %scan3A_183 : i32 to index
        %get3A_783 = arith.constant 416 : index
        %get3A_784 = tpu.vector_load %arg6[%get3A_781, %get3A_782, %get3A_783] {strides = array<i32>} : memref<2x32x768xf32, #tpu.memory_space<vmem>>, vector<1x1x16xf32>,
        %get3A_785 = vector.shape_cast %get3A_784 : vector<1x1x16xf32> to vector<16xf32>
        %get3A_786 = arith.constant 1 : i32
        %get3A_787 = arith.index_cast %get3A_786 : i32 to index
        %get3A_788 = arith.index_cast %scan3A_183 : i32 to index
        %get3A_789 = arith.constant 416 : index
        %get3A_790 = tpu.vector_load %arg7[%get3A_787, %get3A_788, %get3A_789] {strides = array<i32>} : memref<2x32x768xf32, #tpu.memory_space<vmem>>, vector<1x1x16xf32>,
        %get3A_791 = vector.shape_cast %get3A_790 : vector<1x1x16xf32> to vector<16xf32>
        %mul3A_792 = arith.constant 1.000000e-01 : f32
        %mul3A_793 = vector.broadcast %mul3A_792 : f32 to vector<16xf32>
        %mul3A_794 = arith.mulf %get3A_791, %mul3A_793 : vector<16xf32>
        %add3A_795 = arith.addf %get3A_785, %mul3A_794 : vector<16xf32>
        %swap3A_796 = arith.constant 1 : i32
        %swap3A_797 = arith.index_cast %swap3A_796 : i32 to index
        %swap3A_798 = arith.index_cast %scan3A_183 : i32 to index
        %swap3A_799 = arith.constant 416 : index
        %swap3A_800 = tpu.vector_load %arg6[%swap3A_797, %swap3A_798, %swap3A_799] {strides = array<i32>} : memref<2x32x768xf32, #tpu.memory_space<vmem>>, vector<1x1x16xf32>,
        %swap3A_801 = vector.shape_cast %swap3A_800 : vector<1x1x16xf32> to vector<16xf32>
        %swap3A_802 = vector.shape_cast %add3A_795 : vector<16xf32> to vector<1x1x16xf32>
        tpu.vector_store %arg6[%swap3A_797, %swap3A_798, %swap3A_799], %swap3A_802 {strides = array<i32>} : memref<2x32x768xf32, #tpu.memory_space<vmem>>, vector<1x1x16xf32>,
        %get3A_803 = arith.constant 1 : i32
        %get3A_804 = arith.index_cast %get3A_803 : i32 to index
        %get3A_805 = arith.index_cast %scan3A_183 : i32 to index
        %get3A_806 = arith.constant 432 : index
        %get3A_807 = tpu.vector_load %arg6[%get3A_804, %get3A_805, %get3A_806] {strides = array<i32>} : memref<2x32x768xf32, #tpu.memory_space<vmem>>, vector<1x1x16xf32>,
        %get3A_808 = vector.shape_cast %get3A_807 : vector<1x1x16xf32> to vector<16xf32>
        %get3A_809 = arith.constant 1 : i32
        %get3A_810 = arith.index_cast %get3A_809 : i32 to index
        %get3A_811 = arith.index_cast %scan3A_183 : i32 to index
        %get3A_812 = arith.constant 432 : index
        %get3A_813 = tpu.vector_load %arg7[%get3A_810, %get3A_811, %get3A_812] {strides = array<i32>} : memref<2x32x768xf32, #tpu.memory_space<vmem>>, vector<1x1x16xf32>,
        %get3A_814 = vector.shape_cast %get3A_813 : vector<1x1x16xf32> to vector<16xf32>
        %mul3A_815 = arith.constant 1.000000e-01 : f32
        %mul3A_816 = vector.broadcast %mul3A_815 : f32 to vector<16xf32>
        %mul3A_817 = arith.mulf %get3A_814, %mul3A_816 : vector<16xf32>
        %add3A_818 = arith.addf %get3A_808, %mul3A_817 : vector<16xf32>
        %swap3A_819 = arith.constant 1 : i32
        %swap3A_820 = arith.index_cast %swap3A_819 : i32 to index
        %swap3A_821 = arith.index_cast %scan3A_183 : i32 to index
        %swap3A_822 = arith.constant 432 : index
        %swap3A_823 = tpu.vector_load %arg6[%swap3A_820, %swap3A_821, %swap3A_822] {strides = array<i32>} : memref<2x32x768xf32, #tpu.memory_space<vmem>>, vector<1x1x16xf32>,
        %swap3A_824 = vector.shape_cast %swap3A_823 : vector<1x1x16xf32> to vector<16xf32>
        %swap3A_825 = vector.shape_cast %add3A_818 : vector<16xf32> to vector<1x1x16xf32>
        tpu.vector_store %arg6[%swap3A_820, %swap3A_821, %swap3A_822], %swap3A_825 {strides = array<i32>} : memref<2x32x768xf32, #tpu.memory_space<vmem>>, vector<1x1x16xf32>,
        %get3A_826 = arith.constant 1 : i32
        %get3A_827 = arith.index_cast %get3A_826 : i32 to index
        %get3A_828 = arith.index_cast %scan3A_183 : i32 to index
        %get3A_829 = arith.constant 448 : index
        %get3A_830 = tpu.vector_load %arg6[%get3A_827, %get3A_828, %get3A_829] {strides = array<i32>} : memref<2x32x768xf32, #tpu.memory_space<vmem>>, vector<1x1x16xf32>,
        %get3A_831 = vector.shape_cast %get3A_830 : vector<1x1x16xf32> to vector<16xf32>
        %get3A_832 = arith.constant 1 : i32
        %get3A_833 = arith.index_cast %get3A_832 : i32 to index
        %get3A_834 = arith.index_cast %scan3A_183 : i32 to index
        %get3A_835 = arith.constant 448 : index
        %get3A_836 = tpu.vector_load %arg7[%get3A_833, %get3A_834, %get3A_835] {strides = array<i32>} : memref<2x32x768xf32, #tpu.memory_space<vmem>>, vector<1x1x16xf32>,
        %get3A_837 = vector.shape_cast %get3A_836 : vector<1x1x16xf32> to vector<16xf32>
        %mul3A_838 = arith.constant 1.000000e-01 : f32
        %mul3A_839 = vector.broadcast %mul3A_838 : f32 to vector<16xf32>
        %mul3A_840 = arith.mulf %get3A_837, %mul3A_839 : vector<16xf32>
        %add3A_841 = arith.addf %get3A_831, %mul3A_840 : vector<16xf32>
        %swap3A_842 = arith.constant 1 : i32
        %swap3A_843 = arith.index_cast %swap3A_842 : i32 to index
        %swap3A_844 = arith.index_cast %scan3A_183 : i32 to index
        %swap3A_845 = arith.constant 448 : index
        %swap3A_846 = tpu.vector_load %arg6[%swap3A_843, %swap3A_844, %swap3A_845] {strides = array<i32>} : memref<2x32x768xf32, #tpu.memory_space<vmem>>, vector<1x1x16xf32>,
        %swap3A_847 = vector.shape_cast %swap3A_846 : vector<1x1x16xf32> to vector<16xf32>
        %swap3A_848 = vector.shape_cast %add3A_841 : vector<16xf32> to vector<1x1x16xf32>
        tpu.vector_store %arg6[%swap3A_843, %swap3A_844, %swap3A_845], %swap3A_848 {strides = array<i32>} : memref<2x32x768xf32, #tpu.memory_space<vmem>>, vector<1x1x16xf32>,
        %get3A_849 = arith.constant 1 : i32
        %get3A_850 = arith.index_cast %get3A_849 : i32 to index
        %get3A_851 = arith.index_cast %scan3A_183 : i32 to index
        %get3A_852 = arith.constant 464 : index
        %get3A_853 = tpu.vector_load %arg6[%get3A_850, %get3A_851, %get3A_852] {strides = array<i32>} : memref<2x32x768xf32, #tpu.memory_space<vmem>>, vector<1x1x16xf32>,
        %get3A_854 = vector.shape_cast %get3A_853 : vector<1x1x16xf32> to vector<16xf32>
        %get3A_855 = arith.constant 1 : i32
        %get3A_856 = arith.index_cast %get3A_855 : i32 to index
        %get3A_857 = arith.index_cast %scan3A_183 : i32 to index
        %get3A_858 = arith.constant 464 : index
        %get3A_859 = tpu.vector_load %arg7[%get3A_856, %get3A_857, %get3A_858] {strides = array<i32>} : memref<2x32x768xf32, #tpu.memory_space<vmem>>, vector<1x1x16xf32>,
        %get3A_860 = vector.shape_cast %get3A_859 : vector<1x1x16xf32> to vector<16xf32>
        %mul3A_861 = arith.constant 1.000000e-01 : f32
        %mul3A_862 = vector.broadcast %mul3A_861 : f32 to vector<16xf32>
        %mul3A_863 = arith.mulf %get3A_860, %mul3A_862 : vector<16xf32>
        %add3A_864 = arith.addf %get3A_854, %mul3A_863 : vector<16xf32>
        %swap3A_865 = arith.constant 1 : i32
        %swap3A_866 = arith.index_cast %swap3A_865 : i32 to index
        %swap3A_867 = arith.index_cast %scan3A_183 : i32 to index
        %swap3A_868 = arith.constant 464 : index
        %swap3A_869 = tpu.vector_load %arg6[%swap3A_866, %swap3A_867, %swap3A_868] {strides = array<i32>} : memref<2x32x768xf32, #tpu.memory_space<vmem>>, vector<1x1x16xf32>,
        %swap3A_870 = vector.shape_cast %swap3A_869 : vector<1x1x16xf32> to vector<16xf32>
        %swap3A_871 = vector.shape_cast %add3A_864 : vector<16xf32> to vector<1x1x16xf32>
        tpu.vector_store %arg6[%swap3A_866, %swap3A_867, %swap3A_868], %swap3A_871 {strides = array<i32>} : memref<2x32x768xf32, #tpu.memory_space<vmem>>, vector<1x1x16xf32>,
        %get3A_872 = arith.constant 1 : i32
        %get3A_873 = arith.index_cast %get3A_872 : i32 to index
        %get3A_874 = arith.index_cast %scan3A_183 : i32 to index
        %get3A_875 = arith.constant 480 : index
        %get3A_876 = tpu.vector_load %arg6[%get3A_873, %get3A_874, %get3A_875] {strides = array<i32>} : memref<2x32x768xf32, #tpu.memory_space<vmem>>, vector<1x1x16xf32>,
        %get3A_877 = vector.shape_cast %get3A_876 : vector<1x1x16xf32> to vector<16xf32>
        %get3A_878 = arith.constant 1 : i32
        %get3A_879 = arith.index_cast %get3A_878 : i32 to index
        %get3A_880 = arith.index_cast %scan3A_183 : i32 to index
        %get3A_881 = arith.constant 480 : index
        %get3A_882 = tpu.vector_load %arg7[%get3A_879, %get3A_880, %get3A_881] {strides = array<i32>} : memref<2x32x768xf32, #tpu.memory_space<vmem>>, vector<1x1x16xf32>,
        %get3A_883 = vector.shape_cast %get3A_882 : vector<1x1x16xf32> to vector<16xf32>
        %mul3A_884 = arith.constant 1.000000e-01 : f32
        %mul3A_885 = vector.broadcast %mul3A_884 : f32 to vector<16xf32>
        %mul3A_886 = arith.mulf %get3A_883, %mul3A_885 : vector<16xf32>
        %add3A_887 = arith.addf %get3A_877, %mul3A_886 : vector<16xf32>
        %swap3A_888 = arith.constant 1 : i32
        %swap3A_889 = arith.index_cast %swap3A_888 : i32 to index
        %swap3A_890 = arith.index_cast %scan3A_183 : i32 to index
        %swap3A_891 = arith.constant 480 : index
        %swap3A_892 = tpu.vector_load %arg6[%swap3A_889, %swap3A_890, %swap3A_891] {strides = array<i32>} : memref<2x32x768xf32, #tpu.memory_space<vmem>>, vector<1x1x16xf32>,
        %swap3A_893 = vector.shape_cast %swap3A_892 : vector<1x1x16xf32> to vector<16xf32>
        %swap3A_894 = vector.shape_cast %add3A_887 : vector<16xf32> to vector<1x1x16xf32>
        tpu.vector_store %arg6[%swap3A_889, %swap3A_890, %swap3A_891], %swap3A_894 {strides = array<i32>} : memref<2x32x768xf32, #tpu.memory_space<vmem>>, vector<1x1x16xf32>,
        %get3A_895 = arith.constant 1 : i32
        %get3A_896 = arith.index_cast %get3A_895 : i32 to index
        %get3A_897 = arith.index_cast %scan3A_183 : i32 to index
        %get3A_898 = arith.constant 496 : index
        %get3A_899 = tpu.vector_load %arg6[%get3A_896, %get3A_897, %get3A_898] {strides = array<i32>} : memref<2x32x768xf32, #tpu.memory_space<vmem>>, vector<1x1x16xf32>,
        %get3A_900 = vector.shape_cast %get3A_899 : vector<1x1x16xf32> to vector<16xf32>
        %get3A_901 = arith.constant 1 : i32
        %get3A_902 = arith.index_cast %get3A_901 : i32 to index
        %get3A_903 = arith.index_cast %scan3A_183 : i32 to index
        %get3A_904 = arith.constant 496 : index
        %get3A_905 = tpu.vector_load %arg7[%get3A_902, %get3A_903, %get3A_904] {strides = array<i32>} : memref<2x32x768xf32, #tpu.memory_space<vmem>>, vector<1x1x16xf32>,
        %get3A_906 = vector.shape_cast %get3A_905 : vector<1x1x16xf32> to vector<16xf32>
        %mul3A_907 = arith.constant 1.000000e-01 : f32
        %mul3A_908 = vector.broadcast %mul3A_907 : f32 to vector<16xf32>
        %mul3A_909 = arith.mulf %get3A_906, %mul3A_908 : vector<16xf32>
        %add3A_910 = arith.addf %get3A_900, %mul3A_909 : vector<16xf32>
        %swap3A_911 = arith.constant 1 : i32
        %swap3A_912 = arith.index_cast %swap3A_911 : i32 to index
        %swap3A_913 = arith.index_cast %scan3A_183 : i32 to index
        %swap3A_914 = arith.constant 496 : index
        %swap3A_915 = tpu.vector_load %arg6[%swap3A_912, %swap3A_913, %swap3A_914] {strides = array<i32>} : memref<2x32x768xf32, #tpu.memory_space<vmem>>, vector<1x1x16xf32>,
        %swap3A_916 = vector.shape_cast %swap3A_915 : vector<1x1x16xf32> to vector<16xf32>
        %swap3A_917 = vector.shape_cast %add3A_910 : vector<16xf32> to vector<1x1x16xf32>
        tpu.vector_store %arg6[%swap3A_912, %swap3A_913, %swap3A_914], %swap3A_917 {strides = array<i32>} : memref<2x32x768xf32, #tpu.memory_space<vmem>>, vector<1x1x16xf32>,
        %get3A_918 = arith.constant 1 : i32
        %get3A_919 = arith.index_cast %get3A_918 : i32 to index
        %get3A_920 = arith.index_cast %scan3A_183 : i32 to index
        %get3A_921 = arith.constant 512 : index
        %get3A_922 = tpu.vector_load %arg6[%get3A_919, %get3A_920, %get3A_921] {strides = array<i32>} : memref<2x32x768xf32, #tpu.memory_space<vmem>>, vector<1x1x16xf32>,
        %get3A_923 = vector.shape_cast %get3A_922 : vector<1x1x16xf32> to vector<16xf32>
        %get3A_924 = arith.constant 1 : i32
        %get3A_925 = arith.index_cast %get3A_924 : i32 to index
        %get3A_926 = arith.index_cast %scan3A_183 : i32 to index
        %get3A_927 = arith.constant 512 : index
        %get3A_928 = tpu.vector_load %arg7[%get3A_925, %get3A_926, %get3A_927] {strides = array<i32>} : memref<2x32x768xf32, #tpu.memory_space<vmem>>, vector<1x1x16xf32>,
        %get3A_929 = vector.shape_cast %get3A_928 : vector<1x1x16xf32> to vector<16xf32>
        %mul3A_930 = arith.constant 1.000000e-01 : f32
        %mul3A_931 = vector.broadcast %mul3A_930 : f32 to vector<16xf32>
        %mul3A_932 = arith.mulf %get3A_929, %mul3A_931 : vector<16xf32>
        %add3A_933 = arith.addf %get3A_923, %mul3A_932 : vector<16xf32>
        %swap3A_934 = arith.constant 1 : i32
        %swap3A_935 = arith.index_cast %swap3A_934 : i32 to index
        %swap3A_936 = arith.index_cast %scan3A_183 : i32 to index
        %swap3A_937 = arith.constant 512 : index
        %swap3A_938 = tpu.vector_load %arg6[%swap3A_935, %swap3A_936, %swap3A_937] {strides = array<i32>} : memref<2x32x768xf32, #tpu.memory_space<vmem>>, vector<1x1x16xf32>,
        %swap3A_939 = vector.shape_cast %swap3A_938 : vector<1x1x16xf32> to vector<16xf32>
        %swap3A_940 = vector.shape_cast %add3A_933 : vector<16xf32> to vector<1x1x16xf32>
        tpu.vector_store %arg6[%swap3A_935, %swap3A_936, %swap3A_937], %swap3A_940 {strides = array<i32>} : memref<2x32x768xf32, #tpu.memory_space<vmem>>, vector<1x1x16xf32>,
        %get3A_941 = arith.constant 1 : i32
        %get3A_942 = arith.index_cast %get3A_941 : i32 to index
        %get3A_943 = arith.index_cast %scan3A_183 : i32 to index
        %get3A_944 = arith.constant 528 : index
        %get3A_945 = tpu.vector_load %arg6[%get3A_942, %get3A_943, %get3A_944] {strides = array<i32>} : memref<2x32x768xf32, #tpu.memory_space<vmem>>, vector<1x1x16xf32>,
        %get3A_946 = vector.shape_cast %get3A_945 : vector<1x1x16xf32> to vector<16xf32>
        %get3A_947 = arith.constant 1 : i32
        %get3A_948 = arith.index_cast %get3A_947 : i32 to index
        %get3A_949 = arith.index_cast %scan3A_183 : i32 to index
        %get3A_950 = arith.constant 528 : index
        %get3A_951 = tpu.vector_load %arg7[%get3A_948, %get3A_949, %get3A_950] {strides = array<i32>} : memref<2x32x768xf32, #tpu.memory_space<vmem>>, vector<1x1x16xf32>,
        %get3A_952 = vector.shape_cast %get3A_951 : vector<1x1x16xf32> to vector<16xf32>
        %mul3A_953 = arith.constant 1.000000e-01 : f32
        %mul3A_954 = vector.broadcast %mul3A_953 : f32 to vector<16xf32>
        %mul3A_955 = arith.mulf %get3A_952, %mul3A_954 : vector<16xf32>
        %add3A_956 = arith.addf %get3A_946, %mul3A_955 : vector<16xf32>
        %swap3A_957 = arith.constant 1 : i32
        %swap3A_958 = arith.index_cast %swap3A_957 : i32 to index
        %swap3A_959 = arith.index_cast %scan3A_183 : i32 to index
        %swap3A_960 = arith.constant 528 : index
        %swap3A_961 = tpu.vector_load %arg6[%swap3A_958, %swap3A_959, %swap3A_960] {strides = array<i32>} : memref<2x32x768xf32, #tpu.memory_space<vmem>>, vector<1x1x16xf32>,
        %swap3A_962 = vector.shape_cast %swap3A_961 : vector<1x1x16xf32> to vector<16xf32>
        %swap3A_963 = vector.shape_cast %add3A_956 : vector<16xf32> to vector<1x1x16xf32>
        tpu.vector_store %arg6[%swap3A_958, %swap3A_959, %swap3A_960], %swap3A_963 {strides = array<i32>} : memref<2x32x768xf32, #tpu.memory_space<vmem>>, vector<1x1x16xf32>,
        %get3A_964 = arith.constant 1 : i32
        %get3A_965 = arith.index_cast %get3A_964 : i32 to index
        %get3A_966 = arith.index_cast %scan3A_183 : i32 to index
        %get3A_967 = arith.constant 544 : index
        %get3A_968 = tpu.vector_load %arg6[%get3A_965, %get3A_966, %get3A_967] {strides = array<i32>} : memref<2x32x768xf32, #tpu.memory_space<vmem>>, vector<1x1x16xf32>,
        %get3A_969 = vector.shape_cast %get3A_968 : vector<1x1x16xf32> to vector<16xf32>
        %get3A_970 = arith.constant 1 : i32
        %get3A_971 = arith.index_cast %get3A_970 : i32 to index
        %get3A_972 = arith.index_cast %scan3A_183 : i32 to index
        %get3A_973 = arith.constant 544 : index
        %get3A_974 = tpu.vector_load %arg7[%get3A_971, %get3A_972, %get3A_973] {strides = array<i32>} : memref<2x32x768xf32, #tpu.memory_space<vmem>>, vector<1x1x16xf32>,
        %get3A_975 = vector.shape_cast %get3A_974 : vector<1x1x16xf32> to vector<16xf32>
        %mul3A_976 = arith.constant 1.000000e-01 : f32
        %mul3A_977 = vector.broadcast %mul3A_976 : f32 to vector<16xf32>
        %mul3A_978 = arith.mulf %get3A_975, %mul3A_977 : vector<16xf32>
        %add3A_979 = arith.addf %get3A_969, %mul3A_978 : vector<16xf32>
        %swap3A_980 = arith.constant 1 : i32
        %swap3A_981 = arith.index_cast %swap3A_980 : i32 to index
        %swap3A_982 = arith.index_cast %scan3A_183 : i32 to index
        %swap3A_983 = arith.constant 544 : index
        %swap3A_984 = tpu.vector_load %arg6[%swap3A_981, %swap3A_982, %swap3A_983] {strides = array<i32>} : memref<2x32x768xf32, #tpu.memory_space<vmem>>, vector<1x1x16xf32>,
        %swap3A_985 = vector.shape_cast %swap3A_984 : vector<1x1x16xf32> to vector<16xf32>
        %swap3A_986 = vector.shape_cast %add3A_979 : vector<16xf32> to vector<1x1x16xf32>
        tpu.vector_store %arg6[%swap3A_981, %swap3A_982, %swap3A_983], %swap3A_986 {strides = array<i32>} : memref<2x32x768xf32, #tpu.memory_space<vmem>>, vector<1x1x16xf32>,
        %get3A_987 = arith.constant 1 : i32
        %get3A_988 = arith.index_cast %get3A_987 : i32 to index
        %get3A_989 = arith.index_cast %scan3A_183 : i32 to index
        %get3A_990 = arith.constant 560 : index
        %get3A_991 = tpu.vector_load %arg6[%get3A_988, %get3A_989, %get3A_990] {strides = array<i32>} : memref<2x32x768xf32, #tpu.memory_space<vmem>>, vector<1x1x16xf32>,
        %get3A_992 = vector.shape_cast %get3A_991 : vector<1x1x16xf32> to vector<16xf32>
        %get3A_993 = arith.constant 1 : i32
        %get3A_994 = arith.index_cast %get3A_993 : i32 to index
        %get3A_995 = arith.index_cast %scan3A_183 : i32 to index
        %get3A_996 = arith.constant 560 : index
        %get3A_997 = tpu.vector_load %arg7[%get3A_994, %get3A_995, %get3A_996] {strides = array<i32>} : memref<2x32x768xf32, #tpu.memory_space<vmem>>, vector<1x1x16xf32>,
        %get3A_998 = vector.shape_cast %get3A_997 : vector<1x1x16xf32> to vector<16xf32>
        %mul3A_999 = arith.constant 1.000000e-01 : f32
        %mul3A_1000 = vector.broadcast %mul3A_999 : f32 to vector<16xf32>
        %mul3A_1001 = arith.mulf %get3A_998, %mul3A_1000 : vector<16xf32>
        %add3A_1002 = arith.addf %get3A_992, %mul3A_1001 : vector<16xf32>
        %swap3A_1003 = arith.constant 1 : i32
        %swap3A_1004 = arith.index_cast %swap3A_1003 : i32 to index
        %swap3A_1005 = arith.index_cast %scan3A_183 : i32 to index
        %swap3A_1006 = arith.constant 560 : index
        %swap3A_1007 = tpu.vector_load %arg6[%swap3A_1004, %swap3A_1005, %swap3A_1006] {strides = array<i32>} : memref<2x32x768xf32, #tpu.memory_space<vmem>>, vector<1x1x16xf32>,
        %swap3A_1008 = vector.shape_cast %swap3A_1007 : vector<1x1x16xf32> to vector<16xf32>
        %swap3A_1009 = vector.shape_cast %add3A_1002 : vector<16xf32> to vector<1x1x16xf32>
        tpu.vector_store %arg6[%swap3A_1004, %swap3A_1005, %swap3A_1006], %swap3A_1009 {strides = array<i32>} : memref<2x32x768xf32, #tpu.memory_space<vmem>>, vector<1x1x16xf32>,
        %get3A_1010 = arith.constant 1 : i32
        %get3A_1011 = arith.index_cast %get3A_1010 : i32 to index
        %get3A_1012 = arith.index_cast %scan3A_183 : i32 to index
        %get3A_1013 = arith.constant 576 : index
        %get3A_1014 = tpu.vector_load %arg6[%get3A_1011, %get3A_1012, %get3A_1013] {strides = array<i32>} : memref<2x32x768xf32, #tpu.memory_space<vmem>>, vector<1x1x16xf32>,
        %get3A_1015 = vector.shape_cast %get3A_1014 : vector<1x1x16xf32> to vector<16xf32>
        %get3A_1016 = arith.constant 1 : i32
        %get3A_1017 = arith.index_cast %get3A_1016 : i32 to index
        %get3A_1018 = arith.index_cast %scan3A_183 : i32 to index
        %get3A_1019 = arith.constant 576 : index
        %get3A_1020 = tpu.vector_load %arg7[%get3A_1017, %get3A_1018, %get3A_1019] {strides = array<i32>} : memref<2x32x768xf32, #tpu.memory_space<vmem>>, vector<1x1x16xf32>,
        %get3A_1021 = vector.shape_cast %get3A_1020 : vector<1x1x16xf32> to vector<16xf32>
        %mul3A_1022 = arith.constant 1.000000e-01 : f32
        %mul3A_1023 = vector.broadcast %mul3A_1022 : f32 to vector<16xf32>
        %mul3A_1024 = arith.mulf %get3A_1021, %mul3A_1023 : vector<16xf32>
        %add3A_1025 = arith.addf %get3A_1015, %mul3A_1024 : vector<16xf32>
        %swap3A_1026 = arith.constant 1 : i32
        %swap3A_1027 = arith.index_cast %swap3A_1026 : i32 to index
        %swap3A_1028 = arith.index_cast %scan3A_183 : i32 to index
        %swap3A_1029 = arith.constant 576 : index
        %swap3A_1030 = tpu.vector_load %arg6[%swap3A_1027, %swap3A_1028, %swap3A_1029] {strides = array<i32>} : memref<2x32x768xf32, #tpu.memory_space<vmem>>, vector<1x1x16xf32>,
        %swap3A_1031 = vector.shape_cast %swap3A_1030 : vector<1x1x16xf32> to vector<16xf32>
        %swap3A_1032 = vector.shape_cast %add3A_1025 : vector<16xf32> to vector<1x1x16xf32>
        tpu.vector_store %arg6[%swap3A_1027, %swap3A_1028, %swap3A_1029], %swap3A_1032 {strides = array<i32>} : memref<2x32x768xf32, #tpu.memory_space<vmem>>, vector<1x1x16xf32>,
        %get3A_1033 = arith.constant 1 : i32
        %get3A_1034 = arith.index_cast %get3A_1033 : i32 to index
        %get3A_1035 = arith.index_cast %scan3A_183 : i32 to index
        %get3A_1036 = arith.constant 592 : index
        %get3A_1037 = tpu.vector_load %arg6[%get3A_1034, %get3A_1035, %get3A_1036] {strides = array<i32>} : memref<2x32x768xf32, #tpu.memory_space<vmem>>, vector<1x1x16xf32>,
        %get3A_1038 = vector.shape_cast %get3A_1037 : vector<1x1x16xf32> to vector<16xf32>
        %get3A_1039 = arith.constant 1 : i32
        %get3A_1040 = arith.index_cast %get3A_1039 : i32 to index
        %get3A_1041 = arith.index_cast %scan3A_183 : i32 to index
        %get3A_1042 = arith.constant 592 : index
        %get3A_1043 = tpu.vector_load %arg7[%get3A_1040, %get3A_1041, %get3A_1042] {strides = array<i32>} : memref<2x32x768xf32, #tpu.memory_space<vmem>>, vector<1x1x16xf32>,
        %get3A_1044 = vector.shape_cast %get3A_1043 : vector<1x1x16xf32> to vector<16xf32>
        %mul3A_1045 = arith.constant 1.000000e-01 : f32
        %mul3A_1046 = vector.broadcast %mul3A_1045 : f32 to vector<16xf32>
        %mul3A_1047 = arith.mulf %get3A_1044, %mul3A_1046 : vector<16xf32>
        %add3A_1048 = arith.addf %get3A_1038, %mul3A_1047 : vector<16xf32>
        %swap3A_1049 = arith.constant 1 : i32
        %swap3A_1050 = arith.index_cast %swap3A_1049 : i32 to index
        %swap3A_1051 = arith.index_cast %scan3A_183 : i32 to index
        %swap3A_1052 = arith.constant 592 : index
        %swap3A_1053 = tpu.vector_load %arg6[%swap3A_1050, %swap3A_1051, %swap3A_1052] {strides = array<i32>} : memref<2x32x768xf32, #tpu.memory_space<vmem>>, vector<1x1x16xf32>,
        %swap3A_1054 = vector.shape_cast %swap3A_1053 : vector<1x1x16xf32> to vector<16xf32>
        %swap3A_1055 = vector.shape_cast %add3A_1048 : vector<16xf32> to vector<1x1x16xf32>
        tpu.vector_store %arg6[%swap3A_1050, %swap3A_1051, %swap3A_1052], %swap3A_1055 {strides = array<i32>} : memref<2x32x768xf32, #tpu.memory_space<vmem>>, vector<1x1x16xf32>,
        %get3A_1056 = arith.constant 1 : i32
        %get3A_1057 = arith.index_cast %get3A_1056 : i32 to index
        %get3A_1058 = arith.index_cast %scan3A_183 : i32 to index
        %get3A_1059 = arith.constant 608 : index
        %get3A_1060 = tpu.vector_load %arg6[%get3A_1057, %get3A_1058, %get3A_1059] {strides = array<i32>} : memref<2x32x768xf32, #tpu.memory_space<vmem>>, vector<1x1x16xf32>,
        %get3A_1061 = vector.shape_cast %get3A_1060 : vector<1x1x16xf32> to vector<16xf32>
        %get3A_1062 = arith.constant 1 : i32
        %get3A_1063 = arith.index_cast %get3A_1062 : i32 to index
        %get3A_1064 = arith.index_cast %scan3A_183 : i32 to index
        %get3A_1065 = arith.constant 608 : index
        %get3A_1066 = tpu.vector_load %arg7[%get3A_1063, %get3A_1064, %get3A_1065] {strides = array<i32>} : memref<2x32x768xf32, #tpu.memory_space<vmem>>, vector<1x1x16xf32>,
        %get3A_1067 = vector.shape_cast %get3A_1066 : vector<1x1x16xf32> to vector<16xf32>
        %mul3A_1068 = arith.constant 1.000000e-01 : f32
        %mul3A_1069 = vector.broadcast %mul3A_1068 : f32 to vector<16xf32>
        %mul3A_1070 = arith.mulf %get3A_1067, %mul3A_1069 : vector<16xf32>
        %add3A_1071 = arith.addf %get3A_1061, %mul3A_1070 : vector<16xf32>
        %swap3A_1072 = arith.constant 1 : i32
        %swap3A_1073 = arith.index_cast %swap3A_1072 : i32 to index
        %swap3A_1074 = arith.index_cast %scan3A_183 : i32 to index
        %swap3A_1075 = arith.constant 608 : index
        %swap3A_1076 = tpu.vector_load %arg6[%swap3A_1073, %swap3A_1074, %swap3A_1075] {strides = array<i32>} : memref<2x32x768xf32, #tpu.memory_space<vmem>>, vector<1x1x16xf32>,
        %swap3A_1077 = vector.shape_cast %swap3A_1076 : vector<1x1x16xf32> to vector<16xf32>
        %swap3A_1078 = vector.shape_cast %add3A_1071 : vector<16xf32> to vector<1x1x16xf32>
        tpu.vector_store %arg6[%swap3A_1073, %swap3A_1074, %swap3A_1075], %swap3A_1078 {strides = array<i32>} : memref<2x32x768xf32, #tpu.memory_space<vmem>>, vector<1x1x16xf32>,
        %get3A_1079 = arith.constant 1 : i32
        %get3A_1080 = arith.index_cast %get3A_1079 : i32 to index
        %get3A_1081 = arith.index_cast %scan3A_183 : i32 to index
        %get3A_1082 = arith.constant 624 : index
        %get3A_1083 = tpu.vector_load %arg6[%get3A_1080, %get3A_1081, %get3A_1082] {strides = array<i32>} : memref<2x32x768xf32, #tpu.memory_space<vmem>>, vector<1x1x16xf32>,
        %get3A_1084 = vector.shape_cast %get3A_1083 : vector<1x1x16xf32> to vector<16xf32>
        %get3A_1085 = arith.constant 1 : i32
        %get3A_1086 = arith.index_cast %get3A_1085 : i32 to index
        %get3A_1087 = arith.index_cast %scan3A_183 : i32 to index
        %get3A_1088 = arith.constant 624 : index
        %get3A_1089 = tpu.vector_load %arg7[%get3A_1086, %get3A_1087, %get3A_1088] {strides = array<i32>} : memref<2x32x768xf32, #tpu.memory_space<vmem>>, vector<1x1x16xf32>,
        %get3A_1090 = vector.shape_cast %get3A_1089 : vector<1x1x16xf32> to vector<16xf32>
        %mul3A_1091 = arith.constant 1.000000e-01 : f32
        %mul3A_1092 = vector.broadcast %mul3A_1091 : f32 to vector<16xf32>
        %mul3A_1093 = arith.mulf %get3A_1090, %mul3A_1092 : vector<16xf32>
        %add3A_1094 = arith.addf %get3A_1084, %mul3A_1093 : vector<16xf32>
        %swap3A_1095 = arith.constant 1 : i32
        %swap3A_1096 = arith.index_cast %swap3A_1095 : i32 to index
        %swap3A_1097 = arith.index_cast %scan3A_183 : i32 to index
        %swap3A_1098 = arith.constant 624 : index
        %swap3A_1099 = tpu.vector_load %arg6[%swap3A_1096, %swap3A_1097, %swap3A_1098] {strides = array<i32>} : memref<2x32x768xf32, #tpu.memory_space<vmem>>, vector<1x1x16xf32>,
        %swap3A_1100 = vector.shape_cast %swap3A_1099 : vector<1x1x16xf32> to vector<16xf32>
        %swap3A_1101 = vector.shape_cast %add3A_1094 : vector<16xf32> to vector<1x1x16xf32>
        tpu.vector_store %arg6[%swap3A_1096, %swap3A_1097, %swap3A_1098], %swap3A_1101 {strides = array<i32>} : memref<2x32x768xf32, #tpu.memory_space<vmem>>, vector<1x1x16xf32>,
        %get3A_1102 = arith.constant 1 : i32
        %get3A_1103 = arith.index_cast %get3A_1102 : i32 to index
        %get3A_1104 = arith.index_cast %scan3A_183 : i32 to index
        %get3A_1105 = arith.constant 640 : index
        %get3A_1106 = tpu.vector_load %arg6[%get3A_1103, %get3A_1104, %get3A_1105] {strides = array<i32>} : memref<2x32x768xf32, #tpu.memory_space<vmem>>, vector<1x1x16xf32>,
        %get3A_1107 = vector.shape_cast %get3A_1106 : vector<1x1x16xf32> to vector<16xf32>
        %get3A_1108 = arith.constant 1 : i32
        %get3A_1109 = arith.index_cast %get3A_1108 : i32 to index
        %get3A_1110 = arith.index_cast %scan3A_183 : i32 to index
        %get3A_1111 = arith.constant 640 : index
        %get3A_1112 = tpu.vector_load %arg7[%get3A_1109, %get3A_1110, %get3A_1111] {strides = array<i32>} : memref<2x32x768xf32, #tpu.memory_space<vmem>>, vector<1x1x16xf32>,
        %get3A_1113 = vector.shape_cast %get3A_1112 : vector<1x1x16xf32> to vector<16xf32>
        %mul3A_1114 = arith.constant 1.000000e-01 : f32
        %mul3A_1115 = vector.broadcast %mul3A_1114 : f32 to vector<16xf32>
        %mul3A_1116 = arith.mulf %get3A_1113, %mul3A_1115 : vector<16xf32>
        %add3A_1117 = arith.addf %get3A_1107, %mul3A_1116 : vector<16xf32>
        %swap3A_1118 = arith.constant 1 : i32
        %swap3A_1119 = arith.index_cast %swap3A_1118 : i32 to index
        %swap3A_1120 = arith.index_cast %scan3A_183 : i32 to index
        %swap3A_1121 = arith.constant 640 : index
        %swap3A_1122 = tpu.vector_load %arg6[%swap3A_1119, %swap3A_1120, %swap3A_1121] {strides = array<i32>} : memref<2x32x768xf32, #tpu.memory_space<vmem>>, vector<1x1x16xf32>,
        %swap3A_1123 = vector.shape_cast %swap3A_1122 : vector<1x1x16xf32> to vector<16xf32>
        %swap3A_1124 = vector.shape_cast %add3A_1117 : vector<16xf32> to vector<1x1x16xf32>
        tpu.vector_store %arg6[%swap3A_1119, %swap3A_1120, %swap3A_1121], %swap3A_1124 {strides = array<i32>} : memref<2x32x768xf32, #tpu.memory_space<vmem>>, vector<1x1x16xf32>,
        %get3A_1125 = arith.constant 1 : i32
        %get3A_1126 = arith.index_cast %get3A_1125 : i32 to index
        %get3A_1127 = arith.index_cast %scan3A_183 : i32 to index
        %get3A_1128 = arith.constant 656 : index
        %get3A_1129 = tpu.vector_load %arg6[%get3A_1126, %get3A_1127, %get3A_1128] {strides = array<i32>} : memref<2x32x768xf32, #tpu.memory_space<vmem>>, vector<1x1x16xf32>,
        %get3A_1130 = vector.shape_cast %get3A_1129 : vector<1x1x16xf32> to vector<16xf32>
        %get3A_1131 = arith.constant 1 : i32
        %get3A_1132 = arith.index_cast %get3A_1131 : i32 to index
        %get3A_1133 = arith.index_cast %scan3A_183 : i32 to index
        %get3A_1134 = arith.constant 656 : index
        %get3A_1135 = tpu.vector_load %arg7[%get3A_1132, %get3A_1133, %get3A_1134] {strides = array<i32>} : memref<2x32x768xf32, #tpu.memory_space<vmem>>, vector<1x1x16xf32>,
        %get3A_1136 = vector.shape_cast %get3A_1135 : vector<1x1x16xf32> to vector<16xf32>
        %mul3A_1137 = arith.constant 1.000000e-01 : f32
        %mul3A_1138 = vector.broadcast %mul3A_1137 : f32 to vector<16xf32>
        %mul3A_1139 = arith.mulf %get3A_1136, %mul3A_1138 : vector<16xf32>
        %add3A_1140 = arith.addf %get3A_1130, %mul3A_1139 : vector<16xf32>
        %swap3A_1141 = arith.constant 1 : i32
        %swap3A_1142 = arith.index_cast %swap3A_1141 : i32 to index
        %swap3A_1143 = arith.index_cast %scan3A_183 : i32 to index
        %swap3A_1144 = arith.constant 656 : index
        %swap3A_1145 = tpu.vector_load %arg6[%swap3A_1142, %swap3A_1143, %swap3A_1144] {strides = array<i32>} : memref<2x32x768xf32, #tpu.memory_space<vmem>>, vector<1x1x16xf32>,
        %swap3A_1146 = vector.shape_cast %swap3A_1145 : vector<1x1x16xf32> to vector<16xf32>
        %swap3A_1147 = vector.shape_cast %add3A_1140 : vector<16xf32> to vector<1x1x16xf32>
        tpu.vector_store %arg6[%swap3A_1142, %swap3A_1143, %swap3A_1144], %swap3A_1147 {strides = array<i32>} : memref<2x32x768xf32, #tpu.memory_space<vmem>>, vector<1x1x16xf32>,
        %get3A_1148 = arith.constant 1 : i32
        %get3A_1149 = arith.index_cast %get3A_1148 : i32 to index
        %get3A_1150 = arith.index_cast %scan3A_183 : i32 to index
        %get3A_1151 = arith.constant 672 : index
        %get3A_1152 = tpu.vector_load %arg6[%get3A_1149, %get3A_1150, %get3A_1151] {strides = array<i32>} : memref<2x32x768xf32, #tpu.memory_space<vmem>>, vector<1x1x16xf32>,
        %get3A_1153 = vector.shape_cast %get3A_1152 : vector<1x1x16xf32> to vector<16xf32>
        %get3A_1154 = arith.constant 1 : i32
        %get3A_1155 = arith.index_cast %get3A_1154 : i32 to index
        %get3A_1156 = arith.index_cast %scan3A_183 : i32 to index
        %get3A_1157 = arith.constant 672 : index
        %get3A_1158 = tpu.vector_load %arg7[%get3A_1155, %get3A_1156, %get3A_1157] {strides = array<i32>} : memref<2x32x768xf32, #tpu.memory_space<vmem>>, vector<1x1x16xf32>,
        %get3A_1159 = vector.shape_cast %get3A_1158 : vector<1x1x16xf32> to vector<16xf32>
        %mul3A_1160 = arith.constant 1.000000e-01 : f32
        %mul3A_1161 = vector.broadcast %mul3A_1160 : f32 to vector<16xf32>
        %mul3A_1162 = arith.mulf %get3A_1159, %mul3A_1161 : vector<16xf32>
        %add3A_1163 = arith.addf %get3A_1153, %mul3A_1162 : vector<16xf32>
        %swap3A_1164 = arith.constant 1 : i32
        %swap3A_1165 = arith.index_cast %swap3A_1164 : i32 to index
        %swap3A_1166 = arith.index_cast %scan3A_183 : i32 to index
        %swap3A_1167 = arith.constant 672 : index
        %swap3A_1168 = tpu.vector_load %arg6[%swap3A_1165, %swap3A_1166, %swap3A_1167] {strides = array<i32>} : memref<2x32x768xf32, #tpu.memory_space<vmem>>, vector<1x1x16xf32>,
        %swap3A_1169 = vector.shape_cast %swap3A_1168 : vector<1x1x16xf32> to vector<16xf32>
        %swap3A_1170 = vector.shape_cast %add3A_1163 : vector<16xf32> to vector<1x1x16xf32>
        tpu.vector_store %arg6[%swap3A_1165, %swap3A_1166, %swap3A_1167], %swap3A_1170 {strides = array<i32>} : memref<2x32x768xf32, #tpu.memory_space<vmem>>, vector<1x1x16xf32>,
        %get3A_1171 = arith.constant 1 : i32
        %get3A_1172 = arith.index_cast %get3A_1171 : i32 to index
        %get3A_1173 = arith.index_cast %scan3A_183 : i32 to index
        %get3A_1174 = arith.constant 688 : index
        %get3A_1175 = tpu.vector_load %arg6[%get3A_1172, %get3A_1173, %get3A_1174] {strides = array<i32>} : memref<2x32x768xf32, #tpu.memory_space<vmem>>, vector<1x1x16xf32>,
        %get3A_1176 = vector.shape_cast %get3A_1175 : vector<1x1x16xf32> to vector<16xf32>
        %get3A_1177 = arith.constant 1 : i32
        %get3A_1178 = arith.index_cast %get3A_1177 : i32 to index
        %get3A_1179 = arith.index_cast %scan3A_183 : i32 to index
        %get3A_1180 = arith.constant 688 : index
        %get3A_1181 = tpu.vector_load %arg7[%get3A_1178, %get3A_1179, %get3A_1180] {strides = array<i32>} : memref<2x32x768xf32, #tpu.memory_space<vmem>>, vector<1x1x16xf32>,
        %get3A_1182 = vector.shape_cast %get3A_1181 : vector<1x1x16xf32> to vector<16xf32>
        %mul3A_1183 = arith.constant 1.000000e-01 : f32
        %mul3A_1184 = vector.broadcast %mul3A_1183 : f32 to vector<16xf32>
        %mul3A_1185 = arith.mulf %get3A_1182, %mul3A_1184 : vector<16xf32>
        %add3A_1186 = arith.addf %get3A_1176, %mul3A_1185 : vector<16xf32>
        %swap3A_1187 = arith.constant 1 : i32
        %swap3A_1188 = arith.index_cast %swap3A_1187 : i32 to index
        %swap3A_1189 = arith.index_cast %scan3A_183 : i32 to index
        %swap3A_1190 = arith.constant 688 : index
        %swap3A_1191 = tpu.vector_load %arg6[%swap3A_1188, %swap3A_1189, %swap3A_1190] {strides = array<i32>} : memref<2x32x768xf32, #tpu.memory_space<vmem>>, vector<1x1x16xf32>,
        %swap3A_1192 = vector.shape_cast %swap3A_1191 : vector<1x1x16xf32> to vector<16xf32>
        %swap3A_1193 = vector.shape_cast %add3A_1186 : vector<16xf32> to vector<1x1x16xf32>
        tpu.vector_store %arg6[%swap3A_1188, %swap3A_1189, %swap3A_1190], %swap3A_1193 {strides = array<i32>} : memref<2x32x768xf32, #tpu.memory_space<vmem>>, vector<1x1x16xf32>,
        %get3A_1194 = arith.constant 1 : i32
        %get3A_1195 = arith.index_cast %get3A_1194 : i32 to index
        %get3A_1196 = arith.index_cast %scan3A_183 : i32 to index
        %get3A_1197 = arith.constant 704 : index
        %get3A_1198 = tpu.vector_load %arg6[%get3A_1195, %get3A_1196, %get3A_1197] {strides = array<i32>} : memref<2x32x768xf32, #tpu.memory_space<vmem>>, vector<1x1x16xf32>,
        %get3A_1199 = vector.shape_cast %get3A_1198 : vector<1x1x16xf32> to vector<16xf32>
        %get3A_1200 = arith.constant 1 : i32
        %get3A_1201 = arith.index_cast %get3A_1200 : i32 to index
        %get3A_1202 = arith.index_cast %scan3A_183 : i32 to index
        %get3A_1203 = arith.constant 704 : index
        %get3A_1204 = tpu.vector_load %arg7[%get3A_1201, %get3A_1202, %get3A_1203] {strides = array<i32>} : memref<2x32x768xf32, #tpu.memory_space<vmem>>, vector<1x1x16xf32>,
        %get3A_1205 = vector.shape_cast %get3A_1204 : vector<1x1x16xf32> to vector<16xf32>
        %mul3A_1206 = arith.constant 1.000000e-01 : f32
        %mul3A_1207 = vector.broadcast %mul3A_1206 : f32 to vector<16xf32>
        %mul3A_1208 = arith.mulf %get3A_1205, %mul3A_1207 : vector<16xf32>
        %add3A_1209 = arith.addf %get3A_1199, %mul3A_1208 : vector<16xf32>
        %swap3A_1210 = arith.constant 1 : i32
        %swap3A_1211 = arith.index_cast %swap3A_1210 : i32 to index
        %swap3A_1212 = arith.index_cast %scan3A_183 : i32 to index
        %swap3A_1213 = arith.constant 704 : index
        %swap3A_1214 = tpu.vector_load %arg6[%swap3A_1211, %swap3A_1212, %swap3A_1213] {strides = array<i32>} : memref<2x32x768xf32, #tpu.memory_space<vmem>>, vector<1x1x16xf32>,
        %swap3A_1215 = vector.shape_cast %swap3A_1214 : vector<1x1x16xf32> to vector<16xf32>
        %swap3A_1216 = vector.shape_cast %add3A_1209 : vector<16xf32> to vector<1x1x16xf32>
        tpu.vector_store %arg6[%swap3A_1211, %swap3A_1212, %swap3A_1213], %swap3A_1216 {strides = array<i32>} : memref<2x32x768xf32, #tpu.memory_space<vmem>>, vector<1x1x16xf32>,
        %get3A_1217 = arith.constant 1 : i32
        %get3A_1218 = arith.index_cast %get3A_1217 : i32 to index
        %get3A_1219 = arith.index_cast %scan3A_183 : i32 to index
        %get3A_1220 = arith.constant 720 : index
        %get3A_1221 = tpu.vector_load %arg6[%get3A_1218, %get3A_1219, %get3A_1220] {strides = array<i32>} : memref<2x32x768xf32, #tpu.memory_space<vmem>>, vector<1x1x16xf32>,
        %get3A_1222 = vector.shape_cast %get3A_1221 : vector<1x1x16xf32> to vector<16xf32>
        %get3A_1223 = arith.constant 1 : i32
        %get3A_1224 = arith.index_cast %get3A_1223 : i32 to index
        %get3A_1225 = arith.index_cast %scan3A_183 : i32 to index
        %get3A_1226 = arith.constant 720 : index
        %get3A_1227 = tpu.vector_load %arg7[%get3A_1224, %get3A_1225, %get3A_1226] {strides = array<i32>} : memref<2x32x768xf32, #tpu.memory_space<vmem>>, vector<1x1x16xf32>,
        %get3A_1228 = vector.shape_cast %get3A_1227 : vector<1x1x16xf32> to vector<16xf32>
        %mul3A_1229 = arith.constant 1.000000e-01 : f32
        %mul3A_1230 = vector.broadcast %mul3A_1229 : f32 to vector<16xf32>
        %mul3A_1231 = arith.mulf %get3A_1228, %mul3A_1230 : vector<16xf32>
        %add3A_1232 = arith.addf %get3A_1222, %mul3A_1231 : vector<16xf32>
        %swap3A_1233 = arith.constant 1 : i32
        %swap3A_1234 = arith.index_cast %swap3A_1233 : i32 to index
        %swap3A_1235 = arith.index_cast %scan3A_183 : i32 to index
        %swap3A_1236 = arith.constant 720 : index
        %swap3A_1237 = tpu.vector_load %arg6[%swap3A_1234, %swap3A_1235, %swap3A_1236] {strides = array<i32>} : memref<2x32x768xf32, #tpu.memory_space<vmem>>, vector<1x1x16xf32>,
        %swap3A_1238 = vector.shape_cast %swap3A_1237 : vector<1x1x16xf32> to vector<16xf32>
        %swap3A_1239 = vector.shape_cast %add3A_1232 : vector<16xf32> to vector<1x1x16xf32>
        tpu.vector_store %arg6[%swap3A_1234, %swap3A_1235, %swap3A_1236], %swap3A_1239 {strides = array<i32>} : memref<2x32x768xf32, #tpu.memory_space<vmem>>, vector<1x1x16xf32>,
        %get3A_1240 = arith.constant 1 : i32
        %get3A_1241 = arith.index_cast %get3A_1240 : i32 to index
        %get3A_1242 = arith.index_cast %scan3A_183 : i32 to index
        %get3A_1243 = arith.constant 736 : index
        %get3A_1244 = tpu.vector_load %arg6[%get3A_1241, %get3A_1242, %get3A_1243] {strides = array<i32>} : memref<2x32x768xf32, #tpu.memory_space<vmem>>, vector<1x1x16xf32>,
        %get3A_1245 = vector.shape_cast %get3A_1244 : vector<1x1x16xf32> to vector<16xf32>
        %get3A_1246 = arith.constant 1 : i32
        %get3A_1247 = arith.index_cast %get3A_1246 : i32 to index
        %get3A_1248 = arith.index_cast %scan3A_183 : i32 to index
        %get3A_1249 = arith.constant 736 : index
        %get3A_1250 = tpu.vector_load %arg7[%get3A_1247, %get3A_1248, %get3A_1249] {strides = array<i32>} : memref<2x32x768xf32, #tpu.memory_space<vmem>>, vector<1x1x16xf32>,
        %get3A_1251 = vector.shape_cast %get3A_1250 : vector<1x1x16xf32> to vector<16xf32>
        %mul3A_1252 = arith.constant 1.000000e-01 : f32
        %mul3A_1253 = vector.broadcast %mul3A_1252 : f32 to vector<16xf32>
        %mul3A_1254 = arith.mulf %get3A_1251, %mul3A_1253 : vector<16xf32>
        %add3A_1255 = arith.addf %get3A_1245, %mul3A_1254 : vector<16xf32>
        %swap3A_1256 = arith.constant 1 : i32
        %swap3A_1257 = arith.index_cast %swap3A_1256 : i32 to index
        %swap3A_1258 = arith.index_cast %scan3A_183 : i32 to index
        %swap3A_1259 = arith.constant 736 : index
        %swap3A_1260 = tpu.vector_load %arg6[%swap3A_1257, %swap3A_1258, %swap3A_1259] {strides = array<i32>} : memref<2x32x768xf32, #tpu.memory_space<vmem>>, vector<1x1x16xf32>,
        %swap3A_1261 = vector.shape_cast %swap3A_1260 : vector<1x1x16xf32> to vector<16xf32>
        %swap3A_1262 = vector.shape_cast %add3A_1255 : vector<16xf32> to vector<1x1x16xf32>
        tpu.vector_store %arg6[%swap3A_1257, %swap3A_1258, %swap3A_1259], %swap3A_1262 {strides = array<i32>} : memref<2x32x768xf32, #tpu.memory_space<vmem>>, vector<1x1x16xf32>,
        %get3A_1263 = arith.constant 1 : i32
        %get3A_1264 = arith.index_cast %get3A_1263 : i32 to index
        %get3A_1265 = arith.index_cast %scan3A_183 : i32 to index
        %get3A_1266 = arith.constant 752 : index
        %get3A_1267 = tpu.vector_load %arg6[%get3A_1264, %get3A_1265, %get3A_1266] {strides = array<i32>} : memref<2x32x768xf32, #tpu.memory_space<vmem>>, vector<1x1x16xf32>,
        %get3A_1268 = vector.shape_cast %get3A_1267 : vector<1x1x16xf32> to vector<16xf32>
        %get3A_1269 = arith.constant 1 : i32
        %get3A_1270 = arith.index_cast %get3A_1269 : i32 to index
        %get3A_1271 = arith.index_cast %scan3A_183 : i32 to index
        %get3A_1272 = arith.constant 752 : index
        %get3A_1273 = tpu.vector_load %arg7[%get3A_1270, %get3A_1271, %get3A_1272] {strides = array<i32>} : memref<2x32x768xf32, #tpu.memory_space<vmem>>, vector<1x1x16xf32>,
        %get3A_1274 = vector.shape_cast %get3A_1273 : vector<1x1x16xf32> to vector<16xf32>
        %mul3A_1275 = arith.constant 1.000000e-01 : f32
        %mul3A_1276 = vector.broadcast %mul3A_1275 : f32 to vector<16xf32>
        %mul3A_1277 = arith.mulf %get3A_1274, %mul3A_1276 : vector<16xf32>
        %add3A_1278 = arith.addf %get3A_1268, %mul3A_1277 : vector<16xf32>
        %swap3A_1279 = arith.constant 1 : i32
        %swap3A_1280 = arith.index_cast %swap3A_1279 : i32 to index
        %swap3A_1281 = arith.index_cast %scan3A_183 : i32 to index
        %swap3A_1282 = arith.constant 752 : index
        %swap3A_1283 = tpu.vector_load %arg6[%swap3A_1280, %swap3A_1281, %swap3A_1282] {strides = array<i32>} : memref<2x32x768xf32, #tpu.memory_space<vmem>>, vector<1x1x16xf32>,
        %swap3A_1284 = vector.shape_cast %swap3A_1283 : vector<1x1x16xf32> to vector<16xf32>
        %swap3A_1285 = vector.shape_cast %add3A_1278 : vector<16xf32> to vector<1x1x16xf32>
        tpu.vector_store %arg6[%swap3A_1280, %swap3A_1281, %swap3A_1282], %swap3A_1285 {strides = array<i32>} : memref<2x32x768xf32, #tpu.memory_space<vmem>>, vector<1x1x16xf32>,
      }
      %scan3A_166 = arith.constant 32 : i32
      %mul3A_167 = arith.constant 32 : i32
      %mul3A_168 = arith.muli %add3A_125, %mul3A_167 : i32
      %add3A_169 = arith.addi %mul3A_2, %mul3A_168 : i32
      %dma_start3A_170 = arith.constant 1 : i32
      %dma_start3A_171 = arith.constant 0 : i32
      %dma_start3A_172 = arith.constant 0 : i32
      %dma_start3A_173 = tpu.memref_slice %arg6[%dma_start3A_170, %dma_start3A_171, %dma_start3A_172] : memref<2x32x768xf32, #tpu.memory_space<vmem>> -> memref<1x32x768xf32, #tpu.memory_space<vmem>>
      %dma_start3A_174 = tpu.memref_squeeze %dma_start3A_173 : memref<1x32x768xf32, #tpu.memory_space<vmem>> -> memref<32x768xf32, #tpu.memory_space<vmem>>
      %dma_start3A_175 = arith.constant 0 : i32
      %dma_start3A_176 = tpu.memref_slice %arg5[%add3A_169, %dma_start3A_175] : memref<16384x768xf32, #tpu.memory_space<hbm>> -> memref<32x768xf32, #tpu.memory_space<hbm>>
      %dma_start3A_177 = arith.constant 0 : i32
      %dma_start3A_178 = tpu.memref_slice %arg5[%add3A_169, %dma_start3A_177] : memref<16384x768xf32, #tpu.memory_space<hbm>> -> memref<32x768xf32, #tpu.memory_space<hbm>>
      %dma_start3A_179 = arith.constant 0 : i32
      %dma_start3A_180 = arith.constant 0 : i32
      %dma_start3A_181 = tpu.memref_slice %arg6[%dma_start3A_170, %dma_start3A_179, %dma_start3A_180] : memref<2x32x768xf32, #tpu.memory_space<vmem>> -> memref<1x32x768xf32, #tpu.memory_space<vmem>>
      %dma_start3A_182 = tpu.memref_squeeze %dma_start3A_181 : memref<1x32x768xf32, #tpu.memory_space<vmem>> -> memref<32x768xf32, #tpu.memory_space<vmem>>
      tpu.enqueue_dma source(%dma_start3A_182 : memref<32x768xf32, #tpu.memory_space<vmem>>) target(%dma_start3A_178 : memref<32x768xf32, #tpu.memory_space<hbm>>) target_semaphore(%arg14 : memref<!tpu.dma_semaphore, #tpu.memory_space<semaphore_mem>>)
    }
    %scan3A_33 = arith.constant 8 : i32
    %add3A_34 = arith.constant 448 : i32
    %add3A_35 = arith.addi %mul3A_2, %add3A_34 : i32
    %dma_wait3A = arith.constant 0 : i32
    %dma_wait3A_36 = arith.constant 0 : i32
    %dma_wait3A_37 = arith.constant 0 : i32
    %dma_wait3A_38 = tpu.memref_slice %arg6[%dma_wait3A, %dma_wait3A_36, %dma_wait3A_37] : memref<2x32x768xf32, #tpu.memory_space<vmem>> -> memref<1x32x768xf32, #tpu.memory_space<vmem>>
    %dma_wait3A_39 = tpu.memref_squeeze %dma_wait3A_38 : memref<1x32x768xf32, #tpu.memory_space<vmem>> -> memref<32x768xf32, #tpu.memory_space<vmem>>
    %dma_wait3A_40 = arith.constant 0 : i32
    %dma_wait3A_41 = tpu.memref_slice %arg5[%add3A_35, %dma_wait3A_40] : memref<16384x768xf32, #tpu.memory_space<hbm>> -> memref<32x768xf32, #tpu.memory_space<hbm>>
    %dma_wait3A_42 = arith.constant 0 : i32
    %dma_wait3A_43 = tpu.memref_slice %arg5[%add3A_35, %dma_wait3A_42] : memref<16384x768xf32, #tpu.memory_space<hbm>> -> memref<32x768xf32, #tpu.memory_space<hbm>>
    %dma_wait3A_44 = arith.constant 0 : i32
    %dma_wait3A_45 = arith.constant 0 : i32
    %dma_wait3A_46 = tpu.memref_slice %arg6[%dma_wait3A, %dma_wait3A_44, %dma_wait3A_45] : memref<2x32x768xf32, #tpu.memory_space<vmem>> -> memref<1x32x768xf32, #tpu.memory_space<vmem>>
    %dma_wait3A_47 = tpu.memref_squeeze %dma_wait3A_46 : memref<1x32x768xf32, #tpu.memory_space<vmem>> -> memref<32x768xf32, #tpu.memory_space<vmem>>
    tpu.wait_dma2 semaphore(%arg13 : memref<!tpu.dma_semaphore, #tpu.memory_space<semaphore_mem>>) src(%dma_wait3A_47 : memref<32x768xf32, #tpu.memory_space<vmem>>) dst(%dma_wait3A_43 : memref<32x768xf32, #tpu.memory_space<hbm>>)
    %add3A_48 = arith.constant 480 : i32
    %add3A_49 = arith.addi %mul3A_2, %add3A_48 : i32
    %dma_wait3A_50 = arith.constant 1 : i32
    %dma_wait3A_51 = arith.constant 0 : i32
    %dma_wait3A_52 = arith.constant 0 : i32
    %dma_wait3A_53 = tpu.memref_slice %arg6[%dma_wait3A_50, %dma_wait3A_51, %dma_wait3A_52] : memref<2x32x768xf32, #tpu.memory_space<vmem>> -> memref<1x32x768xf32, #tpu.memory_space<vmem>>
    %dma_wait3A_54 = tpu.memref_squeeze %dma_wait3A_53 : memref<1x32x768xf32, #tpu.memory_space<vmem>> -> memref<32x768xf32, #tpu.memory_space<vmem>>
    %dma_wait3A_55 = arith.constant 0 : i32
    %dma_wait3A_56 = tpu.memref_slice %arg5[%add3A_49, %dma_wait3A_55] : memref<16384x768xf32, #tpu.memory_space<hbm>> -> memref<32x768xf32, #tpu.memory_space<hbm>>
    %dma_wait3A_57 = arith.constant 0 : i32
    %dma_wait3A_58 = tpu.memref_slice %arg5[%add3A_49, %dma_wait3A_57] : memref<16384x768xf32, #tpu.memory_space<hbm>> -> memref<32x768xf32, #tpu.memory_space<hbm>>
    %dma_wait3A_59 = arith.constant 0 : i32
    %dma_wait3A_60 = arith.constant 0 : i32
    %dma_wait3A_61 = tpu.memref_slice %arg6[%dma_wait3A_50, %dma_wait3A_59, %dma_wait3A_60] : memref<2x32x768xf32, #tpu.memory_space<vmem>> -> memref<1x32x768xf32, #tpu.memory_space<vmem>>
    %dma_wait3A_62 = tpu.memref_squeeze %dma_wait3A_61 : memref<1x32x768xf32, #tpu.memory_space<vmem>> -> memref<32x768xf32, #tpu.memory_space<vmem>>
    tpu.wait_dma2 semaphore(%arg14 : memref<!tpu.dma_semaphore, #tpu.memory_space<semaphore_mem>>) src(%dma_wait3A_62 : memref<32x768xf32, #tpu.memory_space<vmem>>) dst(%dma_wait3A_58 : memref<32x768xf32, #tpu.memory_space<hbm>>)
    return
  }
}

</mosaic_0001>

<sc_bundles>
// kernel: kernel.3.cloned.1.call-start
scs
__scs_entry_jumppad:
0x0: {  	(pc) =	sbr.rel $0x88, $3  }
0x1: {  	(tag) =	ssettag $0x0;
	lr =	simm.s32 $0x1  }
0x2: {  	[smem:$0x3F9E] =	sst lr;
	_ =	strace $0xD0000000  }
0x3: {  	_ = 	snop  }
0x4: {  	_ = 	snop  }
0x5: {  	_ = 	snop  }
0x6: {  	_ = 	snop  }
0x7: {  	_ = 	snop  }
__scs_overlays_trampoline_lowered:
0x8: {  	[smem:$0x3FAD] =	sst s0  }
0x9: {  	[smem:$0x3FAE] =	sst s1  }
0xa: {  	[smem:$0x3FAF] =	sst s2  }
0xb: {  	[smem:$0x3FB0] =	sst s3  }
0xc: {  	[smem:$0x3FB1] =	sst s4  }
0xd: {  	[smem:$0x3FB2] =	sst s5  }
0xe: {  	[smem:$0x3FB3] =	sst s6  }
0xf: {  	[smem:$0x3FB4] =	sst s7  }
0x10: {  	[smem:$0x3FB5] =	sst s8  }
0x11: {  	[smem:$0x3FB6] =	sst s9;
	s0 =	simm.s32 @!p0 $0x0  }
0x12: {  	s1 =	sld [smem:$0x3F9C];
	s0 =	simm.s32 @p0 $0x1  }
0x13: {  	[smem:$0x3FB7] =	sst s0;
	s0 =	simm.s32 @!p1 $0x0  }
0x14: {  	s2 =	sld [smem:$0x3F9B];
	s0 =	simm.s32 @p1 $0x1  }
0x15: {  	[smem:$0x3FB8] =	sst s0;
	s0 =	simm.s32 @!p2 $0x0  }
0x16: {  	s3 =	sld [smem:$0x3FDB];
	s0 =	simm.s32 @p2 $0x1  }
0x17: {  	s4 =	simm.s32 $0x1BF5;
	[smem:$0x3FBA] =	sst s0  }
0x18: {  	s0 =	sld [smem:$0x3F9D];
	_ =	swait.ge [sflag:s4], $0x0  }
0x19: {  	s7 =	sld [smem:$0x3F9E]  }
0x1a: {  	s8 =	sadd.s32 $0xFFFFE003, lr  }
0x1b: {  	s9 =	sadd.s32 $0xFFFFFEF7, lr;
	s5 =	simm.s32 $0xFFFFFFFF;
	p2 =	slt.u32 s8, $0xFFFFF086  }
0x1c: {  	p1 =	slt.u32 s9, $0xF7A;
	s5 =	simm.s32 @!p2 $0x0  }
0x1d: {  	s5 =	simm.s32 @p1 $0x1;
	p0 =	seq.s32 s7, s2  }
0x1e: {  	s7 =	smul.u32 @!p0 $0xF7A, s2;
	p2 =	seq.s32 @!p0 s5, $0x0  }
0x1f: {  	s9 =	smul.u32 $0xF7A, s1;
	s8 =	simm.s32 @!p0 $0x1BF5;
	p2 =	por !p2, p0  }
0x20: {  	[sflag:s8] =	ssyncset.s32 @!p0 $0xFFFFF086;
	s6 =	sadd.s32 @!p0 s3, s7;
	s7 =	simm.s32 @!p0 $0x108  }
0x21: {  	s3 =	sadd.s32 s3, s9;
	s6 =	sadd.s32 @!p0 $0x88, s6;
	s7 =	simm.s32 @p2 $0x1082  }
0x22: {  	[simem:s7], [sflag:s8] =	dma.local @!p0 [hbm:s6], $0xF7A  }
0x23: {  	s9 =	sor.u32 $0xD0000000, s2;
	s6 =	simm.s32 $0x108;
	_ =	swait.ge @!p0 [sflag:s8], $0x0  }
0x24: {  	s3 =	sadd.s32 $0x88, s3;
	s6 =	simm.s32 @!p1 $0x1082;
	[sflag:s4] =	ssyncset.s32 $0xFFFFF086  }
0x25: {  	[simem:s6], [sflag:s4] =	dma.local [hbm:s3], $0xF7A  }
0x26: {  	[smem:$0x3F9E] =	sst s1;
	(tag) =	ssettag s2;
	_ =	strace s9  }
0x27: {  	s1 =	sld [smem:$0x3FAE]  }
0x28: {  	s2 =	sld [smem:$0x3FAF]  }
0x29: {  	s4 =	sld [smem:$0x3FB1]  }
0x2a: {  	p0 =	seq.s32 s5, $0x0;
	s5 =	sld [smem:$0x3FB2]  }
0x2b: {  	s6 =	sld [smem:$0x3FB3]  }
0x2c: {  	s7 =	sld [smem:$0x3FB4]  }
0x2d: {  	s3 =	simm.s32 $0x108;
	s8 =	sld [smem:$0x3FB5]  }
0x2e: {  	s3 =	simm.s32 @!p0 $0x1082;
	s9 =	sld [smem:$0x3FB6]  }
0x2f: {  	lr =	sadd.s32 s0, s3;
	s0 =	sld [smem:$0x3FAD]  }
0x30: {  	s3 =	sld [smem:$0x3FB0]  }
0x31: {  	[smem:$0x3FB9] =	sst s10  }
0x32: {  	s10 =	sld [smem:$0x3FB7];
	_ =	sdelay $0x3  }
0x33: {  	p0 =	seq.s32 s10, $0x1;
	s10 =	sld [smem:$0x3FB9];
	_ =	sdelay $0x3  }
0x34: {  	[smem:$0x3FB9] =	sst s10  }
0x35: {  	s10 =	sld [smem:$0x3FB8];
	_ =	sdelay $0x3  }
0x36: {  	p1 =	seq.s32 s10, $0x1;
	s10 =	sld [smem:$0x3FB9];
	_ =	sdelay $0x3  }
0x37: {  	[smem:$0x3FB9] =	sst s10  }
0x38: {  	s10 =	sld [smem:$0x3FBA]  }
0x39: {  	_ = 	snop;
	(pc) =	sbr.ind lr, $3  }
0x3a: {  	_ = 	snop  }
0x3b: {  	_ = 	snop  }
0x3c: {  	p2 =	seq.s32 s10, $0x1;
	s10 =	sld [smem:$0x3FB9]  }
0x3d: {  	_ =	shalt  }
0x3e: {  	_ =	shalt  }
0x3f: {  	_ =	shalt  }
0x40: {  	_ =	shalt  }
0x41: {  	_ =	shalt  }
0x42: {  	_ =	shalt  }
0x43: {  	_ =	shalt  }
0x44: {  	_ =	shalt  }
0x45: {  	_ =	shalt  }
0x46: {  	_ =	shalt  }
0x47: {  	_ =	shalt  }
0x48: {  	_ =	shalt  }
0x49: {  	_ =	shalt  }
0x4a: {  	_ =	shalt  }
0x4b: {  	_ =	shalt  }
0x4c: {  	_ =	shalt  }
0x4d: {  	_ =	shalt  }
0x4e: {  	_ =	shalt  }
0x4f: {  	_ =	shalt  }
0x50: {  	_ =	shalt  }
0x51: {  	_ =	shalt  }
0x52: {  	_ =	shalt  }
0x53: {  	_ =	shalt  }
0x54: {  	_ =	shalt  }
0x55: {  	_ =	shalt  }
0x56: {  	_ =	shalt  }
0x57: {  	_ =	shalt  }
0x58: {  	_ =	shalt  }
0x59: {  	_ =	shalt  }
0x5a: {  	_ =	shalt  }
0x5b: {  	_ =	shalt  }
0x5c: {  	_ =	shalt  }
0x5d: {  	_ =	shalt  }
0x5e: {  	_ =	shalt  }
0x5f: {  	_ =	shalt  }
0x60: {  	_ =	shalt  }
0x61: {  	_ =	shalt  }
0x62: {  	_ =	shalt  }
0x63: {  	_ =	shalt  }
0x64: {  	_ =	shalt  }
0x65: {  	_ =	shalt  }
0x66: {  	_ =	shalt  }
0x67: {  	_ =	shalt  }
0x68: {  	_ =	shalt  }
0x69: {  	_ =	shalt  }
0x6a: {  	_ =	shalt  }
0x6b: {  	_ =	shalt  }
0x6c: {  	_ =	shalt  }
0x6d: {  	_ =	shalt  }
0x6e: {  	_ =	shalt  }
0x6f: {  	_ =	shalt  }
0x70: {  	_ =	shalt  }
0x71: {  	_ =	shalt  }
0x72: {  	_ =	shalt  }
0x73: {  	_ =	shalt  }
0x74: {  	_ =	shalt  }
0x75: {  	_ =	shalt  }
0x76: {  	_ =	shalt  }
0x77: {  	_ =	shalt  }
0x78: {  	_ =	shalt  }
0x79: {  	_ =	shalt  }
0x7a: {  	_ =	shalt  }
0x7b: {  	_ =	shalt  }
0x7c: {  	_ =	shalt  }
0x7d: {  	_ =	shalt  }
0x7e: {  	_ =	shalt  }
0x7f: {  	_ =	shalt  }
0x80: {  	_ =	shalt  }
0x81: {  	_ =	shalt  }
0x82: {  	_ =	shalt  }
0x83: {  	_ =	shalt  }
0x84: {  	_ =	shalt  }
0x85: {  	_ =	shalt  }
0x86: {  	_ =	shalt  }
0x87: {  	_ =	shalt  }
.Lfunc_end0:
.L_simem_size_0:
called_computation_lowered:
.L_overlay_start_0:
0x88: {  	s2 =	sld [smem:$0x3FD9]  }
0x89: {  	s3 =	sld [smem:$0x3FFE];
	_ =	sdelay $0x1  }
0x8a: {  	s1 =	srdreg.scid  }
0x8b: {  	s0 =	sand.u32 $0x1, s1  }
0x8c: {  	s17 =	sshll.u32 s0, $0xA;
	s2 =	sadd.s32 s3, s2  }
0x8d: {  	s2 =	sadd.s32 s2, s17  }
0x8e: {  	[smem:$0x3FC5] =	sst s2  }
0x8f: {  	_ = 	snop  }
0x90: {  	s2 =	sld [smem:$0x3FC9]  }
0x91: {  	s18 =	sld [smem:$0x3FC7]  }
0x92: {  	s4 =	sld [smem:$0x3FD0];
	(tm) =	ssettm $0x1  }
0x93: {  	s5 =	sld [smem:$0x3FFB];
	_ =	sdelay $0x3  }
0x94: {  	_ =	strace s5  }
0x95: {  	s5 =	sld [smem:$0x3FFC];
	_ =	sdelay $0x3  }
0x96: {  	_ =	strace s5  }
0x97: {  	s5 =	sld [smem:$0x3FFD];
	_ =	sdelay $0x3  }
0x98: {  	_ =	strace s5  }
0x99: {  	_ =	strace $0x8FFFFFFF  }
0x9a: {  	s19 =	sld [smem:$0x3FDB];
	_ =	sdelay $0x1  }
0x9b: {  	s6 =	simm.s32 $_scs_section_size  }
0x9c: {  	s7 =	simm.s32 $_size__tile_overlayer_lowered;
	s8 =	simm.s32 $_tile_overlayer_lowered  }
0x9d: {  	s22 =	simm.s32 $0x1BFF;
	s21 =	sshll.u32 s8, $0x1;
	s5 =	sadd.s32 s6, s19  }
0x9e: {  	s9 =	simm.s32 $0x0;
	s20 =	sshll.u32 s7, $0x1;
	s7 =	sadd.s32 s21, s5  }
0x9f: {  	[timem:s9], [sflag:s22] =	dma.local [hbm:s7], s20  }
0xa0: {  	_ =	swait.ge [sflag:s22], s20  }
0xa1: {  	s6 =	ssub.s32 $0x0, s20;
	[sflag:s22] =	ssyncset.done $0x0  }
0xa2: {  	[sflag:s22] =	ssyncadd.s32 s6;
	_ =	sdelay $0x1  }
0xa3: {  	s23 =	simm.s32 $0x1B8B  }
0xa4: {  	_ =	swait.ge [sflag:s23], $0x1  }
0xa5: {  	[sflag:s23] =	ssyncset.done $0x0  }
0xa6: {  	s25 =	simm.s32 $0x1B8E;
	s24 =	sld [smem:$0x3FFE];
	[sflag:s23] =	ssyncadd.s32 $0xFFFFFFFF  }
0xa7: {  	s26 =	simm.s32 $execute0_lowered;
	[smem:$0x3FD2] =	sst s25  }
0xa8: {  	s7 =	sshll.u32 s26, $0x1;
	_ =	strace $0x80000046;
	[dreg:$0x1] =	wrdreg $0xFFFFFFFF  }
0xa9: {  	s28 =	simm.s32 $_size_execute0_lowered;
	s5 =	sadd.s32 s5, s7;
	[dreg:$0x0] =	wrdreg $0x0  }
0xaa: {  	s7 =	sshll.u32 s28, $0x1;
	[dreg:$0x2] =	wrdreg s5  }
0xab: {  	[dreg:$0x3] =	wrdreg s7  }
0xac: {  	[dreg:$0x4] =	wrdreg $0xC0  }
0xad: {  	_ =	task [dreg:s9], $0x5FFFF  }
0xae: {  	[dreg:$0x1] =	wrdreg $0xFFFFFFFF  }
0xaf: {  	[dreg:$0x0] =	wrdreg $0x60  }
0xb0: {  	[dreg:$0x2] =	wrdreg s2  }
0xb1: {  	[dreg:$0x3] =	wrdreg s24  }
0xb2: {  	[dreg:$0x4] =	wrdreg s18  }
0xb3: {  	[dreg:$0x5] =	wrdreg s4  }
0xb4: {  	[dreg:$0x6] =	wrdreg $0x9  }
0xb5: {  	_ =	task.clear_ibuf [dreg:s9], $0x7FFFF;
	_ =	strace $0x90000046  }
0xb6: {  	s29 =	simm.s32 $0x9;
	_ =	strace $0x80000048  }
0xb7: {  	_ =	swait.ge [sflag:s29], $0x1  }
0xb8: {  	[sflag:s29] =	ssyncadd.s32 $0xFFFFFFFF  }
0xb9: {  	_ =	strace $0x90000048  }
0xba: {  	_ =	sfence  }
0xbb: {  	s30 =	sld [smem:$0x0];
	_ =	sdelay $0x2  }
0xbc: {  	s31 =	sshll.u32 s1, $0xD;
	s1 =	sshrl.u32 s1, $0x2  }
0xbd: {  	s3 =	sand.u32 $0x4000, s31;
	s1 =	sadd.s32 s1, s30  }
0xbe: {  	s0 =	sor.u32 s3, s0;
	s1 =	sshll.u32 s1, $0x11  }
0xbf: {  	s0 =	sor.u32 s1, s0  }
0xc0: {  	s0 =	sadd.s32 $0x8F2B, s0  }
0xc1: {  	[sflag:s0] =	ssyncadd.remote.s32 $0x1  }
0xc2: {  	_ =	sfence.sel $0xFFFF  }
0xc3: {  	[dreg:$0x0] =	wrdreg $0xFFFFFFFF;
	(pc) =	sbr.abs _section_cstart, $3  }
0xc4: {  	[dreg:$0x1] =	wrdreg $0xFFFFFFFF  }
0xc5: {  	_ =	task.clear_ibuf [dreg:s9], $0x2FFFF;
	_ =	strace $0x9FFFFFFF  }
0xc6: {  	(tm) =	ssettm $0x7FFFFFFF  }
0xc7: {  	_ =	shalt  }
tec
execute0_lowered:
.L_overlay_start_1:
0x0: {  	(tag) =	ssettag $0x1  }
0x1: {  	s1 =	rddreg [dreg:$0x0]  }
0x2: {  	s0 =	rddreg [dreg:$0x1]  }
0x3: {  	s2 =	srdreg.scid;
	s3 =	rddreg [dreg:$0x2]  }
0x4: {  	s5 =	stileid.u32;
	s4 =	rddreg [dreg:$0x3]  }
0x5: {  	s16 =	simm.s32 $0x7;
	s31 =	simm.s32 $0x6000;
	s15 =	simm.s32 $0x14800  }
0x6: {  	s17 =	simm.s32 $0x15000;
	s18 =	simm.s32 $0x15800;
	s19 =	simm.s32 $0x16000  }
0x7: {  	s20 =	simm.s32 $0x16800;
	s21 =	simm.s32 $0x17000;
	s22 =	simm.s32 $0x17800  }
0x8: {  	s23 =	simm.s32 $0x1;
	s24 =	simm.s32 $0x3;
	s28 =	simm.s32 $0x5  }
0x9: {  	s2 =	sand.u32 $0x1, s2;
	s5 =	sshll.u32 s5, $0xA;
	s7 =	sadd.s32 $0x400, s0  }
0xa: {  	s11 =	sadd.s32 $0x200, s3;
	s6 =	sshll.u32 s2, $0x9;
	s2 =	ssub.s32 $0x2, s2  }
0xb: {  	s5 =	sor.u32 s6, s5;
	s6 =	simm.s32 $0x0;
	s9 =	sshrl.u32 s2, $0x1  }
0xc: {  	s8 =	sshrl.u32 s5, $0x3;
	[smem:$0x7FF] =	sst s6;
	s25 =	ssub.s32 s2, s9  }
0xd: {  	s12 =	sor.u32 $0x20, s5;
	s30 =	sor.u32 $0x40, s5;
	s10 =	smul.u32 $0x300, s8  }
0xe: {  	_ =	strace $0x80000047;
	s26 =	sadd.s32 s7, s8;
	[dreg:$0x7] =	wrdreg s30  }
0xf: {  	v2 =	vlaneseq.u32;
	s0 =	smax.u32 s25, $0x1;
	s25 =	simm.s32 $0x2;
	[dreg:$0x5] =	wrdreg s26  }
0x10: {  	vm0 =	vmmov $0xffff;
	v1 =	vshrl.u32 v2, $0x3;
	s8 =	simm.s32 $0x0;
	[dreg:$0x8] =	wrdreg s0;
	s29 =	sadd.s32 s1, s10  }
0x11: {  	v0 =	vand.u32 $0x7, v2;
	v2 =	vor.u32 $0x8, v2;
	v1 =	vmul.u32 $0x8, v1;
	s26 =	simm.s32 $0x4;
	s10 =	sadd.s32 $0x100, s3;
	[dreg:$0x6] =	wrdreg s29  }
.LBB2_1:
0x12: {  	[dreg:$0x9] =	wrdreg s8  }
0x13: {  	s0 =	rddreg [dreg:$0x5];
	s2 =	simm.s32 $0x18000  }
0x14: {  	[tilespmem:s2], [sflag:$0x7] =	stream.linear.gather [hbm4b:s0+s6], $0x20, $0x38;
	[tilespmem:$0x18100] =	vst v63  }
0x15: {  	_ =	swait.ge [sflag:s16], $0x20  }
0x16: {  	[sflag:s16] =	ssyncset.done $0x0  }
0x17: {  	s30 =	rddreg [dreg:$0x6];
	[sflag:s16] =	ssyncadd.s32 $0xFFFFFFE0  }
0x18: {  	[tilespmem:s6], [sflag:$0x1] =	stream.linear.gather [hbm4b:s30+s6], $0x6000, $0x38;
	[tilespmem:$0x18100] =	vst v63  }
0x19: {  	v3 =	vld [tilespmem:$0x18000];
	_ =	sdelay $0x4  }
0x1a: {  	v4 =	vshrl.u32 v3, $0x3  }
0x1b: {  	v4 =	vmul.u32 $0x30, v4  }
0x1c: {  	v3 =	vand.u32 $0x7, v3  }
0x1d: {  	v3 =	vor.u32 v3, v4  }
0x1e: {  	v4 =	vperm.xlane v3, v0;
	_ =	sdelay $0x1  }
0x1f: {  	v4 =	vadd.s32 v1, v4;
	_ =	sdelay $0x3  }
0x20: {  	s2 =	simm.s32 $0xC000;
	v3 =	vperm.xlane v3, v2  }
0x21: {  	[tilespmem:s2], [sflag:$0x3] =	stream.indirect_vreg.gather [hbm4b:s3+s6], $0x80, v4, vm0, $0xb8;
	[tilespmem:$0x18100] =	vst v63  }
0x22: {  	s8 =	simm.s32 $0xC800;
	v3 =	vadd.s32 v1, v3  }
0x23: {  	[tilespmem:s8], [sflag:$0x3] =	stream.indirect_vreg.gather [hbm4b:s10+s6], $0x80, v4, vm0, $0xb8;
	[tilespmem:$0x18100] =	vst v63  }
0x24: {  	s9 =	simm.s32 $0xD000  }
0x25: {  	[tilespmem:s9], [sflag:$0x3] =	stream.indirect_vreg.gather [hbm4b:s11+s6], $0x80, v4, vm0, $0xb8;
	[tilespmem:$0x18100] =	vst v63  }
0x26: {  	s13 =	simm.s32 $0xD800  }
0x27: {  	[tilespmem:s13], [sflag:$0x3] =	stream.indirect_vreg.gather [hbm4b:s3+s6], $0x80, v3, vm0, $0xb8;
	[tilespmem:$0x18100] =	vst v63  }
0x28: {  	s14 =	simm.s32 $0xE000  }
0x29: {  	[tilespmem:s14], [sflag:$0x3] =	stream.indirect_vreg.gather [hbm4b:s10+s6], $0x80, v3, vm0, $0xb8;
	[tilespmem:$0x18100] =	vst v63  }
0x2a: {  	s30 =	simm.s32 $0xE800  }
0x2b: {  	[tilespmem:s30], [sflag:$0x3] =	stream.indirect_vreg.gather [hbm4b:s11+s6], $0x80, v3, vm0, $0xb8;
	[tilespmem:$0x18100] =	vst v63  }
0x2c: {  	v3 =	vld [tilespmem:$0x18010];
	_ =	sdelay $0x4  }
0x2d: {  	v63 =	vshrl.u32 v3, $0x3  }
0x2e: {  	v4 =	vmul.u32 $0x30, v63  }
0x2f: {  	v3 =	vand.u32 $0x7, v3  }
0x30: {  	v3 =	vor.u32 v3, v4  }
0x31: {  	v4 =	vperm.xlane v3, v0;
	_ =	sdelay $0x1  }
0x32: {  	v4 =	vadd.s32 v1, v4;
	_ =	sdelay $0x3  }
0x33: {  	s2 =	simm.s32 $0xF000;
	v3 =	vperm.xlane v3, v2  }
0x34: {  	[tilespmem:s2], [sflag:$0x3] =	stream.indirect_vreg.gather [hbm4b:s3+s6], $0x80, v4, vm0, $0xb8;
	[tilespmem:$0x18100] =	vst v63  }
0x35: {  	s8 =	simm.s32 $0xF800;
	v3 =	vadd.s32 v1, v3  }
0x36: {  	[tilespmem:s8], [sflag:$0x3] =	stream.indirect_vreg.gather [hbm4b:s10+s6], $0x80, v4, vm0, $0xb8;
	[tilespmem:$0x18100] =	vst v63  }
0x37: {  	s9 =	simm.s32 $0x10000  }
0x38: {  	[tilespmem:s9], [sflag:$0x3] =	stream.indirect_vreg.gather [hbm4b:s11+s6], $0x80, v4, vm0, $0xb8;
	[tilespmem:$0x18100] =	vst v63  }
0x39: {  	s13 =	simm.s32 $0x10800  }
0x3a: {  	[tilespmem:s13], [sflag:$0x3] =	stream.indirect_vreg.gather [hbm4b:s3+s6], $0x80, v3, vm0, $0xb8;
	[tilespmem:$0x18100] =	vst v63  }
0x3b: {  	s14 =	simm.s32 $0x11000  }
0x3c: {  	[tilespmem:s14], [sflag:$0x3] =	stream.indirect_vreg.gather [hbm4b:s10+s6], $0x80, v3, vm0, $0xb8;
	[tilespmem:$0x18100] =	vst v63  }
0x3d: {  	s29 =	simm.s32 $0x0;
	s30 =	simm.s32 $0x11800  }
0x3e: {  	[tilespmem:s30], [sflag:$0x3] =	stream.indirect_vreg.gather [hbm4b:s11+s6], $0x80, v3, vm0, $0xb8;
	[tilespmem:$0x18100] =	vst v63  }
.LBB2_2:
0x3f: {  	p0 =	seq.s32 s29, $0x0  }
0x40: {  	s0 =	sshll.u32 s29, $0x6;
	s2 =	simm.s32 @!p0 $0x6  }
0x41: {  	s8 =	sadd.s32 s12, s0;
	_ =	swait.ge @!p0 [sflag:s2], $0x6000  }
0x42: {  	s9 =	simm.s32 $0x18080;
	s8 =	sshrl.u32 s8, $0x3;
	[sflag:s2] =	ssyncset.done @!p0 $0x0  }
0x43: {  	s13 =	sadd.s32 s7, s8;
	[sflag:s2] =	ssyncadd.s32 @!p0 $0xFFFFA000;
	s2 =	simm.s32 $0x0  }
0x44: {  	[tilespmem:s9], [sflag:$0x7] =	stream.linear.gather [hbm4b:s13+s2], $0x20, $0x38;
	[tilespmem:$0x18100] =	vst v63  }
0x45: {  	s13 =	smul.u32 $0x300, s8;
	_ =	swait.ge [sflag:s16], $0x20  }
0x46: {  	[sflag:s16] =	ssyncset.done $0x0  }
0x47: {  	s8 =	sadd.s32 s1, s13;
	[sflag:s16] =	ssyncadd.s32 $0xFFFFFFE0  }
0x48: {  	[tilespmem:s31], [sflag:$0x2] =	stream.linear.gather [hbm4b:s8+s2], $0x6000, $0x38;
	[tilespmem:$0x18100] =	vst v63  }
0x49: {  	v3 =	vld [tilespmem:$0x18080];
	_ =	sdelay $0x4  }
0x4a: {  	v4 =	vshrl.u32 v3, $0x3  }
0x4b: {  	v4 =	vmul.u32 $0x30, v4  }
0x4c: {  	v3 =	vand.u32 $0x7, v3  }
0x4d: {  	v3 =	vor.u32 v3, v4  }
0x4e: {  	v4 =	vperm.xlane v3, v0;
	_ =	sdelay $0x1  }
0x4f: {  	v4 =	vadd.s32 v1, v4;
	_ =	sdelay $0x3  }
0x50: {  	s9 =	simm.s32 $0x12000;
	v3 =	vperm.xlane v3, v2  }
0x51: {  	[tilespmem:s9], [sflag:$0x4] =	stream.indirect_vreg.gather [hbm4b:s3+s2], $0x80, v4, vm0, $0xb8;
	[tilespmem:$0x18100] =	vst v63  }
0x52: {  	s14 =	simm.s32 $0x12800;
	v3 =	vadd.s32 v1, v3  }
0x53: {  	[tilespmem:s14], [sflag:$0x4] =	stream.indirect_vreg.gather [hbm4b:s10+s2], $0x80, v4, vm0, $0xb8;
	[tilespmem:$0x18100] =	vst v63  }
0x54: {  	s9 =	simm.s32 $0x13000  }
0x55: {  	[tilespmem:s9], [sflag:$0x4] =	stream.indirect_vreg.gather [hbm4b:s11+s2], $0x80, v4, vm0, $0xb8;
	[tilespmem:$0x18100] =	vst v63  }
0x56: {  	s14 =	simm.s32 $0x13800  }
0x57: {  	[tilespmem:s14], [sflag:$0x4] =	stream.indirect_vreg.gather [hbm4b:s3+s2], $0x80, v3, vm0, $0xb8;
	[tilespmem:$0x18100] =	vst v63  }
0x58: {  	s9 =	simm.s32 $0x14000  }
0x59: {  	[tilespmem:s9], [sflag:$0x4] =	stream.indirect_vreg.gather [hbm4b:s10+s2], $0x80, v3, vm0, $0xb8;
	[tilespmem:$0x18100] =	vst v63  }
0x5a: {  	_ = 	snop  }
0x5b: {  	[tilespmem:s15], [sflag:$0x4] =	stream.indirect_vreg.gather [hbm4b:s11+s2], $0x80, v3, vm0, $0xb8;
	[tilespmem:$0x18100] =	vst v63  }
0x5c: {  	v3 =	vld [tilespmem:$0x18090];
	_ =	sdelay $0x4  }
0x5d: {  	v4 =	vshrl.u32 v3, $0x3  }
0x5e: {  	v4 =	vmul.u32 $0x30, v4  }
0x5f: {  	v3 =	vand.u32 $0x7, v3  }
0x60: {  	v3 =	vor.u32 v3, v4  }
0x61: {  	v4 =	vperm.xlane v3, v0;
	_ =	sdelay $0x1  }
0x62: {  	v4 =	vadd.s32 v1, v4;
	_ =	sdelay $0x3  }
0x63: {  	v3 =	vperm.xlane v3, v2  }
0x64: {  	[tilespmem:s17], [sflag:$0x4] =	stream.indirect_vreg.gather [hbm4b:s3+s2], $0x80, v4, vm0, $0xb8;
	[tilespmem:$0x18100] =	vst v63  }
0x65: {  	v3 =	vadd.s32 v1, v3  }
0x66: {  	[tilespmem:s18], [sflag:$0x4] =	stream.indirect_vreg.gather [hbm4b:s10+s2], $0x80, v4, vm0, $0xb8;
	[tilespmem:$0x18100] =	vst v63  }
0x67: {  	_ = 	snop  }
0x68: {  	[tilespmem:s19], [sflag:$0x4] =	stream.indirect_vreg.gather [hbm4b:s11+s2], $0x80, v4, vm0, $0xb8;
	[tilespmem:$0x18100] =	vst v63  }
0x69: {  	_ = 	snop  }
0x6a: {  	[tilespmem:s20], [sflag:$0x4] =	stream.indirect_vreg.gather [hbm4b:s3+s2], $0x80, v3, vm0, $0xb8;
	[tilespmem:$0x18100] =	vst v63  }
0x6b: {  	_ = 	snop  }
0x6c: {  	[tilespmem:s21], [sflag:$0x4] =	stream.indirect_vreg.gather [hbm4b:s10+s2], $0x80, v3, vm0, $0xb8;
	[tilespmem:$0x18100] =	vst v63  }
0x6d: {  	_ = 	snop  }
0x6e: {  	[tilespmem:s22], [sflag:$0x4] =	stream.indirect_vreg.gather [hbm4b:s11+s2], $0x80, v3, vm0, $0xb8;
	[tilespmem:$0x18100] =	vst v63  }
0x6f: {  	_ =	swait.ge [sflag:s23], $0x6000  }
0x70: {  	[sflag:s23] =	ssyncset.done $0x0  }
0x71: {  	s14 =	simm.s32 $0x0;
	[sflag:s23] =	ssyncadd.s32 $0xFFFFA000  }
0x72: {  	s8 =	smul.u32 $0x1800, s14;
	_ =	swait.ge [sflag:s24], $0x6000  }
0x73: {  	s30 =	sand.u32 $0x380, s2;
	[sflag:s24] =	ssyncset.done $0x0  }
0x74: {  	s30 =	sor.u32 s30, s8;
	[sflag:s24] =	ssyncadd.s32 $0xFFFFA000  }
0x75: {  	v24 =	vld [tilespmem:s30+$0xC000]  }
0x76: {  	v25 =	vld [tilespmem:s30+$0xC010]  }
0x77: {  	v26 =	vld [tilespmem:s30+$0xC020]  }
0x78: {  	v27 =	vld [tilespmem:s30+$0xC030]  }
0x79: {  	v28 =	vld [tilespmem:s30+$0xC040]  }
0x7a: {  	v29 =	vld [tilespmem:s30+$0xC050]  }
0x7b: {  	v30 =	vld [tilespmem:s30+$0xC060]  }
0x7c: {  	v31 =	vld [tilespmem:s30+$0xC070]  }
0x7d: {  	v32 =	vld [tilespmem:s30+$0xC400]  }
0x7e: {  	v33 =	vld [tilespmem:s30+$0xC410]  }
0x7f: {  	v34 =	vld [tilespmem:s30+$0xC420]  }
0x80: {  	v35 =	vld [tilespmem:s30+$0xC430]  }
0x81: {  	v36 =	vld [tilespmem:s30+$0xC440]  }
0x82: {  	v37 =	vld [tilespmem:s30+$0xC450]  }
0x83: {  	v38 =	vld [tilespmem:s30+$0xC460]  }
0x84: {  	v39 =	vld [tilespmem:s30+$0xC470]  }
0x85: {  	v40 =	vld [tilespmem:s30+$0xC800]  }
0x86: {  	v41 =	vld [tilespmem:s30+$0xC810]  }
0x87: {  	v42 =	vld [tilespmem:s30+$0xC820]  }
0x88: {  	v43 =	vld [tilespmem:s30+$0xC830]  }
0x89: {  	v44 =	vld [tilespmem:s30+$0xC840]  }
0x8a: {  	v45 =	vld [tilespmem:s30+$0xC850]  }
0x8b: {  	v46 =	vld [tilespmem:s30+$0xC860]  }
0x8c: {  	v47 =	vld [tilespmem:s30+$0xC870]  }
0x8d: {  	v48 =	vld [tilespmem:s30+$0xCC00]  }
0x8e: {  	v49 =	vld [tilespmem:s30+$0xCC10]  }
0x8f: {  	v50 =	vld [tilespmem:s30+$0xCC20]  }
0x90: {  	v23 =	vld [tilespmem:s30+$0xCC30]  }
0x91: {  	v22 =	vld [tilespmem:s30+$0xCC40]  }
0x92: {  	v21 =	vld [tilespmem:s30+$0xCC50]  }
0x93: {  	v20 =	vld [tilespmem:s30+$0xCC60]  }
0x94: {  	v19 =	vld [tilespmem:s30+$0xCC70]  }
0x95: {  	v18 =	vld [tilespmem:s30+$0xD000]  }
0x96: {  	v17 =	vld [tilespmem:s30+$0xD010]  }
0x97: {  	v16 =	vld [tilespmem:s30+$0xD020]  }
0x98: {  	v15 =	vld [tilespmem:s30+$0xD030]  }
0x99: {  	v14 =	vld [tilespmem:s30+$0xD040]  }
0x9a: {  	v13 =	vld [tilespmem:s30+$0xD050]  }
0x9b: {  	v12 =	vld [tilespmem:s30+$0xD060]  }
0x9c: {  	v11 =	vld [tilespmem:s30+$0xD070]  }
0x9d: {  	v10 =	vld [tilespmem:s30+$0xD400]  }
0x9e: {  	v9 =	vld [tilespmem:s30+$0xD410]  }
0x9f: {  	v8 =	vld [tilespmem:s30+$0xD420]  }
0xa0: {  	v7 =	vld [tilespmem:s30+$0xD430]  }
0xa1: {  	v6 =	vld [tilespmem:s30+$0xD440]  }
0xa2: {  	v5 =	vld [tilespmem:s30+$0xD450]  }
0xa3: {  	v4 =	vld [tilespmem:s30+$0xD460]  }
0xa4: {  	v51 =	vld [tilespmem:s30+$0x0]  }
0xa5: {  	v52 =	vld [tilespmem:s30+$0x10]  }
0xa6: {  	v53 =	vld [tilespmem:s30+$0x20]  }
0xa7: {  	v54 =	vld [tilespmem:s30+$0x30]  }
0xa8: {  	v55 =	vld [tilespmem:s30+$0x40];
	v24 =	vmul.f32 $1.000000010e-01, v24  }
0xa9: {  	v56 =	vld [tilespmem:s30+$0x70];
	v25 =	vmul.f32 $1.000000010e-01, v25;
	v26 =	vmul.f32 $1.000000010e-01, v26  }
0xaa: {  	v59 =	vld [tilespmem:s30+$0x400];
	v27 =	vmul.f32 $1.000000010e-01, v27;
	v24 =	vadd.f32 v24, v51  }
0xab: {  	v51 =	vld [tilespmem:s30+$0x50];
	v25 =	vadd.f32 v25, v52;
	v63 =	vadd.f32 v26, v53;
	v53 =	vmul.f32 $1.000000010e-01, v28  }
0xac: {  	v52 =	vld [tilespmem:s30+$0x60];
	[tilespmem:s30+$0x0] =	vst v24  }
0xad: {  	v62 =	vld [tilespmem:s30+$0x410];
	v57 =	vadd.f32 v27, v54;
	[tilespmem:s30+$0x10] =	vst v25;
	v60 =	vadd.f32 v53, v55;
	v55 =	vmul.f32 $1.000000010e-01, v32  }
0xae: {  	v58 =	vmul.f32 $1.000000010e-01, v29;
	[tilespmem:s30+$0x20] =	vst v63;
	v53 =	vld [tilespmem:s30+$0x420]  }
0xaf: {  	v3 =	vld [tilespmem:s30+$0xD470];
	v61 =	vmul.f32 $1.000000010e-01, v30;
	[tilespmem:s30+$0x30] =	vst v57;
	v59 =	vadd.f32 v55, v59  }
0xb0: {  	v57 =	vmul.f32 $1.000000010e-01, v33;
	[tilespmem:s30+$0x40] =	vst v60;
	v55 =	vld [tilespmem:s30+$0x470];
	v63 =	vadd.f32 v58, v51  }
0xb1: {  	v60 =	vmul.f32 $1.000000010e-01, v34;
	v51 =	vmul.f32 $1.000000010e-01, v31;
	v54 =	vadd.f32 v61, v52;
	v58 =	vld [tilespmem:s30+$0x430];
	[tilespmem:s30+$0x400] =	vst v59  }
0xb2: {  	v61 =	vadd.f32 v57, v62;
	v62 =	vld [tilespmem:s30+$0x440];
	[tilespmem:s30+$0x50] =	vst v63  }
0xb3: {  	v56 =	vadd.f32 v51, v56;
	[tilespmem:s30+$0x60] =	vst v54;
	v63 =	vld [tilespmem:s30+$0x450];
	v26 =	vadd.f32 v60, v53;
	v60 =	vmul.f32 $1.000000010e-01, v39  }
0xb4: {  	v35 =	vmul.f32 $1.000000010e-01, v35;
	v52 =	vld [tilespmem:s30+$0x460];
	[tilespmem:s30+$0x410] =	vst v61  }
0xb5: {  	v57 =	vld [tilespmem:s30+$0x820];
	v53 =	vmul.f32 $1.000000010e-01, v36;
	[tilespmem:s30+$0x70] =	vst v56;
	v29 =	vadd.f32 v60, v55  }
0xb6: {  	v51 =	vld [tilespmem:s30+$0x800];
	[tilespmem:s30+$0x420] =	vst v26;
	v56 =	vmul.f32 $1.000000010e-01, v37;
	v28 =	vadd.f32 v35, v58  }
0xb7: {  	v54 =	vld [tilespmem:s30+$0x810];
	v27 =	vadd.f32 v53, v62;
	v58 =	vmul.f32 $1.000000010e-01, v38;
	[tilespmem:s30+$0x470] =	vst v29  }
0xb8: {  	v36 =	vld [tilespmem:s30+$0x850];
	v37 =	vmul.f32 $1.000000010e-01, v42;
	[tilespmem:s30+$0x430] =	vst v28;
	v24 =	vadd.f32 v56, v63  }
0xb9: {  	v61 =	vmul.f32 $1.000000010e-01, v40;
	v42 =	vld [tilespmem:s30+$0xC10];
	[tilespmem:s30+$0x440] =	vst v27;
	v30 =	vadd.f32 v58, v52  }
0xba: {  	v55 =	vld [tilespmem:s30+$0xC40];
	v63 =	vmul.f32 $1.000000010e-01, v41;
	v28 =	vadd.f32 v37, v57;
	[tilespmem:s30+$0x450] =	vst v24  }
0xbb: {  	v60 =	vld [tilespmem:s30+$0xC60];
	v41 =	vmul.f32 $1.000000010e-01, v44;
	v44 =	vmul.f32 $1.000000010e-01, v45;
	[tilespmem:s30+$0x460] =	vst v30;
	v24 =	vadd.f32 v61, v51  }
0xbc: {  	v62 =	vld [tilespmem:s30+$0x840];
	v56 =	vmul.f32 $1.000000010e-01, v49;
	v26 =	vadd.f32 v63, v54;
	[tilespmem:s30+$0x820] =	vst v28  }
0xbd: {  	v22 =	vmul.f32 $1.000000010e-01, v22;
	v38 =	vmul.f32 $1.000000010e-01, v43;
	v43 =	vld [tilespmem:s30+$0x870];
	v25 =	vadd.f32 v44, v36;
	[tilespmem:s30+$0x800] =	vst v24  }
0xbe: {  	v20 =	vmul.f32 $1.000000010e-01, v20;
	v59 =	vld [tilespmem:s30+$0x830];
	v27 =	vadd.f32 v56, v42;
	[tilespmem:s30+$0x810] =	vst v26  }
0xbf: {  	v40 =	vld [tilespmem:s30+$0x860];
	v22 =	vadd.f32 v22, v55;
	[tilespmem:s30+$0x850] =	vst v25  }
0xc0: {  	v53 =	vmul.f32 $1.000000010e-01, v47;
	v52 =	vld [tilespmem:s30+$0xC30];
	v20 =	vadd.f32 v20, v60;
	[tilespmem:s30+$0xC10] =	vst v27  }
0xc1: {  	v39 =	vld [tilespmem:s30+$0xC00];
	v30 =	vadd.f32 v41, v62;
	[tilespmem:s30+$0xC40] =	vst v22  }
0xc2: {  	v57 =	vld [tilespmem:s30+$0xC50];
	v51 =	vmul.f32 $1.000000010e-01, v46;
	v28 =	vadd.f32 v53, v43;
	[tilespmem:s30+$0xC60] =	vst v20  }
0xc3: {  	v23 =	vmul.f32 $1.000000010e-01, v23;
	v62 =	vld [tilespmem:s30+$0xC70];
	v24 =	vadd.f32 v38, v59;
	[tilespmem:s30+$0x840] =	vst v30  }
0xc4: {  	v54 =	vmul.f32 $1.000000010e-01, v48;
	v29 =	vadd.f32 v51, v40;
	v59 =	vld [tilespmem:s30+$0x1000];
	[tilespmem:s30+$0x870] =	vst v28  }
0xc5: {  	v21 =	vmul.f32 $1.000000010e-01, v21;
	v45 =	vld [tilespmem:s30+$0xC20];
	v23 =	vadd.f32 v23, v52;
	[tilespmem:s30+$0x830] =	vst v24  }
0xc6: {  	v19 =	vmul.f32 $1.000000010e-01, v19;
	v61 =	vld [tilespmem:s30+$0x1010];
	v25 =	vadd.f32 v54, v39;
	[tilespmem:s30+$0x860] =	vst v29  }
0xc7: {  	v18 =	vmul.f32 $1.000000010e-01, v18;
	v21 =	vadd.f32 v21, v57;
	[tilespmem:s30+$0xC30] =	vst v23;
	v23 =	vld [tilespmem:s30+$0x1020]  }
0xc8: {  	v58 =	vmul.f32 $1.000000010e-01, v50;
	v22 =	vld [tilespmem:s30+$0x1030];
	[tilespmem:s30+$0xC00] =	vst v25;
	v19 =	vadd.f32 v19, v62  }
0xc9: {  	v63 =	vmul.f32 $1.000000010e-01, v17;
	[tilespmem:s30+$0xC50] =	vst v21;
	v21 =	vld [tilespmem:s30+$0x1040];
	v18 =	vadd.f32 v18, v59  }
0xca: {  	v16 =	vmul.f32 $1.000000010e-01, v16;
	v17 =	vld [tilespmem:s30+$0x1050];
	v24 =	vadd.f32 v58, v45;
	[tilespmem:s30+$0xC70] =	vst v19  }
0xcb: {  	v19 =	vadd.f32 v63, v61;
	[tilespmem:s30+$0x1000] =	vst v18;
	v18 =	vmul.f32 $1.000000010e-01, v15;
	v15 =	vld [tilespmem:s30+$0x1060]  }
0xcc: {  	[tilespmem:s30+$0xC20] =	vst v24;
	v20 =	vadd.f32 v16, v23;
	v23 =	vmul.f32 $1.000000010e-01, v14;
	v16 =	vld [tilespmem:s30+$0x1070]  }
0xcd: {  	[tilespmem:s30+$0x1010] =	vst v19;
	v14 =	vld [tilespmem:s30+$0x1400];
	v19 =	vmul.f32 $1.000000010e-01, v13;
	v18 =	vadd.f32 v18, v22  }
0xce: {  	s8 =	simm.s32 $0x1;
	v13 =	vmul.f32 $1.000000010e-01, v12;
	v12 =	vld [tilespmem:s30+$0x1410];
	[tilespmem:s30+$0x1020] =	vst v20;
	v20 =	vadd.f32 v23, v21  }
.LBB2_3:
0xcf: {  	p0 =	sne.s32 s8, $0x1F;
	[tilespmem:s30+$0x1030] =	vst v18;
	v17 =	vadd.f32 v19, v17;
	v11 =	vmul.f32 $1.000000010e-01, v11;
	v18 =	vld [tilespmem:s30+$0x1420]  }
0xd0: {  	v10 =	vmul.f32 $1.000000010e-01, v10;
	[tilespmem:s30+$0x1040] =	vst v20;
	v13 =	vadd.f32 v13, v15;
	v15 =	vld [tilespmem:s30+$0x1430]  }
0xd1: {  	s9 =	sshrl.u32 s8, $0x3;
	v9 =	vmul.f32 $1.000000010e-01, v9;
	[tilespmem:s30+$0x1050] =	vst v17;
	v11 =	vadd.f32 v11, v16;
	v16 =	vld [tilespmem:s30+$0x1440]  }
0xd2: {  	v8 =	vmul.f32 $1.000000010e-01, v8;
	s2 =	sadd.s32 $0x80, s2;
	s9 =	smul.u32 $0x1800, s9;
	[tilespmem:s30+$0x1060] =	vst v13;
	v10 =	vadd.f32 v10, v14;
	v13 =	vld [tilespmem:s30+$0x1450]  }
0xd3: {  	v7 =	vmul.f32 $1.000000010e-01, v7;
	s14 =	sand.u32 $0x380, s2;
	[tilespmem:s30+$0x1070] =	vst v11;
	v9 =	vadd.f32 v9, v12;
	v11 =	vld [tilespmem:s30+$0x1460]  }
0xd4: {  	v6 =	vmul.f32 $1.000000010e-01, v6;
	s9 =	sor.u32 s14, s9;
	[tilespmem:s30+$0x1400] =	vst v10;
	v8 =	vadd.f32 v8, v18;
	v10 =	vld [tilespmem:s30+$0x1470]  }
0xd5: {  	v5 =	vmul.f32 $1.000000010e-01, v5;
	v40 =	vld [tilespmem:s9+$0xC000];
	[tilespmem:s30+$0x1410] =	vst v9;
	v7 =	vadd.f32 v7, v15  }
0xd6: {  	v4 =	vmul.f32 $1.000000010e-01, v4;
	v41 =	vld [tilespmem:s9+$0xC010];
	[tilespmem:s30+$0x1420] =	vst v8;
	v6 =	vadd.f32 v6, v16  }
0xd7: {  	v3 =	vmul.f32 $1.000000010e-01, v3;
	v42 =	vld [tilespmem:s9+$0xC020];
	[tilespmem:s30+$0x1430] =	vst v7;
	v5 =	vadd.f32 v5, v13  }
0xd8: {  	v43 =	vld [tilespmem:s9+$0xC030];
	[tilespmem:s30+$0x1440] =	vst v6;
	v4 =	vadd.f32 v4, v11  }
0xd9: {  	v44 =	vld [tilespmem:s9+$0xC040];
	[tilespmem:s30+$0x1450] =	vst v5;
	v3 =	vadd.f32 v3, v10  }
0xda: {  	v45 =	vld [tilespmem:s9+$0xC050];
	[tilespmem:s30+$0x1460] =	vst v4  }
0xdb: {  	v46 =	vld [tilespmem:s9+$0xC060];
	[tilespmem:s30+$0x1470] =	vst v3;
	s30 =	smov.u32 s9  }
0xdc: {  	v47 =	vld [tilespmem:s30+$0xC070]  }
0xdd: {  	v48 =	vld [tilespmem:s30+$0xC400]  }
0xde: {  	v49 =	vld [tilespmem:s30+$0xC410]  }
0xdf: {  	v50 =	vld [tilespmem:s30+$0xC420]  }
0xe0: {  	v39 =	vld [tilespmem:s30+$0xC430]  }
0xe1: {  	v38 =	vld [tilespmem:s30+$0xC440]  }
0xe2: {  	v37 =	vld [tilespmem:s30+$0xC450]  }
0xe3: {  	v36 =	vld [tilespmem:s30+$0xC460]  }
0xe4: {  	v35 =	vld [tilespmem:s30+$0xC470]  }
0xe5: {  	v34 =	vld [tilespmem:s30+$0xC800]  }
0xe6: {  	v33 =	vld [tilespmem:s30+$0xC810]  }
0xe7: {  	v32 =	vld [tilespmem:s30+$0xC820]  }
0xe8: {  	v31 =	vld [tilespmem:s30+$0xC830]  }
0xe9: {  	v30 =	vld [tilespmem:s30+$0xC840]  }
0xea: {  	v29 =	vld [tilespmem:s30+$0xC850]  }
0xeb: {  	v28 =	vld [tilespmem:s30+$0xC860]  }
0xec: {  	v27 =	vld [tilespmem:s30+$0xC870]  }
0xed: {  	v26 =	vld [tilespmem:s30+$0xCC00]  }
0xee: {  	v25 =	vld [tilespmem:s30+$0xCC10]  }
0xef: {  	v24 =	vld [tilespmem:s30+$0xCC20]  }
0xf0: {  	v23 =	vld [tilespmem:s30+$0xCC30]  }
0xf1: {  	v22 =	vld [tilespmem:s30+$0xCC40]  }
0xf2: {  	v21 =	vld [tilespmem:s30+$0xCC50]  }
0xf3: {  	v20 =	vld [tilespmem:s30+$0xCC60]  }
0xf4: {  	v19 =	vld [tilespmem:s30+$0xCC70]  }
0xf5: {  	v18 =	vld [tilespmem:s30+$0xD000]  }
0xf6: {  	v17 =	vld [tilespmem:s30+$0xD010]  }
0xf7: {  	v16 =	vld [tilespmem:s30+$0xD020]  }
0xf8: {  	v15 =	vld [tilespmem:s30+$0xD030]  }
0xf9: {  	v14 =	vld [tilespmem:s30+$0xD040]  }
0xfa: {  	v13 =	vld [tilespmem:s30+$0xD050]  }
0xfb: {  	v12 =	vld [tilespmem:s30+$0xD060]  }
0xfc: {  	v11 =	vld [tilespmem:s30+$0xD070]  }
0xfd: {  	v10 =	vld [tilespmem:s30+$0xD400]  }
0xfe: {  	v9 =	vld [tilespmem:s30+$0xD410]  }
0xff: {  	v8 =	vld [tilespmem:s30+$0xD420]  }
0x100: {  	v7 =	vld [tilespmem:s30+$0xD430]  }
0x101: {  	v6 =	vld [tilespmem:s30+$0xD440]  }
0x102: {  	v5 =	vld [tilespmem:s30+$0xD450]  }
0x103: {  	v4 =	vld [tilespmem:s30+$0xD460]  }
0x104: {  	v3 =	vld [tilespmem:s30+$0xD470]  }
0x105: {  	v51 =	vld [tilespmem:s30+$0x0]  }
0x106: {  	v52 =	vld [tilespmem:s30+$0x10]  }
0x107: {  	v53 =	vld [tilespmem:s30+$0x20]  }
0x108: {  	v40 =	vmul.f32 $1.000000010e-01, v40;
	v54 =	vld [tilespmem:s30+$0x30]  }
0x109: {  	v41 =	vmul.f32 $1.000000010e-01, v41;
	v55 =	vld [tilespmem:s30+$0x40]  }
0x10a: {  	v42 =	vmul.f32 $1.000000010e-01, v42;
	v40 =	vadd.f32 v40, v51;
	v51 =	vld [tilespmem:s30+$0x50]  }
0x10b: {  	v43 =	vmul.f32 $1.000000010e-01, v43;
	v41 =	vadd.f32 v41, v52;
	v52 =	vld [tilespmem:s30+$0x60]  }
0x10c: {  	[tilespmem:s30+$0x0] =	vst v40;
	v40 =	vadd.f32 v42, v53;
	v42 =	vmul.f32 $1.000000010e-01, v44;
	v44 =	vld [tilespmem:s30+$0x70]  }
0x10d: {  	[tilespmem:s30+$0x10] =	vst v41;
	v41 =	vadd.f32 v43, v54;
	v43 =	vmul.f32 $1.000000010e-01, v45;
	v45 =	vld [tilespmem:s30+$0x400]  }
0x10e: {  	[tilespmem:s30+$0x20] =	vst v40;
	v40 =	vadd.f32 v42, v55;
	v42 =	vmul.f32 $1.000000010e-01, v46;
	v46 =	vld [tilespmem:s30+$0x410]  }
0x10f: {  	[tilespmem:s30+$0x30] =	vst v41;
	v41 =	vadd.f32 v43, v51;
	v43 =	vmul.f32 $1.000000010e-01, v47;
	v47 =	vld [tilespmem:s30+$0x420]  }
0x110: {  	[tilespmem:s30+$0x40] =	vst v40;
	v40 =	vadd.f32 v42, v52;
	v42 =	vmul.f32 $1.000000010e-01, v48;
	v48 =	vld [tilespmem:s30+$0x430]  }
0x111: {  	[tilespmem:s30+$0x50] =	vst v41;
	v41 =	vadd.f32 v43, v44;
	v43 =	vmul.f32 $1.000000010e-01, v49;
	v44 =	vld [tilespmem:s30+$0x440]  }
0x112: {  	[tilespmem:s30+$0x60] =	vst v40;
	v40 =	vadd.f32 v42, v45;
	v42 =	vmul.f32 $1.000000010e-01, v50;
	v45 =	vld [tilespmem:s30+$0x450]  }
0x113: {  	v39 =	vmul.f32 $1.000000010e-01, v39;
	[tilespmem:s30+$0x70] =	vst v41;
	v41 =	vadd.f32 v43, v46;
	v43 =	vld [tilespmem:s30+$0x460]  }
0x114: {  	v38 =	vmul.f32 $1.000000010e-01, v38;
	[tilespmem:s30+$0x400] =	vst v40;
	v40 =	vadd.f32 v42, v47;
	v42 =	vld [tilespmem:s30+$0x470]  }
0x115: {  	v37 =	vmul.f32 $1.000000010e-01, v37;
	[tilespmem:s30+$0x410] =	vst v41;
	v39 =	vadd.f32 v39, v48;
	v41 =	vld [tilespmem:s30+$0x800]  }
0x116: {  	v36 =	vmul.f32 $1.000000010e-01, v36;
	[tilespmem:s30+$0x420] =	vst v40;
	v38 =	vadd.f32 v38, v44;
	v40 =	vld [tilespmem:s30+$0x810]  }
0x117: {  	v35 =	vmul.f32 $1.000000010e-01, v35;
	[tilespmem:s30+$0x430] =	vst v39;
	v37 =	vadd.f32 v37, v45;
	v39 =	vld [tilespmem:s30+$0x820]  }
0x118: {  	v34 =	vmul.f32 $1.000000010e-01, v34;
	[tilespmem:s30+$0x440] =	vst v38;
	v36 =	vadd.f32 v36, v43;
	v38 =	vld [tilespmem:s30+$0x830]  }
0x119: {  	v33 =	vmul.f32 $1.000000010e-01, v33;
	[tilespmem:s30+$0x450] =	vst v37;
	v35 =	vadd.f32 v35, v42;
	v37 =	vld [tilespmem:s30+$0x840]  }
0x11a: {  	v32 =	vmul.f32 $1.000000010e-01, v32;
	[tilespmem:s30+$0x460] =	vst v36;
	v34 =	vadd.f32 v34, v41;
	v36 =	vld [tilespmem:s30+$0x850]  }
0x11b: {  	v31 =	vmul.f32 $1.000000010e-01, v31;
	[tilespmem:s30+$0x470] =	vst v35;
	v33 =	vadd.f32 v33, v40;
	v35 =	vld [tilespmem:s30+$0x860]  }
0x11c: {  	v30 =	vmul.f32 $1.000000010e-01, v30;
	[tilespmem:s30+$0x800] =	vst v34;
	v32 =	vadd.f32 v32, v39;
	v34 =	vld [tilespmem:s30+$0x870]  }
0x11d: {  	v29 =	vmul.f32 $1.000000010e-01, v29;
	[tilespmem:s30+$0x810] =	vst v33;
	v31 =	vadd.f32 v31, v38;
	v33 =	vld [tilespmem:s30+$0xC00]  }
0x11e: {  	v28 =	vmul.f32 $1.000000010e-01, v28;
	[tilespmem:s30+$0x820] =	vst v32;
	v30 =	vadd.f32 v30, v37;
	v32 =	vld [tilespmem:s30+$0xC10]  }
0x11f: {  	v27 =	vmul.f32 $1.000000010e-01, v27;
	[tilespmem:s30+$0x830] =	vst v31;
	v29 =	vadd.f32 v29, v36;
	v31 =	vld [tilespmem:s30+$0xC20]  }
0x120: {  	v26 =	vmul.f32 $1.000000010e-01, v26;
	[tilespmem:s30+$0x840] =	vst v30;
	v28 =	vadd.f32 v28, v35;
	v30 =	vld [tilespmem:s30+$0xC30]  }
0x121: {  	v25 =	vmul.f32 $1.000000010e-01, v25;
	[tilespmem:s30+$0x850] =	vst v29;
	v27 =	vadd.f32 v27, v34;
	v29 =	vld [tilespmem:s30+$0xC40]  }
0x122: {  	v24 =	vmul.f32 $1.000000010e-01, v24;
	[tilespmem:s30+$0x860] =	vst v28;
	v26 =	vadd.f32 v26, v33;
	v28 =	vld [tilespmem:s30+$0xC50]  }
0x123: {  	v23 =	vmul.f32 $1.000000010e-01, v23;
	[tilespmem:s30+$0x870] =	vst v27;
	v25 =	vadd.f32 v25, v32;
	v27 =	vld [tilespmem:s30+$0xC60]  }
0x124: {  	v22 =	vmul.f32 $1.000000010e-01, v22;
	[tilespmem:s30+$0xC00] =	vst v26;
	v24 =	vadd.f32 v24, v31;
	v26 =	vld [tilespmem:s30+$0xC70]  }
0x125: {  	v21 =	vmul.f32 $1.000000010e-01, v21;
	[tilespmem:s30+$0xC10] =	vst v25;
	v23 =	vadd.f32 v23, v30;
	v25 =	vld [tilespmem:s30+$0x1000]  }
0x126: {  	v20 =	vmul.f32 $1.000000010e-01, v20;
	[tilespmem:s30+$0xC20] =	vst v24;
	v22 =	vadd.f32 v22, v29;
	v24 =	vld [tilespmem:s30+$0x1010]  }
0x127: {  	v19 =	vmul.f32 $1.000000010e-01, v19;
	[tilespmem:s30+$0xC30] =	vst v23;
	v21 =	vadd.f32 v21, v28;
	v23 =	vld [tilespmem:s30+$0x1020]  }
0x128: {  	v18 =	vmul.f32 $1.000000010e-01, v18;
	[tilespmem:s30+$0xC40] =	vst v22;
	v20 =	vadd.f32 v20, v27;
	v22 =	vld [tilespmem:s30+$0x1030]  }
0x129: {  	[tilespmem:s30+$0xC50] =	vst v21;
	v19 =	vadd.f32 v19, v26;
	v21 =	vmul.f32 $1.000000010e-01, v17;
	v26 =	vld [tilespmem:s30+$0x1040]  }
.Ltmp0:
0x12a: {  	v16 =	vmul.f32 $1.000000010e-01, v16;
	[tilespmem:s30+$0xC60] =	vst v20;
	v18 =	vadd.f32 v18, v25;
	v17 =	vld [tilespmem:s30+$0x1050];
	(pc) =	sbr.rel @p0 .LBB2_3-.Ltmp0, $4  }
0x12b: {  	v20 =	vmul.f32 $1.000000010e-01, v15;
	[tilespmem:s30+$0xC70] =	vst v19;
	v19 =	vadd.f32 v21, v24;
	v15 =	vld [tilespmem:s30+$0x1060]  }
0x12c: {  	[tilespmem:s30+$0x1000] =	vst v18;
	v21 =	vadd.f32 v16, v23;
	v23 =	vmul.f32 $1.000000010e-01, v14;
	v16 =	vld [tilespmem:s30+$0x1070]  }
0x12d: {  	[tilespmem:s30+$0x1010] =	vst v19;
	v18 =	vadd.f32 v20, v22;
	v19 =	vmul.f32 $1.000000010e-01, v13;
	v14 =	vld [tilespmem:s30+$0x1400]  }
0x12e: {  	s8 =	sadd.s32 $0x1, s8;
	v13 =	vmul.f32 $1.000000010e-01, v12;
	[tilespmem:s30+$0x1020] =	vst v21;
	v20 =	vadd.f32 v23, v26;
	v12 =	vld [tilespmem:s30+$0x1410]  }
0x12f: {  	[tilespmem:s30+$0x1030] =	vst v18;
	v58 =	vld [tilespmem:s30+$0x1420];
	v17 =	vadd.f32 v19, v17;
	v11 =	vmul.f32 $1.000000010e-01, v11  }
0x130: {  	v59 =	vld [tilespmem:s30+$0x1430];
	v10 =	vmul.f32 $1.000000010e-01, v10;
	[tilespmem:s30+$0x1040] =	vst v20;
	v13 =	vadd.f32 v13, v15  }
0x131: {  	v60 =	vld [tilespmem:s30+$0x1440];
	v9 =	vmul.f32 $1.000000010e-01, v9;
	[tilespmem:s30+$0x1050] =	vst v17;
	v11 =	vadd.f32 v11, v16  }
0x132: {  	v61 =	vld [tilespmem:s30+$0x1450];
	v8 =	vmul.f32 $1.000000010e-01, v8;
	[tilespmem:s30+$0x1060] =	vst v13;
	v10 =	vadd.f32 v10, v14  }
0x133: {  	v7 =	vmul.f32 $1.000000010e-01, v7;
	v62 =	vld [tilespmem:s30+$0x1460];
	[tilespmem:s30+$0x1070] =	vst v11;
	v9 =	vadd.f32 v9, v12  }
0x134: {  	v6 =	vmul.f32 $1.000000010e-01, v6;
	v63 =	vld [tilespmem:s30+$0x1470];
	[tilespmem:s30+$0x1400] =	vst v10;
	v8 =	vadd.f32 v8, v58  }
0x135: {  	v5 =	vmul.f32 $1.000000010e-01, v5;
	v7 =	vadd.f32 v7, v59;
	[tilespmem:s30+$0x1410] =	vst v9  }
0x136: {  	v4 =	vmul.f32 $1.000000010e-01, v4;
	v6 =	vadd.f32 v6, v60;
	[tilespmem:s30+$0x1420] =	vst v8  }
0x137: {  	v3 =	vmul.f32 $1.000000010e-01, v3;
	s2 =	sor.u32 s5, s0;
	p0 =	seq.s32 s29, $0x7;
	v5 =	vadd.f32 v5, v61;
	[tilespmem:s30+$0x1430] =	vst v7  }
.Ltmp1:
0x138: {  	s2 =	sshrl.u32 s2, $0x3;
	v4 =	vadd.f32 v4, v62;
	[tilespmem:s30+$0x1440] =	vst v6;
	(pc) =	sbr.rel @p0 .LBB2_6-.Ltmp1, $4  }
0x139: {  	s2 =	smul.u32 $0x300, s2;
	v3 =	vadd.f32 v3, v63;
	[tilespmem:s30+$0x1450] =	vst v5  }
0x13a: {  	[tilespmem:s30+$0x1460] =	vst v4  }
0x13b: {  	s2 =	sadd.s32 s4, s2;
	[tilespmem:s30+$0x1470] =	vst v3  }
0x13c: {  	[hbm4b:s2+s6] =	stream.linear.scatter [tilespmem:s6], [sflag:$0x5], $0x6000, $0x38;
	[tilespmem:$0x18100] =	vst v63  }
0x13d: {  	_ =	swait.ge [sflag:s28], $0x6000  }
0x13e: {  	s2 =	rddreg [dreg:$0x7]  }
0x13f: {  	s0 =	sadd.s32 s0, s2  }
0x140: {  	[sflag:s28] =	ssyncset.done $0x0;
	s0 =	sshrl.u32 s0, $0x3  }
0x141: {  	s8 =	simm.s32 $0x18000;
	[sflag:s28] =	ssyncadd.s32 $0xFFFFA000;
	s9 =	sadd.s32 s7, s0  }
0x142: {  	[tilespmem:s8], [sflag:$0x7] =	stream.linear.gather [hbm4b:s9+s6], $0x20, $0x38;
	[tilespmem:$0x18100] =	vst v63  }
0x143: {  	s0 =	smul.u32 $0x300, s0;
	_ =	swait.ge [sflag:s16], $0x20  }
0x144: {  	[sflag:s16] =	ssyncset.done $0x0  }
0x145: {  	s0 =	sadd.s32 s1, s0;
	[sflag:s16] =	ssyncadd.s32 $0xFFFFFFE0  }
0x146: {  	[tilespmem:s6], [sflag:$0x1] =	stream.linear.gather [hbm4b:s0+s6], $0x6000, $0x38;
	[tilespmem:$0x18100] =	vst v63  }
0x147: {  	v3 =	vld [tilespmem:$0x18000];
	_ =	sdelay $0x4  }
0x148: {  	v4 =	vshrl.u32 v3, $0x3  }
0x149: {  	v4 =	vmul.u32 $0x30, v4  }
0x14a: {  	v3 =	vand.u32 $0x7, v3  }
0x14b: {  	v3 =	vor.u32 v3, v4  }
0x14c: {  	v4 =	vperm.xlane v3, v0;
	_ =	sdelay $0x1  }
0x14d: {  	v4 =	vadd.s32 v1, v4;
	_ =	sdelay $0x3  }
0x14e: {  	s14 =	simm.s32 $0xC000;
	v3 =	vperm.xlane v3, v2  }
0x14f: {  	[tilespmem:s14], [sflag:$0x3] =	stream.indirect_vreg.gather [hbm4b:s3+s6], $0x80, v4, vm0, $0xb8;
	[tilespmem:$0x18100] =	vst v63  }
0x150: {  	s30 =	simm.s32 $0xC800;
	v3 =	vadd.s32 v1, v3  }
0x151: {  	[tilespmem:s30], [sflag:$0x3] =	stream.indirect_vreg.gather [hbm4b:s10+s6], $0x80, v4, vm0, $0xb8;
	[tilespmem:$0x18100] =	vst v63  }
0x152: {  	s2 =	simm.s32 $0xD000  }
0x153: {  	[tilespmem:s2], [sflag:$0x3] =	stream.indirect_vreg.gather [hbm4b:s11+s6], $0x80, v4, vm0, $0xb8;
	[tilespmem:$0x18100] =	vst v63  }
0x154: {  	s8 =	simm.s32 $0xD800  }
0x155: {  	[tilespmem:s8], [sflag:$0x3] =	stream.indirect_vreg.gather [hbm4b:s3+s6], $0x80, v3, vm0, $0xb8;
	[tilespmem:$0x18100] =	vst v63  }
0x156: {  	s9 =	simm.s32 $0xE000  }
0x157: {  	[tilespmem:s9], [sflag:$0x3] =	stream.indirect_vreg.gather [hbm4b:s10+s6], $0x80, v3, vm0, $0xb8;
	[tilespmem:$0x18100] =	vst v63  }
0x158: {  	s14 =	simm.s32 $0xE800  }
0x159: {  	[tilespmem:s14], [sflag:$0x3] =	stream.indirect_vreg.gather [hbm4b:s11+s6], $0x80, v3, vm0, $0xb8;
	[tilespmem:$0x18100] =	vst v63  }
0x15a: {  	v3 =	vld [tilespmem:$0x18010];
	_ =	sdelay $0x4  }
0x15b: {  	v63 =	vshrl.u32 v3, $0x3  }
0x15c: {  	v4 =	vmul.u32 $0x30, v63  }
0x15d: {  	v3 =	vand.u32 $0x7, v3  }
0x15e: {  	v3 =	vor.u32 v3, v4  }
0x15f: {  	v4 =	vperm.xlane v3, v0;
	_ =	sdelay $0x1  }
0x160: {  	v4 =	vadd.s32 v1, v4;
	_ =	sdelay $0x3  }
0x161: {  	s30 =	simm.s32 $0xF000;
	v3 =	vperm.xlane v3, v2  }
0x162: {  	[tilespmem:s30], [sflag:$0x3] =	stream.indirect_vreg.gather [hbm4b:s3+s6], $0x80, v4, vm0, $0xb8;
	[tilespmem:$0x18100] =	vst v63  }
0x163: {  	s2 =	simm.s32 $0xF800;
	v3 =	vadd.s32 v1, v3  }
0x164: {  	[tilespmem:s2], [sflag:$0x3] =	stream.indirect_vreg.gather [hbm4b:s10+s6], $0x80, v4, vm0, $0xb8;
	[tilespmem:$0x18100] =	vst v63  }
0x165: {  	s8 =	simm.s32 $0x10000  }
0x166: {  	[tilespmem:s8], [sflag:$0x3] =	stream.indirect_vreg.gather [hbm4b:s11+s6], $0x80, v4, vm0, $0xb8;
	[tilespmem:$0x18100] =	vst v63  }
0x167: {  	s9 =	simm.s32 $0x10800  }
0x168: {  	[tilespmem:s9], [sflag:$0x3] =	stream.indirect_vreg.gather [hbm4b:s3+s6], $0x80, v3, vm0, $0xb8;
	[tilespmem:$0x18100] =	vst v63  }
0x169: {  	s14 =	simm.s32 $0x11000  }
0x16a: {  	[tilespmem:s14], [sflag:$0x3] =	stream.indirect_vreg.gather [hbm4b:s10+s6], $0x80, v3, vm0, $0xb8;
	[tilespmem:$0x18100] =	vst v63  }
0x16b: {  	s30 =	simm.s32 $0x11800  }
0x16c: {  	[tilespmem:s30], [sflag:$0x3] =	stream.indirect_vreg.gather [hbm4b:s11+s6], $0x80, v3, vm0, $0xb8;
	[tilespmem:$0x18100] =	vst v63  }
.LBB2_6:
0x16d: {  	_ =	swait.ge [sflag:s25], $0x6000  }
0x16e: {  	s0 =	simm.s32 $0x0;
	[sflag:s25] =	ssyncset.done $0x0  }
0x16f: {  	s30 =	simm.s32 $0x0;
	s0 =	smul.u32 $0x1800, s0;
	[sflag:s25] =	ssyncadd.s32 $0xFFFFA000  }
0x170: {  	s2 =	sand.u32 $0x380, s30;
	_ =	swait.ge [sflag:s26], $0x6000  }
0x171: {  	s2 =	sor.u32 s2, s0;
	[sflag:s26] =	ssyncset.done $0x0  }
0x172: {  	s0 =	sadd.s32 $0x6000, s2;
	[sflag:s26] =	ssyncadd.s32 $0xFFFFA000  }
0x173: {  	v3 =	vld [tilespmem:s0+$0xC000];
	_ =	sdelay $0x1  }
0x174: {  	v4 =	vld [tilespmem:s2+$0x6000];
	_ =	sdelay $0x2  }
0x175: {  	v3 =	vmul.f32 $1.000000010e-01, v3;
	_ =	sdelay $0x1  }
0x176: {  	v3 =	vadd.f32 v3, v4;
	_ =	sdelay $0x1  }
0x177: {  	[tilespmem:s2+$0x6000] =	vst v3  }
0x178: {  	v3 =	vld [tilespmem:s0+$0xC010];
	_ =	sdelay $0x1  }
0x179: {  	v4 =	vld [tilespmem:s2+$0x6010];
	_ =	sdelay $0x2  }
0x17a: {  	v3 =	vmul.f32 $1.000000010e-01, v3;
	_ =	sdelay $0x1  }
0x17b: {  	v3 =	vadd.f32 v3, v4;
	_ =	sdelay $0x1  }
0x17c: {  	[tilespmem:s2+$0x6010] =	vst v3  }
0x17d: {  	v3 =	vld [tilespmem:s0+$0xC020];
	_ =	sdelay $0x1  }
0x17e: {  	v4 =	vld [tilespmem:s2+$0x6020];
	_ =	sdelay $0x2  }
0x17f: {  	v3 =	vmul.f32 $1.000000010e-01, v3;
	_ =	sdelay $0x1  }
0x180: {  	v3 =	vadd.f32 v3, v4;
	_ =	sdelay $0x1  }
0x181: {  	[tilespmem:s2+$0x6020] =	vst v3  }
0x182: {  	v3 =	vld [tilespmem:s0+$0xC030];
	_ =	sdelay $0x1  }
0x183: {  	v4 =	vld [tilespmem:s2+$0x6030];
	_ =	sdelay $0x2  }
0x184: {  	v3 =	vmul.f32 $1.000000010e-01, v3;
	_ =	sdelay $0x1  }
0x185: {  	v3 =	vadd.f32 v3, v4;
	_ =	sdelay $0x1  }
0x186: {  	[tilespmem:s2+$0x6030] =	vst v3  }
0x187: {  	v3 =	vld [tilespmem:s0+$0xC040];
	_ =	sdelay $0x1  }
0x188: {  	v4 =	vld [tilespmem:s2+$0x6040];
	_ =	sdelay $0x2  }
0x189: {  	v3 =	vmul.f32 $1.000000010e-01, v3;
	_ =	sdelay $0x1  }
0x18a: {  	v3 =	vadd.f32 v3, v4;
	_ =	sdelay $0x1  }
0x18b: {  	[tilespmem:s2+$0x6040] =	vst v3  }
0x18c: {  	v3 =	vld [tilespmem:s0+$0xC050];
	_ =	sdelay $0x1  }
0x18d: {  	v4 =	vld [tilespmem:s2+$0x6050];
	_ =	sdelay $0x2  }
0x18e: {  	v3 =	vmul.f32 $1.000000010e-01, v3;
	_ =	sdelay $0x1  }
0x18f: {  	v3 =	vadd.f32 v3, v4;
	_ =	sdelay $0x1  }
0x190: {  	[tilespmem:s2+$0x6050] =	vst v3  }
0x191: {  	v3 =	vld [tilespmem:s0+$0xC060];
	_ =	sdelay $0x1  }
0x192: {  	v4 =	vld [tilespmem:s2+$0x6060];
	_ =	sdelay $0x2  }
0x193: {  	v3 =	vmul.f32 $1.000000010e-01, v3;
	_ =	sdelay $0x1  }
0x194: {  	v3 =	vadd.f32 v3, v4;
	_ =	sdelay $0x1  }
0x195: {  	[tilespmem:s2+$0x6060] =	vst v3  }
0x196: {  	v3 =	vld [tilespmem:s0+$0xC070];
	_ =	sdelay $0x1  }
0x197: {  	v4 =	vld [tilespmem:s2+$0x6070];
	_ =	sdelay $0x2  }
0x198: {  	v3 =	vmul.f32 $1.000000010e-01, v3;
	_ =	sdelay $0x1  }
0x199: {  	v3 =	vadd.f32 v3, v4;
	_ =	sdelay $0x1  }
0x19a: {  	s9 =	sadd.s32 $0x6400, s2;
	[tilespmem:s2+$0x6070] =	vst v3  }
0x19b: {  	v3 =	vld [tilespmem:s9+$0xC000];
	_ =	sdelay $0x1  }
0x19c: {  	v4 =	vld [tilespmem:s2+$0x6400];
	_ =	sdelay $0x2  }
0x19d: {  	v3 =	vmul.f32 $1.000000010e-01, v3;
	_ =	sdelay $0x1  }
0x19e: {  	v3 =	vadd.f32 v3, v4;
	_ =	sdelay $0x1  }
0x19f: {  	[tilespmem:s2+$0x6400] =	vst v3  }
0x1a0: {  	v3 =	vld [tilespmem:s9+$0xC010];
	_ =	sdelay $0x1  }
0x1a1: {  	v4 =	vld [tilespmem:s2+$0x6410];
	_ =	sdelay $0x2  }
0x1a2: {  	v3 =	vmul.f32 $1.000000010e-01, v3;
	_ =	sdelay $0x1  }
0x1a3: {  	v3 =	vadd.f32 v3, v4;
	_ =	sdelay $0x1  }
0x1a4: {  	[tilespmem:s2+$0x6410] =	vst v3  }
0x1a5: {  	v3 =	vld [tilespmem:s9+$0xC020];
	_ =	sdelay $0x1  }
0x1a6: {  	v4 =	vld [tilespmem:s2+$0x6420];
	_ =	sdelay $0x2  }
0x1a7: {  	v3 =	vmul.f32 $1.000000010e-01, v3;
	_ =	sdelay $0x1  }
0x1a8: {  	v3 =	vadd.f32 v3, v4;
	_ =	sdelay $0x1  }
0x1a9: {  	[tilespmem:s2+$0x6420] =	vst v3  }
0x1aa: {  	v3 =	vld [tilespmem:s9+$0xC030];
	_ =	sdelay $0x1  }
0x1ab: {  	v4 =	vld [tilespmem:s2+$0x6430];
	_ =	sdelay $0x2  }
0x1ac: {  	v3 =	vmul.f32 $1.000000010e-01, v3;
	_ =	sdelay $0x1  }
0x1ad: {  	v3 =	vadd.f32 v3, v4;
	_ =	sdelay $0x1  }
0x1ae: {  	[tilespmem:s2+$0x6430] =	vst v3  }
0x1af: {  	v3 =	vld [tilespmem:s9+$0xC040];
	_ =	sdelay $0x1  }
0x1b0: {  	v4 =	vld [tilespmem:s2+$0x6440];
	_ =	sdelay $0x2  }
0x1b1: {  	v3 =	vmul.f32 $1.000000010e-01, v3;
	_ =	sdelay $0x1  }
0x1b2: {  	v3 =	vadd.f32 v3, v4;
	_ =	sdelay $0x1  }
0x1b3: {  	[tilespmem:s2+$0x6440] =	vst v3  }
0x1b4: {  	v3 =	vld [tilespmem:s9+$0xC050];
	_ =	sdelay $0x1  }
0x1b5: {  	v4 =	vld [tilespmem:s2+$0x6450];
	_ =	sdelay $0x2  }
0x1b6: {  	v3 =	vmul.f32 $1.000000010e-01, v3;
	_ =	sdelay $0x1  }
0x1b7: {  	v3 =	vadd.f32 v3, v4;
	_ =	sdelay $0x1  }
0x1b8: {  	[tilespmem:s2+$0x6450] =	vst v3  }
0x1b9: {  	v3 =	vld [tilespmem:s9+$0xC060];
	_ =	sdelay $0x1  }
0x1ba: {  	v4 =	vld [tilespmem:s2+$0x6460];
	_ =	sdelay $0x2  }
0x1bb: {  	v3 =	vmul.f32 $1.000000010e-01, v3;
	_ =	sdelay $0x1  }
0x1bc: {  	v3 =	vadd.f32 v3, v4;
	_ =	sdelay $0x1  }
0x1bd: {  	[tilespmem:s2+$0x6460] =	vst v3  }
0x1be: {  	v3 =	vld [tilespmem:s9+$0xC070];
	_ =	sdelay $0x1  }
0x1bf: {  	v4 =	vld [tilespmem:s2+$0x6470];
	_ =	sdelay $0x2  }
0x1c0: {  	v3 =	vmul.f32 $1.000000010e-01, v3;
	_ =	sdelay $0x1  }
0x1c1: {  	v3 =	vadd.f32 v3, v4;
	_ =	sdelay $0x1  }
0x1c2: {  	s14 =	sadd.s32 $0x6800, s2;
	[tilespmem:s2+$0x6470] =	vst v3  }
0x1c3: {  	v3 =	vld [tilespmem:s14+$0xC000];
	_ =	sdelay $0x1  }
0x1c4: {  	v4 =	vld [tilespmem:s2+$0x6800];
	_ =	sdelay $0x2  }
0x1c5: {  	v3 =	vmul.f32 $1.000000010e-01, v3;
	_ =	sdelay $0x1  }
0x1c6: {  	v3 =	vadd.f32 v3, v4;
	_ =	sdelay $0x1  }
0x1c7: {  	[tilespmem:s2+$0x6800] =	vst v3  }
0x1c8: {  	v3 =	vld [tilespmem:s14+$0xC010];
	_ =	sdelay $0x1  }
0x1c9: {  	v4 =	vld [tilespmem:s2+$0x6810];
	_ =	sdelay $0x2  }
0x1ca: {  	v3 =	vmul.f32 $1.000000010e-01, v3;
	_ =	sdelay $0x1  }
0x1cb: {  	v3 =	vadd.f32 v3, v4;
	_ =	sdelay $0x1  }
0x1cc: {  	[tilespmem:s2+$0x6810] =	vst v3  }
0x1cd: {  	v3 =	vld [tilespmem:s14+$0xC020];
	_ =	sdelay $0x1  }
0x1ce: {  	v4 =	vld [tilespmem:s2+$0x6820];
	_ =	sdelay $0x2  }
0x1cf: {  	v3 =	vmul.f32 $1.000000010e-01, v3;
	_ =	sdelay $0x1  }
0x1d0: {  	v3 =	vadd.f32 v3, v4;
	_ =	sdelay $0x1  }
0x1d1: {  	[tilespmem:s2+$0x6820] =	vst v3  }
0x1d2: {  	v3 =	vld [tilespmem:s14+$0xC030];
	_ =	sdelay $0x1  }
0x1d3: {  	v4 =	vld [tilespmem:s2+$0x6830];
	_ =	sdelay $0x2  }
0x1d4: {  	v3 =	vmul.f32 $1.000000010e-01, v3;
	_ =	sdelay $0x1  }
0x1d5: {  	v3 =	vadd.f32 v3, v4;
	_ =	sdelay $0x1  }
0x1d6: {  	[tilespmem:s2+$0x6830] =	vst v3  }
0x1d7: {  	v3 =	vld [tilespmem:s14+$0xC040];
	_ =	sdelay $0x1  }
0x1d8: {  	v4 =	vld [tilespmem:s2+$0x6840];
	_ =	sdelay $0x2  }
0x1d9: {  	v3 =	vmul.f32 $1.000000010e-01, v3;
	_ =	sdelay $0x1  }
0x1da: {  	v3 =	vadd.f32 v3, v4;
	_ =	sdelay $0x1  }
0x1db: {  	[tilespmem:s2+$0x6840] =	vst v3  }
0x1dc: {  	v3 =	vld [tilespmem:s14+$0xC050];
	_ =	sdelay $0x1  }
0x1dd: {  	v4 =	vld [tilespmem:s2+$0x6850];
	_ =	sdelay $0x2  }
0x1de: {  	v3 =	vmul.f32 $1.000000010e-01, v3;
	_ =	sdelay $0x1  }
0x1df: {  	v3 =	vadd.f32 v3, v4;
	_ =	sdelay $0x1  }
0x1e0: {  	[tilespmem:s2+$0x6850] =	vst v3  }
0x1e1: {  	v3 =	vld [tilespmem:s14+$0xC060];
	_ =	sdelay $0x1  }
0x1e2: {  	v4 =	vld [tilespmem:s2+$0x6860];
	_ =	sdelay $0x2  }
0x1e3: {  	v3 =	vmul.f32 $1.000000010e-01, v3;
	_ =	sdelay $0x1  }
0x1e4: {  	v3 =	vadd.f32 v3, v4;
	_ =	sdelay $0x1  }
0x1e5: {  	[tilespmem:s2+$0x6860] =	vst v3  }
0x1e6: {  	v3 =	vld [tilespmem:s14+$0xC070];
	_ =	sdelay $0x1  }
0x1e7: {  	v4 =	vld [tilespmem:s2+$0x6870];
	_ =	sdelay $0x2  }
0x1e8: {  	v3 =	vmul.f32 $1.000000010e-01, v3;
	_ =	sdelay $0x1  }
0x1e9: {  	v3 =	vadd.f32 v3, v4;
	_ =	sdelay $0x1  }
0x1ea: {  	s8 =	sadd.s32 $0x6C00, s2;
	[tilespmem:s2+$0x6870] =	vst v3  }
0x1eb: {  	v3 =	vld [tilespmem:s8+$0xC000];
	_ =	sdelay $0x1  }
0x1ec: {  	v4 =	vld [tilespmem:s2+$0x6C00];
	_ =	sdelay $0x2  }
0x1ed: {  	v3 =	vmul.f32 $1.000000010e-01, v3;
	_ =	sdelay $0x1  }
0x1ee: {  	v3 =	vadd.f32 v3, v4;
	_ =	sdelay $0x1  }
0x1ef: {  	[tilespmem:s2+$0x6C00] =	vst v3  }
0x1f0: {  	v3 =	vld [tilespmem:s8+$0xC010];
	_ =	sdelay $0x1  }
0x1f1: {  	v4 =	vld [tilespmem:s2+$0x6C10];
	_ =	sdelay $0x2  }
0x1f2: {  	v3 =	vmul.f32 $1.000000010e-01, v3;
	_ =	sdelay $0x1  }
0x1f3: {  	v3 =	vadd.f32 v3, v4;
	_ =	sdelay $0x1  }
0x1f4: {  	[tilespmem:s2+$0x6C10] =	vst v3  }
0x1f5: {  	v3 =	vld [tilespmem:s8+$0xC020];
	_ =	sdelay $0x1  }
0x1f6: {  	v4 =	vld [tilespmem:s2+$0x6C20];
	_ =	sdelay $0x2  }
0x1f7: {  	v3 =	vmul.f32 $1.000000010e-01, v3;
	_ =	sdelay $0x1  }
0x1f8: {  	v3 =	vadd.f32 v3, v4;
	_ =	sdelay $0x1  }
0x1f9: {  	[tilespmem:s2+$0x6C20] =	vst v3  }
0x1fa: {  	v3 =	vld [tilespmem:s8+$0xC030];
	_ =	sdelay $0x1  }
0x1fb: {  	v4 =	vld [tilespmem:s2+$0x6C30];
	_ =	sdelay $0x2  }
0x1fc: {  	v3 =	vmul.f32 $1.000000010e-01, v3;
	_ =	sdelay $0x1  }
0x1fd: {  	v3 =	vadd.f32 v3, v4;
	_ =	sdelay $0x1  }
0x1fe: {  	[tilespmem:s2+$0x6C30] =	vst v3  }
0x1ff: {  	v3 =	vld [tilespmem:s8+$0xC040];
	_ =	sdelay $0x1  }
0x200: {  	v4 =	vld [tilespmem:s2+$0x6C40];
	_ =	sdelay $0x2  }
0x201: {  	v3 =	vmul.f32 $1.000000010e-01, v3;
	_ =	sdelay $0x1  }
0x202: {  	v3 =	vadd.f32 v3, v4;
	_ =	sdelay $0x1  }
0x203: {  	[tilespmem:s2+$0x6C40] =	vst v3  }
0x204: {  	v3 =	vld [tilespmem:s8+$0xC050];
	_ =	sdelay $0x1  }
0x205: {  	v4 =	vld [tilespmem:s2+$0x6C50];
	_ =	sdelay $0x2  }
0x206: {  	v3 =	vmul.f32 $1.000000010e-01, v3;
	_ =	sdelay $0x1  }
0x207: {  	v3 =	vadd.f32 v3, v4;
	_ =	sdelay $0x1  }
0x208: {  	[tilespmem:s2+$0x6C50] =	vst v3  }
0x209: {  	v3 =	vld [tilespmem:s8+$0xC060];
	_ =	sdelay $0x1  }
0x20a: {  	v4 =	vld [tilespmem:s2+$0x6C60];
	_ =	sdelay $0x2  }
0x20b: {  	v3 =	vmul.f32 $1.000000010e-01, v3;
	_ =	sdelay $0x1  }
0x20c: {  	v3 =	vadd.f32 v3, v4;
	_ =	sdelay $0x1  }
0x20d: {  	[tilespmem:s2+$0x6C60] =	vst v3  }
0x20e: {  	v3 =	vld [tilespmem:s8+$0xC070];
	_ =	sdelay $0x1  }
0x20f: {  	v4 =	vld [tilespmem:s2+$0x6C70];
	_ =	sdelay $0x2  }
0x210: {  	v3 =	vmul.f32 $1.000000010e-01, v3;
	_ =	sdelay $0x1  }
0x211: {  	v3 =	vadd.f32 v3, v4;
	_ =	sdelay $0x1  }
0x212: {  	s9 =	sadd.s32 $0x7000, s2;
	[tilespmem:s2+$0x6C70] =	vst v3  }
0x213: {  	v3 =	vld [tilespmem:s9+$0xC000];
	_ =	sdelay $0x1  }
0x214: {  	v4 =	vld [tilespmem:s2+$0x7000];
	_ =	sdelay $0x2  }
0x215: {  	v3 =	vmul.f32 $1.000000010e-01, v3;
	_ =	sdelay $0x1  }
0x216: {  	v3 =	vadd.f32 v3, v4;
	_ =	sdelay $0x1  }
0x217: {  	[tilespmem:s2+$0x7000] =	vst v3  }
0x218: {  	v3 =	vld [tilespmem:s9+$0xC010];
	_ =	sdelay $0x1  }
0x219: {  	v4 =	vld [tilespmem:s2+$0x7010];
	_ =	sdelay $0x2  }
0x21a: {  	v3 =	vmul.f32 $1.000000010e-01, v3;
	_ =	sdelay $0x1  }
0x21b: {  	v3 =	vadd.f32 v3, v4;
	_ =	sdelay $0x1  }
0x21c: {  	[tilespmem:s2+$0x7010] =	vst v3  }
0x21d: {  	v3 =	vld [tilespmem:s9+$0xC020];
	_ =	sdelay $0x1  }
0x21e: {  	v4 =	vld [tilespmem:s2+$0x7020];
	_ =	sdelay $0x2  }
0x21f: {  	v3 =	vmul.f32 $1.000000010e-01, v3;
	_ =	sdelay $0x1  }
0x220: {  	v3 =	vadd.f32 v3, v4;
	_ =	sdelay $0x1  }
0x221: {  	[tilespmem:s2+$0x7020] =	vst v3  }
0x222: {  	v3 =	vld [tilespmem:s9+$0xC030];
	_ =	sdelay $0x1  }
0x223: {  	v4 =	vld [tilespmem:s2+$0x7030];
	_ =	sdelay $0x2  }
0x224: {  	v3 =	vmul.f32 $1.000000010e-01, v3;
	_ =	sdelay $0x1  }
0x225: {  	v3 =	vadd.f32 v3, v4;
	_ =	sdelay $0x1  }
0x226: {  	[tilespmem:s2+$0x7030] =	vst v3  }
0x227: {  	v3 =	vld [tilespmem:s9+$0xC040];
	_ =	sdelay $0x1  }
0x228: {  	v4 =	vld [tilespmem:s2+$0x7040];
	_ =	sdelay $0x2  }
0x229: {  	v3 =	vmul.f32 $1.000000010e-01, v3;
	_ =	sdelay $0x1  }
0x22a: {  	v3 =	vadd.f32 v3, v4;
	_ =	sdelay $0x1  }
0x22b: {  	[tilespmem:s2+$0x7040] =	vst v3  }
0x22c: {  	v3 =	vld [tilespmem:s9+$0xC050];
	_ =	sdelay $0x1  }
0x22d: {  	v4 =	vld [tilespmem:s2+$0x7050];
	_ =	sdelay $0x2  }
0x22e: {  	v3 =	vmul.f32 $1.000000010e-01, v3;
	_ =	sdelay $0x1  }
0x22f: {  	v3 =	vadd.f32 v3, v4;
	_ =	sdelay $0x1  }
0x230: {  	[tilespmem:s2+$0x7050] =	vst v3  }
0x231: {  	v3 =	vld [tilespmem:s9+$0xC060];
	_ =	sdelay $0x1  }
0x232: {  	v4 =	vld [tilespmem:s2+$0x7060];
	_ =	sdelay $0x2  }
0x233: {  	v3 =	vmul.f32 $1.000000010e-01, v3;
	_ =	sdelay $0x1  }
0x234: {  	v3 =	vadd.f32 v3, v4;
	_ =	sdelay $0x1  }
0x235: {  	[tilespmem:s2+$0x7060] =	vst v3  }
0x236: {  	v3 =	vld [tilespmem:s9+$0xC070];
	_ =	sdelay $0x1  }
0x237: {  	v4 =	vld [tilespmem:s2+$0x7070];
	_ =	sdelay $0x2  }
0x238: {  	v3 =	vmul.f32 $1.000000010e-01, v3;
	_ =	sdelay $0x1  }
0x239: {  	v3 =	vadd.f32 v3, v4;
	_ =	sdelay $0x1  }
0x23a: {  	s14 =	sadd.s32 $0x7400, s2;
	[tilespmem:s2+$0x7070] =	vst v3  }
0x23b: {  	v3 =	vld [tilespmem:s14+$0xC000];
	_ =	sdelay $0x1  }
0x23c: {  	v4 =	vld [tilespmem:s2+$0x7400];
	_ =	sdelay $0x2  }
0x23d: {  	v3 =	vmul.f32 $1.000000010e-01, v3;
	_ =	sdelay $0x1  }
0x23e: {  	v3 =	vadd.f32 v3, v4;
	_ =	sdelay $0x1  }
0x23f: {  	[tilespmem:s2+$0x7400] =	vst v3  }
0x240: {  	v3 =	vld [tilespmem:s14+$0xC010];
	_ =	sdelay $0x1  }
0x241: {  	v4 =	vld [tilespmem:s2+$0x7410];
	_ =	sdelay $0x2  }
0x242: {  	v3 =	vmul.f32 $1.000000010e-01, v3;
	_ =	sdelay $0x1  }
0x243: {  	v3 =	vadd.f32 v3, v4;
	_ =	sdelay $0x1  }
0x244: {  	[tilespmem:s2+$0x7410] =	vst v3  }
0x245: {  	v3 =	vld [tilespmem:s14+$0xC020];
	_ =	sdelay $0x1  }
0x246: {  	v4 =	vld [tilespmem:s2+$0x7420];
	_ =	sdelay $0x2  }
0x247: {  	v3 =	vmul.f32 $1.000000010e-01, v3;
	_ =	sdelay $0x1  }
0x248: {  	v3 =	vadd.f32 v3, v4;
	_ =	sdelay $0x1  }
0x249: {  	[tilespmem:s2+$0x7420] =	vst v3  }
0x24a: {  	v3 =	vld [tilespmem:s14+$0xC030];
	_ =	sdelay $0x1  }
0x24b: {  	v4 =	vld [tilespmem:s2+$0x7430];
	_ =	sdelay $0x2  }
0x24c: {  	v3 =	vmul.f32 $1.000000010e-01, v3;
	_ =	sdelay $0x1  }
0x24d: {  	v3 =	vadd.f32 v3, v4;
	_ =	sdelay $0x1  }
0x24e: {  	[tilespmem:s2+$0x7430] =	vst v3  }
0x24f: {  	v3 =	vld [tilespmem:s14+$0xC040];
	_ =	sdelay $0x1  }
0x250: {  	v4 =	vld [tilespmem:s2+$0x7440];
	_ =	sdelay $0x2  }
0x251: {  	v3 =	vmul.f32 $1.000000010e-01, v3;
	_ =	sdelay $0x1  }
0x252: {  	v3 =	vadd.f32 v3, v4;
	_ =	sdelay $0x1  }
0x253: {  	[tilespmem:s2+$0x7440] =	vst v3  }
0x254: {  	v3 =	vld [tilespmem:s14+$0xC050];
	_ =	sdelay $0x1  }
0x255: {  	v4 =	vld [tilespmem:s2+$0x7450];
	_ =	sdelay $0x2  }
0x256: {  	v3 =	vmul.f32 $1.000000010e-01, v3;
	_ =	sdelay $0x1  }
0x257: {  	v3 =	vadd.f32 v3, v4;
	_ =	sdelay $0x1  }
0x258: {  	[tilespmem:s2+$0x7450] =	vst v3  }
0x259: {  	v3 =	vld [tilespmem:s14+$0xC060];
	_ =	sdelay $0x1  }
0x25a: {  	v4 =	vld [tilespmem:s2+$0x7460];
	_ =	sdelay $0x2  }
0x25b: {  	v3 =	vmul.f32 $1.000000010e-01, v3;
	_ =	sdelay $0x1  }
0x25c: {  	v3 =	vadd.f32 v3, v4;
	_ =	sdelay $0x1  }
0x25d: {  	[tilespmem:s2+$0x7460] =	vst v3  }
0x25e: {  	v4 =	vld [tilespmem:s14+$0xC070];
	_ =	sdelay $0x1  }
0x25f: {  	v3 =	vld [tilespmem:s2+$0x7470];
	_ =	sdelay $0x2  }
0x260: {  	s0 =	simm.s32 $0x2;
	s8 =	simm.s32 $0x0;
	v4 =	vmul.f32 $1.000000010e-01, v4  }
.LBB2_7:
0x261: {  	p0 =	sne.s32 s0, $0x1F;
	s8 =	smul.u32 $0x1800, s8;
	s30 =	sadd.s32 $0x80, s30  }
0x262: {  	s9 =	sand.u32 $0x380, s30;
	v3 =	vadd.f32 v4, v3  }
0x263: {  	s9 =	sor.u32 s9, s8  }
0x264: {  	s8 =	sadd.s32 $0x6000, s9;
	[tilespmem:s2+$0x7470] =	vst v3;
	s2 =	smov.u32 s9  }
0x265: {  	v3 =	vld [tilespmem:s8+$0xC000];
	_ =	sdelay $0x1  }
0x266: {  	v4 =	vld [tilespmem:s2+$0x6000];
	_ =	sdelay $0x2  }
0x267: {  	v3 =	vmul.f32 $1.000000010e-01, v3;
	_ =	sdelay $0x1  }
0x268: {  	v3 =	vadd.f32 v3, v4;
	_ =	sdelay $0x1  }
0x269: {  	[tilespmem:s2+$0x6000] =	vst v3  }
0x26a: {  	v3 =	vld [tilespmem:s8+$0xC010];
	_ =	sdelay $0x1  }
0x26b: {  	v4 =	vld [tilespmem:s2+$0x6010];
	_ =	sdelay $0x2  }
0x26c: {  	v3 =	vmul.f32 $1.000000010e-01, v3;
	_ =	sdelay $0x1  }
0x26d: {  	v3 =	vadd.f32 v3, v4;
	_ =	sdelay $0x1  }
0x26e: {  	[tilespmem:s2+$0x6010] =	vst v3  }
0x26f: {  	v3 =	vld [tilespmem:s8+$0xC020];
	_ =	sdelay $0x1  }
0x270: {  	v4 =	vld [tilespmem:s2+$0x6020];
	_ =	sdelay $0x2  }
0x271: {  	v3 =	vmul.f32 $1.000000010e-01, v3;
	_ =	sdelay $0x1  }
0x272: {  	v3 =	vadd.f32 v3, v4;
	_ =	sdelay $0x1  }
0x273: {  	[tilespmem:s2+$0x6020] =	vst v3  }
0x274: {  	v3 =	vld [tilespmem:s8+$0xC030];
	_ =	sdelay $0x1  }
0x275: {  	v4 =	vld [tilespmem:s2+$0x6030];
	_ =	sdelay $0x2  }
0x276: {  	v3 =	vmul.f32 $1.000000010e-01, v3;
	_ =	sdelay $0x1  }
0x277: {  	v3 =	vadd.f32 v3, v4;
	_ =	sdelay $0x1  }
0x278: {  	[tilespmem:s2+$0x6030] =	vst v3  }
0x279: {  	v3 =	vld [tilespmem:s8+$0xC040];
	_ =	sdelay $0x1  }
0x27a: {  	v4 =	vld [tilespmem:s2+$0x6040];
	_ =	sdelay $0x2  }
0x27b: {  	v3 =	vmul.f32 $1.000000010e-01, v3;
	_ =	sdelay $0x1  }
0x27c: {  	v3 =	vadd.f32 v3, v4;
	_ =	sdelay $0x1  }
0x27d: {  	[tilespmem:s2+$0x6040] =	vst v3  }
0x27e: {  	v3 =	vld [tilespmem:s8+$0xC050];
	_ =	sdelay $0x1  }
0x27f: {  	v4 =	vld [tilespmem:s2+$0x6050];
	_ =	sdelay $0x2  }
0x280: {  	v3 =	vmul.f32 $1.000000010e-01, v3;
	_ =	sdelay $0x1  }
0x281: {  	v3 =	vadd.f32 v3, v4;
	_ =	sdelay $0x1  }
0x282: {  	[tilespmem:s2+$0x6050] =	vst v3  }
0x283: {  	v3 =	vld [tilespmem:s8+$0xC060];
	_ =	sdelay $0x1  }
0x284: {  	v4 =	vld [tilespmem:s2+$0x6060];
	_ =	sdelay $0x2  }
0x285: {  	v3 =	vmul.f32 $1.000000010e-01, v3;
	_ =	sdelay $0x1  }
0x286: {  	v3 =	vadd.f32 v3, v4;
	_ =	sdelay $0x1  }
0x287: {  	[tilespmem:s2+$0x6060] =	vst v3  }
0x288: {  	v3 =	vld [tilespmem:s8+$0xC070];
	_ =	sdelay $0x1  }
0x289: {  	v4 =	vld [tilespmem:s2+$0x6070];
	_ =	sdelay $0x2  }
0x28a: {  	v3 =	vmul.f32 $1.000000010e-01, v3;
	_ =	sdelay $0x1  }
0x28b: {  	v3 =	vadd.f32 v3, v4;
	_ =	sdelay $0x1  }
0x28c: {  	s8 =	sadd.s32 $0x6400, s2;
	[tilespmem:s2+$0x6070] =	vst v3  }
0x28d: {  	v3 =	vld [tilespmem:s8+$0xC000];
	_ =	sdelay $0x1  }
0x28e: {  	v4 =	vld [tilespmem:s2+$0x6400];
	_ =	sdelay $0x2  }
0x28f: {  	v3 =	vmul.f32 $1.000000010e-01, v3;
	_ =	sdelay $0x1  }
0x290: {  	v3 =	vadd.f32 v3, v4;
	_ =	sdelay $0x1  }
0x291: {  	[tilespmem:s2+$0x6400] =	vst v3  }
0x292: {  	v3 =	vld [tilespmem:s8+$0xC010];
	_ =	sdelay $0x1  }
0x293: {  	v4 =	vld [tilespmem:s2+$0x6410];
	_ =	sdelay $0x2  }
0x294: {  	v3 =	vmul.f32 $1.000000010e-01, v3;
	_ =	sdelay $0x1  }
0x295: {  	v3 =	vadd.f32 v3, v4;
	_ =	sdelay $0x1  }
0x296: {  	[tilespmem:s2+$0x6410] =	vst v3  }
0x297: {  	v3 =	vld [tilespmem:s8+$0xC020];
	_ =	sdelay $0x1  }
0x298: {  	v4 =	vld [tilespmem:s2+$0x6420];
	_ =	sdelay $0x2  }
0x299: {  	v3 =	vmul.f32 $1.000000010e-01, v3;
	_ =	sdelay $0x1  }
0x29a: {  	v3 =	vadd.f32 v3, v4;
	_ =	sdelay $0x1  }
0x29b: {  	[tilespmem:s2+$0x6420] =	vst v3  }
0x29c: {  	v3 =	vld [tilespmem:s8+$0xC030];
	_ =	sdelay $0x1  }
0x29d: {  	v4 =	vld [tilespmem:s2+$0x6430];
	_ =	sdelay $0x2  }
0x29e: {  	v3 =	vmul.f32 $1.000000010e-01, v3;
	_ =	sdelay $0x1  }
0x29f: {  	v3 =	vadd.f32 v3, v4;
	_ =	sdelay $0x1  }
0x2a0: {  	[tilespmem:s2+$0x6430] =	vst v3  }
0x2a1: {  	v3 =	vld [tilespmem:s8+$0xC040];
	_ =	sdelay $0x1  }
0x2a2: {  	v4 =	vld [tilespmem:s2+$0x6440];
	_ =	sdelay $0x2  }
0x2a3: {  	v3 =	vmul.f32 $1.000000010e-01, v3;
	_ =	sdelay $0x1  }
0x2a4: {  	v3 =	vadd.f32 v3, v4;
	_ =	sdelay $0x1  }
0x2a5: {  	[tilespmem:s2+$0x6440] =	vst v3  }
0x2a6: {  	v3 =	vld [tilespmem:s8+$0xC050];
	_ =	sdelay $0x1  }
0x2a7: {  	v4 =	vld [tilespmem:s2+$0x6450];
	_ =	sdelay $0x2  }
0x2a8: {  	v3 =	vmul.f32 $1.000000010e-01, v3;
	_ =	sdelay $0x1  }
0x2a9: {  	v3 =	vadd.f32 v3, v4;
	_ =	sdelay $0x1  }
0x2aa: {  	[tilespmem:s2+$0x6450] =	vst v3  }
0x2ab: {  	v3 =	vld [tilespmem:s8+$0xC060];
	_ =	sdelay $0x1  }
0x2ac: {  	v4 =	vld [tilespmem:s2+$0x6460];
	_ =	sdelay $0x2  }
0x2ad: {  	v3 =	vmul.f32 $1.000000010e-01, v3;
	_ =	sdelay $0x1  }
0x2ae: {  	v3 =	vadd.f32 v3, v4;
	_ =	sdelay $0x1  }
0x2af: {  	[tilespmem:s2+$0x6460] =	vst v3  }
0x2b0: {  	v3 =	vld [tilespmem:s8+$0xC070];
	_ =	sdelay $0x1  }
0x2b1: {  	v4 =	vld [tilespmem:s2+$0x6470];
	_ =	sdelay $0x2  }
0x2b2: {  	v3 =	vmul.f32 $1.000000010e-01, v3;
	_ =	sdelay $0x1  }
0x2b3: {  	v3 =	vadd.f32 v3, v4;
	_ =	sdelay $0x1  }
0x2b4: {  	s8 =	sadd.s32 $0x6800, s2;
	[tilespmem:s2+$0x6470] =	vst v3  }
0x2b5: {  	v3 =	vld [tilespmem:s8+$0xC000];
	_ =	sdelay $0x1  }
0x2b6: {  	v4 =	vld [tilespmem:s2+$0x6800];
	_ =	sdelay $0x2  }
0x2b7: {  	v3 =	vmul.f32 $1.000000010e-01, v3;
	_ =	sdelay $0x1  }
0x2b8: {  	v3 =	vadd.f32 v3, v4;
	_ =	sdelay $0x1  }
0x2b9: {  	[tilespmem:s2+$0x6800] =	vst v3  }
0x2ba: {  	v3 =	vld [tilespmem:s8+$0xC010];
	_ =	sdelay $0x1  }
0x2bb: {  	v4 =	vld [tilespmem:s2+$0x6810];
	_ =	sdelay $0x2  }
0x2bc: {  	v3 =	vmul.f32 $1.000000010e-01, v3;
	_ =	sdelay $0x1  }
0x2bd: {  	v3 =	vadd.f32 v3, v4;
	_ =	sdelay $0x1  }
0x2be: {  	[tilespmem:s2+$0x6810] =	vst v3  }
0x2bf: {  	v3 =	vld [tilespmem:s8+$0xC020];
	_ =	sdelay $0x1  }
0x2c0: {  	v4 =	vld [tilespmem:s2+$0x6820];
	_ =	sdelay $0x2  }
0x2c1: {  	v3 =	vmul.f32 $1.000000010e-01, v3;
	_ =	sdelay $0x1  }
0x2c2: {  	v3 =	vadd.f32 v3, v4;
	_ =	sdelay $0x1  }
0x2c3: {  	[tilespmem:s2+$0x6820] =	vst v3  }
0x2c4: {  	v3 =	vld [tilespmem:s8+$0xC030];
	_ =	sdelay $0x1  }
0x2c5: {  	v4 =	vld [tilespmem:s2+$0x6830];
	_ =	sdelay $0x2  }
0x2c6: {  	v3 =	vmul.f32 $1.000000010e-01, v3;
	_ =	sdelay $0x1  }
0x2c7: {  	v3 =	vadd.f32 v3, v4;
	_ =	sdelay $0x1  }
0x2c8: {  	[tilespmem:s2+$0x6830] =	vst v3  }
0x2c9: {  	v3 =	vld [tilespmem:s8+$0xC040];
	_ =	sdelay $0x1  }
0x2ca: {  	v4 =	vld [tilespmem:s2+$0x6840];
	_ =	sdelay $0x2  }
0x2cb: {  	v3 =	vmul.f32 $1.000000010e-01, v3;
	_ =	sdelay $0x1  }
0x2cc: {  	v3 =	vadd.f32 v3, v4;
	_ =	sdelay $0x1  }
0x2cd: {  	[tilespmem:s2+$0x6840] =	vst v3  }
0x2ce: {  	v3 =	vld [tilespmem:s8+$0xC050];
	_ =	sdelay $0x1  }
0x2cf: {  	v4 =	vld [tilespmem:s2+$0x6850];
	_ =	sdelay $0x2  }
0x2d0: {  	v3 =	vmul.f32 $1.000000010e-01, v3;
	_ =	sdelay $0x1  }
0x2d1: {  	v3 =	vadd.f32 v3, v4;
	_ =	sdelay $0x1  }
0x2d2: {  	[tilespmem:s2+$0x6850] =	vst v3  }
0x2d3: {  	v3 =	vld [tilespmem:s8+$0xC060];
	_ =	sdelay $0x1  }
0x2d4: {  	v4 =	vld [tilespmem:s2+$0x6860];
	_ =	sdelay $0x2  }
0x2d5: {  	v3 =	vmul.f32 $1.000000010e-01, v3;
	_ =	sdelay $0x1  }
0x2d6: {  	v3 =	vadd.f32 v3, v4;
	_ =	sdelay $0x1  }
0x2d7: {  	[tilespmem:s2+$0x6860] =	vst v3  }
0x2d8: {  	v3 =	vld [tilespmem:s8+$0xC070];
	_ =	sdelay $0x1  }
0x2d9: {  	v4 =	vld [tilespmem:s2+$0x6870];
	_ =	sdelay $0x2  }
0x2da: {  	v3 =	vmul.f32 $1.000000010e-01, v3;
	_ =	sdelay $0x1  }
0x2db: {  	v3 =	vadd.f32 v3, v4;
	_ =	sdelay $0x1  }
0x2dc: {  	s8 =	sadd.s32 $0x6C00, s2;
	[tilespmem:s2+$0x6870] =	vst v3  }
0x2dd: {  	v3 =	vld [tilespmem:s8+$0xC000];
	_ =	sdelay $0x1  }
0x2de: {  	v4 =	vld [tilespmem:s2+$0x6C00];
	_ =	sdelay $0x2  }
0x2df: {  	v3 =	vmul.f32 $1.000000010e-01, v3;
	_ =	sdelay $0x1  }
0x2e0: {  	v3 =	vadd.f32 v3, v4;
	_ =	sdelay $0x1  }
0x2e1: {  	[tilespmem:s2+$0x6C00] =	vst v3  }
0x2e2: {  	v3 =	vld [tilespmem:s8+$0xC010];
	_ =	sdelay $0x1  }
0x2e3: {  	v4 =	vld [tilespmem:s2+$0x6C10];
	_ =	sdelay $0x2  }
0x2e4: {  	v3 =	vmul.f32 $1.000000010e-01, v3;
	_ =	sdelay $0x1  }
0x2e5: {  	v3 =	vadd.f32 v3, v4;
	_ =	sdelay $0x1  }
0x2e6: {  	[tilespmem:s2+$0x6C10] =	vst v3  }
0x2e7: {  	v3 =	vld [tilespmem:s8+$0xC020];
	_ =	sdelay $0x1  }
0x2e8: {  	v4 =	vld [tilespmem:s2+$0x6C20];
	_ =	sdelay $0x2  }
0x2e9: {  	v3 =	vmul.f32 $1.000000010e-01, v3;
	_ =	sdelay $0x1  }
0x2ea: {  	v3 =	vadd.f32 v3, v4;
	_ =	sdelay $0x1  }
0x2eb: {  	[tilespmem:s2+$0x6C20] =	vst v3  }
0x2ec: {  	v3 =	vld [tilespmem:s8+$0xC030];
	_ =	sdelay $0x1  }
0x2ed: {  	v4 =	vld [tilespmem:s2+$0x6C30];
	_ =	sdelay $0x2  }
0x2ee: {  	v3 =	vmul.f32 $1.000000010e-01, v3;
	_ =	sdelay $0x1  }
0x2ef: {  	v3 =	vadd.f32 v3, v4;
	_ =	sdelay $0x1  }
0x2f0: {  	[tilespmem:s2+$0x6C30] =	vst v3  }
0x2f1: {  	v3 =	vld [tilespmem:s8+$0xC040];
	_ =	sdelay $0x1  }
0x2f2: {  	v4 =	vld [tilespmem:s2+$0x6C40];
	_ =	sdelay $0x2  }
0x2f3: {  	v3 =	vmul.f32 $1.000000010e-01, v3;
	_ =	sdelay $0x1  }
0x2f4: {  	v3 =	vadd.f32 v3, v4;
	_ =	sdelay $0x1  }
0x2f5: {  	[tilespmem:s2+$0x6C40] =	vst v3  }
0x2f6: {  	v3 =	vld [tilespmem:s8+$0xC050];
	_ =	sdelay $0x1  }
0x2f7: {  	v4 =	vld [tilespmem:s2+$0x6C50];
	_ =	sdelay $0x2  }
0x2f8: {  	v3 =	vmul.f32 $1.000000010e-01, v3;
	_ =	sdelay $0x1  }
0x2f9: {  	v3 =	vadd.f32 v3, v4;
	_ =	sdelay $0x1  }
0x2fa: {  	[tilespmem:s2+$0x6C50] =	vst v3  }
0x2fb: {  	v3 =	vld [tilespmem:s8+$0xC060];
	_ =	sdelay $0x1  }
0x2fc: {  	v4 =	vld [tilespmem:s2+$0x6C60];
	_ =	sdelay $0x2  }
0x2fd: {  	v3 =	vmul.f32 $1.000000010e-01, v3;
	_ =	sdelay $0x1  }
0x2fe: {  	v3 =	vadd.f32 v3, v4;
	_ =	sdelay $0x1  }
0x2ff: {  	[tilespmem:s2+$0x6C60] =	vst v3  }
0x300: {  	v3 =	vld [tilespmem:s8+$0xC070];
	_ =	sdelay $0x1  }
0x301: {  	v4 =	vld [tilespmem:s2+$0x6C70];
	_ =	sdelay $0x2  }
0x302: {  	v3 =	vmul.f32 $1.000000010e-01, v3;
	_ =	sdelay $0x1  }
0x303: {  	v3 =	vadd.f32 v3, v4;
	_ =	sdelay $0x1  }
0x304: {  	s8 =	sadd.s32 $0x7000, s2;
	[tilespmem:s2+$0x6C70] =	vst v3  }
0x305: {  	v3 =	vld [tilespmem:s8+$0xC000];
	_ =	sdelay $0x1  }
0x306: {  	v4 =	vld [tilespmem:s2+$0x7000];
	_ =	sdelay $0x2  }
0x307: {  	v3 =	vmul.f32 $1.000000010e-01, v3;
	_ =	sdelay $0x1  }
0x308: {  	v3 =	vadd.f32 v3, v4;
	_ =	sdelay $0x1  }
0x309: {  	[tilespmem:s2+$0x7000] =	vst v3  }
0x30a: {  	v3 =	vld [tilespmem:s8+$0xC010];
	_ =	sdelay $0x1  }
0x30b: {  	v4 =	vld [tilespmem:s2+$0x7010];
	_ =	sdelay $0x2  }
0x30c: {  	v3 =	vmul.f32 $1.000000010e-01, v3;
	_ =	sdelay $0x1  }
0x30d: {  	v3 =	vadd.f32 v3, v4;
	_ =	sdelay $0x1  }
0x30e: {  	[tilespmem:s2+$0x7010] =	vst v3  }
0x30f: {  	v3 =	vld [tilespmem:s8+$0xC020];
	_ =	sdelay $0x1  }
0x310: {  	v4 =	vld [tilespmem:s2+$0x7020];
	_ =	sdelay $0x2  }
0x311: {  	v3 =	vmul.f32 $1.000000010e-01, v3;
	_ =	sdelay $0x1  }
0x312: {  	v3 =	vadd.f32 v3, v4;
	_ =	sdelay $0x1  }
0x313: {  	[tilespmem:s2+$0x7020] =	vst v3  }
0x314: {  	v3 =	vld [tilespmem:s8+$0xC030];
	_ =	sdelay $0x1  }
0x315: {  	v4 =	vld [tilespmem:s2+$0x7030];
	_ =	sdelay $0x2  }
0x316: {  	v3 =	vmul.f32 $1.000000010e-01, v3;
	_ =	sdelay $0x1  }
0x317: {  	v3 =	vadd.f32 v3, v4;
	_ =	sdelay $0x1  }
0x318: {  	[tilespmem:s2+$0x7030] =	vst v3  }
0x319: {  	v3 =	vld [tilespmem:s8+$0xC040];
	_ =	sdelay $0x1  }
0x31a: {  	v4 =	vld [tilespmem:s2+$0x7040];
	_ =	sdelay $0x2  }
0x31b: {  	v3 =	vmul.f32 $1.000000010e-01, v3;
	_ =	sdelay $0x1  }
0x31c: {  	v3 =	vadd.f32 v3, v4;
	_ =	sdelay $0x1  }
0x31d: {  	[tilespmem:s2+$0x7040] =	vst v3  }
0x31e: {  	v3 =	vld [tilespmem:s8+$0xC050];
	_ =	sdelay $0x1  }
0x31f: {  	v4 =	vld [tilespmem:s2+$0x7050];
	_ =	sdelay $0x2  }
0x320: {  	v3 =	vmul.f32 $1.000000010e-01, v3;
	_ =	sdelay $0x1  }
0x321: {  	v3 =	vadd.f32 v3, v4;
	_ =	sdelay $0x1  }
0x322: {  	[tilespmem:s2+$0x7050] =	vst v3  }
0x323: {  	v3 =	vld [tilespmem:s8+$0xC060];
	_ =	sdelay $0x1  }
0x324: {  	v4 =	vld [tilespmem:s2+$0x7060];
	_ =	sdelay $0x2  }
0x325: {  	v3 =	vmul.f32 $1.000000010e-01, v3;
	_ =	sdelay $0x1  }
0x326: {  	v3 =	vadd.f32 v3, v4;
	_ =	sdelay $0x1  }
0x327: {  	[tilespmem:s2+$0x7060] =	vst v3  }
0x328: {  	v3 =	vld [tilespmem:s8+$0xC070];
	_ =	sdelay $0x1  }
0x329: {  	v4 =	vld [tilespmem:s2+$0x7070];
	_ =	sdelay $0x2  }
0x32a: {  	v3 =	vmul.f32 $1.000000010e-01, v3;
	_ =	sdelay $0x1  }
0x32b: {  	v3 =	vadd.f32 v3, v4;
	_ =	sdelay $0x1  }
0x32c: {  	s8 =	sadd.s32 $0x7400, s2;
	[tilespmem:s2+$0x7070] =	vst v3  }
0x32d: {  	v3 =	vld [tilespmem:s8+$0xC000];
	_ =	sdelay $0x1  }
0x32e: {  	v4 =	vld [tilespmem:s2+$0x7400];
	_ =	sdelay $0x2  }
0x32f: {  	v3 =	vmul.f32 $1.000000010e-01, v3;
	_ =	sdelay $0x1  }
0x330: {  	v3 =	vadd.f32 v3, v4;
	_ =	sdelay $0x1  }
0x331: {  	[tilespmem:s2+$0x7400] =	vst v3  }
0x332: {  	v3 =	vld [tilespmem:s8+$0xC010];
	_ =	sdelay $0x1  }
0x333: {  	v4 =	vld [tilespmem:s2+$0x7410];
	_ =	sdelay $0x2  }
0x334: {  	v3 =	vmul.f32 $1.000000010e-01, v3;
	_ =	sdelay $0x1  }
0x335: {  	v3 =	vadd.f32 v3, v4;
	_ =	sdelay $0x1  }
0x336: {  	[tilespmem:s2+$0x7410] =	vst v3  }
0x337: {  	v3 =	vld [tilespmem:s8+$0xC020];
	_ =	sdelay $0x1  }
0x338: {  	v4 =	vld [tilespmem:s2+$0x7420];
	_ =	sdelay $0x2  }
0x339: {  	v3 =	vmul.f32 $1.000000010e-01, v3;
	_ =	sdelay $0x1  }
0x33a: {  	v3 =	vadd.f32 v3, v4;
	_ =	sdelay $0x1  }
0x33b: {  	[tilespmem:s2+$0x7420] =	vst v3  }
0x33c: {  	v3 =	vld [tilespmem:s8+$0xC030];
	_ =	sdelay $0x1  }
0x33d: {  	v4 =	vld [tilespmem:s2+$0x7430];
	_ =	sdelay $0x2  }
0x33e: {  	v3 =	vmul.f32 $1.000000010e-01, v3;
	_ =	sdelay $0x1  }
0x33f: {  	v3 =	vadd.f32 v3, v4;
	_ =	sdelay $0x1  }
0x340: {  	[tilespmem:s2+$0x7430] =	vst v3  }
0x341: {  	v3 =	vld [tilespmem:s8+$0xC040];
	_ =	sdelay $0x1  }
0x342: {  	v4 =	vld [tilespmem:s2+$0x7440];
	_ =	sdelay $0x2  }
0x343: {  	v3 =	vmul.f32 $1.000000010e-01, v3;
	_ =	sdelay $0x1  }
0x344: {  	v3 =	vadd.f32 v3, v4;
	_ =	sdelay $0x1  }
0x345: {  	[tilespmem:s2+$0x7440] =	vst v3  }
0x346: {  	v3 =	vld [tilespmem:s8+$0xC050];
	_ =	sdelay $0x1  }
0x347: {  	v4 =	vld [tilespmem:s2+$0x7450];
	_ =	sdelay $0x2  }
0x348: {  	v3 =	vmul.f32 $1.000000010e-01, v3;
	_ =	sdelay $0x1  }
0x349: {  	v3 =	vadd.f32 v3, v4;
	_ =	sdelay $0x1  }
0x34a: {  	[tilespmem:s2+$0x7450] =	vst v3  }
0x34b: {  	v3 =	vld [tilespmem:s8+$0xC060];
	_ =	sdelay $0x1  }
0x34c: {  	v4 =	vld [tilespmem:s2+$0x7460];
	_ =	sdelay $0x2  }
0x34d: {  	v3 =	vmul.f32 $1.000000010e-01, v3;
	_ =	sdelay $0x1  }
0x34e: {  	v3 =	vadd.f32 v3, v4;
	_ =	sdelay $0x1  }
0x34f: {  	[tilespmem:s2+$0x7460] =	vst v3  }
0x350: {  	v4 =	vld [tilespmem:s8+$0xC070]  }
.Ltmp2:
0x351: {  	(pc) =	sbr.rel @p0 .LBB2_7-.Ltmp2, $2  }
0x352: {  	v3 =	vld [tilespmem:s2+$0x7470];
	_ =	sdelay $0x2  }
0x353: {  	s8 =	sshrl.u32 s0, $0x3;
	s0 =	sadd.s32 $0x1, s0;
	v4 =	vmul.f32 $1.000000010e-01, v4  }
0x354: {  	s0 =	smul.u32 $0x1800, s8;
	s9 =	sadd.s32 $0x80, s30  }
0x355: {  	s8 =	sand.u32 $0x380, s9;
	v3 =	vadd.f32 v4, v3  }
0x356: {  	s0 =	sor.u32 s8, s0  }
0x357: {  	s8 =	sadd.s32 $0x6000, s0;
	[tilespmem:s2+$0x7470] =	vst v3  }
0x358: {  	v3 =	vld [tilespmem:s8+$0xC000];
	_ =	sdelay $0x1  }
0x359: {  	v16 =	vld [tilespmem:s0+$0x6000];
	_ =	sdelay $0x2  }
0x35a: {  	v3 =	vmul.f32 $1.000000010e-01, v3;
	_ =	sdelay $0x1  }
0x35b: {  	v3 =	vadd.f32 v3, v16;
	_ =	sdelay $0x1  }
0x35c: {  	[tilespmem:s0+$0x6000] =	vst v3  }
0x35d: {  	v3 =	vld [tilespmem:s8+$0xC010];
	_ =	sdelay $0x1  }
0x35e: {  	v17 =	vld [tilespmem:s0+$0x6010];
	_ =	sdelay $0x2  }
0x35f: {  	v3 =	vmul.f32 $1.000000010e-01, v3;
	_ =	sdelay $0x1  }
0x360: {  	v3 =	vadd.f32 v3, v17;
	_ =	sdelay $0x1  }
0x361: {  	[tilespmem:s0+$0x6010] =	vst v3  }
0x362: {  	v3 =	vld [tilespmem:s8+$0xC020];
	_ =	sdelay $0x1  }
0x363: {  	v18 =	vld [tilespmem:s0+$0x6020];
	_ =	sdelay $0x2  }
0x364: {  	v3 =	vmul.f32 $1.000000010e-01, v3;
	_ =	sdelay $0x1  }
0x365: {  	v3 =	vadd.f32 v3, v18;
	_ =	sdelay $0x1  }
0x366: {  	[tilespmem:s0+$0x6020] =	vst v3  }
0x367: {  	v3 =	vld [tilespmem:s8+$0xC030];
	_ =	sdelay $0x1  }
0x368: {  	v19 =	vld [tilespmem:s0+$0x6030];
	_ =	sdelay $0x2  }
0x369: {  	v3 =	vmul.f32 $1.000000010e-01, v3;
	_ =	sdelay $0x1  }
0x36a: {  	v3 =	vadd.f32 v3, v19;
	_ =	sdelay $0x1  }
0x36b: {  	[tilespmem:s0+$0x6030] =	vst v3  }
0x36c: {  	v3 =	vld [tilespmem:s8+$0xC040];
	_ =	sdelay $0x1  }
0x36d: {  	v20 =	vld [tilespmem:s0+$0x6040];
	_ =	sdelay $0x2  }
0x36e: {  	v3 =	vmul.f32 $1.000000010e-01, v3;
	_ =	sdelay $0x1  }
0x36f: {  	v3 =	vadd.f32 v3, v20;
	_ =	sdelay $0x1  }
0x370: {  	[tilespmem:s0+$0x6040] =	vst v3  }
0x371: {  	v3 =	vld [tilespmem:s8+$0xC050];
	_ =	sdelay $0x1  }
0x372: {  	v21 =	vld [tilespmem:s0+$0x6050];
	_ =	sdelay $0x2  }
0x373: {  	v3 =	vmul.f32 $1.000000010e-01, v3;
	_ =	sdelay $0x1  }
0x374: {  	v3 =	vadd.f32 v3, v21;
	_ =	sdelay $0x1  }
0x375: {  	[tilespmem:s0+$0x6050] =	vst v3  }
0x376: {  	v3 =	vld [tilespmem:s8+$0xC060];
	_ =	sdelay $0x1  }
0x377: {  	v22 =	vld [tilespmem:s0+$0x6060];
	_ =	sdelay $0x2  }
0x378: {  	v3 =	vmul.f32 $1.000000010e-01, v3;
	_ =	sdelay $0x1  }
0x379: {  	v3 =	vadd.f32 v3, v22;
	_ =	sdelay $0x1  }
0x37a: {  	[tilespmem:s0+$0x6060] =	vst v3  }
0x37b: {  	v3 =	vld [tilespmem:s8+$0xC070];
	_ =	sdelay $0x1  }
0x37c: {  	v23 =	vld [tilespmem:s0+$0x6070];
	_ =	sdelay $0x2  }
0x37d: {  	v3 =	vmul.f32 $1.000000010e-01, v3;
	_ =	sdelay $0x1  }
0x37e: {  	v3 =	vadd.f32 v3, v23;
	_ =	sdelay $0x1  }
0x37f: {  	s14 =	sadd.s32 $0x6400, s0;
	[tilespmem:s0+$0x6070] =	vst v3  }
0x380: {  	v3 =	vld [tilespmem:s14+$0xC000];
	_ =	sdelay $0x1  }
0x381: {  	v24 =	vld [tilespmem:s0+$0x6400];
	_ =	sdelay $0x2  }
0x382: {  	v3 =	vmul.f32 $1.000000010e-01, v3;
	_ =	sdelay $0x1  }
0x383: {  	v3 =	vadd.f32 v3, v24;
	_ =	sdelay $0x1  }
0x384: {  	[tilespmem:s0+$0x6400] =	vst v3  }
0x385: {  	v3 =	vld [tilespmem:s14+$0xC010];
	_ =	sdelay $0x1  }
0x386: {  	v25 =	vld [tilespmem:s0+$0x6410];
	_ =	sdelay $0x2  }
0x387: {  	v3 =	vmul.f32 $1.000000010e-01, v3;
	_ =	sdelay $0x1  }
0x388: {  	v3 =	vadd.f32 v3, v25;
	_ =	sdelay $0x1  }
0x389: {  	[tilespmem:s0+$0x6410] =	vst v3  }
0x38a: {  	v3 =	vld [tilespmem:s14+$0xC020];
	_ =	sdelay $0x1  }
0x38b: {  	v26 =	vld [tilespmem:s0+$0x6420];
	_ =	sdelay $0x2  }
0x38c: {  	v3 =	vmul.f32 $1.000000010e-01, v3;
	_ =	sdelay $0x1  }
0x38d: {  	v3 =	vadd.f32 v3, v26;
	_ =	sdelay $0x1  }
0x38e: {  	[tilespmem:s0+$0x6420] =	vst v3  }
0x38f: {  	v3 =	vld [tilespmem:s14+$0xC030];
	_ =	sdelay $0x1  }
0x390: {  	v27 =	vld [tilespmem:s0+$0x6430];
	_ =	sdelay $0x2  }
0x391: {  	v3 =	vmul.f32 $1.000000010e-01, v3;
	_ =	sdelay $0x1  }
0x392: {  	v3 =	vadd.f32 v3, v27;
	_ =	sdelay $0x1  }
0x393: {  	[tilespmem:s0+$0x6430] =	vst v3  }
0x394: {  	v3 =	vld [tilespmem:s14+$0xC040];
	_ =	sdelay $0x1  }
0x395: {  	v28 =	vld [tilespmem:s0+$0x6440];
	_ =	sdelay $0x2  }
0x396: {  	v3 =	vmul.f32 $1.000000010e-01, v3;
	_ =	sdelay $0x1  }
0x397: {  	v3 =	vadd.f32 v3, v28;
	_ =	sdelay $0x1  }
0x398: {  	[tilespmem:s0+$0x6440] =	vst v3  }
0x399: {  	v3 =	vld [tilespmem:s14+$0xC050];
	_ =	sdelay $0x1  }
0x39a: {  	v29 =	vld [tilespmem:s0+$0x6450];
	_ =	sdelay $0x2  }
0x39b: {  	v3 =	vmul.f32 $1.000000010e-01, v3;
	_ =	sdelay $0x1  }
0x39c: {  	v3 =	vadd.f32 v3, v29;
	_ =	sdelay $0x1  }
0x39d: {  	[tilespmem:s0+$0x6450] =	vst v3  }
0x39e: {  	v3 =	vld [tilespmem:s14+$0xC060];
	_ =	sdelay $0x1  }
0x39f: {  	v30 =	vld [tilespmem:s0+$0x6460];
	_ =	sdelay $0x2  }
0x3a0: {  	v3 =	vmul.f32 $1.000000010e-01, v3;
	_ =	sdelay $0x1  }
0x3a1: {  	v3 =	vadd.f32 v3, v30;
	_ =	sdelay $0x1  }
0x3a2: {  	[tilespmem:s0+$0x6460] =	vst v3  }
0x3a3: {  	v3 =	vld [tilespmem:s14+$0xC070];
	_ =	sdelay $0x1  }
0x3a4: {  	v31 =	vld [tilespmem:s0+$0x6470];
	_ =	sdelay $0x2  }
0x3a5: {  	v3 =	vmul.f32 $1.000000010e-01, v3;
	_ =	sdelay $0x1  }
0x3a6: {  	v3 =	vadd.f32 v3, v31;
	_ =	sdelay $0x1  }
0x3a7: {  	s30 =	sadd.s32 $0x6800, s0;
	[tilespmem:s0+$0x6470] =	vst v3  }
0x3a8: {  	v3 =	vld [tilespmem:s30+$0xC000];
	_ =	sdelay $0x1  }
0x3a9: {  	v32 =	vld [tilespmem:s0+$0x6800];
	_ =	sdelay $0x2  }
0x3aa: {  	v3 =	vmul.f32 $1.000000010e-01, v3;
	_ =	sdelay $0x1  }
0x3ab: {  	v3 =	vadd.f32 v3, v32;
	_ =	sdelay $0x1  }
0x3ac: {  	[tilespmem:s0+$0x6800] =	vst v3  }
0x3ad: {  	v3 =	vld [tilespmem:s30+$0xC010];
	_ =	sdelay $0x1  }
0x3ae: {  	v33 =	vld [tilespmem:s0+$0x6810];
	_ =	sdelay $0x2  }
0x3af: {  	v3 =	vmul.f32 $1.000000010e-01, v3;
	_ =	sdelay $0x1  }
0x3b0: {  	v3 =	vadd.f32 v3, v33;
	_ =	sdelay $0x1  }
0x3b1: {  	[tilespmem:s0+$0x6810] =	vst v3  }
0x3b2: {  	v3 =	vld [tilespmem:s30+$0xC020];
	_ =	sdelay $0x1  }
0x3b3: {  	v34 =	vld [tilespmem:s0+$0x6820];
	_ =	sdelay $0x2  }
0x3b4: {  	v3 =	vmul.f32 $1.000000010e-01, v3;
	_ =	sdelay $0x1  }
0x3b5: {  	v3 =	vadd.f32 v3, v34;
	_ =	sdelay $0x1  }
0x3b6: {  	[tilespmem:s0+$0x6820] =	vst v3  }
0x3b7: {  	v3 =	vld [tilespmem:s30+$0xC030];
	_ =	sdelay $0x1  }
0x3b8: {  	v35 =	vld [tilespmem:s0+$0x6830];
	_ =	sdelay $0x2  }
0x3b9: {  	v3 =	vmul.f32 $1.000000010e-01, v3;
	_ =	sdelay $0x1  }
0x3ba: {  	v3 =	vadd.f32 v3, v35;
	_ =	sdelay $0x1  }
0x3bb: {  	[tilespmem:s0+$0x6830] =	vst v3  }
0x3bc: {  	v3 =	vld [tilespmem:s30+$0xC040];
	_ =	sdelay $0x1  }
0x3bd: {  	v36 =	vld [tilespmem:s0+$0x6840];
	_ =	sdelay $0x2  }
0x3be: {  	v3 =	vmul.f32 $1.000000010e-01, v3;
	_ =	sdelay $0x1  }
0x3bf: {  	v3 =	vadd.f32 v3, v36;
	_ =	sdelay $0x1  }
0x3c0: {  	[tilespmem:s0+$0x6840] =	vst v3  }
0x3c1: {  	v3 =	vld [tilespmem:s30+$0xC050];
	_ =	sdelay $0x1  }
0x3c2: {  	v37 =	vld [tilespmem:s0+$0x6850];
	_ =	sdelay $0x2  }
0x3c3: {  	v3 =	vmul.f32 $1.000000010e-01, v3;
	_ =	sdelay $0x1  }
0x3c4: {  	v3 =	vadd.f32 v3, v37;
	_ =	sdelay $0x1  }
0x3c5: {  	[tilespmem:s0+$0x6850] =	vst v3  }
0x3c6: {  	v3 =	vld [tilespmem:s30+$0xC060];
	_ =	sdelay $0x1  }
0x3c7: {  	v38 =	vld [tilespmem:s0+$0x6860];
	_ =	sdelay $0x2  }
0x3c8: {  	v3 =	vmul.f32 $1.000000010e-01, v3;
	_ =	sdelay $0x1  }
0x3c9: {  	v3 =	vadd.f32 v3, v38;
	_ =	sdelay $0x1  }
0x3ca: {  	[tilespmem:s0+$0x6860] =	vst v3  }
0x3cb: {  	v3 =	vld [tilespmem:s30+$0xC070];
	_ =	sdelay $0x1  }
0x3cc: {  	v39 =	vld [tilespmem:s0+$0x6870];
	_ =	sdelay $0x2  }
0x3cd: {  	v3 =	vmul.f32 $1.000000010e-01, v3;
	_ =	sdelay $0x1  }
0x3ce: {  	v3 =	vadd.f32 v3, v39;
	_ =	sdelay $0x1  }
0x3cf: {  	s8 =	sadd.s32 $0x6C00, s0;
	[tilespmem:s0+$0x6870] =	vst v3  }
0x3d0: {  	v3 =	vld [tilespmem:s8+$0xC000];
	_ =	sdelay $0x1  }
0x3d1: {  	v40 =	vld [tilespmem:s0+$0x6C00];
	_ =	sdelay $0x2  }
0x3d2: {  	v3 =	vmul.f32 $1.000000010e-01, v3;
	_ =	sdelay $0x1  }
0x3d3: {  	v3 =	vadd.f32 v3, v40;
	_ =	sdelay $0x1  }
0x3d4: {  	[tilespmem:s0+$0x6C00] =	vst v3  }
0x3d5: {  	v3 =	vld [tilespmem:s8+$0xC010];
	_ =	sdelay $0x1  }
0x3d6: {  	v41 =	vld [tilespmem:s0+$0x6C10];
	_ =	sdelay $0x2  }
0x3d7: {  	v3 =	vmul.f32 $1.000000010e-01, v3;
	_ =	sdelay $0x1  }
0x3d8: {  	v3 =	vadd.f32 v3, v41;
	_ =	sdelay $0x1  }
0x3d9: {  	[tilespmem:s0+$0x6C10] =	vst v3  }
0x3da: {  	v3 =	vld [tilespmem:s8+$0xC020];
	_ =	sdelay $0x1  }
0x3db: {  	v42 =	vld [tilespmem:s0+$0x6C20];
	_ =	sdelay $0x2  }
0x3dc: {  	v3 =	vmul.f32 $1.000000010e-01, v3;
	_ =	sdelay $0x1  }
0x3dd: {  	v3 =	vadd.f32 v3, v42;
	_ =	sdelay $0x1  }
0x3de: {  	[tilespmem:s0+$0x6C20] =	vst v3  }
0x3df: {  	v3 =	vld [tilespmem:s8+$0xC030];
	_ =	sdelay $0x1  }
0x3e0: {  	v43 =	vld [tilespmem:s0+$0x6C30];
	_ =	sdelay $0x2  }
0x3e1: {  	v3 =	vmul.f32 $1.000000010e-01, v3;
	_ =	sdelay $0x1  }
0x3e2: {  	v3 =	vadd.f32 v3, v43;
	_ =	sdelay $0x1  }
0x3e3: {  	[tilespmem:s0+$0x6C30] =	vst v3  }
0x3e4: {  	v3 =	vld [tilespmem:s8+$0xC040];
	_ =	sdelay $0x1  }
0x3e5: {  	v44 =	vld [tilespmem:s0+$0x6C40];
	_ =	sdelay $0x2  }
0x3e6: {  	v3 =	vmul.f32 $1.000000010e-01, v3;
	_ =	sdelay $0x1  }
0x3e7: {  	v3 =	vadd.f32 v3, v44;
	_ =	sdelay $0x1  }
0x3e8: {  	[tilespmem:s0+$0x6C40] =	vst v3  }
0x3e9: {  	v3 =	vld [tilespmem:s8+$0xC050];
	_ =	sdelay $0x1  }
0x3ea: {  	v45 =	vld [tilespmem:s0+$0x6C50];
	_ =	sdelay $0x2  }
0x3eb: {  	v3 =	vmul.f32 $1.000000010e-01, v3;
	_ =	sdelay $0x1  }
0x3ec: {  	v3 =	vadd.f32 v3, v45;
	_ =	sdelay $0x1  }
0x3ed: {  	[tilespmem:s0+$0x6C50] =	vst v3  }
0x3ee: {  	v3 =	vld [tilespmem:s8+$0xC060];
	_ =	sdelay $0x1  }
0x3ef: {  	v46 =	vld [tilespmem:s0+$0x6C60];
	_ =	sdelay $0x2  }
0x3f0: {  	v3 =	vmul.f32 $1.000000010e-01, v3;
	_ =	sdelay $0x1  }
0x3f1: {  	v3 =	vadd.f32 v3, v46;
	_ =	sdelay $0x1  }
0x3f2: {  	[tilespmem:s0+$0x6C60] =	vst v3  }
0x3f3: {  	v3 =	vld [tilespmem:s8+$0xC070];
	_ =	sdelay $0x1  }
0x3f4: {  	v47 =	vld [tilespmem:s0+$0x6C70];
	_ =	sdelay $0x2  }
0x3f5: {  	v3 =	vmul.f32 $1.000000010e-01, v3;
	_ =	sdelay $0x1  }
0x3f6: {  	v3 =	vadd.f32 v3, v47;
	_ =	sdelay $0x1  }
0x3f7: {  	s9 =	sadd.s32 $0x7000, s0;
	[tilespmem:s0+$0x6C70] =	vst v3  }
0x3f8: {  	v3 =	vld [tilespmem:s9+$0xC000];
	_ =	sdelay $0x1  }
0x3f9: {  	v48 =	vld [tilespmem:s0+$0x7000];
	_ =	sdelay $0x2  }
0x3fa: {  	v3 =	vmul.f32 $1.000000010e-01, v3;
	_ =	sdelay $0x1  }
0x3fb: {  	v3 =	vadd.f32 v3, v48;
	_ =	sdelay $0x1  }
0x3fc: {  	[tilespmem:s0+$0x7000] =	vst v3  }
0x3fd: {  	v3 =	vld [tilespmem:s9+$0xC010];
	_ =	sdelay $0x1  }
0x3fe: {  	v49 =	vld [tilespmem:s0+$0x7010];
	_ =	sdelay $0x2  }
0x3ff: {  	v3 =	vmul.f32 $1.000000010e-01, v3;
	_ =	sdelay $0x1  }
0x400: {  	v3 =	vadd.f32 v3, v49;
	_ =	sdelay $0x1  }
0x401: {  	[tilespmem:s0+$0x7010] =	vst v3  }
0x402: {  	v3 =	vld [tilespmem:s9+$0xC020];
	_ =	sdelay $0x1  }
0x403: {  	v50 =	vld [tilespmem:s0+$0x7020];
	_ =	sdelay $0x2  }
0x404: {  	v3 =	vmul.f32 $1.000000010e-01, v3;
	_ =	sdelay $0x1  }
0x405: {  	v3 =	vadd.f32 v3, v50;
	_ =	sdelay $0x1  }
0x406: {  	[tilespmem:s0+$0x7020] =	vst v3  }
0x407: {  	v3 =	vld [tilespmem:s9+$0xC030];
	_ =	sdelay $0x1  }
0x408: {  	v51 =	vld [tilespmem:s0+$0x7030];
	_ =	sdelay $0x2  }
0x409: {  	v3 =	vmul.f32 $1.000000010e-01, v3;
	_ =	sdelay $0x1  }
0x40a: {  	v3 =	vadd.f32 v3, v51;
	_ =	sdelay $0x1  }
0x40b: {  	[tilespmem:s0+$0x7030] =	vst v3  }
0x40c: {  	v3 =	vld [tilespmem:s9+$0xC040];
	_ =	sdelay $0x1  }
0x40d: {  	v52 =	vld [tilespmem:s0+$0x7040];
	_ =	sdelay $0x2  }
0x40e: {  	v3 =	vmul.f32 $1.000000010e-01, v3;
	_ =	sdelay $0x1  }
0x40f: {  	v3 =	vadd.f32 v3, v52;
	_ =	sdelay $0x1  }
0x410: {  	[tilespmem:s0+$0x7040] =	vst v3  }
0x411: {  	v3 =	vld [tilespmem:s9+$0xC050];
	_ =	sdelay $0x1  }
0x412: {  	v53 =	vld [tilespmem:s0+$0x7050];
	_ =	sdelay $0x2  }
0x413: {  	v3 =	vmul.f32 $1.000000010e-01, v3;
	_ =	sdelay $0x1  }
0x414: {  	v3 =	vadd.f32 v3, v53;
	_ =	sdelay $0x1  }
0x415: {  	[tilespmem:s0+$0x7050] =	vst v3  }
0x416: {  	v3 =	vld [tilespmem:s9+$0xC060];
	_ =	sdelay $0x1  }
0x417: {  	v54 =	vld [tilespmem:s0+$0x7060];
	_ =	sdelay $0x2  }
0x418: {  	v3 =	vmul.f32 $1.000000010e-01, v3;
	_ =	sdelay $0x1  }
0x419: {  	v3 =	vadd.f32 v3, v54;
	_ =	sdelay $0x1  }
0x41a: {  	[tilespmem:s0+$0x7060] =	vst v3  }
0x41b: {  	v3 =	vld [tilespmem:s9+$0xC070];
	_ =	sdelay $0x1  }
0x41c: {  	v55 =	vld [tilespmem:s0+$0x7070];
	_ =	sdelay $0x2  }
0x41d: {  	v3 =	vmul.f32 $1.000000010e-01, v3;
	_ =	sdelay $0x1  }
0x41e: {  	v3 =	vadd.f32 v3, v55;
	_ =	sdelay $0x1  }
0x41f: {  	s14 =	sadd.s32 $0x7400, s0;
	[tilespmem:s0+$0x7070] =	vst v3  }
0x420: {  	v3 =	vld [tilespmem:s14+$0xC000];
	_ =	sdelay $0x1  }
0x421: {  	v56 =	vld [tilespmem:s0+$0x7400];
	_ =	sdelay $0x2  }
0x422: {  	v3 =	vmul.f32 $1.000000010e-01, v3;
	_ =	sdelay $0x1  }
0x423: {  	v3 =	vadd.f32 v3, v56;
	_ =	sdelay $0x1  }
0x424: {  	[tilespmem:s0+$0x7400] =	vst v3  }
0x425: {  	v3 =	vld [tilespmem:s14+$0xC010];
	_ =	sdelay $0x1  }
0x426: {  	v57 =	vld [tilespmem:s0+$0x7410];
	_ =	sdelay $0x2  }
0x427: {  	v3 =	vmul.f32 $1.000000010e-01, v3;
	_ =	sdelay $0x1  }
0x428: {  	v3 =	vadd.f32 v3, v57;
	_ =	sdelay $0x1  }
0x429: {  	[tilespmem:s0+$0x7410] =	vst v3  }
0x42a: {  	v3 =	vld [tilespmem:s14+$0xC020];
	_ =	sdelay $0x1  }
0x42b: {  	v58 =	vld [tilespmem:s0+$0x7420];
	_ =	sdelay $0x2  }
0x42c: {  	v3 =	vmul.f32 $1.000000010e-01, v3;
	_ =	sdelay $0x1  }
0x42d: {  	v3 =	vadd.f32 v3, v58;
	_ =	sdelay $0x1  }
0x42e: {  	[tilespmem:s0+$0x7420] =	vst v3  }
0x42f: {  	v3 =	vld [tilespmem:s14+$0xC030];
	_ =	sdelay $0x1  }
0x430: {  	v59 =	vld [tilespmem:s0+$0x7430];
	_ =	sdelay $0x2  }
0x431: {  	v3 =	vmul.f32 $1.000000010e-01, v3;
	_ =	sdelay $0x1  }
0x432: {  	v3 =	vadd.f32 v3, v59;
	_ =	sdelay $0x1  }
0x433: {  	[tilespmem:s0+$0x7430] =	vst v3  }
0x434: {  	v3 =	vld [tilespmem:s14+$0xC040];
	_ =	sdelay $0x1  }
0x435: {  	v60 =	vld [tilespmem:s0+$0x7440];
	_ =	sdelay $0x2  }
0x436: {  	v3 =	vmul.f32 $1.000000010e-01, v3;
	_ =	sdelay $0x1  }
0x437: {  	v3 =	vadd.f32 v3, v60;
	_ =	sdelay $0x1  }
0x438: {  	[tilespmem:s0+$0x7440] =	vst v3  }
0x439: {  	v3 =	vld [tilespmem:s14+$0xC050];
	_ =	sdelay $0x1  }
0x43a: {  	v61 =	vld [tilespmem:s0+$0x7450];
	_ =	sdelay $0x2  }
0x43b: {  	v3 =	vmul.f32 $1.000000010e-01, v3;
	_ =	sdelay $0x1  }
0x43c: {  	v3 =	vadd.f32 v3, v61;
	_ =	sdelay $0x1  }
0x43d: {  	[tilespmem:s0+$0x7450] =	vst v3  }
0x43e: {  	v3 =	vld [tilespmem:s14+$0xC060];
	_ =	sdelay $0x1  }
0x43f: {  	v62 =	vld [tilespmem:s0+$0x7460];
	_ =	sdelay $0x2  }
0x440: {  	v3 =	vmul.f32 $1.000000010e-01, v3;
	_ =	sdelay $0x1  }
0x441: {  	v3 =	vadd.f32 v3, v62;
	_ =	sdelay $0x1  }
0x442: {  	[tilespmem:s0+$0x7460] =	vst v3  }
0x443: {  	v3 =	vld [tilespmem:s14+$0xC070];
	_ =	sdelay $0x1  }
0x444: {  	v63 =	vld [tilespmem:s0+$0x7470];
	_ =	sdelay $0x1  }
0x445: {  	s29 =	sadd.s32 $0x1, s29  }
0x446: {  	p0 =	sne.s32 s29, $0x8;
	v3 =	vmul.f32 $1.000000010e-01, v3  }
.Ltmp3:
0x447: {  	_ = 	snop;
	(pc) =	sbr.rel @p0 .LBB2_2-.Ltmp3, $3  }
0x448: {  	v3 =	vadd.f32 v3, v63;
	_ =	sdelay $0x1  }
0x449: {  	s30 =	sadd.s32 s4, s13;
	[tilespmem:s0+$0x7470] =	vst v3  }
0x44a: {  	[hbm4b:s30+s6] =	stream.linear.scatter [tilespmem:s31], [sflag:$0x6], $0x6000, $0x38;
	[tilespmem:$0x18100] =	vst v63  }
0x44b: {  	_ =	swait.ge [sflag:s28], $0x6000  }
0x44c: {  	[sflag:s28] =	ssyncset.done $0x0  }
0x44d: {  	s2 =	simm.s32 $0x6;
	[sflag:s28] =	ssyncadd.s32 $0xFFFFA000  }
0x44e: {  	_ =	swait.ge [sflag:s2], $0x6000  }
0x44f: {  	s8 =	rddreg [dreg:$0x9]  }
0x450: {  	s0 =	rddreg [dreg:$0x8];
	s8 =	sadd.s32 $0x1, s8  }
0x451: {  	p0 =	sne.s32 s8, s0  }
.Ltmp4:
0x452: {  	_ = 	snop;
	(pc) =	sbr.rel @p0 .LBB2_1-.Ltmp4, $3  }
0x453: {  	_ =	sdelay $0x1  }
0x454: {  	[sflag:s2] =	ssyncset.done $0x0  }
0x455: {  	[sflag:s2] =	ssyncadd.s32 $0xFFFFA000  }
0x456: {  	_ =	sfence.sel $0x180000  }
0x457: {  	[bflag:$0x0] =	sbarrier.arrive $0xFFFF  }
0x458: {  	_ =	strace $0x90000047  }
0x459: {  	s0 =	stileid.u32;
	[bflag:$0x2] =	sbarrier.arrive $0xFFFF  }
0x45a: {  	p0 =	sne.s32 s0, $0x0;
	s0 =	rddreg [dreg:$0x4]  }
0x45b: {  	s0 =	sadd.s32 @!p0 $0x100000, s0  }
0x45c: {  	[sflag:s0] =	ssyncadd.tile.s32 @!p0 $0x1;
	_ =	shalt  }
.Lfunc_end2:
_tile_overlayer_lowered:
.L_overlay_start_2:
0x45d: {  	(tag) =	ssettag $0x2  }
0x45e: {  	s0 =	rddreg [dreg:$0x0];
	s2 =	stileid.u32  }
0x45f: {  	s1 =	rddreg [dreg:$0x1];
	p0 =	sne.s32 s2, $0x0  }
0x460: {  	s3 =	rddreg [dreg:$0x2];
	[bflag:$0x3] =	sbarrier.arrive $0xFFFF;
	s2 =	simm.s32 @!p0 $0x1C07  }
0x461: {  	[timem:s3], [sflag:s2] =	dma.local @!p0 [hbm:s0], s1  }
0x462: {  	s0 =	simm.s32 @!p0 $0x7  }
0x463: {  	_ =	swait.ge @!p0 [sflag:s0], s1  }
0x464: {  	s1 =	ssub.s32 @!p0 $0x0, s1;
	[sflag:s0] =	ssyncset.done @!p0 $0x0  }
0x465: {  	[sflag:s0] =	ssyncadd.s32 @!p0 s1  }
0x466: {  	[bflag:$0x3] =	sbarrier.arrive $0xFFFF  }
0x467: {  	_ =	shalt  }

</sc_bundles>
